<compile_context>
chip_gen: v7x
topology: tpu7x:2x2x1
jax: 0.10.2.dev20260603
libtpu: 0.0.44.dev20260713+nightly
codegen_flags: <defaults>
</compile_context>

<pallas_src>
import functools

import jax
import jax.numpy as jnp
from jax import lax
from jax.experimental import pallas as pl
from jax.experimental.pallas import tpu as pltpu
from jax.experimental.pallas import tpu_sc as plsc

f32 = jnp.float32
i32 = jnp.int32

N = 10000
E = 320000
IND = 128
OUTD = 64
EDGED = 16
H1 = 32

NC = 2
NS = 16
NW = NC * NS
EPW = E // NW
CH = 80
NCHUNK = EPW // CH
NPAD = 10240
RPT = NPAD // NS

BE = 4000
GE = E // BE
BN = 2000
GN = N // BN


def _ln_k(x, g, b, eps=1e-6):
    m = jnp.mean(x, axis=-1, keepdims=True)
    v = jnp.mean((x - m) ** 2, axis=-1, keepdims=True)
    return (x - m) * lax.rsqrt(v + eps) * g + b


def _full(shape):
    return pl.BlockSpec(shape, lambda i: tuple(0 for _ in shape))



def _node_body(x_ref, dummy, g0, b0, Adt, Ast, Wst, bs, Wgt, bg,
               pd_ref, ps_ref, gate_ref, gskip_ref):
    x = x_ref[...]
    bad = x[:, 0:1] == -999.0
    x = jnp.where(bad, dummy[...], x)
    xn = _ln_k(x, g0[...], b0[...])
    pd_ref[...] = xn @ Adt[...]
    ps_ref[...] = xn @ Ast[...]
    skip = xn @ Wst[...] + bs[...]
    gate = jax.nn.sigmoid(skip @ Wgt[...] + bg[...])
    gate_ref[...] = gate
    gskip_ref[...] = gate * skip


def _node(x, *ws):
    specs = [pl.BlockSpec((BN, IND), lambda i: (i, 0))]
    specs += [_full(w.shape) for w in ws]
    return pl.pallas_call(
        _node_body,
        grid=(GN,),
        in_specs=specs,
        out_specs=[
            pl.BlockSpec((BN, H1), lambda i: (i, 0)),
            pl.BlockSpec((BN, H1), lambda i: (i, 0)),
            pl.BlockSpec((BN, OUTD), lambda i: (i, 0)),
            pl.BlockSpec((BN, OUTD), lambda i: (i, 0)),
        ],
        out_shape=[
            jax.ShapeDtypeStruct((N, H1), f32),
            jax.ShapeDtypeStruct((N, H1), f32),
            jax.ShapeDtypeStruct((N, OUTD), f32),
            jax.ShapeDtypeStruct((N, OUTD), f32),
        ],
    )(x, *ws)


def _mlp1_body(pre, ea, ge, be, W1t, b1, W2t, b2, W3t, b3, Wc1t, bc1,
               Wc2t, bc2, Aet, b1a, W1bt, b1b, W1ct, b1c, out, ee_out):
    a = ea[...]
    h = _ln_k(a, ge[...], be[...])
    h = jnp.maximum(h @ W1t[...] + b1[...], 0.0)
    h = jnp.maximum(h @ W2t[...] + b2[...], 0.0)
    enc = h @ W3t[...] + b3[...]
    cw = jnp.maximum(a @ Wc1t[...] + bc1[...], 0.0)
    w = jax.nn.sigmoid(cw @ Wc2t[...] + bc2[...])
    e = enc * w
    ee_out[...] = e
    m = jnp.maximum(pre[...][:, :H1] + e @ Aet[...] + b1a[...], 0.0)
    m = jnp.maximum(m @ W1bt[...] + b1b[...], 0.0)
    m = m @ W1ct[...] + b1c[...]
    colid = lax.broadcasted_iota(i32, (BE, IND - H1), 1)
    aug = jnp.where(colid == 0, 1.0, 0.0).astype(f32)
    out[...] = jnp.concatenate([m, aug], axis=1)


def _mlp1(pre, ea, *ws):
    specs = [
        pl.BlockSpec((BE, IND), lambda i: (i, 0)),
        pl.BlockSpec((BE, EDGED), lambda i: (i, 0)),
    ]
    specs += [_full(w.shape) for w in ws]
    return pl.pallas_call(
        _mlp1_body,
        grid=(GE,),
        in_specs=specs,
        out_specs=[
            pl.BlockSpec((BE, IND), lambda i: (i, 0)),
            pl.BlockSpec((BE, OUTD), lambda i: (i, 0)),
        ],
        out_shape=[
            jax.ShapeDtypeStruct((E, IND), f32),
            jax.ShapeDtypeStruct((E, OUTD), f32),
        ],
    )(pre, ea, *ws)


def _x1_body(pa, pb, g1, b1, Bdt, Bst, qd_ref, qs_ref, invd_ref):
    s = pa[0] + pb[0]
    cnt = s[:, H1:H1 + 1]
    invd = 1.0 / jnp.maximum(cnt, 1.0)
    z = _ln_k(s[:, :H1] * invd, g1[...], b1[...])
    z = jnp.where(z >= 0.0, z, 0.01 * z)
    qd_ref[...] = z @ Bdt[...]
    qs_ref[...] = z @ Bst[...]
    invd_ref[...] = invd


def _x1(s1, g1, b1, Bdt, Bst):
    return pl.pallas_call(
        _x1_body,
        grid=(GN,),
        in_specs=[
            pl.BlockSpec((1, BN, IND), lambda i: (0, i, 0)),
            pl.BlockSpec((1, BN, IND), lambda i: (1, i, 0)),
            _full(g1.shape),
            _full(b1.shape),
            _full(Bdt.shape),
            _full(Bst.shape),
        ],
        out_specs=[
            pl.BlockSpec((BN, OUTD), lambda i: (i, 0)),
            pl.BlockSpec((BN, OUTD), lambda i: (i, 0)),
            pl.BlockSpec((BN, 1), lambda i: (i, 0)),
        ],
        out_shape=[
            jax.ShapeDtypeStruct((N, OUTD), f32),
            jax.ShapeDtypeStruct((N, OUTD), f32),
            jax.ShapeDtypeStruct((N, 1), f32),
        ],
    )(s1, s1, g1, b1, Bdt, Bst)


def _mlp2_body(pre, ee, Bet, b2a, W2bt, b2b, W2ct, b2c, out):
    e = ee[...]
    m = jnp.maximum(pre[...][:, :OUTD] + e @ Bet[...] + b2a[...], 0.0)
    m = jnp.maximum(m @ W2bt[...] + b2b[...], 0.0)
    m = m @ W2ct[...] + b2c[...]
    out[...] = jnp.concatenate([m, e], axis=1)


def _mlp2(pre, ee, *ws):
    specs = [
        pl.BlockSpec((BE, IND), lambda i: (i, 0)),
        pl.BlockSpec((BE, OUTD), lambda i: (i, 0)),
    ]
    specs += [_full(w.shape) for w in ws]
    return pl.pallas_call(
        _mlp2_body,
        grid=(GE,),
        in_specs=specs,
        out_specs=pl.BlockSpec((BE, IND), lambda i: (i, 0)),
        out_shape=jax.ShapeDtypeStruct((E, IND), f32),
    )(pre, ee, *ws)


def _final_body(p2a, p2b, invd, gate, gskip, g2, b2,
                Wp1t, bp1, Wp2t, bp2, Wp3t, bp3, xfc_ref, probs_ref):
    inv = invd[...]
    s = (p2a[0] + p2b[0]) * inv
    x2 = _ln_k(s[:, :OUTD], g2[...], b2[...])
    x2 = jnp.maximum(x2, 0.0)
    efm = s[:, OUTD:]
    g = gate[...]
    xf = gskip[...] + (1.0 - g) * x2
    xfc = jnp.concatenate([xf, efm], axis=1)
    xfc_ref[...] = xfc
    h = xfc @ Wp1t[...] + bp1[...]
    h = jnp.where(h > 0.0, h, jnp.exp(h) - 1.0)
    h = h @ Wp2t[...] + bp2[...]
    h = jnp.where(h > 0.0, h, jnp.exp(h) - 1.0)
    probs_ref[...] = h @ Wp3t[...] + bp3[...]


def _final(s2, invd, gate, gskip, *ws):
    specs = [
        pl.BlockSpec((1, BN, IND), lambda i: (0, i, 0)),
        pl.BlockSpec((1, BN, IND), lambda i: (1, i, 0)),
        pl.BlockSpec((BN, 1), lambda i: (i, 0)),
        pl.BlockSpec((BN, OUTD), lambda i: (i, 0)),
        pl.BlockSpec((BN, OUTD), lambda i: (i, 0)),
    ]
    specs += [_full(w.shape) for w in ws]
    return pl.pallas_call(
        _final_body,
        grid=(GN,),
        in_specs=specs,
        out_specs=[
            pl.BlockSpec((BN, 2 * OUTD), lambda i: (i, 0)),
            pl.BlockSpec((BN, 1), lambda i: (i, 0)),
        ],
        out_shape=[
            jax.ShapeDtypeStruct((N, 2 * OUTD), f32),
            jax.ShapeDtypeStruct((N, 1), f32),
        ],
    )(s2, s2, invd, gate, gskip, *ws)



_sc_mesh = plsc.VectorSubcoreMesh(
    core_axis_name="c", subcore_axis_name="s", num_cores=NC, num_subcores=NS)


NB = 5
GRP = NCHUNK // NB
CHG = 200
GRPG = EPW // (CHG * NB)


def _make_gather_add(W):

    @functools.partial(
        pl.kernel,
        out_type=jax.ShapeDtypeStruct((E, IND), f32),
        mesh=_sc_mesh,
        scratch_types=([pltpu.VMEM((CHG,), i32)] * (2 * NB)
                       + [pltpu.VMEM((CHG, W), f32)] * NB
                       + [pltpu.SemaphoreType.DMA] * 3),
        compiler_params=pltpu.CompilerParams(use_tc_tiling_on_sc=False),
    )
    def gather_add(ta, tb, ia, ib, out, *scr):
        idxa = scr[:NB]
        idxb = scr[NB:2 * NB]
        rows = scr[2 * NB:3 * NB]
        semi, semg, semw = scr[3 * NB:]
        c = lax.axis_index("c")
        s = lax.axis_index("s")
        wid = c * NS + s

        def fire_idx(g):
            for b in range(NB):
                base = wid * EPW + (g * NB + b) * CHG
                pltpu.async_copy(ia.at[pl.ds(base, CHG)], idxa[b], semi)
                pltpu.async_copy(ib.at[pl.ds(base, CHG)], idxb[b], semi)

        def drain_idx():
            for b in range(NB):
                pltpu.make_async_copy(ia.at[pl.ds(0, CHG)],
                                      idxa[b], semi).wait()
                pltpu.make_async_copy(ib.at[pl.ds(0, CHG)],
                                      idxb[b], semi).wait()

        fire_idx(0)

        def group(g, carry):
            bases = [wid * EPW + (g * NB + b) * CHG for b in range(NB)]
            drain_idx()
            cps = [pltpu.async_copy(ta.at[idxa[b]], rows[b], semg)
                   for b in range(NB)]
            for cp in cps:
                cp.wait()
            cps = [pltpu.async_copy(tb.at[idxb[b]], rows[b], semg, add=True)
                   for b in range(NB)]
            for cp in cps:
                cp.wait()

            cps = [pltpu.async_copy(
                rows[b], out.at[pl.ds(bases[b], CHG), pl.ds(0, W)], semw)
                for b in range(NB)]

            @pl.when(g + 1 < GRPG)
            def _():
                fire_idx(g + 1)

            for cp in cps:
                cp.wait()
            return carry

        lax.fori_loop(0, GRPG, group, 0)

    return gather_add


_sc_gather_add32 = _make_gather_add(H1)
_sc_gather_add64 = _make_gather_add(OUTD)


NBS = 4
NGPAIR = 31


@functools.partial(
    pl.kernel,
    out_type=jax.ShapeDtypeStruct((NC, NPAD, IND), f32),
    mesh=_sc_mesh,
    scratch_types=([pltpu.VMEM((CH,), i32)] * NBS
                   + [pltpu.VMEM((CH, IND), f32)] * NBS
                   + [pltpu.VMEM_SHARED((NPAD, IND), f32)]
                   + [pltpu.SemaphoreType.DMA] * 4),
)
def _sc_scatter128(vals, dsti, zer, out, *scr):
    idx = scr[:NBS]
    rows = scr[NBS:2 * NBS]
    acc = scr[2 * NBS]
    semia, semib, semsa, semsb = scr[2 * NBS + 1:]
    c = lax.axis_index("c")
    s = lax.axis_index("s")
    r0 = s * RPT
    pltpu.sync_copy(zer.at[pl.ds(r0, RPT)], acc.at[pl.ds(r0, RPT)])
    plsc.subcore_barrier()
    wid = c * NS + s
    base0 = wid * EPW

    def fire_loads(g, sl, sem):
        cps = []
        for k in range(2):
            b = g * 2 + k
            cps.append(pltpu.async_copy(
                dsti.at[pl.ds(base0 + b * CH, CH)], idx[sl + k], sem))
            cps.append(pltpu.async_copy(
                vals.at[pl.ds(base0 + b * CH, CH)], rows[sl + k], sem))
        return cps

    def drain_loads(sl, sem):
        for k in range(2):
            pltpu.make_async_copy(dsti.at[pl.ds(base0, CH)],
                                  idx[sl + k], sem).wait()
            pltpu.make_async_copy(vals.at[pl.ds(base0, CH)],
                                  rows[sl + k], sem).wait()

    def fire_scats(sl, sem):
        return [pltpu.async_copy(rows[sl + k], acc.at[idx[sl + k]], sem,
                                 add=True) for k in range(2)]

    fire_loads(0, 0, semia)

    def pair(gg, carry):
        g0 = 2 * gg
        cps_b = fire_loads(g0 + 1, 2, semib)
        drain_loads(0, semia)
        sa = fire_scats(0, semsa)
        for cp in sa:
            cp.wait()

        @pl.when(gg + 1 < NGPAIR)
        def _():
            fire_loads(g0 + 2, 0, semia)

        for cp in cps_b:
            cp.wait()
        sb = fire_scats(2, semsb)
        for cp in sb:
            cp.wait()
        return carry

    lax.fori_loop(0, NGPAIR, pair, 0)

    tail = base0 + NGPAIR * 2 * 2 * CH
    pltpu.sync_copy(dsti.at[pl.ds(tail, CH)], idx[0])
    pltpu.sync_copy(vals.at[pl.ds(tail, CH)], rows[0])
    pltpu.sync_copy(rows[0], acc.at[idx[0]], add=True)
    plsc.subcore_barrier()
    pltpu.sync_copy(acc.at[pl.ds(r0, RPT)], out.at[c, pl.ds(r0, RPT)])



def kernel(x_in, edge_index, edge_attr, params):
    p = params
    src = edge_index[0, 0]
    dst = edge_index[0, 1]
    x = x_in[0]
    ea = edge_attr[0]

    def r(v):
        return v.reshape(1, -1)

    Adt = p['Wm1a'][:, :IND].T
    Ast = p['Wm1a'][:, IND:2 * IND].T
    Aet = p['Wm1a'][:, 2 * IND:].T
    Bdt = p['Wm2a'][:, :H1].T
    Bst = p['Wm2a'][:, H1:2 * H1].T
    Bet = p['Wm2a'][:, 2 * H1:].T
    zer = jnp.zeros((NPAD, IND), f32)

    pd, ps, gate, gskip = _node(x, r(p['dummy']), r(p['g0']), r(p['b0']),
                                Adt, Ast,
                                p['Wskip'].T, r(p['bskip']),
                                p['Wg'].T, r(p['bg']))
    m1pre = _sc_gather_add32(pd, ps, dst, src)
    m1, e_enc = _mlp1(m1pre, ea,
                      r(p['ge']), r(p['be']),
                      p['We1'].T, r(p['be1']), p['We2'].T, r(p['be2']),
                      p['We3'].T, r(p['be3']),
                      p['Wc1'].T, r(p['bc1']), p['Wc2'].T, r(p['bc2']),
                      Aet, r(p['bm1a']),
                      p['Wm1b'].T, r(p['bm1b']), p['Wm1c'].T, r(p['bm1c']))
    s1 = _sc_scatter128(m1, dst, zer)
    qd, qs, invd = _x1(s1, r(p['g1']), r(p['b1']), Bdt, Bst)
    m2pre = _sc_gather_add64(qd, qs, dst, src)
    m2 = _mlp2(m2pre, e_enc, Bet, r(p['bm2a']),
               p['Wm2b'].T, r(p['bm2b']), p['Wm2c'].T, r(p['bm2c']))
    s2 = _sc_scatter128(m2, dst, zer)
    xfc, probs = _final(s2, invd, gate, gskip,
                        r(p['g2']), r(p['b2']),
                        p['Wp1'].T, r(p['bp1']), p['Wp2'].T, r(p['bp2']),
                        p['Wp3'].T, r(p['bp3']))
    return (xfc[None], probs[None], jnp.zeros((1,), f32))

# --- scband reference (transcript-rebuilt; emitter-appended) ---
"""Pipeline reference for scband-gnnmodel-29463475650682 (READ-ONLY COPY).

The authoritative reference and input builder live on the scoring server;
editing this copy changes nothing except your own understanding.
"""

import jax, jax.numpy as jnp
import numpy as np

N_NODES = 10000
N_EDGES = 320000
IND = 128
OUTD = 64
EDGED = 16


def _ln(x, g, b, eps=1e-6):
    m = jnp.mean(x, axis=-1, keepdims=True)
    v = jnp.var(x, axis=-1, keepdims=True)
    return (x - m) / jnp.sqrt(v + eps) * g + b


def _lin(x, W, b):
    return x @ W.T + b


def _make_params(key):
    ks = iter(jax.random.split(key, 48))
    def w(shape, scale=0.05):
        return jax.random.normal(next(ks), shape, dtype=jnp.float32) * scale
    p = {}
    p['g0'] = jnp.ones((IND,), jnp.float32); p['b0'] = jnp.zeros((IND,), jnp.float32)
    p['dummy'] = w((IND,), 1.0)
    p['ge'] = jnp.ones((EDGED,), jnp.float32); p['be'] = jnp.zeros((EDGED,), jnp.float32)
    p['We1'] = w((OUTD, EDGED)); p['be1'] = jnp.zeros((OUTD,), jnp.float32)
    p['We2'] = w((2 * OUTD, OUTD)); p['be2'] = jnp.zeros((2 * OUTD,), jnp.float32)
    p['We3'] = w((OUTD, 2 * OUTD)); p['be3'] = jnp.zeros((OUTD,), jnp.float32)
    p['Wc1'] = w((EDGED, EDGED)); p['bc1'] = jnp.zeros((EDGED,), jnp.float32)
    p['Wc2'] = w((1, EDGED)); p['bc2'] = jnp.zeros((1,), jnp.float32)
    h1 = OUTD // 2
    p['Wm1a'] = w((h1, 2 * IND + OUTD)); p['bm1a'] = jnp.zeros((h1,), jnp.float32)
    p['Wm1b'] = w((h1, h1)); p['bm1b'] = jnp.zeros((h1,), jnp.float32)
    p['Wm1c'] = w((h1, h1)); p['bm1c'] = jnp.zeros((h1,), jnp.float32)
    p['g1'] = jnp.ones((h1,), jnp.float32); p['b1'] = jnp.zeros((h1,), jnp.float32)
    p['Wm2a'] = w((OUTD, 2 * h1 + OUTD)); p['bm2a'] = jnp.zeros((OUTD,), jnp.float32)
    p['Wm2b'] = w((OUTD, OUTD)); p['bm2b'] = jnp.zeros((OUTD,), jnp.float32)
    p['Wm2c'] = w((OUTD, OUTD)); p['bm2c'] = jnp.zeros((OUTD,), jnp.float32)
    p['g2'] = jnp.ones((OUTD,), jnp.float32); p['b2'] = jnp.zeros((OUTD,), jnp.float32)
    p['Wskip'] = w((OUTD, IND)); p['bskip'] = jnp.zeros((OUTD,), jnp.float32)
    p['Wg'] = w((OUTD, OUTD)); p['bg'] = jnp.zeros((OUTD,), jnp.float32)
    cat = 2 * OUTD
    p['Wp1'] = w((cat // 2, cat)); p['bp1'] = jnp.zeros((cat // 2,), jnp.float32)
    p['Wp2'] = w((cat // 4, cat // 2)); p['bp2'] = jnp.zeros((cat // 4,), jnp.float32)
    p['Wp3'] = w((1, cat // 4)); p['bp3'] = jnp.zeros((1,), jnp.float32)
    return p


def setup_inputs(seed: int = 0):
    key = jax.random.key(seed)
    k1, k2, k3, k4 = jax.random.split(key, 4)
    x_in = jax.random.normal(k1, (1, N_NODES, IND), dtype=jnp.float32)
    edge_index = jax.random.randint(k2, (1, 2, N_EDGES), 0, N_NODES, dtype=jnp.int32)
    edge_attr = jax.random.normal(k3, (1, N_EDGES, EDGED), dtype=jnp.float32)
    params = _make_params(k4)
    return {"x_in": x_in, "edge_index": edge_index, "edge_attr": edge_attr, "params": params}


def _model(x_in, edge_attr, params, edge_index):
    p = params
    x = x_in[0]
    e_idx = edge_index[0]
    e_attr = edge_attr[0]
    n = x.shape[0]
    # invalid-node replacement with dummy token
    mask = x[:, 0] == -999.0
    x = jnp.where(mask[:, None], p['dummy'], x)
    x = _ln(x, p['g0'], p['b0'])
    # edge encoder: LayerNorm -> Lin -> ReLU -> Lin -> ReLU -> Lin
    h = _ln(e_attr, p['ge'], p['be'])
    h = jax.nn.relu(_lin(h, p['We1'], p['be1']))
    h = jax.nn.relu(_lin(h, p['We2'], p['be2']))
    e_enc = _lin(h, p['We3'], p['be3'])
    # edge classifier -> sigmoid weights
    w = jax.nn.sigmoid(_lin(jax.nn.relu(_lin(e_attr, p['Wc1'], p['bc1'])), p['Wc2'], p['bc2']))
    e_enc = e_enc * w
    src = e_idx[0]
    dst = e_idx[1]
    cnt = jax.ops.segment_sum(jnp.ones((e_idx.shape[1],), jnp.float32), dst, num_segments=n)
    denom = jnp.clip(cnt, 1.0, None)[:, None]
    # EdgeMLPConv 1 (mean aggregation at dst; x_i=dst, x_j=src)
    m = jnp.concatenate([x[dst], x[src], e_enc], axis=1)
    m = jax.nn.relu(_lin(m, p['Wm1a'], p['bm1a']))
    m = jax.nn.relu(_lin(m, p['Wm1b'], p['bm1b']))
    m = _lin(m, p['Wm1c'], p['bm1c'])
    x1 = jax.ops.segment_sum(m, dst, num_segments=n) / denom
    x1 = jax.nn.leaky_relu(_ln(x1, p['g1'], p['b1']))
    # EdgeMLPConv 2
    m2 = jnp.concatenate([x1[dst], x1[src], e_enc], axis=1)
    m2 = jax.nn.relu(_lin(m2, p['Wm2a'], p['bm2a']))
    m2 = jax.nn.relu(_lin(m2, p['Wm2b'], p['bm2b']))
    m2 = _lin(m2, p['Wm2c'], p['bm2c'])
    x2 = jax.ops.segment_sum(m2, dst, num_segments=n) / denom
    x2 = jax.nn.relu(_ln(x2, p['g2'], p['b2']))
    # gated skip connection
    skip = _lin(x, p['Wskip'], p['bskip'])
    gate = jax.nn.sigmoid(_lin(skip, p['Wg'], p['bg']))
    xf = gate * skip + (1.0 - gate) * x2
    # mean of encoded edge features per dst node
    efm = jax.ops.segment_sum(e_enc, dst, num_segments=n) / denom
    xfc = jnp.concatenate([xf, efm], axis=1)
    h = jax.nn.elu(_lin(xfc, p['Wp1'], p['bp1']))
    h = jax.nn.elu(_lin(h, p['Wp2'], p['bp2']))
    probs = _lin(h, p['Wp3'], p['bp3'])
    return xfc[None], probs[None]


def reference(x_in, edge_index, edge_attr, params):
    xfc, probs = _model(x_in, edge_attr, params, edge_index)
    return (xfc, probs, jnp.zeros((1,), jnp.float32))

if __name__ == "__main__":
    import jax
    _d = setup_inputs()
    print(jax.jit(kernel)(*tuple(_d.values())))

</pallas_src>

<mosaic_0001>
#map = affine_map<(d0, d1) -> (0, 0)>
#map1 = affine_map<(d0, d1) -> (0)>
#map2 = affine_map<(d0, d1) -> (0, 0, 0)>
module attributes {stable_mosaic.version = 14 : i64} {
  func.func @_sc_scatter128(%arg0: i32, %arg1: i32, %arg2: memref<320000x128xf32, #tpu.memory_space<hbm>>, %arg3: memref<320000xi32, #tpu.memory_space<hbm>>, %arg4: memref<10240x128xf32, #tpu.memory_space<hbm>>, %arg5: memref<2x10240x128xf32, #tpu.memory_space<hbm>>, %arg6: memref<80xi32, #tpu.memory_space<vmem>>, %arg7: memref<80xi32, #tpu.memory_space<vmem>>, %arg8: memref<80xi32, #tpu.memory_space<vmem>>, %arg9: memref<80xi32, #tpu.memory_space<vmem>>, %arg10: memref<80x128xf32, #tpu.memory_space<vmem>>, %arg11: memref<80x128xf32, #tpu.memory_space<vmem>>, %arg12: memref<80x128xf32, #tpu.memory_space<vmem>>, %arg13: memref<80x128xf32, #tpu.memory_space<vmem>>, %arg14: memref<10240x128xf32, #tpu.memory_space<vmem_shared>>, %arg15: memref<!tpu.dma_semaphore, #tpu.memory_space<semaphore_mem>>, %arg16: memref<!tpu.dma_semaphore, #tpu.memory_space<semaphore_mem>>, %arg17: memref<!tpu.dma_semaphore, #tpu.memory_space<semaphore_mem>>, %arg18: memref<!tpu.dma_semaphore, #tpu.memory_space<semaphore_mem>>) attributes {dimension_semantics = [#tpu.dimension_semantics<core_parallel>, #tpu.dimension_semantics<subcore_parallel>], iteration_bounds = array<i64: 2, 16>, scalar_prefetch = 0 : i64, scratch_operands = 13 : i64, tpu.core_type = #tpu.core_type<sc_vector_subcore>, window_params = [{transform_indices = #map}, {transform_indices = #map1}, {transform_indices = #map}, {transform_indices = #map2}]} {
    %mul3A = arith.constant 640 : i32
    %mul3A_0 = arith.muli %arg1, %mul3A : i32
    "tpu.region"() ({
      %run_scoped3A = tpu.sem_alloc : memref<!tpu.dma_semaphore, #tpu.memory_space<semaphore_mem>>
      %dma_start3A_32 = arith.constant 0 : i32
      %dma_start3A_33 = tpu.memref_slice %arg14[%mul3A_0, %dma_start3A_32] : memref<10240x128xf32, #tpu.memory_space<vmem_shared>> -> memref<640x128xf32, #tpu.memory_space<vmem_shared>>
      %dma_start3A_34 = arith.constant 0 : i32
      %dma_start3A_35 = tpu.memref_slice %arg4[%mul3A_0, %dma_start3A_34] : memref<10240x128xf32, #tpu.memory_space<hbm>> -> memref<640x128xf32, #tpu.memory_space<hbm>>
      tpu.enqueue_dma source(%dma_start3A_35 : memref<640x128xf32, #tpu.memory_space<hbm>>) target(%dma_start3A_33 : memref<640x128xf32, #tpu.memory_space<vmem_shared>>) target_semaphore(%run_scoped3A : memref<!tpu.dma_semaphore, #tpu.memory_space<semaphore_mem>>)
      %dma_wait3A = arith.constant 0 : i32
      %dma_wait3A_36 = tpu.memref_slice %arg14[%mul3A_0, %dma_wait3A] : memref<10240x128xf32, #tpu.memory_space<vmem_shared>> -> memref<640x128xf32, #tpu.memory_space<vmem_shared>>
      %dma_wait3A_37 = arith.constant 0 : i32
      %dma_wait3A_38 = tpu.memref_slice %arg4[%mul3A_0, %dma_wait3A_37] : memref<10240x128xf32, #tpu.memory_space<hbm>> -> memref<640x128xf32, #tpu.memory_space<hbm>>
      tpu.wait_dma2 semaphore(%run_scoped3A : memref<!tpu.dma_semaphore, #tpu.memory_space<semaphore_mem>>) src(%dma_wait3A_38 : memref<640x128xf32, #tpu.memory_space<hbm>>) dst(%dma_wait3A_36 : memref<640x128xf32, #tpu.memory_space<vmem_shared>>)
      tpu.yield
    }) : () -> ()
    %barrier3A = arith.constant 0 : index
    tpu.barrier barrier_id(%barrier3A)
    %mul3A_1 = arith.constant 16 : i32
    %mul3A_2 = arith.muli %arg0, %mul3A_1 : i32
    %add3A = arith.addi %mul3A_2, %arg1 : i32
    %mul3A_3 = arith.constant 10000 : i32
    %mul3A_4 = arith.muli %add3A, %mul3A_3 : i32
    %add3A_5 = arith.constant 0 : i32
    %add3A_6 = arith.addi %mul3A_4, %add3A_5 : i32
    %dma_start3A = tpu.memref_slice %arg3[%add3A_6] : memref<320000xi32, #tpu.memory_space<hbm>> -> memref<80xi32, #tpu.memory_space<hbm>>
    %dma_start3A_7 = tpu.memref_slice %arg3[%add3A_6] : memref<320000xi32, #tpu.memory_space<hbm>> -> memref<80xi32, #tpu.memory_space<hbm>>
    tpu.enqueue_dma source(%dma_start3A_7 : memref<80xi32, #tpu.memory_space<hbm>>) target(%arg6 : memref<80xi32, #tpu.memory_space<vmem>>) target_semaphore(%arg15 : memref<!tpu.dma_semaphore, #tpu.memory_space<semaphore_mem>>)
    %add3A_8 = arith.constant 0 : i32
    %add3A_9 = arith.addi %mul3A_4, %add3A_8 : i32
    %dma_start3A_10 = arith.constant 0 : i32
    %dma_start3A_11 = tpu.memref_slice %arg2[%add3A_9, %dma_start3A_10] : memref<320000x128xf32, #tpu.memory_space<hbm>> -> memref<80x128xf32, #tpu.memory_space<hbm>>
    %dma_start3A_12 = arith.constant 0 : i32
    %dma_start3A_13 = tpu.memref_slice %arg2[%add3A_9, %dma_start3A_12] : memref<320000x128xf32, #tpu.memory_space<hbm>> -> memref<80x128xf32, #tpu.memory_space<hbm>>
    tpu.enqueue_dma source(%dma_start3A_13 : memref<80x128xf32, #tpu.memory_space<hbm>>) target(%arg10 : memref<80x128xf32, #tpu.memory_space<vmem>>) target_semaphore(%arg15 : memref<!tpu.dma_semaphore, #tpu.memory_space<semaphore_mem>>)
    %add3A_14 = arith.constant 80 : i32
    %add3A_15 = arith.addi %mul3A_4, %add3A_14 : i32
    %dma_start3A_16 = tpu.memref_slice %arg3[%add3A_15] : memref<320000xi32, #tpu.memory_space<hbm>> -> memref<80xi32, #tpu.memory_space<hbm>>
    %dma_start3A_17 = tpu.memref_slice %arg3[%add3A_15] : memref<320000xi32, #tpu.memory_space<hbm>> -> memref<80xi32, #tpu.memory_space<hbm>>
    tpu.enqueue_dma source(%dma_start3A_17 : memref<80xi32, #tpu.memory_space<hbm>>) target(%arg7 : memref<80xi32, #tpu.memory_space<vmem>>) target_semaphore(%arg15 : memref<!tpu.dma_semaphore, #tpu.memory_space<semaphore_mem>>)
    %add3A_18 = arith.constant 80 : i32
    %add3A_19 = arith.addi %mul3A_4, %add3A_18 : i32
    %dma_start3A_20 = arith.constant 0 : i32
    %dma_start3A_21 = tpu.memref_slice %arg2[%add3A_19, %dma_start3A_20] : memref<320000x128xf32, #tpu.memory_space<hbm>> -> memref<80x128xf32, #tpu.memory_space<hbm>>
    %dma_start3A_22 = arith.constant 0 : i32
    %dma_start3A_23 = tpu.memref_slice %arg2[%add3A_19, %dma_start3A_22] : memref<320000x128xf32, #tpu.memory_space<hbm>> -> memref<80x128xf32, #tpu.memory_space<hbm>>
    tpu.enqueue_dma source(%dma_start3A_23 : memref<80x128xf32, #tpu.memory_space<hbm>>) target(%arg11 : memref<80x128xf32, #tpu.memory_space<vmem>>) target_semaphore(%arg15 : memref<!tpu.dma_semaphore, #tpu.memory_space<semaphore_mem>>)
    %scan3A = arith.constant 0 : i32
    %scan3A_24 = arith.constant 0 : i32
    %scan3A_25 = arith.constant 31 : i32
    %scan3A_26 = arith.addi %scan3A_24, %scan3A_25 : i32
    %scan3A_27 = arith.constant 1 : i32
    scf.for %scan3A_32 = %scan3A_24 to %scan3A_26 step %scan3A_27  : i32 {
      %mul3A_33 = arith.constant 2 : i32
      %mul3A_34 = arith.muli %mul3A_33, %scan3A_32 : i32
      %add3A_35 = arith.constant 1 : i32
      %add3A_36 = arith.addi %mul3A_34, %add3A_35 : i32
      %mul3A_37 = arith.constant 2 : i32
      %mul3A_38 = arith.muli %add3A_36, %mul3A_37 : i32
      %add3A_39 = arith.constant 0 : i32
      %add3A_40 = arith.addi %mul3A_38, %add3A_39 : i32
      %mul3A_41 = arith.constant 80 : i32
      %mul3A_42 = arith.muli %add3A_40, %mul3A_41 : i32
      %add3A_43 = arith.addi %mul3A_4, %mul3A_42 : i32
      %dma_start3A_44 = tpu.memref_slice %arg3[%add3A_43] : memref<320000xi32, #tpu.memory_space<hbm>> -> memref<80xi32, #tpu.memory_space<hbm>>
      %dma_start3A_45 = tpu.memref_slice %arg3[%add3A_43] : memref<320000xi32, #tpu.memory_space<hbm>> -> memref<80xi32, #tpu.memory_space<hbm>>
      tpu.enqueue_dma source(%dma_start3A_45 : memref<80xi32, #tpu.memory_space<hbm>>) target(%arg8 : memref<80xi32, #tpu.memory_space<vmem>>) target_semaphore(%arg16 : memref<!tpu.dma_semaphore, #tpu.memory_space<semaphore_mem>>)
      %mul3A_46 = arith.constant 80 : i32
      %mul3A_47 = arith.muli %add3A_40, %mul3A_46 : i32
      %add3A_48 = arith.addi %mul3A_4, %mul3A_47 : i32
      %dma_start3A_49 = arith.constant 0 : i32
      %dma_start3A_50 = tpu.memref_slice %arg2[%add3A_48, %dma_start3A_49] : memref<320000x128xf32, #tpu.memory_space<hbm>> -> memref<80x128xf32, #tpu.memory_space<hbm>>
      %dma_start3A_51 = arith.constant 0 : i32
      %dma_start3A_52 = tpu.memref_slice %arg2[%add3A_48, %dma_start3A_51] : memref<320000x128xf32, #tpu.memory_space<hbm>> -> memref<80x128xf32, #tpu.memory_space<hbm>>
      tpu.enqueue_dma source(%dma_start3A_52 : memref<80x128xf32, #tpu.memory_space<hbm>>) target(%arg12 : memref<80x128xf32, #tpu.memory_space<vmem>>) target_semaphore(%arg16 : memref<!tpu.dma_semaphore, #tpu.memory_space<semaphore_mem>>)
      %mul3A_53 = arith.constant 2 : i32
      %mul3A_54 = arith.muli %add3A_36, %mul3A_53 : i32
      %add3A_55 = arith.constant 1 : i32
      %add3A_56 = arith.addi %mul3A_54, %add3A_55 : i32
      %mul3A_57 = arith.constant 80 : i32
      %mul3A_58 = arith.muli %add3A_56, %mul3A_57 : i32
      %add3A_59 = arith.addi %mul3A_4, %mul3A_58 : i32
      %dma_start3A_60 = tpu.memref_slice %arg3[%add3A_59] : memref<320000xi32, #tpu.memory_space<hbm>> -> memref<80xi32, #tpu.memory_space<hbm>>
      %dma_start3A_61 = tpu.memref_slice %arg3[%add3A_59] : memref<320000xi32, #tpu.memory_space<hbm>> -> memref<80xi32, #tpu.memory_space<hbm>>
      tpu.enqueue_dma source(%dma_start3A_61 : memref<80xi32, #tpu.memory_space<hbm>>) target(%arg9 : memref<80xi32, #tpu.memory_space<vmem>>) target_semaphore(%arg16 : memref<!tpu.dma_semaphore, #tpu.memory_space<semaphore_mem>>)
      %mul3A_62 = arith.constant 80 : i32
      %mul3A_63 = arith.muli %add3A_56, %mul3A_62 : i32
      %add3A_64 = arith.addi %mul3A_4, %mul3A_63 : i32
      %dma_start3A_65 = arith.constant 0 : i32
      %dma_start3A_66 = tpu.memref_slice %arg2[%add3A_64, %dma_start3A_65] : memref<320000x128xf32, #tpu.memory_space<hbm>> -> memref<80x128xf32, #tpu.memory_space<hbm>>
      %dma_start3A_67 = arith.constant 0 : i32
      %dma_start3A_68 = tpu.memref_slice %arg2[%add3A_64, %dma_start3A_67] : memref<320000x128xf32, #tpu.memory_space<hbm>> -> memref<80x128xf32, #tpu.memory_space<hbm>>
      tpu.enqueue_dma source(%dma_start3A_68 : memref<80x128xf32, #tpu.memory_space<hbm>>) target(%arg13 : memref<80x128xf32, #tpu.memory_space<vmem>>) target_semaphore(%arg16 : memref<!tpu.dma_semaphore, #tpu.memory_space<semaphore_mem>>)
      %dma_wait3A = tpu.memref_slice %arg3[%mul3A_4] : memref<320000xi32, #tpu.memory_space<hbm>> -> memref<80xi32, #tpu.memory_space<hbm>>
      %dma_wait3A_69 = tpu.memref_slice %arg3[%mul3A_4] : memref<320000xi32, #tpu.memory_space<hbm>> -> memref<80xi32, #tpu.memory_space<hbm>>
      tpu.wait_dma2 semaphore(%arg15 : memref<!tpu.dma_semaphore, #tpu.memory_space<semaphore_mem>>) src(%dma_wait3A_69 : memref<80xi32, #tpu.memory_space<hbm>>) dst(%arg6 : memref<80xi32, #tpu.memory_space<vmem>>)
      %dma_wait3A_70 = arith.constant 0 : i32
      %dma_wait3A_71 = tpu.memref_slice %arg2[%mul3A_4, %dma_wait3A_70] : memref<320000x128xf32, #tpu.memory_space<hbm>> -> memref<80x128xf32, #tpu.memory_space<hbm>>
      %dma_wait3A_72 = arith.constant 0 : i32
      %dma_wait3A_73 = tpu.memref_slice %arg2[%mul3A_4, %dma_wait3A_72] : memref<320000x128xf32, #tpu.memory_space<hbm>> -> memref<80x128xf32, #tpu.memory_space<hbm>>
      tpu.wait_dma2 semaphore(%arg15 : memref<!tpu.dma_semaphore, #tpu.memory_space<semaphore_mem>>) src(%dma_wait3A_73 : memref<80x128xf32, #tpu.memory_space<hbm>>) dst(%arg10 : memref<80x128xf32, #tpu.memory_space<vmem>>)
      %dma_wait3A_74 = tpu.memref_slice %arg3[%mul3A_4] : memref<320000xi32, #tpu.memory_space<hbm>> -> memref<80xi32, #tpu.memory_space<hbm>>
      %dma_wait3A_75 = tpu.memref_slice %arg3[%mul3A_4] : memref<320000xi32, #tpu.memory_space<hbm>> -> memref<80xi32, #tpu.memory_space<hbm>>
      tpu.wait_dma2 semaphore(%arg15 : memref<!tpu.dma_semaphore, #tpu.memory_space<semaphore_mem>>) src(%dma_wait3A_75 : memref<80xi32, #tpu.memory_space<hbm>>) dst(%arg7 : memref<80xi32, #tpu.memory_space<vmem>>)
      %dma_wait3A_76 = arith.constant 0 : i32
      %dma_wait3A_77 = tpu.memref_slice %arg2[%mul3A_4, %dma_wait3A_76] : memref<320000x128xf32, #tpu.memory_space<hbm>> -> memref<80x128xf32, #tpu.memory_space<hbm>>
      %dma_wait3A_78 = arith.constant 0 : i32
      %dma_wait3A_79 = tpu.memref_slice %arg2[%mul3A_4, %dma_wait3A_78] : memref<320000x128xf32, #tpu.memory_space<hbm>> -> memref<80x128xf32, #tpu.memory_space<hbm>>
      tpu.wait_dma2 semaphore(%arg15 : memref<!tpu.dma_semaphore, #tpu.memory_space<semaphore_mem>>) src(%dma_wait3A_79 : memref<80x128xf32, #tpu.memory_space<hbm>>) dst(%arg11 : memref<80x128xf32, #tpu.memory_space<vmem>>)
      %dma_start3A_80 = arith.constant 0 : i32
      %dma_start3A_81 = arith.constant 0 : i32
      %dma_start3A_82 = tpu.memref_slice %arg14[%dma_start3A_80, %dma_start3A_81] : memref<10240x128xf32, #tpu.memory_space<vmem_shared>> -> memref<10240x128xf32, #tpu.memory_space<vmem_shared>>
      tpu.enqueue_indirect_dma source(%arg10 : memref<80x128xf32, #tpu.memory_space<vmem>>) target(%dma_start3A_82 : memref<10240x128xf32, #tpu.memory_space<vmem_shared>>) offsets(%arg6 : memref<80xi32, #tpu.memory_space<vmem>>) semaphore(%arg17 : memref<!tpu.dma_semaphore, #tpu.memory_space<semaphore_mem>>) {add = true}
      %dma_start3A_83 = arith.constant 0 : i32
      %dma_start3A_84 = arith.constant 0 : i32
      %dma_start3A_85 = tpu.memref_slice %arg14[%dma_start3A_83, %dma_start3A_84] : memref<10240x128xf32, #tpu.memory_space<vmem_shared>> -> memref<10240x128xf32, #tpu.memory_space<vmem_shared>>
      tpu.enqueue_indirect_dma source(%arg11 : memref<80x128xf32, #tpu.memory_space<vmem>>) target(%dma_start3A_85 : memref<10240x128xf32, #tpu.memory_space<vmem_shared>>) offsets(%arg7 : memref<80xi32, #tpu.memory_space<vmem>>) semaphore(%arg17 : memref<!tpu.dma_semaphore, #tpu.memory_space<semaphore_mem>>) {add = true}
      %dma_wait3A_86 = arith.constant 0 : i32
      %dma_wait3A_87 = arith.constant 0 : i32
      %dma_wait3A_88 = tpu.memref_slice %arg14[%dma_wait3A_86, %dma_wait3A_87] : memref<10240x128xf32, #tpu.memory_space<vmem_shared>> -> memref<10240x128xf32, #tpu.memory_space<vmem_shared>>
      tpu.wait_indirect_dma semaphore(%arg17 : memref<!tpu.dma_semaphore, #tpu.memory_space<semaphore_mem>>) src(%arg10 : memref<80x128xf32, #tpu.memory_space<vmem>>) dst(%dma_wait3A_88 : memref<10240x128xf32, #tpu.memory_space<vmem_shared>>)
      %dma_wait3A_89 = arith.constant 0 : i32
      %dma_wait3A_90 = arith.constant 0 : i32
      %dma_wait3A_91 = tpu.memref_slice %arg14[%dma_wait3A_89, %dma_wait3A_90] : memref<10240x128xf32, #tpu.memory_space<vmem_shared>> -> memref<10240x128xf32, #tpu.memory_space<vmem_shared>>
      tpu.wait_indirect_dma semaphore(%arg17 : memref<!tpu.dma_semaphore, #tpu.memory_space<semaphore_mem>>) src(%arg11 : memref<80x128xf32, #tpu.memory_space<vmem>>) dst(%dma_wait3A_91 : memref<10240x128xf32, #tpu.memory_space<vmem_shared>>)
      %add3A_92 = arith.constant 1 : i32
      %add3A_93 = arith.addi %scan3A_32, %add3A_92 : i32
      %lt3A = arith.constant 31 : i32
      %lt3A_94 = arith.cmpi slt, %add3A_93, %lt3A : i32
      %convert_element_type3A = arith.extui %lt3A_94 : i1 to i32
      %cond3A = arith.constant 0 : i32
      %cond3A_95 = arith.cmpi ne, %convert_element_type3A, %cond3A : i32
      scf.if %cond3A_95 {
        %add3A_120 = arith.constant 2 : i32
        %add3A_121 = arith.addi %mul3A_34, %add3A_120 : i32
        %mul3A_122 = arith.constant 2 : i32
        %mul3A_123 = arith.muli %add3A_121, %mul3A_122 : i32
        %add3A_124 = arith.constant 0 : i32
        %add3A_125 = arith.addi %mul3A_123, %add3A_124 : i32
        %mul3A_126 = arith.constant 80 : i32
        %mul3A_127 = arith.muli %add3A_125, %mul3A_126 : i32
        %add3A_128 = arith.addi %mul3A_4, %mul3A_127 : i32
        %dma_start3A_129 = tpu.memref_slice %arg3[%add3A_128] : memref<320000xi32, #tpu.memory_space<hbm>> -> memref<80xi32, #tpu.memory_space<hbm>>
        %dma_start3A_130 = tpu.memref_slice %arg3[%add3A_128] : memref<320000xi32, #tpu.memory_space<hbm>> -> memref<80xi32, #tpu.memory_space<hbm>>
        tpu.enqueue_dma source(%dma_start3A_130 : memref<80xi32, #tpu.memory_space<hbm>>) target(%arg6 : memref<80xi32, #tpu.memory_space<vmem>>) target_semaphore(%arg15 : memref<!tpu.dma_semaphore, #tpu.memory_space<semaphore_mem>>)
        %mul3A_131 = arith.constant 80 : i32
        %mul3A_132 = arith.muli %add3A_125, %mul3A_131 : i32
        %add3A_133 = arith.addi %mul3A_4, %mul3A_132 : i32
        %dma_start3A_134 = arith.constant 0 : i32
        %dma_start3A_135 = tpu.memref_slice %arg2[%add3A_133, %dma_start3A_134] : memref<320000x128xf32, #tpu.memory_space<hbm>> -> memref<80x128xf32, #tpu.memory_space<hbm>>
        %dma_start3A_136 = arith.constant 0 : i32
        %dma_start3A_137 = tpu.memref_slice %arg2[%add3A_133, %dma_start3A_136] : memref<320000x128xf32, #tpu.memory_space<hbm>> -> memref<80x128xf32, #tpu.memory_space<hbm>>
        tpu.enqueue_dma source(%dma_start3A_137 : memref<80x128xf32, #tpu.memory_space<hbm>>) target(%arg10 : memref<80x128xf32, #tpu.memory_space<vmem>>) target_semaphore(%arg15 : memref<!tpu.dma_semaphore, #tpu.memory_space<semaphore_mem>>)
        %mul3A_138 = arith.constant 2 : i32
        %mul3A_139 = arith.muli %add3A_121, %mul3A_138 : i32
        %add3A_140 = arith.constant 1 : i32
        %add3A_141 = arith.addi %mul3A_139, %add3A_140 : i32
        %mul3A_142 = arith.constant 80 : i32
        %mul3A_143 = arith.muli %add3A_141, %mul3A_142 : i32
        %add3A_144 = arith.addi %mul3A_4, %mul3A_143 : i32
        %dma_start3A_145 = tpu.memref_slice %arg3[%add3A_144] : memref<320000xi32, #tpu.memory_space<hbm>> -> memref<80xi32, #tpu.memory_space<hbm>>
        %dma_start3A_146 = tpu.memref_slice %arg3[%add3A_144] : memref<320000xi32, #tpu.memory_space<hbm>> -> memref<80xi32, #tpu.memory_space<hbm>>
        tpu.enqueue_dma source(%dma_start3A_146 : memref<80xi32, #tpu.memory_space<hbm>>) target(%arg7 : memref<80xi32, #tpu.memory_space<vmem>>) target_semaphore(%arg15 : memref<!tpu.dma_semaphore, #tpu.memory_space<semaphore_mem>>)
        %mul3A_147 = arith.constant 80 : i32
        %mul3A_148 = arith.muli %add3A_141, %mul3A_147 : i32
        %add3A_149 = arith.addi %mul3A_4, %mul3A_148 : i32
        %dma_start3A_150 = arith.constant 0 : i32
        %dma_start3A_151 = tpu.memref_slice %arg2[%add3A_149, %dma_start3A_150] : memref<320000x128xf32, #tpu.memory_space<hbm>> -> memref<80x128xf32, #tpu.memory_space<hbm>>
        %dma_start3A_152 = arith.constant 0 : i32
        %dma_start3A_153 = tpu.memref_slice %arg2[%add3A_149, %dma_start3A_152] : memref<320000x128xf32, #tpu.memory_space<hbm>> -> memref<80x128xf32, #tpu.memory_space<hbm>>
        tpu.enqueue_dma source(%dma_start3A_153 : memref<80x128xf32, #tpu.memory_space<hbm>>) target(%arg11 : memref<80x128xf32, #tpu.memory_space<vmem>>) target_semaphore(%arg15 : memref<!tpu.dma_semaphore, #tpu.memory_space<semaphore_mem>>)
      } else {
      }
      %dma_wait3A_96 = tpu.memref_slice %arg3[%add3A_43] : memref<320000xi32, #tpu.memory_space<hbm>> -> memref<80xi32, #tpu.memory_space<hbm>>
      %dma_wait3A_97 = tpu.memref_slice %arg3[%add3A_43] : memref<320000xi32, #tpu.memory_space<hbm>> -> memref<80xi32, #tpu.memory_space<hbm>>
      tpu.wait_dma2 semaphore(%arg16 : memref<!tpu.dma_semaphore, #tpu.memory_space<semaphore_mem>>) src(%dma_wait3A_97 : memref<80xi32, #tpu.memory_space<hbm>>) dst(%arg8 : memref<80xi32, #tpu.memory_space<vmem>>)
      %dma_wait3A_98 = arith.constant 0 : i32
      %dma_wait3A_99 = tpu.memref_slice %arg2[%add3A_48, %dma_wait3A_98] : memref<320000x128xf32, #tpu.memory_space<hbm>> -> memref<80x128xf32, #tpu.memory_space<hbm>>
      %dma_wait3A_100 = arith.constant 0 : i32
      %dma_wait3A_101 = tpu.memref_slice %arg2[%add3A_48, %dma_wait3A_100] : memref<320000x128xf32, #tpu.memory_space<hbm>> -> memref<80x128xf32, #tpu.memory_space<hbm>>
      tpu.wait_dma2 semaphore(%arg16 : memref<!tpu.dma_semaphore, #tpu.memory_space<semaphore_mem>>) src(%dma_wait3A_101 : memref<80x128xf32, #tpu.memory_space<hbm>>) dst(%arg12 : memref<80x128xf32, #tpu.memory_space<vmem>>)
      %dma_wait3A_102 = tpu.memref_slice %arg3[%add3A_59] : memref<320000xi32, #tpu.memory_space<hbm>> -> memref<80xi32, #tpu.memory_space<hbm>>
      %dma_wait3A_103 = tpu.memref_slice %arg3[%add3A_59] : memref<320000xi32, #tpu.memory_space<hbm>> -> memref<80xi32, #tpu.memory_space<hbm>>
      tpu.wait_dma2 semaphore(%arg16 : memref<!tpu.dma_semaphore, #tpu.memory_space<semaphore_mem>>) src(%dma_wait3A_103 : memref<80xi32, #tpu.memory_space<hbm>>) dst(%arg9 : memref<80xi32, #tpu.memory_space<vmem>>)
      %dma_wait3A_104 = arith.constant 0 : i32
      %dma_wait3A_105 = tpu.memref_slice %arg2[%add3A_64, %dma_wait3A_104] : memref<320000x128xf32, #tpu.memory_space<hbm>> -> memref<80x128xf32, #tpu.memory_space<hbm>>
      %dma_wait3A_106 = arith.constant 0 : i32
      %dma_wait3A_107 = tpu.memref_slice %arg2[%add3A_64, %dma_wait3A_106] : memref<320000x128xf32, #tpu.memory_space<hbm>> -> memref<80x128xf32, #tpu.memory_space<hbm>>
      tpu.wait_dma2 semaphore(%arg16 : memref<!tpu.dma_semaphore, #tpu.memory_space<semaphore_mem>>) src(%dma_wait3A_107 : memref<80x128xf32, #tpu.memory_space<hbm>>) dst(%arg13 : memref<80x128xf32, #tpu.memory_space<vmem>>)
      %dma_start3A_108 = arith.constant 0 : i32
      %dma_start3A_109 = arith.constant 0 : i32
      %dma_start3A_110 = tpu.memref_slice %arg14[%dma_start3A_108, %dma_start3A_109] : memref<10240x128xf32, #tpu.memory_space<vmem_shared>> -> memref<10240x128xf32, #tpu.memory_space<vmem_shared>>
      tpu.enqueue_indirect_dma source(%arg12 : memref<80x128xf32, #tpu.memory_space<vmem>>) target(%dma_start3A_110 : memref<10240x128xf32, #tpu.memory_space<vmem_shared>>) offsets(%arg8 : memref<80xi32, #tpu.memory_space<vmem>>) semaphore(%arg18 : memref<!tpu.dma_semaphore, #tpu.memory_space<semaphore_mem>>) {add = true}
      %dma_start3A_111 = arith.constant 0 : i32
      %dma_start3A_112 = arith.constant 0 : i32
      %dma_start3A_113 = tpu.memref_slice %arg14[%dma_start3A_111, %dma_start3A_112] : memref<10240x128xf32, #tpu.memory_space<vmem_shared>> -> memref<10240x128xf32, #tpu.memory_space<vmem_shared>>
      tpu.enqueue_indirect_dma source(%arg13 : memref<80x128xf32, #tpu.memory_space<vmem>>) target(%dma_start3A_113 : memref<10240x128xf32, #tpu.memory_space<vmem_shared>>) offsets(%arg9 : memref<80xi32, #tpu.memory_space<vmem>>) semaphore(%arg18 : memref<!tpu.dma_semaphore, #tpu.memory_space<semaphore_mem>>) {add = true}
      %dma_wait3A_114 = arith.constant 0 : i32
      %dma_wait3A_115 = arith.constant 0 : i32
      %dma_wait3A_116 = tpu.memref_slice %arg14[%dma_wait3A_114, %dma_wait3A_115] : memref<10240x128xf32, #tpu.memory_space<vmem_shared>> -> memref<10240x128xf32, #tpu.memory_space<vmem_shared>>
      tpu.wait_indirect_dma semaphore(%arg18 : memref<!tpu.dma_semaphore, #tpu.memory_space<semaphore_mem>>) src(%arg12 : memref<80x128xf32, #tpu.memory_space<vmem>>) dst(%dma_wait3A_116 : memref<10240x128xf32, #tpu.memory_space<vmem_shared>>)
      %dma_wait3A_117 = arith.constant 0 : i32
      %dma_wait3A_118 = arith.constant 0 : i32
      %dma_wait3A_119 = tpu.memref_slice %arg14[%dma_wait3A_117, %dma_wait3A_118] : memref<10240x128xf32, #tpu.memory_space<vmem_shared>> -> memref<10240x128xf32, #tpu.memory_space<vmem_shared>>
      tpu.wait_indirect_dma semaphore(%arg18 : memref<!tpu.dma_semaphore, #tpu.memory_space<semaphore_mem>>) src(%arg13 : memref<80x128xf32, #tpu.memory_space<vmem>>) dst(%dma_wait3A_119 : memref<10240x128xf32, #tpu.memory_space<vmem_shared>>)
    }
    %scan3A_28 = arith.constant 31 : i32
    %add3A_29 = arith.constant 9920 : i32
    %add3A_30 = arith.addi %mul3A_4, %add3A_29 : i32
    "tpu.region"() ({
      %run_scoped3A = tpu.sem_alloc : memref<!tpu.dma_semaphore, #tpu.memory_space<semaphore_mem>>
      %dma_start3A_32 = tpu.memref_slice %arg3[%add3A_30] : memref<320000xi32, #tpu.memory_space<hbm>> -> memref<80xi32, #tpu.memory_space<hbm>>
      %dma_start3A_33 = tpu.memref_slice %arg3[%add3A_30] : memref<320000xi32, #tpu.memory_space<hbm>> -> memref<80xi32, #tpu.memory_space<hbm>>
      tpu.enqueue_dma source(%dma_start3A_33 : memref<80xi32, #tpu.memory_space<hbm>>) target(%arg6 : memref<80xi32, #tpu.memory_space<vmem>>) target_semaphore(%run_scoped3A : memref<!tpu.dma_semaphore, #tpu.memory_space<semaphore_mem>>)
      %dma_wait3A = tpu.memref_slice %arg3[%add3A_30] : memref<320000xi32, #tpu.memory_space<hbm>> -> memref<80xi32, #tpu.memory_space<hbm>>
      %dma_wait3A_34 = tpu.memref_slice %arg3[%add3A_30] : memref<320000xi32, #tpu.memory_space<hbm>> -> memref<80xi32, #tpu.memory_space<hbm>>
      tpu.wait_dma2 semaphore(%run_scoped3A : memref<!tpu.dma_semaphore, #tpu.memory_space<semaphore_mem>>) src(%dma_wait3A_34 : memref<80xi32, #tpu.memory_space<hbm>>) dst(%arg6 : memref<80xi32, #tpu.memory_space<vmem>>)
      tpu.yield
    }) : () -> ()
    "tpu.region"() ({
      %run_scoped3A = tpu.sem_alloc : memref<!tpu.dma_semaphore, #tpu.memory_space<semaphore_mem>>
      %dma_start3A_32 = arith.constant 0 : i32
      %dma_start3A_33 = tpu.memref_slice %arg2[%add3A_30, %dma_start3A_32] : memref<320000x128xf32, #tpu.memory_space<hbm>> -> memref<80x128xf32, #tpu.memory_space<hbm>>
      %dma_start3A_34 = arith.constant 0 : i32
      %dma_start3A_35 = tpu.memref_slice %arg2[%add3A_30, %dma_start3A_34] : memref<320000x128xf32, #tpu.memory_space<hbm>> -> memref<80x128xf32, #tpu.memory_space<hbm>>
      tpu.enqueue_dma source(%dma_start3A_35 : memref<80x128xf32, #tpu.memory_space<hbm>>) target(%arg10 : memref<80x128xf32, #tpu.memory_space<vmem>>) target_semaphore(%run_scoped3A : memref<!tpu.dma_semaphore, #tpu.memory_space<semaphore_mem>>)
      %dma_wait3A = arith.constant 0 : i32
      %dma_wait3A_36 = tpu.memref_slice %arg2[%add3A_30, %dma_wait3A] : memref<320000x128xf32, #tpu.memory_space<hbm>> -> memref<80x128xf32, #tpu.memory_space<hbm>>
      %dma_wait3A_37 = arith.constant 0 : i32
      %dma_wait3A_38 = tpu.memref_slice %arg2[%add3A_30, %dma_wait3A_37] : memref<320000x128xf32, #tpu.memory_space<hbm>> -> memref<80x128xf32, #tpu.memory_space<hbm>>
      tpu.wait_dma2 semaphore(%run_scoped3A : memref<!tpu.dma_semaphore, #tpu.memory_space<semaphore_mem>>) src(%dma_wait3A_38 : memref<80x128xf32, #tpu.memory_space<hbm>>) dst(%arg10 : memref<80x128xf32, #tpu.memory_space<vmem>>)
      tpu.yield
    }) : () -> ()
    "tpu.region"() ({
      %run_scoped3A = tpu.sem_alloc : memref<!tpu.dma_semaphore, #tpu.memory_space<semaphore_mem>>
      %dma_start3A_32 = arith.constant 0 : i32
      %dma_start3A_33 = arith.constant 0 : i32
      %dma_start3A_34 = tpu.memref_slice %arg14[%dma_start3A_32, %dma_start3A_33] : memref<10240x128xf32, #tpu.memory_space<vmem_shared>> -> memref<10240x128xf32, #tpu.memory_space<vmem_shared>>
      tpu.enqueue_indirect_dma source(%arg10 : memref<80x128xf32, #tpu.memory_space<vmem>>) target(%dma_start3A_34 : memref<10240x128xf32, #tpu.memory_space<vmem_shared>>) offsets(%arg6 : memref<80xi32, #tpu.memory_space<vmem>>) semaphore(%run_scoped3A : memref<!tpu.dma_semaphore, #tpu.memory_space<semaphore_mem>>) {add = true}
      %dma_wait3A = arith.constant 0 : i32
      %dma_wait3A_35 = arith.constant 0 : i32
      %dma_wait3A_36 = tpu.memref_slice %arg14[%dma_wait3A, %dma_wait3A_35] : memref<10240x128xf32, #tpu.memory_space<vmem_shared>> -> memref<10240x128xf32, #tpu.memory_space<vmem_shared>>
      tpu.wait_indirect_dma semaphore(%run_scoped3A : memref<!tpu.dma_semaphore, #tpu.memory_space<semaphore_mem>>) src(%arg10 : memref<80x128xf32, #tpu.memory_space<vmem>>) dst(%dma_wait3A_36 : memref<10240x128xf32, #tpu.memory_space<vmem_shared>>)
      tpu.yield
    }) : () -> ()
    %barrier3A_31 = arith.constant 0 : index
    tpu.barrier barrier_id(%barrier3A_31)
    "tpu.region"() ({
      %run_scoped3A = tpu.sem_alloc : memref<!tpu.dma_semaphore, #tpu.memory_space<semaphore_mem>>
      %dma_start3A_32 = arith.constant 0 : i32
      %dma_start3A_33 = tpu.memref_slice %arg5[%arg0, %mul3A_0, %dma_start3A_32] : memref<2x10240x128xf32, #tpu.memory_space<hbm>> -> memref<1x640x128xf32, #tpu.memory_space<hbm>>
      %dma_start3A_34 = tpu.memref_squeeze %dma_start3A_33 : memref<1x640x128xf32, #tpu.memory_space<hbm>> -> memref<640x128xf32, #tpu.memory_space<hbm>>
      %dma_start3A_35 = arith.constant 0 : i32
      %dma_start3A_36 = tpu.memref_slice %arg14[%mul3A_0, %dma_start3A_35] : memref<10240x128xf32, #tpu.memory_space<vmem_shared>> -> memref<640x128xf32, #tpu.memory_space<vmem_shared>>
      tpu.enqueue_dma source(%dma_start3A_36 : memref<640x128xf32, #tpu.memory_space<vmem_shared>>) target(%dma_start3A_34 : memref<640x128xf32, #tpu.memory_space<hbm>>) target_semaphore(%run_scoped3A : memref<!tpu.dma_semaphore, #tpu.memory_space<semaphore_mem>>)
      %dma_wait3A = arith.constant 0 : i32
      %dma_wait3A_37 = tpu.memref_slice %arg5[%arg0, %mul3A_0, %dma_wait3A] : memref<2x10240x128xf32, #tpu.memory_space<hbm>> -> memref<1x640x128xf32, #tpu.memory_space<hbm>>
      %dma_wait3A_38 = tpu.memref_squeeze %dma_wait3A_37 : memref<1x640x128xf32, #tpu.memory_space<hbm>> -> memref<640x128xf32, #tpu.memory_space<hbm>>
      %dma_wait3A_39 = arith.constant 0 : i32
      %dma_wait3A_40 = tpu.memref_slice %arg14[%mul3A_0, %dma_wait3A_39] : memref<10240x128xf32, #tpu.memory_space<vmem_shared>> -> memref<640x128xf32, #tpu.memory_space<vmem_shared>>
      tpu.wait_dma2 semaphore(%run_scoped3A : memref<!tpu.dma_semaphore, #tpu.memory_space<semaphore_mem>>) src(%dma_wait3A_40 : memref<640x128xf32, #tpu.memory_space<vmem_shared>>) dst(%dma_wait3A_38 : memref<640x128xf32, #tpu.memory_space<hbm>>)
      tpu.yield
    }) : () -> ()
    return
  }
}

#map = affine_map<(d0, d1) -> (0, 0)>
#map1 = affine_map<(d0, d1) -> (0)>
module attributes {stable_mosaic.version = 14 : i64} {
  func.func @gather_add(%arg0: i32, %arg1: i32, %arg2: memref<10000x64xf32, #tpu.memory_space<hbm>>, %arg3: memref<10000x64xf32, #tpu.memory_space<hbm>>, %arg4: memref<320000xi32, #tpu.memory_space<hbm>>, %arg5: memref<320000xi32, #tpu.memory_space<hbm>>, %arg6: memref<320000x128xf32, #tpu.memory_space<hbm>>, %arg7: memref<200xi32, #tpu.memory_space<vmem>>, %arg8: memref<200xi32, #tpu.memory_space<vmem>>, %arg9: memref<200xi32, #tpu.memory_space<vmem>>, %arg10: memref<200xi32, #tpu.memory_space<vmem>>, %arg11: memref<200xi32, #tpu.memory_space<vmem>>, %arg12: memref<200xi32, #tpu.memory_space<vmem>>, %arg13: memref<200xi32, #tpu.memory_space<vmem>>, %arg14: memref<200xi32, #tpu.memory_space<vmem>>, %arg15: memref<200xi32, #tpu.memory_space<vmem>>, %arg16: memref<200xi32, #tpu.memory_space<vmem>>, %arg17: memref<200x64xf32, #tpu.memory_space<vmem>>, %arg18: memref<200x64xf32, #tpu.memory_space<vmem>>, %arg19: memref<200x64xf32, #tpu.memory_space<vmem>>, %arg20: memref<200x64xf32, #tpu.memory_space<vmem>>, %arg21: memref<200x64xf32, #tpu.memory_space<vmem>>, %arg22: memref<!tpu.dma_semaphore, #tpu.memory_space<semaphore_mem>>, %arg23: memref<!tpu.dma_semaphore, #tpu.memory_space<semaphore_mem>>, %arg24: memref<!tpu.dma_semaphore, #tpu.memory_space<semaphore_mem>>) attributes {dimension_semantics = [#tpu.dimension_semantics<core_parallel>, #tpu.dimension_semantics<subcore_parallel>], iteration_bounds = array<i64: 2, 16>, scalar_prefetch = 0 : i64, scratch_operands = 18 : i64, tpu.core_type = #tpu.core_type<sc_vector_subcore>, window_params = [{transform_indices = #map}, {transform_indices = #map}, {transform_indices = #map1}, {transform_indices = #map1}, {transform_indices = #map}]} {
    %mul3A = arith.constant 16 : i32
    %mul3A_0 = arith.muli %arg0, %mul3A : i32
    %add3A = arith.addi %mul3A_0, %arg1 : i32
    %mul3A_1 = arith.constant 10000 : i32
    %mul3A_2 = arith.muli %add3A, %mul3A_1 : i32
    %add3A_3 = arith.constant 0 : i32
    %add3A_4 = arith.addi %mul3A_2, %add3A_3 : i32
    %dma_start3A = tpu.memref_slice %arg4[%add3A_4] : memref<320000xi32, #tpu.memory_space<hbm>> -> memref<200xi32, #tpu.memory_space<hbm>>
    %dma_start3A_5 = tpu.memref_slice %arg4[%add3A_4] : memref<320000xi32, #tpu.memory_space<hbm>> -> memref<200xi32, #tpu.memory_space<hbm>>
    tpu.enqueue_dma source(%dma_start3A_5 : memref<200xi32, #tpu.memory_space<hbm>>) target(%arg7 : memref<200xi32, #tpu.memory_space<vmem>>) target_semaphore(%arg22 : memref<!tpu.dma_semaphore, #tpu.memory_space<semaphore_mem>>)
    %dma_start3A_6 = tpu.memref_slice %arg5[%add3A_4] : memref<320000xi32, #tpu.memory_space<hbm>> -> memref<200xi32, #tpu.memory_space<hbm>>
    %dma_start3A_7 = tpu.memref_slice %arg5[%add3A_4] : memref<320000xi32, #tpu.memory_space<hbm>> -> memref<200xi32, #tpu.memory_space<hbm>>
    tpu.enqueue_dma source(%dma_start3A_7 : memref<200xi32, #tpu.memory_space<hbm>>) target(%arg12 : memref<200xi32, #tpu.memory_space<vmem>>) target_semaphore(%arg22 : memref<!tpu.dma_semaphore, #tpu.memory_space<semaphore_mem>>)
    %mul3A_8 = arith.constant 10000 : i32
    %mul3A_9 = arith.muli %add3A, %mul3A_8 : i32
    %add3A_10 = arith.constant 200 : i32
    %add3A_11 = arith.addi %mul3A_9, %add3A_10 : i32
    %dma_start3A_12 = tpu.memref_slice %arg4[%add3A_11] : memref<320000xi32, #tpu.memory_space<hbm>> -> memref<200xi32, #tpu.memory_space<hbm>>
    %dma_start3A_13 = tpu.memref_slice %arg4[%add3A_11] : memref<320000xi32, #tpu.memory_space<hbm>> -> memref<200xi32, #tpu.memory_space<hbm>>
    tpu.enqueue_dma source(%dma_start3A_13 : memref<200xi32, #tpu.memory_space<hbm>>) target(%arg8 : memref<200xi32, #tpu.memory_space<vmem>>) target_semaphore(%arg22 : memref<!tpu.dma_semaphore, #tpu.memory_space<semaphore_mem>>)
    %dma_start3A_14 = tpu.memref_slice %arg5[%add3A_11] : memref<320000xi32, #tpu.memory_space<hbm>> -> memref<200xi32, #tpu.memory_space<hbm>>
    %dma_start3A_15 = tpu.memref_slice %arg5[%add3A_11] : memref<320000xi32, #tpu.memory_space<hbm>> -> memref<200xi32, #tpu.memory_space<hbm>>
    tpu.enqueue_dma source(%dma_start3A_15 : memref<200xi32, #tpu.memory_space<hbm>>) target(%arg13 : memref<200xi32, #tpu.memory_space<vmem>>) target_semaphore(%arg22 : memref<!tpu.dma_semaphore, #tpu.memory_space<semaphore_mem>>)
    %mul3A_16 = arith.constant 10000 : i32
    %mul3A_17 = arith.muli %add3A, %mul3A_16 : i32
    %add3A_18 = arith.constant 400 : i32
    %add3A_19 = arith.addi %mul3A_17, %add3A_18 : i32
    %dma_start3A_20 = tpu.memref_slice %arg4[%add3A_19] : memref<320000xi32, #tpu.memory_space<hbm>> -> memref<200xi32, #tpu.memory_space<hbm>>
    %dma_start3A_21 = tpu.memref_slice %arg4[%add3A_19] : memref<320000xi32, #tpu.memory_space<hbm>> -> memref<200xi32, #tpu.memory_space<hbm>>
    tpu.enqueue_dma source(%dma_start3A_21 : memref<200xi32, #tpu.memory_space<hbm>>) target(%arg9 : memref<200xi32, #tpu.memory_space<vmem>>) target_semaphore(%arg22 : memref<!tpu.dma_semaphore, #tpu.memory_space<semaphore_mem>>)
    %dma_start3A_22 = tpu.memref_slice %arg5[%add3A_19] : memref<320000xi32, #tpu.memory_space<hbm>> -> memref<200xi32, #tpu.memory_space<hbm>>
    %dma_start3A_23 = tpu.memref_slice %arg5[%add3A_19] : memref<320000xi32, #tpu.memory_space<hbm>> -> memref<200xi32, #tpu.memory_space<hbm>>
    tpu.enqueue_dma source(%dma_start3A_23 : memref<200xi32, #tpu.memory_space<hbm>>) target(%arg14 : memref<200xi32, #tpu.memory_space<vmem>>) target_semaphore(%arg22 : memref<!tpu.dma_semaphore, #tpu.memory_space<semaphore_mem>>)
    %mul3A_24 = arith.constant 10000 : i32
    %mul3A_25 = arith.muli %add3A, %mul3A_24 : i32
    %add3A_26 = arith.constant 600 : i32
    %add3A_27 = arith.addi %mul3A_25, %add3A_26 : i32
    %dma_start3A_28 = tpu.memref_slice %arg4[%add3A_27] : memref<320000xi32, #tpu.memory_space<hbm>> -> memref<200xi32, #tpu.memory_space<hbm>>
    %dma_start3A_29 = tpu.memref_slice %arg4[%add3A_27] : memref<320000xi32, #tpu.memory_space<hbm>> -> memref<200xi32, #tpu.memory_space<hbm>>
    tpu.enqueue_dma source(%dma_start3A_29 : memref<200xi32, #tpu.memory_space<hbm>>) target(%arg10 : memref<200xi32, #tpu.memory_space<vmem>>) target_semaphore(%arg22 : memref<!tpu.dma_semaphore, #tpu.memory_space<semaphore_mem>>)
    %dma_start3A_30 = tpu.memref_slice %arg5[%add3A_27] : memref<320000xi32, #tpu.memory_space<hbm>> -> memref<200xi32, #tpu.memory_space<hbm>>
    %dma_start3A_31 = tpu.memref_slice %arg5[%add3A_27] : memref<320000xi32, #tpu.memory_space<hbm>> -> memref<200xi32, #tpu.memory_space<hbm>>
    tpu.enqueue_dma source(%dma_start3A_31 : memref<200xi32, #tpu.memory_space<hbm>>) target(%arg15 : memref<200xi32, #tpu.memory_space<vmem>>) target_semaphore(%arg22 : memref<!tpu.dma_semaphore, #tpu.memory_space<semaphore_mem>>)
    %mul3A_32 = arith.constant 10000 : i32
    %mul3A_33 = arith.muli %add3A, %mul3A_32 : i32
    %add3A_34 = arith.constant 800 : i32
    %add3A_35 = arith.addi %mul3A_33, %add3A_34 : i32
    %dma_start3A_36 = tpu.memref_slice %arg4[%add3A_35] : memref<320000xi32, #tpu.memory_space<hbm>> -> memref<200xi32, #tpu.memory_space<hbm>>
    %dma_start3A_37 = tpu.memref_slice %arg4[%add3A_35] : memref<320000xi32, #tpu.memory_space<hbm>> -> memref<200xi32, #tpu.memory_space<hbm>>
    tpu.enqueue_dma source(%dma_start3A_37 : memref<200xi32, #tpu.memory_space<hbm>>) target(%arg11 : memref<200xi32, #tpu.memory_space<vmem>>) target_semaphore(%arg22 : memref<!tpu.dma_semaphore, #tpu.memory_space<semaphore_mem>>)
    %dma_start3A_38 = tpu.memref_slice %arg5[%add3A_35] : memref<320000xi32, #tpu.memory_space<hbm>> -> memref<200xi32, #tpu.memory_space<hbm>>
    %dma_start3A_39 = tpu.memref_slice %arg5[%add3A_35] : memref<320000xi32, #tpu.memory_space<hbm>> -> memref<200xi32, #tpu.memory_space<hbm>>
    tpu.enqueue_dma source(%dma_start3A_39 : memref<200xi32, #tpu.memory_space<hbm>>) target(%arg16 : memref<200xi32, #tpu.memory_space<vmem>>) target_semaphore(%arg22 : memref<!tpu.dma_semaphore, #tpu.memory_space<semaphore_mem>>)
    %scan3A = arith.constant 0 : i32
    %scan3A_40 = arith.constant 0 : i32
    %scan3A_41 = arith.constant 10 : i32
    %scan3A_42 = arith.addi %scan3A_40, %scan3A_41 : i32
    %scan3A_43 = arith.constant 1 : i32
    scf.for %scan3A_45 = %scan3A_40 to %scan3A_42 step %scan3A_43  : i32 {
      %mul3A_46 = arith.constant 10000 : i32
      %mul3A_47 = arith.muli %add3A, %mul3A_46 : i32
      %mul3A_48 = arith.constant 5 : i32
      %mul3A_49 = arith.muli %scan3A_45, %mul3A_48 : i32
      %add3A_50 = arith.constant 0 : i32
      %add3A_51 = arith.addi %mul3A_49, %add3A_50 : i32
      %mul3A_52 = arith.constant 200 : i32
      %mul3A_53 = arith.muli %add3A_51, %mul3A_52 : i32
      %add3A_54 = arith.addi %mul3A_47, %mul3A_53 : i32
      %mul3A_55 = arith.constant 10000 : i32
      %mul3A_56 = arith.muli %add3A, %mul3A_55 : i32
      %mul3A_57 = arith.constant 5 : i32
      %mul3A_58 = arith.muli %scan3A_45, %mul3A_57 : i32
      %add3A_59 = arith.constant 1 : i32
      %add3A_60 = arith.addi %mul3A_58, %add3A_59 : i32
      %mul3A_61 = arith.constant 200 : i32
      %mul3A_62 = arith.muli %add3A_60, %mul3A_61 : i32
      %add3A_63 = arith.addi %mul3A_56, %mul3A_62 : i32
      %mul3A_64 = arith.constant 10000 : i32
      %mul3A_65 = arith.muli %add3A, %mul3A_64 : i32
      %mul3A_66 = arith.constant 5 : i32
      %mul3A_67 = arith.muli %scan3A_45, %mul3A_66 : i32
      %add3A_68 = arith.constant 2 : i32
      %add3A_69 = arith.addi %mul3A_67, %add3A_68 : i32
      %mul3A_70 = arith.constant 200 : i32
      %mul3A_71 = arith.muli %add3A_69, %mul3A_70 : i32
      %add3A_72 = arith.addi %mul3A_65, %mul3A_71 : i32
      %mul3A_73 = arith.constant 10000 : i32
      %mul3A_74 = arith.muli %add3A, %mul3A_73 : i32
      %mul3A_75 = arith.constant 5 : i32
      %mul3A_76 = arith.muli %scan3A_45, %mul3A_75 : i32
      %add3A_77 = arith.constant 3 : i32
      %add3A_78 = arith.addi %mul3A_76, %add3A_77 : i32
      %mul3A_79 = arith.constant 200 : i32
      %mul3A_80 = arith.muli %add3A_78, %mul3A_79 : i32
      %add3A_81 = arith.addi %mul3A_74, %mul3A_80 : i32
      %mul3A_82 = arith.constant 10000 : i32
      %mul3A_83 = arith.muli %add3A, %mul3A_82 : i32
      %mul3A_84 = arith.constant 5 : i32
      %mul3A_85 = arith.muli %scan3A_45, %mul3A_84 : i32
      %add3A_86 = arith.constant 4 : i32
      %add3A_87 = arith.addi %mul3A_85, %add3A_86 : i32
      %mul3A_88 = arith.constant 200 : i32
      %mul3A_89 = arith.muli %add3A_87, %mul3A_88 : i32
      %add3A_90 = arith.addi %mul3A_83, %mul3A_89 : i32
      %dma_wait3A = arith.constant 0 : i32
      %dma_wait3A_91 = tpu.memref_slice %arg4[%dma_wait3A] : memref<320000xi32, #tpu.memory_space<hbm>> -> memref<200xi32, #tpu.memory_space<hbm>>
      %dma_wait3A_92 = arith.constant 0 : i32
      %dma_wait3A_93 = tpu.memref_slice %arg4[%dma_wait3A_92] : memref<320000xi32, #tpu.memory_space<hbm>> -> memref<200xi32, #tpu.memory_space<hbm>>
      tpu.wait_dma2 semaphore(%arg22 : memref<!tpu.dma_semaphore, #tpu.memory_space<semaphore_mem>>) src(%dma_wait3A_93 : memref<200xi32, #tpu.memory_space<hbm>>) dst(%arg7 : memref<200xi32, #tpu.memory_space<vmem>>)
      %dma_wait3A_94 = arith.constant 0 : i32
      %dma_wait3A_95 = tpu.memref_slice %arg5[%dma_wait3A_94] : memref<320000xi32, #tpu.memory_space<hbm>> -> memref<200xi32, #tpu.memory_space<hbm>>
      %dma_wait3A_96 = arith.constant 0 : i32
      %dma_wait3A_97 = tpu.memref_slice %arg5[%dma_wait3A_96] : memref<320000xi32, #tpu.memory_space<hbm>> -> memref<200xi32, #tpu.memory_space<hbm>>
      tpu.wait_dma2 semaphore(%arg22 : memref<!tpu.dma_semaphore, #tpu.memory_space<semaphore_mem>>) src(%dma_wait3A_97 : memref<200xi32, #tpu.memory_space<hbm>>) dst(%arg12 : memref<200xi32, #tpu.memory_space<vmem>>)
      %dma_wait3A_98 = arith.constant 0 : i32
      %dma_wait3A_99 = tpu.memref_slice %arg4[%dma_wait3A_98] : memref<320000xi32, #tpu.memory_space<hbm>> -> memref<200xi32, #tpu.memory_space<hbm>>
      %dma_wait3A_100 = arith.constant 0 : i32
      %dma_wait3A_101 = tpu.memref_slice %arg4[%dma_wait3A_100] : memref<320000xi32, #tpu.memory_space<hbm>> -> memref<200xi32, #tpu.memory_space<hbm>>
      tpu.wait_dma2 semaphore(%arg22 : memref<!tpu.dma_semaphore, #tpu.memory_space<semaphore_mem>>) src(%dma_wait3A_101 : memref<200xi32, #tpu.memory_space<hbm>>) dst(%arg8 : memref<200xi32, #tpu.memory_space<vmem>>)
      %dma_wait3A_102 = arith.constant 0 : i32
      %dma_wait3A_103 = tpu.memref_slice %arg5[%dma_wait3A_102] : memref<320000xi32, #tpu.memory_space<hbm>> -> memref<200xi32, #tpu.memory_space<hbm>>
      %dma_wait3A_104 = arith.constant 0 : i32
      %dma_wait3A_105 = tpu.memref_slice %arg5[%dma_wait3A_104] : memref<320000xi32, #tpu.memory_space<hbm>> -> memref<200xi32, #tpu.memory_space<hbm>>
      tpu.wait_dma2 semaphore(%arg22 : memref<!tpu.dma_semaphore, #tpu.memory_space<semaphore_mem>>) src(%dma_wait3A_105 : memref<200xi32, #tpu.memory_space<hbm>>) dst(%arg13 : memref<200xi32, #tpu.memory_space<vmem>>)
      %dma_wait3A_106 = arith.constant 0 : i32
      %dma_wait3A_107 = tpu.memref_slice %arg4[%dma_wait3A_106] : memref<320000xi32, #tpu.memory_space<hbm>> -> memref<200xi32, #tpu.memory_space<hbm>>
      %dma_wait3A_108 = arith.constant 0 : i32
      %dma_wait3A_109 = tpu.memref_slice %arg4[%dma_wait3A_108] : memref<320000xi32, #tpu.memory_space<hbm>> -> memref<200xi32, #tpu.memory_space<hbm>>
      tpu.wait_dma2 semaphore(%arg22 : memref<!tpu.dma_semaphore, #tpu.memory_space<semaphore_mem>>) src(%dma_wait3A_109 : memref<200xi32, #tpu.memory_space<hbm>>) dst(%arg9 : memref<200xi32, #tpu.memory_space<vmem>>)
      %dma_wait3A_110 = arith.constant 0 : i32
      %dma_wait3A_111 = tpu.memref_slice %arg5[%dma_wait3A_110] : memref<320000xi32, #tpu.memory_space<hbm>> -> memref<200xi32, #tpu.memory_space<hbm>>
      %dma_wait3A_112 = arith.constant 0 : i32
      %dma_wait3A_113 = tpu.memref_slice %arg5[%dma_wait3A_112] : memref<320000xi32, #tpu.memory_space<hbm>> -> memref<200xi32, #tpu.memory_space<hbm>>
      tpu.wait_dma2 semaphore(%arg22 : memref<!tpu.dma_semaphore, #tpu.memory_space<semaphore_mem>>) src(%dma_wait3A_113 : memref<200xi32, #tpu.memory_space<hbm>>) dst(%arg14 : memref<200xi32, #tpu.memory_space<vmem>>)
      %dma_wait3A_114 = arith.constant 0 : i32
      %dma_wait3A_115 = tpu.memref_slice %arg4[%dma_wait3A_114] : memref<320000xi32, #tpu.memory_space<hbm>> -> memref<200xi32, #tpu.memory_space<hbm>>
      %dma_wait3A_116 = arith.constant 0 : i32
      %dma_wait3A_117 = tpu.memref_slice %arg4[%dma_wait3A_116] : memref<320000xi32, #tpu.memory_space<hbm>> -> memref<200xi32, #tpu.memory_space<hbm>>
      tpu.wait_dma2 semaphore(%arg22 : memref<!tpu.dma_semaphore, #tpu.memory_space<semaphore_mem>>) src(%dma_wait3A_117 : memref<200xi32, #tpu.memory_space<hbm>>) dst(%arg10 : memref<200xi32, #tpu.memory_space<vmem>>)
      %dma_wait3A_118 = arith.constant 0 : i32
      %dma_wait3A_119 = tpu.memref_slice %arg5[%dma_wait3A_118] : memref<320000xi32, #tpu.memory_space<hbm>> -> memref<200xi32, #tpu.memory_space<hbm>>
      %dma_wait3A_120 = arith.constant 0 : i32
      %dma_wait3A_121 = tpu.memref_slice %arg5[%dma_wait3A_120] : memref<320000xi32, #tpu.memory_space<hbm>> -> memref<200xi32, #tpu.memory_space<hbm>>
      tpu.wait_dma2 semaphore(%arg22 : memref<!tpu.dma_semaphore, #tpu.memory_space<semaphore_mem>>) src(%dma_wait3A_121 : memref<200xi32, #tpu.memory_space<hbm>>) dst(%arg15 : memref<200xi32, #tpu.memory_space<vmem>>)
      %dma_wait3A_122 = arith.constant 0 : i32
      %dma_wait3A_123 = tpu.memref_slice %arg4[%dma_wait3A_122] : memref<320000xi32, #tpu.memory_space<hbm>> -> memref<200xi32, #tpu.memory_space<hbm>>
      %dma_wait3A_124 = arith.constant 0 : i32
      %dma_wait3A_125 = tpu.memref_slice %arg4[%dma_wait3A_124] : memref<320000xi32, #tpu.memory_space<hbm>> -> memref<200xi32, #tpu.memory_space<hbm>>
      tpu.wait_dma2 semaphore(%arg22 : memref<!tpu.dma_semaphore, #tpu.memory_space<semaphore_mem>>) src(%dma_wait3A_125 : memref<200xi32, #tpu.memory_space<hbm>>) dst(%arg11 : memref<200xi32, #tpu.memory_space<vmem>>)
      %dma_wait3A_126 = arith.constant 0 : i32
      %dma_wait3A_127 = tpu.memref_slice %arg5[%dma_wait3A_126] : memref<320000xi32, #tpu.memory_space<hbm>> -> memref<200xi32, #tpu.memory_space<hbm>>
      %dma_wait3A_128 = arith.constant 0 : i32
      %dma_wait3A_129 = tpu.memref_slice %arg5[%dma_wait3A_128] : memref<320000xi32, #tpu.memory_space<hbm>> -> memref<200xi32, #tpu.memory_space<hbm>>
      tpu.wait_dma2 semaphore(%arg22 : memref<!tpu.dma_semaphore, #tpu.memory_space<semaphore_mem>>) src(%dma_wait3A_129 : memref<200xi32, #tpu.memory_space<hbm>>) dst(%arg16 : memref<200xi32, #tpu.memory_space<vmem>>)
      %dma_start3A_130 = arith.constant 0 : i32
      %dma_start3A_131 = arith.constant 0 : i32
      %dma_start3A_132 = tpu.memref_slice %arg2[%dma_start3A_130, %dma_start3A_131] : memref<10000x64xf32, #tpu.memory_space<hbm>> -> memref<10000x64xf32, #tpu.memory_space<hbm>>
      tpu.enqueue_indirect_dma source(%dma_start3A_132 : memref<10000x64xf32, #tpu.memory_space<hbm>>) target(%arg17 : memref<200x64xf32, #tpu.memory_space<vmem>>) offsets(%arg7 : memref<200xi32, #tpu.memory_space<vmem>>) semaphore(%arg23 : memref<!tpu.dma_semaphore, #tpu.memory_space<semaphore_mem>>)
      %dma_start3A_133 = arith.constant 0 : i32
      %dma_start3A_134 = arith.constant 0 : i32
      %dma_start3A_135 = tpu.memref_slice %arg2[%dma_start3A_133, %dma_start3A_134] : memref<10000x64xf32, #tpu.memory_space<hbm>> -> memref<10000x64xf32, #tpu.memory_space<hbm>>
      tpu.enqueue_indirect_dma source(%dma_start3A_135 : memref<10000x64xf32, #tpu.memory_space<hbm>>) target(%arg18 : memref<200x64xf32, #tpu.memory_space<vmem>>) offsets(%arg8 : memref<200xi32, #tpu.memory_space<vmem>>) semaphore(%arg23 : memref<!tpu.dma_semaphore, #tpu.memory_space<semaphore_mem>>)
      %dma_start3A_136 = arith.constant 0 : i32
      %dma_start3A_137 = arith.constant 0 : i32
      %dma_start3A_138 = tpu.memref_slice %arg2[%dma_start3A_136, %dma_start3A_137] : memref<10000x64xf32, #tpu.memory_space<hbm>> -> memref<10000x64xf32, #tpu.memory_space<hbm>>
      tpu.enqueue_indirect_dma source(%dma_start3A_138 : memref<10000x64xf32, #tpu.memory_space<hbm>>) target(%arg19 : memref<200x64xf32, #tpu.memory_space<vmem>>) offsets(%arg9 : memref<200xi32, #tpu.memory_space<vmem>>) semaphore(%arg23 : memref<!tpu.dma_semaphore, #tpu.memory_space<semaphore_mem>>)
      %dma_start3A_139 = arith.constant 0 : i32
      %dma_start3A_140 = arith.constant 0 : i32
      %dma_start3A_141 = tpu.memref_slice %arg2[%dma_start3A_139, %dma_start3A_140] : memref<10000x64xf32, #tpu.memory_space<hbm>> -> memref<10000x64xf32, #tpu.memory_space<hbm>>
      tpu.enqueue_indirect_dma source(%dma_start3A_141 : memref<10000x64xf32, #tpu.memory_space<hbm>>) target(%arg20 : memref<200x64xf32, #tpu.memory_space<vmem>>) offsets(%arg10 : memref<200xi32, #tpu.memory_space<vmem>>) semaphore(%arg23 : memref<!tpu.dma_semaphore, #tpu.memory_space<semaphore_mem>>)
      %dma_start3A_142 = arith.constant 0 : i32
      %dma_start3A_143 = arith.constant 0 : i32
      %dma_start3A_144 = tpu.memref_slice %arg2[%dma_start3A_142, %dma_start3A_143] : memref<10000x64xf32, #tpu.memory_space<hbm>> -> memref<10000x64xf32, #tpu.memory_space<hbm>>
      tpu.enqueue_indirect_dma source(%dma_start3A_144 : memref<10000x64xf32, #tpu.memory_space<hbm>>) target(%arg21 : memref<200x64xf32, #tpu.memory_space<vmem>>) offsets(%arg11 : memref<200xi32, #tpu.memory_space<vmem>>) semaphore(%arg23 : memref<!tpu.dma_semaphore, #tpu.memory_space<semaphore_mem>>)
      %dma_wait3A_145 = arith.constant 0 : i32
      %dma_wait3A_146 = arith.constant 0 : i32
      %dma_wait3A_147 = tpu.memref_slice %arg2[%dma_wait3A_145, %dma_wait3A_146] : memref<10000x64xf32, #tpu.memory_space<hbm>> -> memref<10000x64xf32, #tpu.memory_space<hbm>>
      tpu.wait_indirect_dma semaphore(%arg23 : memref<!tpu.dma_semaphore, #tpu.memory_space<semaphore_mem>>) src(%dma_wait3A_147 : memref<10000x64xf32, #tpu.memory_space<hbm>>) dst(%arg17 : memref<200x64xf32, #tpu.memory_space<vmem>>)
      %dma_wait3A_148 = arith.constant 0 : i32
      %dma_wait3A_149 = arith.constant 0 : i32
      %dma_wait3A_150 = tpu.memref_slice %arg2[%dma_wait3A_148, %dma_wait3A_149] : memref<10000x64xf32, #tpu.memory_space<hbm>> -> memref<10000x64xf32, #tpu.memory_space<hbm>>
      tpu.wait_indirect_dma semaphore(%arg23 : memref<!tpu.dma_semaphore, #tpu.memory_space<semaphore_mem>>) src(%dma_wait3A_150 : memref<10000x64xf32, #tpu.memory_space<hbm>>) dst(%arg18 : memref<200x64xf32, #tpu.memory_space<vmem>>)
      %dma_wait3A_151 = arith.constant 0 : i32
      %dma_wait3A_152 = arith.constant 0 : i32
      %dma_wait3A_153 = tpu.memref_slice %arg2[%dma_wait3A_151, %dma_wait3A_152] : memref<10000x64xf32, #tpu.memory_space<hbm>> -> memref<10000x64xf32, #tpu.memory_space<hbm>>
      tpu.wait_indirect_dma semaphore(%arg23 : memref<!tpu.dma_semaphore, #tpu.memory_space<semaphore_mem>>) src(%dma_wait3A_153 : memref<10000x64xf32, #tpu.memory_space<hbm>>) dst(%arg19 : memref<200x64xf32, #tpu.memory_space<vmem>>)
      %dma_wait3A_154 = arith.constant 0 : i32
      %dma_wait3A_155 = arith.constant 0 : i32
      %dma_wait3A_156 = tpu.memref_slice %arg2[%dma_wait3A_154, %dma_wait3A_155] : memref<10000x64xf32, #tpu.memory_space<hbm>> -> memref<10000x64xf32, #tpu.memory_space<hbm>>
      tpu.wait_indirect_dma semaphore(%arg23 : memref<!tpu.dma_semaphore, #tpu.memory_space<semaphore_mem>>) src(%dma_wait3A_156 : memref<10000x64xf32, #tpu.memory_space<hbm>>) dst(%arg20 : memref<200x64xf32, #tpu.memory_space<vmem>>)
      %dma_wait3A_157 = arith.constant 0 : i32
      %dma_wait3A_158 = arith.constant 0 : i32
      %dma_wait3A_159 = tpu.memref_slice %arg2[%dma_wait3A_157, %dma_wait3A_158] : memref<10000x64xf32, #tpu.memory_space<hbm>> -> memref<10000x64xf32, #tpu.memory_space<hbm>>
      tpu.wait_indirect_dma semaphore(%arg23 : memref<!tpu.dma_semaphore, #tpu.memory_space<semaphore_mem>>) src(%dma_wait3A_159 : memref<10000x64xf32, #tpu.memory_space<hbm>>) dst(%arg21 : memref<200x64xf32, #tpu.memory_space<vmem>>)
      %dma_start3A_160 = arith.constant 0 : i32
      %dma_start3A_161 = arith.constant 0 : i32
      %dma_start3A_162 = tpu.memref_slice %arg3[%dma_start3A_160, %dma_start3A_161] : memref<10000x64xf32, #tpu.memory_space<hbm>> -> memref<10000x64xf32, #tpu.memory_space<hbm>>
      tpu.enqueue_indirect_dma source(%dma_start3A_162 : memref<10000x64xf32, #tpu.memory_space<hbm>>) target(%arg17 : memref<200x64xf32, #tpu.memory_space<vmem>>) offsets(%arg12 : memref<200xi32, #tpu.memory_space<vmem>>) semaphore(%arg23 : memref<!tpu.dma_semaphore, #tpu.memory_space<semaphore_mem>>) {add = true}
      %dma_start3A_163 = arith.constant 0 : i32
      %dma_start3A_164 = arith.constant 0 : i32
      %dma_start3A_165 = tpu.memref_slice %arg3[%dma_start3A_163, %dma_start3A_164] : memref<10000x64xf32, #tpu.memory_space<hbm>> -> memref<10000x64xf32, #tpu.memory_space<hbm>>
      tpu.enqueue_indirect_dma source(%dma_start3A_165 : memref<10000x64xf32, #tpu.memory_space<hbm>>) target(%arg18 : memref<200x64xf32, #tpu.memory_space<vmem>>) offsets(%arg13 : memref<200xi32, #tpu.memory_space<vmem>>) semaphore(%arg23 : memref<!tpu.dma_semaphore, #tpu.memory_space<semaphore_mem>>) {add = true}
      %dma_start3A_166 = arith.constant 0 : i32
      %dma_start3A_167 = arith.constant 0 : i32
      %dma_start3A_168 = tpu.memref_slice %arg3[%dma_start3A_166, %dma_start3A_167] : memref<10000x64xf32, #tpu.memory_space<hbm>> -> memref<10000x64xf32, #tpu.memory_space<hbm>>
      tpu.enqueue_indirect_dma source(%dma_start3A_168 : memref<10000x64xf32, #tpu.memory_space<hbm>>) target(%arg19 : memref<200x64xf32, #tpu.memory_space<vmem>>) offsets(%arg14 : memref<200xi32, #tpu.memory_space<vmem>>) semaphore(%arg23 : memref<!tpu.dma_semaphore, #tpu.memory_space<semaphore_mem>>) {add = true}
      %dma_start3A_169 = arith.constant 0 : i32
      %dma_start3A_170 = arith.constant 0 : i32
      %dma_start3A_171 = tpu.memref_slice %arg3[%dma_start3A_169, %dma_start3A_170] : memref<10000x64xf32, #tpu.memory_space<hbm>> -> memref<10000x64xf32, #tpu.memory_space<hbm>>
      tpu.enqueue_indirect_dma source(%dma_start3A_171 : memref<10000x64xf32, #tpu.memory_space<hbm>>) target(%arg20 : memref<200x64xf32, #tpu.memory_space<vmem>>) offsets(%arg15 : memref<200xi32, #tpu.memory_space<vmem>>) semaphore(%arg23 : memref<!tpu.dma_semaphore, #tpu.memory_space<semaphore_mem>>) {add = true}
      %dma_start3A_172 = arith.constant 0 : i32
      %dma_start3A_173 = arith.constant 0 : i32
      %dma_start3A_174 = tpu.memref_slice %arg3[%dma_start3A_172, %dma_start3A_173] : memref<10000x64xf32, #tpu.memory_space<hbm>> -> memref<10000x64xf32, #tpu.memory_space<hbm>>
      tpu.enqueue_indirect_dma source(%dma_start3A_174 : memref<10000x64xf32, #tpu.memory_space<hbm>>) target(%arg21 : memref<200x64xf32, #tpu.memory_space<vmem>>) offsets(%arg16 : memref<200xi32, #tpu.memory_space<vmem>>) semaphore(%arg23 : memref<!tpu.dma_semaphore, #tpu.memory_space<semaphore_mem>>) {add = true}
      %dma_wait3A_175 = arith.constant 0 : i32
      %dma_wait3A_176 = arith.constant 0 : i32
      %dma_wait3A_177 = tpu.memref_slice %arg3[%dma_wait3A_175, %dma_wait3A_176] : memref<10000x64xf32, #tpu.memory_space<hbm>> -> memref<10000x64xf32, #tpu.memory_space<hbm>>
      tpu.wait_indirect_dma semaphore(%arg23 : memref<!tpu.dma_semaphore, #tpu.memory_space<semaphore_mem>>) src(%dma_wait3A_177 : memref<10000x64xf32, #tpu.memory_space<hbm>>) dst(%arg17 : memref<200x64xf32, #tpu.memory_space<vmem>>)
      %dma_wait3A_178 = arith.constant 0 : i32
      %dma_wait3A_179 = arith.constant 0 : i32
      %dma_wait3A_180 = tpu.memref_slice %arg3[%dma_wait3A_178, %dma_wait3A_179] : memref<10000x64xf32, #tpu.memory_space<hbm>> -> memref<10000x64xf32, #tpu.memory_space<hbm>>
      tpu.wait_indirect_dma semaphore(%arg23 : memref<!tpu.dma_semaphore, #tpu.memory_space<semaphore_mem>>) src(%dma_wait3A_180 : memref<10000x64xf32, #tpu.memory_space<hbm>>) dst(%arg18 : memref<200x64xf32, #tpu.memory_space<vmem>>)
      %dma_wait3A_181 = arith.constant 0 : i32
      %dma_wait3A_182 = arith.constant 0 : i32
      %dma_wait3A_183 = tpu.memref_slice %arg3[%dma_wait3A_181, %dma_wait3A_182] : memref<10000x64xf32, #tpu.memory_space<hbm>> -> memref<10000x64xf32, #tpu.memory_space<hbm>>
      tpu.wait_indirect_dma semaphore(%arg23 : memref<!tpu.dma_semaphore, #tpu.memory_space<semaphore_mem>>) src(%dma_wait3A_183 : memref<10000x64xf32, #tpu.memory_space<hbm>>) dst(%arg19 : memref<200x64xf32, #tpu.memory_space<vmem>>)
      %dma_wait3A_184 = arith.constant 0 : i32
      %dma_wait3A_185 = arith.constant 0 : i32
      %dma_wait3A_186 = tpu.memref_slice %arg3[%dma_wait3A_184, %dma_wait3A_185] : memref<10000x64xf32, #tpu.memory_space<hbm>> -> memref<10000x64xf32, #tpu.memory_space<hbm>>
      tpu.wait_indirect_dma semaphore(%arg23 : memref<!tpu.dma_semaphore, #tpu.memory_space<semaphore_mem>>) src(%dma_wait3A_186 : memref<10000x64xf32, #tpu.memory_space<hbm>>) dst(%arg20 : memref<200x64xf32, #tpu.memory_space<vmem>>)
      %dma_wait3A_187 = arith.constant 0 : i32
      %dma_wait3A_188 = arith.constant 0 : i32
      %dma_wait3A_189 = tpu.memref_slice %arg3[%dma_wait3A_187, %dma_wait3A_188] : memref<10000x64xf32, #tpu.memory_space<hbm>> -> memref<10000x64xf32, #tpu.memory_space<hbm>>
      tpu.wait_indirect_dma semaphore(%arg23 : memref<!tpu.dma_semaphore, #tpu.memory_space<semaphore_mem>>) src(%dma_wait3A_189 : memref<10000x64xf32, #tpu.memory_space<hbm>>) dst(%arg21 : memref<200x64xf32, #tpu.memory_space<vmem>>)
      %dma_start3A_190 = arith.constant 0 : i32
      %dma_start3A_191 = tpu.memref_slice %arg6[%add3A_54, %dma_start3A_190] : memref<320000x128xf32, #tpu.memory_space<hbm>> -> memref<200x64xf32, #tpu.memory_space<hbm>>
      %dma_start3A_192 = arith.constant 0 : i32
      %dma_start3A_193 = tpu.memref_slice %arg6[%add3A_54, %dma_start3A_192] : memref<320000x128xf32, #tpu.memory_space<hbm>> -> memref<200x64xf32, #tpu.memory_space<hbm>>
      tpu.enqueue_dma source(%arg17 : memref<200x64xf32, #tpu.memory_space<vmem>>) target(%dma_start3A_193 : memref<200x64xf32, #tpu.memory_space<hbm>>) target_semaphore(%arg24 : memref<!tpu.dma_semaphore, #tpu.memory_space<semaphore_mem>>)
      %dma_start3A_194 = arith.constant 0 : i32
      %dma_start3A_195 = tpu.memref_slice %arg6[%add3A_63, %dma_start3A_194] : memref<320000x128xf32, #tpu.memory_space<hbm>> -> memref<200x64xf32, #tpu.memory_space<hbm>>
      %dma_start3A_196 = arith.constant 0 : i32
      %dma_start3A_197 = tpu.memref_slice %arg6[%add3A_63, %dma_start3A_196] : memref<320000x128xf32, #tpu.memory_space<hbm>> -> memref<200x64xf32, #tpu.memory_space<hbm>>
      tpu.enqueue_dma source(%arg18 : memref<200x64xf32, #tpu.memory_space<vmem>>) target(%dma_start3A_197 : memref<200x64xf32, #tpu.memory_space<hbm>>) target_semaphore(%arg24 : memref<!tpu.dma_semaphore, #tpu.memory_space<semaphore_mem>>)
      %dma_start3A_198 = arith.constant 0 : i32
      %dma_start3A_199 = tpu.memref_slice %arg6[%add3A_72, %dma_start3A_198] : memref<320000x128xf32, #tpu.memory_space<hbm>> -> memref<200x64xf32, #tpu.memory_space<hbm>>
      %dma_start3A_200 = arith.constant 0 : i32
      %dma_start3A_201 = tpu.memref_slice %arg6[%add3A_72, %dma_start3A_200] : memref<320000x128xf32, #tpu.memory_space<hbm>> -> memref<200x64xf32, #tpu.memory_space<hbm>>
      tpu.enqueue_dma source(%arg19 : memref<200x64xf32, #tpu.memory_space<vmem>>) target(%dma_start3A_201 : memref<200x64xf32, #tpu.memory_space<hbm>>) target_semaphore(%arg24 : memref<!tpu.dma_semaphore, #tpu.memory_space<semaphore_mem>>)
      %dma_start3A_202 = arith.constant 0 : i32
      %dma_start3A_203 = tpu.memref_slice %arg6[%add3A_81, %dma_start3A_202] : memref<320000x128xf32, #tpu.memory_space<hbm>> -> memref<200x64xf32, #tpu.memory_space<hbm>>
      %dma_start3A_204 = arith.constant 0 : i32
      %dma_start3A_205 = tpu.memref_slice %arg6[%add3A_81, %dma_start3A_204] : memref<320000x128xf32, #tpu.memory_space<hbm>> -> memref<200x64xf32, #tpu.memory_space<hbm>>
      tpu.enqueue_dma source(%arg20 : memref<200x64xf32, #tpu.memory_space<vmem>>) target(%dma_start3A_205 : memref<200x64xf32, #tpu.memory_space<hbm>>) target_semaphore(%arg24 : memref<!tpu.dma_semaphore, #tpu.memory_space<semaphore_mem>>)
      %dma_start3A_206 = arith.constant 0 : i32
      %dma_start3A_207 = tpu.memref_slice %arg6[%add3A_90, %dma_start3A_206] : memref<320000x128xf32, #tpu.memory_space<hbm>> -> memref<200x64xf32, #tpu.memory_space<hbm>>
      %dma_start3A_208 = arith.constant 0 : i32
      %dma_start3A_209 = tpu.memref_slice %arg6[%add3A_90, %dma_start3A_208] : memref<320000x128xf32, #tpu.memory_space<hbm>> -> memref<200x64xf32, #tpu.memory_space<hbm>>
      tpu.enqueue_dma source(%arg21 : memref<200x64xf32, #tpu.memory_space<vmem>>) target(%dma_start3A_209 : memref<200x64xf32, #tpu.memory_space<hbm>>) target_semaphore(%arg24 : memref<!tpu.dma_semaphore, #tpu.memory_space<semaphore_mem>>)
      %add3A_210 = arith.constant 1 : i32
      %add3A_211 = arith.addi %scan3A_45, %add3A_210 : i32
      %lt3A = arith.constant 10 : i32
      %lt3A_212 = arith.cmpi slt, %add3A_211, %lt3A : i32
      %convert_element_type3A = arith.extui %lt3A_212 : i1 to i32
      %cond3A = arith.constant 0 : i32
      %cond3A_213 = arith.cmpi ne, %convert_element_type3A, %cond3A : i32
      scf.if %cond3A_213 {
        %add3A_234 = arith.constant 1 : i32
        %add3A_235 = arith.addi %scan3A_45, %add3A_234 : i32
        %mul3A_236 = arith.constant 10000 : i32
        %mul3A_237 = arith.muli %add3A, %mul3A_236 : i32
        %mul3A_238 = arith.constant 5 : i32
        %mul3A_239 = arith.muli %add3A_235, %mul3A_238 : i32
        %add3A_240 = arith.constant 0 : i32
        %add3A_241 = arith.addi %mul3A_239, %add3A_240 : i32
        %mul3A_242 = arith.constant 200 : i32
        %mul3A_243 = arith.muli %add3A_241, %mul3A_242 : i32
        %add3A_244 = arith.addi %mul3A_237, %mul3A_243 : i32
        %dma_start3A_245 = tpu.memref_slice %arg4[%add3A_244] : memref<320000xi32, #tpu.memory_space<hbm>> -> memref<200xi32, #tpu.memory_space<hbm>>
        %dma_start3A_246 = tpu.memref_slice %arg4[%add3A_244] : memref<320000xi32, #tpu.memory_space<hbm>> -> memref<200xi32, #tpu.memory_space<hbm>>
        tpu.enqueue_dma source(%dma_start3A_246 : memref<200xi32, #tpu.memory_space<hbm>>) target(%arg7 : memref<200xi32, #tpu.memory_space<vmem>>) target_semaphore(%arg22 : memref<!tpu.dma_semaphore, #tpu.memory_space<semaphore_mem>>)
        %dma_start3A_247 = tpu.memref_slice %arg5[%add3A_244] : memref<320000xi32, #tpu.memory_space<hbm>> -> memref<200xi32, #tpu.memory_space<hbm>>
        %dma_start3A_248 = tpu.memref_slice %arg5[%add3A_244] : memref<320000xi32, #tpu.memory_space<hbm>> -> memref<200xi32, #tpu.memory_space<hbm>>
        tpu.enqueue_dma source(%dma_start3A_248 : memref<200xi32, #tpu.memory_space<hbm>>) target(%arg12 : memref<200xi32, #tpu.memory_space<vmem>>) target_semaphore(%arg22 : memref<!tpu.dma_semaphore, #tpu.memory_space<semaphore_mem>>)
        %mul3A_249 = arith.constant 10000 : i32
        %mul3A_250 = arith.muli %add3A, %mul3A_249 : i32
        %mul3A_251 = arith.constant 5 : i32
        %mul3A_252 = arith.muli %add3A_235, %mul3A_251 : i32
        %add3A_253 = arith.constant 1 : i32
        %add3A_254 = arith.addi %mul3A_252, %add3A_253 : i32
        %mul3A_255 = arith.constant 200 : i32
        %mul3A_256 = arith.muli %add3A_254, %mul3A_255 : i32
        %add3A_257 = arith.addi %mul3A_250, %mul3A_256 : i32
        %dma_start3A_258 = tpu.memref_slice %arg4[%add3A_257] : memref<320000xi32, #tpu.memory_space<hbm>> -> memref<200xi32, #tpu.memory_space<hbm>>
        %dma_start3A_259 = tpu.memref_slice %arg4[%add3A_257] : memref<320000xi32, #tpu.memory_space<hbm>> -> memref<200xi32, #tpu.memory_space<hbm>>
        tpu.enqueue_dma source(%dma_start3A_259 : memref<200xi32, #tpu.memory_space<hbm>>) target(%arg8 : memref<200xi32, #tpu.memory_space<vmem>>) target_semaphore(%arg22 : memref<!tpu.dma_semaphore, #tpu.memory_space<semaphore_mem>>)
        %dma_start3A_260 = tpu.memref_slice %arg5[%add3A_257] : memref<320000xi32, #tpu.memory_space<hbm>> -> memref<200xi32, #tpu.memory_space<hbm>>
        %dma_start3A_261 = tpu.memref_slice %arg5[%add3A_257] : memref<320000xi32, #tpu.memory_space<hbm>> -> memref<200xi32, #tpu.memory_space<hbm>>
        tpu.enqueue_dma source(%dma_start3A_261 : memref<200xi32, #tpu.memory_space<hbm>>) target(%arg13 : memref<200xi32, #tpu.memory_space<vmem>>) target_semaphore(%arg22 : memref<!tpu.dma_semaphore, #tpu.memory_space<semaphore_mem>>)
        %mul3A_262 = arith.constant 10000 : i32
        %mul3A_263 = arith.muli %add3A, %mul3A_262 : i32
        %mul3A_264 = arith.constant 5 : i32
        %mul3A_265 = arith.muli %add3A_235, %mul3A_264 : i32
        %add3A_266 = arith.constant 2 : i32
        %add3A_267 = arith.addi %mul3A_265, %add3A_266 : i32
        %mul3A_268 = arith.constant 200 : i32
        %mul3A_269 = arith.muli %add3A_267, %mul3A_268 : i32
        %add3A_270 = arith.addi %mul3A_263, %mul3A_269 : i32
        %dma_start3A_271 = tpu.memref_slice %arg4[%add3A_270] : memref<320000xi32, #tpu.memory_space<hbm>> -> memref<200xi32, #tpu.memory_space<hbm>>
        %dma_start3A_272 = tpu.memref_slice %arg4[%add3A_270] : memref<320000xi32, #tpu.memory_space<hbm>> -> memref<200xi32, #tpu.memory_space<hbm>>
        tpu.enqueue_dma source(%dma_start3A_272 : memref<200xi32, #tpu.memory_space<hbm>>) target(%arg9 : memref<200xi32, #tpu.memory_space<vmem>>) target_semaphore(%arg22 : memref<!tpu.dma_semaphore, #tpu.memory_space<semaphore_mem>>)
        %dma_start3A_273 = tpu.memref_slice %arg5[%add3A_270] : memref<320000xi32, #tpu.memory_space<hbm>> -> memref<200xi32, #tpu.memory_space<hbm>>
        %dma_start3A_274 = tpu.memref_slice %arg5[%add3A_270] : memref<320000xi32, #tpu.memory_space<hbm>> -> memref<200xi32, #tpu.memory_space<hbm>>
        tpu.enqueue_dma source(%dma_start3A_274 : memref<200xi32, #tpu.memory_space<hbm>>) target(%arg14 : memref<200xi32, #tpu.memory_space<vmem>>) target_semaphore(%arg22 : memref<!tpu.dma_semaphore, #tpu.memory_space<semaphore_mem>>)
        %mul3A_275 = arith.constant 10000 : i32
        %mul3A_276 = arith.muli %add3A, %mul3A_275 : i32
        %mul3A_277 = arith.constant 5 : i32
        %mul3A_278 = arith.muli %add3A_235, %mul3A_277 : i32
        %add3A_279 = arith.constant 3 : i32
        %add3A_280 = arith.addi %mul3A_278, %add3A_279 : i32
        %mul3A_281 = arith.constant 200 : i32
        %mul3A_282 = arith.muli %add3A_280, %mul3A_281 : i32
        %add3A_283 = arith.addi %mul3A_276, %mul3A_282 : i32
        %dma_start3A_284 = tpu.memref_slice %arg4[%add3A_283] : memref<320000xi32, #tpu.memory_space<hbm>> -> memref<200xi32, #tpu.memory_space<hbm>>
        %dma_start3A_285 = tpu.memref_slice %arg4[%add3A_283] : memref<320000xi32, #tpu.memory_space<hbm>> -> memref<200xi32, #tpu.memory_space<hbm>>
        tpu.enqueue_dma source(%dma_start3A_285 : memref<200xi32, #tpu.memory_space<hbm>>) target(%arg10 : memref<200xi32, #tpu.memory_space<vmem>>) target_semaphore(%arg22 : memref<!tpu.dma_semaphore, #tpu.memory_space<semaphore_mem>>)
        %dma_start3A_286 = tpu.memref_slice %arg5[%add3A_283] : memref<320000xi32, #tpu.memory_space<hbm>> -> memref<200xi32, #tpu.memory_space<hbm>>
        %dma_start3A_287 = tpu.memref_slice %arg5[%add3A_283] : memref<320000xi32, #tpu.memory_space<hbm>> -> memref<200xi32, #tpu.memory_space<hbm>>
        tpu.enqueue_dma source(%dma_start3A_287 : memref<200xi32, #tpu.memory_space<hbm>>) target(%arg15 : memref<200xi32, #tpu.memory_space<vmem>>) target_semaphore(%arg22 : memref<!tpu.dma_semaphore, #tpu.memory_space<semaphore_mem>>)
        %mul3A_288 = arith.constant 10000 : i32
        %mul3A_289 = arith.muli %add3A, %mul3A_288 : i32
        %mul3A_290 = arith.constant 5 : i32
        %mul3A_291 = arith.muli %add3A_235, %mul3A_290 : i32
        %add3A_292 = arith.constant 4 : i32
        %add3A_293 = arith.addi %mul3A_291, %add3A_292 : i32
        %mul3A_294 = arith.constant 200 : i32
        %mul3A_295 = arith.muli %add3A_293, %mul3A_294 : i32
        %add3A_296 = arith.addi %mul3A_289, %mul3A_295 : i32
        %dma_start3A_297 = tpu.memref_slice %arg4[%add3A_296] : memref<320000xi32, #tpu.memory_space<hbm>> -> memref<200xi32, #tpu.memory_space<hbm>>
        %dma_start3A_298 = tpu.memref_slice %arg4[%add3A_296] : memref<320000xi32, #tpu.memory_space<hbm>> -> memref<200xi32, #tpu.memory_space<hbm>>
        tpu.enqueue_dma source(%dma_start3A_298 : memref<200xi32, #tpu.memory_space<hbm>>) target(%arg11 : memref<200xi32, #tpu.memory_space<vmem>>) target_semaphore(%arg22 : memref<!tpu.dma_semaphore, #tpu.memory_space<semaphore_mem>>)
        %dma_start3A_299 = tpu.memref_slice %arg5[%add3A_296] : memref<320000xi32, #tpu.memory_space<hbm>> -> memref<200xi32, #tpu.memory_space<hbm>>
        %dma_start3A_300 = tpu.memref_slice %arg5[%add3A_296] : memref<320000xi32, #tpu.memory_space<hbm>> -> memref<200xi32, #tpu.memory_space<hbm>>
        tpu.enqueue_dma source(%dma_start3A_300 : memref<200xi32, #tpu.memory_space<hbm>>) target(%arg16 : memref<200xi32, #tpu.memory_space<vmem>>) target_semaphore(%arg22 : memref<!tpu.dma_semaphore, #tpu.memory_space<semaphore_mem>>)
      } else {
      }
      %dma_wait3A_214 = arith.constant 0 : i32
      %dma_wait3A_215 = tpu.memref_slice %arg6[%add3A_54, %dma_wait3A_214] : memref<320000x128xf32, #tpu.memory_space<hbm>> -> memref<200x64xf32, #tpu.memory_space<hbm>>
      %dma_wait3A_216 = arith.constant 0 : i32
      %dma_wait3A_217 = tpu.memref_slice %arg6[%add3A_54, %dma_wait3A_216] : memref<320000x128xf32, #tpu.memory_space<hbm>> -> memref<200x64xf32, #tpu.memory_space<hbm>>
      tpu.wait_dma2 semaphore(%arg24 : memref<!tpu.dma_semaphore, #tpu.memory_space<semaphore_mem>>) src(%arg17 : memref<200x64xf32, #tpu.memory_space<vmem>>) dst(%dma_wait3A_217 : memref<200x64xf32, #tpu.memory_space<hbm>>)
      %dma_wait3A_218 = arith.constant 0 : i32
      %dma_wait3A_219 = tpu.memref_slice %arg6[%add3A_63, %dma_wait3A_218] : memref<320000x128xf32, #tpu.memory_space<hbm>> -> memref<200x64xf32, #tpu.memory_space<hbm>>
      %dma_wait3A_220 = arith.constant 0 : i32
      %dma_wait3A_221 = tpu.memref_slice %arg6[%add3A_63, %dma_wait3A_220] : memref<320000x128xf32, #tpu.memory_space<hbm>> -> memref<200x64xf32, #tpu.memory_space<hbm>>
      tpu.wait_dma2 semaphore(%arg24 : memref<!tpu.dma_semaphore, #tpu.memory_space<semaphore_mem>>) src(%arg18 : memref<200x64xf32, #tpu.memory_space<vmem>>) dst(%dma_wait3A_221 : memref<200x64xf32, #tpu.memory_space<hbm>>)
      %dma_wait3A_222 = arith.constant 0 : i32
      %dma_wait3A_223 = tpu.memref_slice %arg6[%add3A_72, %dma_wait3A_222] : memref<320000x128xf32, #tpu.memory_space<hbm>> -> memref<200x64xf32, #tpu.memory_space<hbm>>
      %dma_wait3A_224 = arith.constant 0 : i32
      %dma_wait3A_225 = tpu.memref_slice %arg6[%add3A_72, %dma_wait3A_224] : memref<320000x128xf32, #tpu.memory_space<hbm>> -> memref<200x64xf32, #tpu.memory_space<hbm>>
      tpu.wait_dma2 semaphore(%arg24 : memref<!tpu.dma_semaphore, #tpu.memory_space<semaphore_mem>>) src(%arg19 : memref<200x64xf32, #tpu.memory_space<vmem>>) dst(%dma_wait3A_225 : memref<200x64xf32, #tpu.memory_space<hbm>>)
      %dma_wait3A_226 = arith.constant 0 : i32
      %dma_wait3A_227 = tpu.memref_slice %arg6[%add3A_81, %dma_wait3A_226] : memref<320000x128xf32, #tpu.memory_space<hbm>> -> memref<200x64xf32, #tpu.memory_space<hbm>>
      %dma_wait3A_228 = arith.constant 0 : i32
      %dma_wait3A_229 = tpu.memref_slice %arg6[%add3A_81, %dma_wait3A_228] : memref<320000x128xf32, #tpu.memory_space<hbm>> -> memref<200x64xf32, #tpu.memory_space<hbm>>
      tpu.wait_dma2 semaphore(%arg24 : memref<!tpu.dma_semaphore, #tpu.memory_space<semaphore_mem>>) src(%arg20 : memref<200x64xf32, #tpu.memory_space<vmem>>) dst(%dma_wait3A_229 : memref<200x64xf32, #tpu.memory_space<hbm>>)
      %dma_wait3A_230 = arith.constant 0 : i32
      %dma_wait3A_231 = tpu.memref_slice %arg6[%add3A_90, %dma_wait3A_230] : memref<320000x128xf32, #tpu.memory_space<hbm>> -> memref<200x64xf32, #tpu.memory_space<hbm>>
      %dma_wait3A_232 = arith.constant 0 : i32
      %dma_wait3A_233 = tpu.memref_slice %arg6[%add3A_90, %dma_wait3A_232] : memref<320000x128xf32, #tpu.memory_space<hbm>> -> memref<200x64xf32, #tpu.memory_space<hbm>>
      tpu.wait_dma2 semaphore(%arg24 : memref<!tpu.dma_semaphore, #tpu.memory_space<semaphore_mem>>) src(%arg21 : memref<200x64xf32, #tpu.memory_space<vmem>>) dst(%dma_wait3A_233 : memref<200x64xf32, #tpu.memory_space<hbm>>)
    }
    %scan3A_44 = arith.constant 10 : i32
    return
  }
}

#map = affine_map<(d0, d1) -> (0, 0)>
#map1 = affine_map<(d0, d1) -> (0)>
module attributes {stable_mosaic.version = 14 : i64} {
  func.func @gather_add(%arg0: i32, %arg1: i32, %arg2: memref<10000x32xf32, #tpu.memory_space<hbm>>, %arg3: memref<10000x32xf32, #tpu.memory_space<hbm>>, %arg4: memref<320000xi32, #tpu.memory_space<hbm>>, %arg5: memref<320000xi32, #tpu.memory_space<hbm>>, %arg6: memref<320000x128xf32, #tpu.memory_space<hbm>>, %arg7: memref<200xi32, #tpu.memory_space<vmem>>, %arg8: memref<200xi32, #tpu.memory_space<vmem>>, %arg9: memref<200xi32, #tpu.memory_space<vmem>>, %arg10: memref<200xi32, #tpu.memory_space<vmem>>, %arg11: memref<200xi32, #tpu.memory_space<vmem>>, %arg12: memref<200xi32, #tpu.memory_space<vmem>>, %arg13: memref<200xi32, #tpu.memory_space<vmem>>, %arg14: memref<200xi32, #tpu.memory_space<vmem>>, %arg15: memref<200xi32, #tpu.memory_space<vmem>>, %arg16: memref<200xi32, #tpu.memory_space<vmem>>, %arg17: memref<200x32xf32, #tpu.memory_space<vmem>>, %arg18: memref<200x32xf32, #tpu.memory_space<vmem>>, %arg19: memref<200x32xf32, #tpu.memory_space<vmem>>, %arg20: memref<200x32xf32, #tpu.memory_space<vmem>>, %arg21: memref<200x32xf32, #tpu.memory_space<vmem>>, %arg22: memref<!tpu.dma_semaphore, #tpu.memory_space<semaphore_mem>>, %arg23: memref<!tpu.dma_semaphore, #tpu.memory_space<semaphore_mem>>, %arg24: memref<!tpu.dma_semaphore, #tpu.memory_space<semaphore_mem>>) attributes {dimension_semantics = [#tpu.dimension_semantics<core_parallel>, #tpu.dimension_semantics<subcore_parallel>], iteration_bounds = array<i64: 2, 16>, scalar_prefetch = 0 : i64, scratch_operands = 18 : i64, tpu.core_type = #tpu.core_type<sc_vector_subcore>, window_params = [{transform_indices = #map}, {transform_indices = #map}, {transform_indices = #map1}, {transform_indices = #map1}, {transform_indices = #map}]} {
    %mul3A = arith.constant 16 : i32
    %mul3A_0 = arith.muli %arg0, %mul3A : i32
    %add3A = arith.addi %mul3A_0, %arg1 : i32
    %mul3A_1 = arith.constant 10000 : i32
    %mul3A_2 = arith.muli %add3A, %mul3A_1 : i32
    %add3A_3 = arith.constant 0 : i32
    %add3A_4 = arith.addi %mul3A_2, %add3A_3 : i32
    %dma_start3A = tpu.memref_slice %arg4[%add3A_4] : memref<320000xi32, #tpu.memory_space<hbm>> -> memref<200xi32, #tpu.memory_space<hbm>>
    %dma_start3A_5 = tpu.memref_slice %arg4[%add3A_4] : memref<320000xi32, #tpu.memory_space<hbm>> -> memref<200xi32, #tpu.memory_space<hbm>>
    tpu.enqueue_dma source(%dma_start3A_5 : memref<200xi32, #tpu.memory_space<hbm>>) target(%arg7 : memref<200xi32, #tpu.memory_space<vmem>>) target_semaphore(%arg22 : memref<!tpu.dma_semaphore, #tpu.memory_space<semaphore_mem>>)
    %dma_start3A_6 = tpu.memref_slice %arg5[%add3A_4] : memref<320000xi32, #tpu.memory_space<hbm>> -> memref<200xi32, #tpu.memory_space<hbm>>
    %dma_start3A_7 = tpu.memref_slice %arg5[%add3A_4] : memref<320000xi32, #tpu.memory_space<hbm>> -> memref<200xi32, #tpu.memory_space<hbm>>
    tpu.enqueue_dma source(%dma_start3A_7 : memref<200xi32, #tpu.memory_space<hbm>>) target(%arg12 : memref<200xi32, #tpu.memory_space<vmem>>) target_semaphore(%arg22 : memref<!tpu.dma_semaphore, #tpu.memory_space<semaphore_mem>>)
    %mul3A_8 = arith.constant 10000 : i32
    %mul3A_9 = arith.muli %add3A, %mul3A_8 : i32
    %add3A_10 = arith.constant 200 : i32
    %add3A_11 = arith.addi %mul3A_9, %add3A_10 : i32
    %dma_start3A_12 = tpu.memref_slice %arg4[%add3A_11] : memref<320000xi32, #tpu.memory_space<hbm>> -> memref<200xi32, #tpu.memory_space<hbm>>
    %dma_start3A_13 = tpu.memref_slice %arg4[%add3A_11] : memref<320000xi32, #tpu.memory_space<hbm>> -> memref<200xi32, #tpu.memory_space<hbm>>
    tpu.enqueue_dma source(%dma_start3A_13 : memref<200xi32, #tpu.memory_space<hbm>>) target(%arg8 : memref<200xi32, #tpu.memory_space<vmem>>) target_semaphore(%arg22 : memref<!tpu.dma_semaphore, #tpu.memory_space<semaphore_mem>>)
    %dma_start3A_14 = tpu.memref_slice %arg5[%add3A_11] : memref<320000xi32, #tpu.memory_space<hbm>> -> memref<200xi32, #tpu.memory_space<hbm>>
    %dma_start3A_15 = tpu.memref_slice %arg5[%add3A_11] : memref<320000xi32, #tpu.memory_space<hbm>> -> memref<200xi32, #tpu.memory_space<hbm>>
    tpu.enqueue_dma source(%dma_start3A_15 : memref<200xi32, #tpu.memory_space<hbm>>) target(%arg13 : memref<200xi32, #tpu.memory_space<vmem>>) target_semaphore(%arg22 : memref<!tpu.dma_semaphore, #tpu.memory_space<semaphore_mem>>)
    %mul3A_16 = arith.constant 10000 : i32
    %mul3A_17 = arith.muli %add3A, %mul3A_16 : i32
    %add3A_18 = arith.constant 400 : i32
    %add3A_19 = arith.addi %mul3A_17, %add3A_18 : i32
    %dma_start3A_20 = tpu.memref_slice %arg4[%add3A_19] : memref<320000xi32, #tpu.memory_space<hbm>> -> memref<200xi32, #tpu.memory_space<hbm>>
    %dma_start3A_21 = tpu.memref_slice %arg4[%add3A_19] : memref<320000xi32, #tpu.memory_space<hbm>> -> memref<200xi32, #tpu.memory_space<hbm>>
    tpu.enqueue_dma source(%dma_start3A_21 : memref<200xi32, #tpu.memory_space<hbm>>) target(%arg9 : memref<200xi32, #tpu.memory_space<vmem>>) target_semaphore(%arg22 : memref<!tpu.dma_semaphore, #tpu.memory_space<semaphore_mem>>)
    %dma_start3A_22 = tpu.memref_slice %arg5[%add3A_19] : memref<320000xi32, #tpu.memory_space<hbm>> -> memref<200xi32, #tpu.memory_space<hbm>>
    %dma_start3A_23 = tpu.memref_slice %arg5[%add3A_19] : memref<320000xi32, #tpu.memory_space<hbm>> -> memref<200xi32, #tpu.memory_space<hbm>>
    tpu.enqueue_dma source(%dma_start3A_23 : memref<200xi32, #tpu.memory_space<hbm>>) target(%arg14 : memref<200xi32, #tpu.memory_space<vmem>>) target_semaphore(%arg22 : memref<!tpu.dma_semaphore, #tpu.memory_space<semaphore_mem>>)
    %mul3A_24 = arith.constant 10000 : i32
    %mul3A_25 = arith.muli %add3A, %mul3A_24 : i32
    %add3A_26 = arith.constant 600 : i32
    %add3A_27 = arith.addi %mul3A_25, %add3A_26 : i32
    %dma_start3A_28 = tpu.memref_slice %arg4[%add3A_27] : memref<320000xi32, #tpu.memory_space<hbm>> -> memref<200xi32, #tpu.memory_space<hbm>>
    %dma_start3A_29 = tpu.memref_slice %arg4[%add3A_27] : memref<320000xi32, #tpu.memory_space<hbm>> -> memref<200xi32, #tpu.memory_space<hbm>>
    tpu.enqueue_dma source(%dma_start3A_29 : memref<200xi32, #tpu.memory_space<hbm>>) target(%arg10 : memref<200xi32, #tpu.memory_space<vmem>>) target_semaphore(%arg22 : memref<!tpu.dma_semaphore, #tpu.memory_space<semaphore_mem>>)
    %dma_start3A_30 = tpu.memref_slice %arg5[%add3A_27] : memref<320000xi32, #tpu.memory_space<hbm>> -> memref<200xi32, #tpu.memory_space<hbm>>
    %dma_start3A_31 = tpu.memref_slice %arg5[%add3A_27] : memref<320000xi32, #tpu.memory_space<hbm>> -> memref<200xi32, #tpu.memory_space<hbm>>
    tpu.enqueue_dma source(%dma_start3A_31 : memref<200xi32, #tpu.memory_space<hbm>>) target(%arg15 : memref<200xi32, #tpu.memory_space<vmem>>) target_semaphore(%arg22 : memref<!tpu.dma_semaphore, #tpu.memory_space<semaphore_mem>>)
    %mul3A_32 = arith.constant 10000 : i32
    %mul3A_33 = arith.muli %add3A, %mul3A_32 : i32
    %add3A_34 = arith.constant 800 : i32
    %add3A_35 = arith.addi %mul3A_33, %add3A_34 : i32
    %dma_start3A_36 = tpu.memref_slice %arg4[%add3A_35] : memref<320000xi32, #tpu.memory_space<hbm>> -> memref<200xi32, #tpu.memory_space<hbm>>
    %dma_start3A_37 = tpu.memref_slice %arg4[%add3A_35] : memref<320000xi32, #tpu.memory_space<hbm>> -> memref<200xi32, #tpu.memory_space<hbm>>
    tpu.enqueue_dma source(%dma_start3A_37 : memref<200xi32, #tpu.memory_space<hbm>>) target(%arg11 : memref<200xi32, #tpu.memory_space<vmem>>) target_semaphore(%arg22 : memref<!tpu.dma_semaphore, #tpu.memory_space<semaphore_mem>>)
    %dma_start3A_38 = tpu.memref_slice %arg5[%add3A_35] : memref<320000xi32, #tpu.memory_space<hbm>> -> memref<200xi32, #tpu.memory_space<hbm>>
    %dma_start3A_39 = tpu.memref_slice %arg5[%add3A_35] : memref<320000xi32, #tpu.memory_space<hbm>> -> memref<200xi32, #tpu.memory_space<hbm>>
    tpu.enqueue_dma source(%dma_start3A_39 : memref<200xi32, #tpu.memory_space<hbm>>) target(%arg16 : memref<200xi32, #tpu.memory_space<vmem>>) target_semaphore(%arg22 : memref<!tpu.dma_semaphore, #tpu.memory_space<semaphore_mem>>)
    %scan3A = arith.constant 0 : i32
    %scan3A_40 = arith.constant 0 : i32
    %scan3A_41 = arith.constant 10 : i32
    %scan3A_42 = arith.addi %scan3A_40, %scan3A_41 : i32
    %scan3A_43 = arith.constant 1 : i32
    scf.for %scan3A_45 = %scan3A_40 to %scan3A_42 step %scan3A_43  : i32 {
      %mul3A_46 = arith.constant 10000 : i32
      %mul3A_47 = arith.muli %add3A, %mul3A_46 : i32
      %mul3A_48 = arith.constant 5 : i32
      %mul3A_49 = arith.muli %scan3A_45, %mul3A_48 : i32
      %add3A_50 = arith.constant 0 : i32
      %add3A_51 = arith.addi %mul3A_49, %add3A_50 : i32
      %mul3A_52 = arith.constant 200 : i32
      %mul3A_53 = arith.muli %add3A_51, %mul3A_52 : i32
      %add3A_54 = arith.addi %mul3A_47, %mul3A_53 : i32
      %mul3A_55 = arith.constant 10000 : i32
      %mul3A_56 = arith.muli %add3A, %mul3A_55 : i32
      %mul3A_57 = arith.constant 5 : i32
      %mul3A_58 = arith.muli %scan3A_45, %mul3A_57 : i32
      %add3A_59 = arith.constant 1 : i32
      %add3A_60 = arith.addi %mul3A_58, %add3A_59 : i32
      %mul3A_61 = arith.constant 200 : i32
      %mul3A_62 = arith.muli %add3A_60, %mul3A_61 : i32
      %add3A_63 = arith.addi %mul3A_56, %mul3A_62 : i32
      %mul3A_64 = arith.constant 10000 : i32
      %mul3A_65 = arith.muli %add3A, %mul3A_64 : i32
      %mul3A_66 = arith.constant 5 : i32
      %mul3A_67 = arith.muli %scan3A_45, %mul3A_66 : i32
      %add3A_68 = arith.constant 2 : i32
      %add3A_69 = arith.addi %mul3A_67, %add3A_68 : i32
      %mul3A_70 = arith.constant 200 : i32
      %mul3A_71 = arith.muli %add3A_69, %mul3A_70 : i32
      %add3A_72 = arith.addi %mul3A_65, %mul3A_71 : i32
      %mul3A_73 = arith.constant 10000 : i32
      %mul3A_74 = arith.muli %add3A, %mul3A_73 : i32
      %mul3A_75 = arith.constant 5 : i32
      %mul3A_76 = arith.muli %scan3A_45, %mul3A_75 : i32
      %add3A_77 = arith.constant 3 : i32
      %add3A_78 = arith.addi %mul3A_76, %add3A_77 : i32
      %mul3A_79 = arith.constant 200 : i32
      %mul3A_80 = arith.muli %add3A_78, %mul3A_79 : i32
      %add3A_81 = arith.addi %mul3A_74, %mul3A_80 : i32
      %mul3A_82 = arith.constant 10000 : i32
      %mul3A_83 = arith.muli %add3A, %mul3A_82 : i32
      %mul3A_84 = arith.constant 5 : i32
      %mul3A_85 = arith.muli %scan3A_45, %mul3A_84 : i32
      %add3A_86 = arith.constant 4 : i32
      %add3A_87 = arith.addi %mul3A_85, %add3A_86 : i32
      %mul3A_88 = arith.constant 200 : i32
      %mul3A_89 = arith.muli %add3A_87, %mul3A_88 : i32
      %add3A_90 = arith.addi %mul3A_83, %mul3A_89 : i32
      %dma_wait3A = arith.constant 0 : i32
      %dma_wait3A_91 = tpu.memref_slice %arg4[%dma_wait3A] : memref<320000xi32, #tpu.memory_space<hbm>> -> memref<200xi32, #tpu.memory_space<hbm>>
      %dma_wait3A_92 = arith.constant 0 : i32
      %dma_wait3A_93 = tpu.memref_slice %arg4[%dma_wait3A_92] : memref<320000xi32, #tpu.memory_space<hbm>> -> memref<200xi32, #tpu.memory_space<hbm>>
      tpu.wait_dma2 semaphore(%arg22 : memref<!tpu.dma_semaphore, #tpu.memory_space<semaphore_mem>>) src(%dma_wait3A_93 : memref<200xi32, #tpu.memory_space<hbm>>) dst(%arg7 : memref<200xi32, #tpu.memory_space<vmem>>)
      %dma_wait3A_94 = arith.constant 0 : i32
      %dma_wait3A_95 = tpu.memref_slice %arg5[%dma_wait3A_94] : memref<320000xi32, #tpu.memory_space<hbm>> -> memref<200xi32, #tpu.memory_space<hbm>>
      %dma_wait3A_96 = arith.constant 0 : i32
      %dma_wait3A_97 = tpu.memref_slice %arg5[%dma_wait3A_96] : memref<320000xi32, #tpu.memory_space<hbm>> -> memref<200xi32, #tpu.memory_space<hbm>>
      tpu.wait_dma2 semaphore(%arg22 : memref<!tpu.dma_semaphore, #tpu.memory_space<semaphore_mem>>) src(%dma_wait3A_97 : memref<200xi32, #tpu.memory_space<hbm>>) dst(%arg12 : memref<200xi32, #tpu.memory_space<vmem>>)
      %dma_wait3A_98 = arith.constant 0 : i32
      %dma_wait3A_99 = tpu.memref_slice %arg4[%dma_wait3A_98] : memref<320000xi32, #tpu.memory_space<hbm>> -> memref<200xi32, #tpu.memory_space<hbm>>
      %dma_wait3A_100 = arith.constant 0 : i32
      %dma_wait3A_101 = tpu.memref_slice %arg4[%dma_wait3A_100] : memref<320000xi32, #tpu.memory_space<hbm>> -> memref<200xi32, #tpu.memory_space<hbm>>
      tpu.wait_dma2 semaphore(%arg22 : memref<!tpu.dma_semaphore, #tpu.memory_space<semaphore_mem>>) src(%dma_wait3A_101 : memref<200xi32, #tpu.memory_space<hbm>>) dst(%arg8 : memref<200xi32, #tpu.memory_space<vmem>>)
      %dma_wait3A_102 = arith.constant 0 : i32
      %dma_wait3A_103 = tpu.memref_slice %arg5[%dma_wait3A_102] : memref<320000xi32, #tpu.memory_space<hbm>> -> memref<200xi32, #tpu.memory_space<hbm>>
      %dma_wait3A_104 = arith.constant 0 : i32
      %dma_wait3A_105 = tpu.memref_slice %arg5[%dma_wait3A_104] : memref<320000xi32, #tpu.memory_space<hbm>> -> memref<200xi32, #tpu.memory_space<hbm>>
      tpu.wait_dma2 semaphore(%arg22 : memref<!tpu.dma_semaphore, #tpu.memory_space<semaphore_mem>>) src(%dma_wait3A_105 : memref<200xi32, #tpu.memory_space<hbm>>) dst(%arg13 : memref<200xi32, #tpu.memory_space<vmem>>)
      %dma_wait3A_106 = arith.constant 0 : i32
      %dma_wait3A_107 = tpu.memref_slice %arg4[%dma_wait3A_106] : memref<320000xi32, #tpu.memory_space<hbm>> -> memref<200xi32, #tpu.memory_space<hbm>>
      %dma_wait3A_108 = arith.constant 0 : i32
      %dma_wait3A_109 = tpu.memref_slice %arg4[%dma_wait3A_108] : memref<320000xi32, #tpu.memory_space<hbm>> -> memref<200xi32, #tpu.memory_space<hbm>>
      tpu.wait_dma2 semaphore(%arg22 : memref<!tpu.dma_semaphore, #tpu.memory_space<semaphore_mem>>) src(%dma_wait3A_109 : memref<200xi32, #tpu.memory_space<hbm>>) dst(%arg9 : memref<200xi32, #tpu.memory_space<vmem>>)
      %dma_wait3A_110 = arith.constant 0 : i32
      %dma_wait3A_111 = tpu.memref_slice %arg5[%dma_wait3A_110] : memref<320000xi32, #tpu.memory_space<hbm>> -> memref<200xi32, #tpu.memory_space<hbm>>
      %dma_wait3A_112 = arith.constant 0 : i32
      %dma_wait3A_113 = tpu.memref_slice %arg5[%dma_wait3A_112] : memref<320000xi32, #tpu.memory_space<hbm>> -> memref<200xi32, #tpu.memory_space<hbm>>
      tpu.wait_dma2 semaphore(%arg22 : memref<!tpu.dma_semaphore, #tpu.memory_space<semaphore_mem>>) src(%dma_wait3A_113 : memref<200xi32, #tpu.memory_space<hbm>>) dst(%arg14 : memref<200xi32, #tpu.memory_space<vmem>>)
      %dma_wait3A_114 = arith.constant 0 : i32
      %dma_wait3A_115 = tpu.memref_slice %arg4[%dma_wait3A_114] : memref<320000xi32, #tpu.memory_space<hbm>> -> memref<200xi32, #tpu.memory_space<hbm>>
      %dma_wait3A_116 = arith.constant 0 : i32
      %dma_wait3A_117 = tpu.memref_slice %arg4[%dma_wait3A_116] : memref<320000xi32, #tpu.memory_space<hbm>> -> memref<200xi32, #tpu.memory_space<hbm>>
      tpu.wait_dma2 semaphore(%arg22 : memref<!tpu.dma_semaphore, #tpu.memory_space<semaphore_mem>>) src(%dma_wait3A_117 : memref<200xi32, #tpu.memory_space<hbm>>) dst(%arg10 : memref<200xi32, #tpu.memory_space<vmem>>)
      %dma_wait3A_118 = arith.constant 0 : i32
      %dma_wait3A_119 = tpu.memref_slice %arg5[%dma_wait3A_118] : memref<320000xi32, #tpu.memory_space<hbm>> -> memref<200xi32, #tpu.memory_space<hbm>>
      %dma_wait3A_120 = arith.constant 0 : i32
      %dma_wait3A_121 = tpu.memref_slice %arg5[%dma_wait3A_120] : memref<320000xi32, #tpu.memory_space<hbm>> -> memref<200xi32, #tpu.memory_space<hbm>>
      tpu.wait_dma2 semaphore(%arg22 : memref<!tpu.dma_semaphore, #tpu.memory_space<semaphore_mem>>) src(%dma_wait3A_121 : memref<200xi32, #tpu.memory_space<hbm>>) dst(%arg15 : memref<200xi32, #tpu.memory_space<vmem>>)
      %dma_wait3A_122 = arith.constant 0 : i32
      %dma_wait3A_123 = tpu.memref_slice %arg4[%dma_wait3A_122] : memref<320000xi32, #tpu.memory_space<hbm>> -> memref<200xi32, #tpu.memory_space<hbm>>
      %dma_wait3A_124 = arith.constant 0 : i32
      %dma_wait3A_125 = tpu.memref_slice %arg4[%dma_wait3A_124] : memref<320000xi32, #tpu.memory_space<hbm>> -> memref<200xi32, #tpu.memory_space<hbm>>
      tpu.wait_dma2 semaphore(%arg22 : memref<!tpu.dma_semaphore, #tpu.memory_space<semaphore_mem>>) src(%dma_wait3A_125 : memref<200xi32, #tpu.memory_space<hbm>>) dst(%arg11 : memref<200xi32, #tpu.memory_space<vmem>>)
      %dma_wait3A_126 = arith.constant 0 : i32
      %dma_wait3A_127 = tpu.memref_slice %arg5[%dma_wait3A_126] : memref<320000xi32, #tpu.memory_space<hbm>> -> memref<200xi32, #tpu.memory_space<hbm>>
      %dma_wait3A_128 = arith.constant 0 : i32
      %dma_wait3A_129 = tpu.memref_slice %arg5[%dma_wait3A_128] : memref<320000xi32, #tpu.memory_space<hbm>> -> memref<200xi32, #tpu.memory_space<hbm>>
      tpu.wait_dma2 semaphore(%arg22 : memref<!tpu.dma_semaphore, #tpu.memory_space<semaphore_mem>>) src(%dma_wait3A_129 : memref<200xi32, #tpu.memory_space<hbm>>) dst(%arg16 : memref<200xi32, #tpu.memory_space<vmem>>)
      %dma_start3A_130 = arith.constant 0 : i32
      %dma_start3A_131 = arith.constant 0 : i32
      %dma_start3A_132 = tpu.memref_slice %arg2[%dma_start3A_130, %dma_start3A_131] : memref<10000x32xf32, #tpu.memory_space<hbm>> -> memref<10000x32xf32, #tpu.memory_space<hbm>>
      tpu.enqueue_indirect_dma source(%dma_start3A_132 : memref<10000x32xf32, #tpu.memory_space<hbm>>) target(%arg17 : memref<200x32xf32, #tpu.memory_space<vmem>>) offsets(%arg7 : memref<200xi32, #tpu.memory_space<vmem>>) semaphore(%arg23 : memref<!tpu.dma_semaphore, #tpu.memory_space<semaphore_mem>>)
      %dma_start3A_133 = arith.constant 0 : i32
      %dma_start3A_134 = arith.constant 0 : i32
      %dma_start3A_135 = tpu.memref_slice %arg2[%dma_start3A_133, %dma_start3A_134] : memref<10000x32xf32, #tpu.memory_space<hbm>> -> memref<10000x32xf32, #tpu.memory_space<hbm>>
      tpu.enqueue_indirect_dma source(%dma_start3A_135 : memref<10000x32xf32, #tpu.memory_space<hbm>>) target(%arg18 : memref<200x32xf32, #tpu.memory_space<vmem>>) offsets(%arg8 : memref<200xi32, #tpu.memory_space<vmem>>) semaphore(%arg23 : memref<!tpu.dma_semaphore, #tpu.memory_space<semaphore_mem>>)
      %dma_start3A_136 = arith.constant 0 : i32
      %dma_start3A_137 = arith.constant 0 : i32
      %dma_start3A_138 = tpu.memref_slice %arg2[%dma_start3A_136, %dma_start3A_137] : memref<10000x32xf32, #tpu.memory_space<hbm>> -> memref<10000x32xf32, #tpu.memory_space<hbm>>
      tpu.enqueue_indirect_dma source(%dma_start3A_138 : memref<10000x32xf32, #tpu.memory_space<hbm>>) target(%arg19 : memref<200x32xf32, #tpu.memory_space<vmem>>) offsets(%arg9 : memref<200xi32, #tpu.memory_space<vmem>>) semaphore(%arg23 : memref<!tpu.dma_semaphore, #tpu.memory_space<semaphore_mem>>)
      %dma_start3A_139 = arith.constant 0 : i32
      %dma_start3A_140 = arith.constant 0 : i32
      %dma_start3A_141 = tpu.memref_slice %arg2[%dma_start3A_139, %dma_start3A_140] : memref<10000x32xf32, #tpu.memory_space<hbm>> -> memref<10000x32xf32, #tpu.memory_space<hbm>>
      tpu.enqueue_indirect_dma source(%dma_start3A_141 : memref<10000x32xf32, #tpu.memory_space<hbm>>) target(%arg20 : memref<200x32xf32, #tpu.memory_space<vmem>>) offsets(%arg10 : memref<200xi32, #tpu.memory_space<vmem>>) semaphore(%arg23 : memref<!tpu.dma_semaphore, #tpu.memory_space<semaphore_mem>>)
      %dma_start3A_142 = arith.constant 0 : i32
      %dma_start3A_143 = arith.constant 0 : i32
      %dma_start3A_144 = tpu.memref_slice %arg2[%dma_start3A_142, %dma_start3A_143] : memref<10000x32xf32, #tpu.memory_space<hbm>> -> memref<10000x32xf32, #tpu.memory_space<hbm>>
      tpu.enqueue_indirect_dma source(%dma_start3A_144 : memref<10000x32xf32, #tpu.memory_space<hbm>>) target(%arg21 : memref<200x32xf32, #tpu.memory_space<vmem>>) offsets(%arg11 : memref<200xi32, #tpu.memory_space<vmem>>) semaphore(%arg23 : memref<!tpu.dma_semaphore, #tpu.memory_space<semaphore_mem>>)
      %dma_wait3A_145 = arith.constant 0 : i32
      %dma_wait3A_146 = arith.constant 0 : i32
      %dma_wait3A_147 = tpu.memref_slice %arg2[%dma_wait3A_145, %dma_wait3A_146] : memref<10000x32xf32, #tpu.memory_space<hbm>> -> memref<10000x32xf32, #tpu.memory_space<hbm>>
      tpu.wait_indirect_dma semaphore(%arg23 : memref<!tpu.dma_semaphore, #tpu.memory_space<semaphore_mem>>) src(%dma_wait3A_147 : memref<10000x32xf32, #tpu.memory_space<hbm>>) dst(%arg17 : memref<200x32xf32, #tpu.memory_space<vmem>>)
      %dma_wait3A_148 = arith.constant 0 : i32
      %dma_wait3A_149 = arith.constant 0 : i32
      %dma_wait3A_150 = tpu.memref_slice %arg2[%dma_wait3A_148, %dma_wait3A_149] : memref<10000x32xf32, #tpu.memory_space<hbm>> -> memref<10000x32xf32, #tpu.memory_space<hbm>>
      tpu.wait_indirect_dma semaphore(%arg23 : memref<!tpu.dma_semaphore, #tpu.memory_space<semaphore_mem>>) src(%dma_wait3A_150 : memref<10000x32xf32, #tpu.memory_space<hbm>>) dst(%arg18 : memref<200x32xf32, #tpu.memory_space<vmem>>)
      %dma_wait3A_151 = arith.constant 0 : i32
      %dma_wait3A_152 = arith.constant 0 : i32
      %dma_wait3A_153 = tpu.memref_slice %arg2[%dma_wait3A_151, %dma_wait3A_152] : memref<10000x32xf32, #tpu.memory_space<hbm>> -> memref<10000x32xf32, #tpu.memory_space<hbm>>
      tpu.wait_indirect_dma semaphore(%arg23 : memref<!tpu.dma_semaphore, #tpu.memory_space<semaphore_mem>>) src(%dma_wait3A_153 : memref<10000x32xf32, #tpu.memory_space<hbm>>) dst(%arg19 : memref<200x32xf32, #tpu.memory_space<vmem>>)
      %dma_wait3A_154 = arith.constant 0 : i32
      %dma_wait3A_155 = arith.constant 0 : i32
      %dma_wait3A_156 = tpu.memref_slice %arg2[%dma_wait3A_154, %dma_wait3A_155] : memref<10000x32xf32, #tpu.memory_space<hbm>> -> memref<10000x32xf32, #tpu.memory_space<hbm>>
      tpu.wait_indirect_dma semaphore(%arg23 : memref<!tpu.dma_semaphore, #tpu.memory_space<semaphore_mem>>) src(%dma_wait3A_156 : memref<10000x32xf32, #tpu.memory_space<hbm>>) dst(%arg20 : memref<200x32xf32, #tpu.memory_space<vmem>>)
      %dma_wait3A_157 = arith.constant 0 : i32
      %dma_wait3A_158 = arith.constant 0 : i32
      %dma_wait3A_159 = tpu.memref_slice %arg2[%dma_wait3A_157, %dma_wait3A_158] : memref<10000x32xf32, #tpu.memory_space<hbm>> -> memref<10000x32xf32, #tpu.memory_space<hbm>>
      tpu.wait_indirect_dma semaphore(%arg23 : memref<!tpu.dma_semaphore, #tpu.memory_space<semaphore_mem>>) src(%dma_wait3A_159 : memref<10000x32xf32, #tpu.memory_space<hbm>>) dst(%arg21 : memref<200x32xf32, #tpu.memory_space<vmem>>)
      %dma_start3A_160 = arith.constant 0 : i32
      %dma_start3A_161 = arith.constant 0 : i32
      %dma_start3A_162 = tpu.memref_slice %arg3[%dma_start3A_160, %dma_start3A_161] : memref<10000x32xf32, #tpu.memory_space<hbm>> -> memref<10000x32xf32, #tpu.memory_space<hbm>>
      tpu.enqueue_indirect_dma source(%dma_start3A_162 : memref<10000x32xf32, #tpu.memory_space<hbm>>) target(%arg17 : memref<200x32xf32, #tpu.memory_space<vmem>>) offsets(%arg12 : memref<200xi32, #tpu.memory_space<vmem>>) semaphore(%arg23 : memref<!tpu.dma_semaphore, #tpu.memory_space<semaphore_mem>>) {add = true}
      %dma_start3A_163 = arith.constant 0 : i32
      %dma_start3A_164 = arith.constant 0 : i32
      %dma_start3A_165 = tpu.memref_slice %arg3[%dma_start3A_163, %dma_start3A_164] : memref<10000x32xf32, #tpu.memory_space<hbm>> -> memref<10000x32xf32, #tpu.memory_space<hbm>>
      tpu.enqueue_indirect_dma source(%dma_start3A_165 : memref<10000x32xf32, #tpu.memory_space<hbm>>) target(%arg18 : memref<200x32xf32, #tpu.memory_space<vmem>>) offsets(%arg13 : memref<200xi32, #tpu.memory_space<vmem>>) semaphore(%arg23 : memref<!tpu.dma_semaphore, #tpu.memory_space<semaphore_mem>>) {add = true}
      %dma_start3A_166 = arith.constant 0 : i32
      %dma_start3A_167 = arith.constant 0 : i32
      %dma_start3A_168 = tpu.memref_slice %arg3[%dma_start3A_166, %dma_start3A_167] : memref<10000x32xf32, #tpu.memory_space<hbm>> -> memref<10000x32xf32, #tpu.memory_space<hbm>>
      tpu.enqueue_indirect_dma source(%dma_start3A_168 : memref<10000x32xf32, #tpu.memory_space<hbm>>) target(%arg19 : memref<200x32xf32, #tpu.memory_space<vmem>>) offsets(%arg14 : memref<200xi32, #tpu.memory_space<vmem>>) semaphore(%arg23 : memref<!tpu.dma_semaphore, #tpu.memory_space<semaphore_mem>>) {add = true}
      %dma_start3A_169 = arith.constant 0 : i32
      %dma_start3A_170 = arith.constant 0 : i32
      %dma_start3A_171 = tpu.memref_slice %arg3[%dma_start3A_169, %dma_start3A_170] : memref<10000x32xf32, #tpu.memory_space<hbm>> -> memref<10000x32xf32, #tpu.memory_space<hbm>>
      tpu.enqueue_indirect_dma source(%dma_start3A_171 : memref<10000x32xf32, #tpu.memory_space<hbm>>) target(%arg20 : memref<200x32xf32, #tpu.memory_space<vmem>>) offsets(%arg15 : memref<200xi32, #tpu.memory_space<vmem>>) semaphore(%arg23 : memref<!tpu.dma_semaphore, #tpu.memory_space<semaphore_mem>>) {add = true}
      %dma_start3A_172 = arith.constant 0 : i32
      %dma_start3A_173 = arith.constant 0 : i32
      %dma_start3A_174 = tpu.memref_slice %arg3[%dma_start3A_172, %dma_start3A_173] : memref<10000x32xf32, #tpu.memory_space<hbm>> -> memref<10000x32xf32, #tpu.memory_space<hbm>>
      tpu.enqueue_indirect_dma source(%dma_start3A_174 : memref<10000x32xf32, #tpu.memory_space<hbm>>) target(%arg21 : memref<200x32xf32, #tpu.memory_space<vmem>>) offsets(%arg16 : memref<200xi32, #tpu.memory_space<vmem>>) semaphore(%arg23 : memref<!tpu.dma_semaphore, #tpu.memory_space<semaphore_mem>>) {add = true}
      %dma_wait3A_175 = arith.constant 0 : i32
      %dma_wait3A_176 = arith.constant 0 : i32
      %dma_wait3A_177 = tpu.memref_slice %arg3[%dma_wait3A_175, %dma_wait3A_176] : memref<10000x32xf32, #tpu.memory_space<hbm>> -> memref<10000x32xf32, #tpu.memory_space<hbm>>
      tpu.wait_indirect_dma semaphore(%arg23 : memref<!tpu.dma_semaphore, #tpu.memory_space<semaphore_mem>>) src(%dma_wait3A_177 : memref<10000x32xf32, #tpu.memory_space<hbm>>) dst(%arg17 : memref<200x32xf32, #tpu.memory_space<vmem>>)
      %dma_wait3A_178 = arith.constant 0 : i32
      %dma_wait3A_179 = arith.constant 0 : i32
      %dma_wait3A_180 = tpu.memref_slice %arg3[%dma_wait3A_178, %dma_wait3A_179] : memref<10000x32xf32, #tpu.memory_space<hbm>> -> memref<10000x32xf32, #tpu.memory_space<hbm>>
      tpu.wait_indirect_dma semaphore(%arg23 : memref<!tpu.dma_semaphore, #tpu.memory_space<semaphore_mem>>) src(%dma_wait3A_180 : memref<10000x32xf32, #tpu.memory_space<hbm>>) dst(%arg18 : memref<200x32xf32, #tpu.memory_space<vmem>>)
      %dma_wait3A_181 = arith.constant 0 : i32
      %dma_wait3A_182 = arith.constant 0 : i32
      %dma_wait3A_183 = tpu.memref_slice %arg3[%dma_wait3A_181, %dma_wait3A_182] : memref<10000x32xf32, #tpu.memory_space<hbm>> -> memref<10000x32xf32, #tpu.memory_space<hbm>>
      tpu.wait_indirect_dma semaphore(%arg23 : memref<!tpu.dma_semaphore, #tpu.memory_space<semaphore_mem>>) src(%dma_wait3A_183 : memref<10000x32xf32, #tpu.memory_space<hbm>>) dst(%arg19 : memref<200x32xf32, #tpu.memory_space<vmem>>)
      %dma_wait3A_184 = arith.constant 0 : i32
      %dma_wait3A_185 = arith.constant 0 : i32
      %dma_wait3A_186 = tpu.memref_slice %arg3[%dma_wait3A_184, %dma_wait3A_185] : memref<10000x32xf32, #tpu.memory_space<hbm>> -> memref<10000x32xf32, #tpu.memory_space<hbm>>
      tpu.wait_indirect_dma semaphore(%arg23 : memref<!tpu.dma_semaphore, #tpu.memory_space<semaphore_mem>>) src(%dma_wait3A_186 : memref<10000x32xf32, #tpu.memory_space<hbm>>) dst(%arg20 : memref<200x32xf32, #tpu.memory_space<vmem>>)
      %dma_wait3A_187 = arith.constant 0 : i32
      %dma_wait3A_188 = arith.constant 0 : i32
      %dma_wait3A_189 = tpu.memref_slice %arg3[%dma_wait3A_187, %dma_wait3A_188] : memref<10000x32xf32, #tpu.memory_space<hbm>> -> memref<10000x32xf32, #tpu.memory_space<hbm>>
      tpu.wait_indirect_dma semaphore(%arg23 : memref<!tpu.dma_semaphore, #tpu.memory_space<semaphore_mem>>) src(%dma_wait3A_189 : memref<10000x32xf32, #tpu.memory_space<hbm>>) dst(%arg21 : memref<200x32xf32, #tpu.memory_space<vmem>>)
      %dma_start3A_190 = arith.constant 0 : i32
      %dma_start3A_191 = tpu.memref_slice %arg6[%add3A_54, %dma_start3A_190] : memref<320000x128xf32, #tpu.memory_space<hbm>> -> memref<200x32xf32, #tpu.memory_space<hbm>>
      %dma_start3A_192 = arith.constant 0 : i32
      %dma_start3A_193 = tpu.memref_slice %arg6[%add3A_54, %dma_start3A_192] : memref<320000x128xf32, #tpu.memory_space<hbm>> -> memref<200x32xf32, #tpu.memory_space<hbm>>
      tpu.enqueue_dma source(%arg17 : memref<200x32xf32, #tpu.memory_space<vmem>>) target(%dma_start3A_193 : memref<200x32xf32, #tpu.memory_space<hbm>>) target_semaphore(%arg24 : memref<!tpu.dma_semaphore, #tpu.memory_space<semaphore_mem>>)
      %dma_start3A_194 = arith.constant 0 : i32
      %dma_start3A_195 = tpu.memref_slice %arg6[%add3A_63, %dma_start3A_194] : memref<320000x128xf32, #tpu.memory_space<hbm>> -> memref<200x32xf32, #tpu.memory_space<hbm>>
      %dma_start3A_196 = arith.constant 0 : i32
      %dma_start3A_197 = tpu.memref_slice %arg6[%add3A_63, %dma_start3A_196] : memref<320000x128xf32, #tpu.memory_space<hbm>> -> memref<200x32xf32, #tpu.memory_space<hbm>>
      tpu.enqueue_dma source(%arg18 : memref<200x32xf32, #tpu.memory_space<vmem>>) target(%dma_start3A_197 : memref<200x32xf32, #tpu.memory_space<hbm>>) target_semaphore(%arg24 : memref<!tpu.dma_semaphore, #tpu.memory_space<semaphore_mem>>)
      %dma_start3A_198 = arith.constant 0 : i32
      %dma_start3A_199 = tpu.memref_slice %arg6[%add3A_72, %dma_start3A_198] : memref<320000x128xf32, #tpu.memory_space<hbm>> -> memref<200x32xf32, #tpu.memory_space<hbm>>
      %dma_start3A_200 = arith.constant 0 : i32
      %dma_start3A_201 = tpu.memref_slice %arg6[%add3A_72, %dma_start3A_200] : memref<320000x128xf32, #tpu.memory_space<hbm>> -> memref<200x32xf32, #tpu.memory_space<hbm>>
      tpu.enqueue_dma source(%arg19 : memref<200x32xf32, #tpu.memory_space<vmem>>) target(%dma_start3A_201 : memref<200x32xf32, #tpu.memory_space<hbm>>) target_semaphore(%arg24 : memref<!tpu.dma_semaphore, #tpu.memory_space<semaphore_mem>>)
      %dma_start3A_202 = arith.constant 0 : i32
      %dma_start3A_203 = tpu.memref_slice %arg6[%add3A_81, %dma_start3A_202] : memref<320000x128xf32, #tpu.memory_space<hbm>> -> memref<200x32xf32, #tpu.memory_space<hbm>>
      %dma_start3A_204 = arith.constant 0 : i32
      %dma_start3A_205 = tpu.memref_slice %arg6[%add3A_81, %dma_start3A_204] : memref<320000x128xf32, #tpu.memory_space<hbm>> -> memref<200x32xf32, #tpu.memory_space<hbm>>
      tpu.enqueue_dma source(%arg20 : memref<200x32xf32, #tpu.memory_space<vmem>>) target(%dma_start3A_205 : memref<200x32xf32, #tpu.memory_space<hbm>>) target_semaphore(%arg24 : memref<!tpu.dma_semaphore, #tpu.memory_space<semaphore_mem>>)
      %dma_start3A_206 = arith.constant 0 : i32
      %dma_start3A_207 = tpu.memref_slice %arg6[%add3A_90, %dma_start3A_206] : memref<320000x128xf32, #tpu.memory_space<hbm>> -> memref<200x32xf32, #tpu.memory_space<hbm>>
      %dma_start3A_208 = arith.constant 0 : i32
      %dma_start3A_209 = tpu.memref_slice %arg6[%add3A_90, %dma_start3A_208] : memref<320000x128xf32, #tpu.memory_space<hbm>> -> memref<200x32xf32, #tpu.memory_space<hbm>>
      tpu.enqueue_dma source(%arg21 : memref<200x32xf32, #tpu.memory_space<vmem>>) target(%dma_start3A_209 : memref<200x32xf32, #tpu.memory_space<hbm>>) target_semaphore(%arg24 : memref<!tpu.dma_semaphore, #tpu.memory_space<semaphore_mem>>)
      %add3A_210 = arith.constant 1 : i32
      %add3A_211 = arith.addi %scan3A_45, %add3A_210 : i32
      %lt3A = arith.constant 10 : i32
      %lt3A_212 = arith.cmpi slt, %add3A_211, %lt3A : i32
      %convert_element_type3A = arith.extui %lt3A_212 : i1 to i32
      %cond3A = arith.constant 0 : i32
      %cond3A_213 = arith.cmpi ne, %convert_element_type3A, %cond3A : i32
      scf.if %cond3A_213 {
        %add3A_234 = arith.constant 1 : i32
        %add3A_235 = arith.addi %scan3A_45, %add3A_234 : i32
        %mul3A_236 = arith.constant 10000 : i32
        %mul3A_237 = arith.muli %add3A, %mul3A_236 : i32
        %mul3A_238 = arith.constant 5 : i32
        %mul3A_239 = arith.muli %add3A_235, %mul3A_238 : i32
        %add3A_240 = arith.constant 0 : i32
        %add3A_241 = arith.addi %mul3A_239, %add3A_240 : i32
        %mul3A_242 = arith.constant 200 : i32
        %mul3A_243 = arith.muli %add3A_241, %mul3A_242 : i32
        %add3A_244 = arith.addi %mul3A_237, %mul3A_243 : i32
        %dma_start3A_245 = tpu.memref_slice %arg4[%add3A_244] : memref<320000xi32, #tpu.memory_space<hbm>> -> memref<200xi32, #tpu.memory_space<hbm>>
        %dma_start3A_246 = tpu.memref_slice %arg4[%add3A_244] : memref<320000xi32, #tpu.memory_space<hbm>> -> memref<200xi32, #tpu.memory_space<hbm>>
        tpu.enqueue_dma source(%dma_start3A_246 : memref<200xi32, #tpu.memory_space<hbm>>) target(%arg7 : memref<200xi32, #tpu.memory_space<vmem>>) target_semaphore(%arg22 : memref<!tpu.dma_semaphore, #tpu.memory_space<semaphore_mem>>)
        %dma_start3A_247 = tpu.memref_slice %arg5[%add3A_244] : memref<320000xi32, #tpu.memory_space<hbm>> -> memref<200xi32, #tpu.memory_space<hbm>>
        %dma_start3A_248 = tpu.memref_slice %arg5[%add3A_244] : memref<320000xi32, #tpu.memory_space<hbm>> -> memref<200xi32, #tpu.memory_space<hbm>>
        tpu.enqueue_dma source(%dma_start3A_248 : memref<200xi32, #tpu.memory_space<hbm>>) target(%arg12 : memref<200xi32, #tpu.memory_space<vmem>>) target_semaphore(%arg22 : memref<!tpu.dma_semaphore, #tpu.memory_space<semaphore_mem>>)
        %mul3A_249 = arith.constant 10000 : i32
        %mul3A_250 = arith.muli %add3A, %mul3A_249 : i32
        %mul3A_251 = arith.constant 5 : i32
        %mul3A_252 = arith.muli %add3A_235, %mul3A_251 : i32
        %add3A_253 = arith.constant 1 : i32
        %add3A_254 = arith.addi %mul3A_252, %add3A_253 : i32
        %mul3A_255 = arith.constant 200 : i32
        %mul3A_256 = arith.muli %add3A_254, %mul3A_255 : i32
        %add3A_257 = arith.addi %mul3A_250, %mul3A_256 : i32
        %dma_start3A_258 = tpu.memref_slice %arg4[%add3A_257] : memref<320000xi32, #tpu.memory_space<hbm>> -> memref<200xi32, #tpu.memory_space<hbm>>
        %dma_start3A_259 = tpu.memref_slice %arg4[%add3A_257] : memref<320000xi32, #tpu.memory_space<hbm>> -> memref<200xi32, #tpu.memory_space<hbm>>
        tpu.enqueue_dma source(%dma_start3A_259 : memref<200xi32, #tpu.memory_space<hbm>>) target(%arg8 : memref<200xi32, #tpu.memory_space<vmem>>) target_semaphore(%arg22 : memref<!tpu.dma_semaphore, #tpu.memory_space<semaphore_mem>>)
        %dma_start3A_260 = tpu.memref_slice %arg5[%add3A_257] : memref<320000xi32, #tpu.memory_space<hbm>> -> memref<200xi32, #tpu.memory_space<hbm>>
        %dma_start3A_261 = tpu.memref_slice %arg5[%add3A_257] : memref<320000xi32, #tpu.memory_space<hbm>> -> memref<200xi32, #tpu.memory_space<hbm>>
        tpu.enqueue_dma source(%dma_start3A_261 : memref<200xi32, #tpu.memory_space<hbm>>) target(%arg13 : memref<200xi32, #tpu.memory_space<vmem>>) target_semaphore(%arg22 : memref<!tpu.dma_semaphore, #tpu.memory_space<semaphore_mem>>)
        %mul3A_262 = arith.constant 10000 : i32
        %mul3A_263 = arith.muli %add3A, %mul3A_262 : i32
        %mul3A_264 = arith.constant 5 : i32
        %mul3A_265 = arith.muli %add3A_235, %mul3A_264 : i32
        %add3A_266 = arith.constant 2 : i32
        %add3A_267 = arith.addi %mul3A_265, %add3A_266 : i32
        %mul3A_268 = arith.constant 200 : i32
        %mul3A_269 = arith.muli %add3A_267, %mul3A_268 : i32
        %add3A_270 = arith.addi %mul3A_263, %mul3A_269 : i32
        %dma_start3A_271 = tpu.memref_slice %arg4[%add3A_270] : memref<320000xi32, #tpu.memory_space<hbm>> -> memref<200xi32, #tpu.memory_space<hbm>>
        %dma_start3A_272 = tpu.memref_slice %arg4[%add3A_270] : memref<320000xi32, #tpu.memory_space<hbm>> -> memref<200xi32, #tpu.memory_space<hbm>>
        tpu.enqueue_dma source(%dma_start3A_272 : memref<200xi32, #tpu.memory_space<hbm>>) target(%arg9 : memref<200xi32, #tpu.memory_space<vmem>>) target_semaphore(%arg22 : memref<!tpu.dma_semaphore, #tpu.memory_space<semaphore_mem>>)
        %dma_start3A_273 = tpu.memref_slice %arg5[%add3A_270] : memref<320000xi32, #tpu.memory_space<hbm>> -> memref<200xi32, #tpu.memory_space<hbm>>
        %dma_start3A_274 = tpu.memref_slice %arg5[%add3A_270] : memref<320000xi32, #tpu.memory_space<hbm>> -> memref<200xi32, #tpu.memory_space<hbm>>
        tpu.enqueue_dma source(%dma_start3A_274 : memref<200xi32, #tpu.memory_space<hbm>>) target(%arg14 : memref<200xi32, #tpu.memory_space<vmem>>) target_semaphore(%arg22 : memref<!tpu.dma_semaphore, #tpu.memory_space<semaphore_mem>>)
        %mul3A_275 = arith.constant 10000 : i32
        %mul3A_276 = arith.muli %add3A, %mul3A_275 : i32
        %mul3A_277 = arith.constant 5 : i32
        %mul3A_278 = arith.muli %add3A_235, %mul3A_277 : i32
        %add3A_279 = arith.constant 3 : i32
        %add3A_280 = arith.addi %mul3A_278, %add3A_279 : i32
        %mul3A_281 = arith.constant 200 : i32
        %mul3A_282 = arith.muli %add3A_280, %mul3A_281 : i32
        %add3A_283 = arith.addi %mul3A_276, %mul3A_282 : i32
        %dma_start3A_284 = tpu.memref_slice %arg4[%add3A_283] : memref<320000xi32, #tpu.memory_space<hbm>> -> memref<200xi32, #tpu.memory_space<hbm>>
        %dma_start3A_285 = tpu.memref_slice %arg4[%add3A_283] : memref<320000xi32, #tpu.memory_space<hbm>> -> memref<200xi32, #tpu.memory_space<hbm>>
        tpu.enqueue_dma source(%dma_start3A_285 : memref<200xi32, #tpu.memory_space<hbm>>) target(%arg10 : memref<200xi32, #tpu.memory_space<vmem>>) target_semaphore(%arg22 : memref<!tpu.dma_semaphore, #tpu.memory_space<semaphore_mem>>)
        %dma_start3A_286 = tpu.memref_slice %arg5[%add3A_283] : memref<320000xi32, #tpu.memory_space<hbm>> -> memref<200xi32, #tpu.memory_space<hbm>>
        %dma_start3A_287 = tpu.memref_slice %arg5[%add3A_283] : memref<320000xi32, #tpu.memory_space<hbm>> -> memref<200xi32, #tpu.memory_space<hbm>>
        tpu.enqueue_dma source(%dma_start3A_287 : memref<200xi32, #tpu.memory_space<hbm>>) target(%arg15 : memref<200xi32, #tpu.memory_space<vmem>>) target_semaphore(%arg22 : memref<!tpu.dma_semaphore, #tpu.memory_space<semaphore_mem>>)
        %mul3A_288 = arith.constant 10000 : i32
        %mul3A_289 = arith.muli %add3A, %mul3A_288 : i32
        %mul3A_290 = arith.constant 5 : i32
        %mul3A_291 = arith.muli %add3A_235, %mul3A_290 : i32
        %add3A_292 = arith.constant 4 : i32
        %add3A_293 = arith.addi %mul3A_291, %add3A_292 : i32
        %mul3A_294 = arith.constant 200 : i32
        %mul3A_295 = arith.muli %add3A_293, %mul3A_294 : i32
        %add3A_296 = arith.addi %mul3A_289, %mul3A_295 : i32
        %dma_start3A_297 = tpu.memref_slice %arg4[%add3A_296] : memref<320000xi32, #tpu.memory_space<hbm>> -> memref<200xi32, #tpu.memory_space<hbm>>
        %dma_start3A_298 = tpu.memref_slice %arg4[%add3A_296] : memref<320000xi32, #tpu.memory_space<hbm>> -> memref<200xi32, #tpu.memory_space<hbm>>
        tpu.enqueue_dma source(%dma_start3A_298 : memref<200xi32, #tpu.memory_space<hbm>>) target(%arg11 : memref<200xi32, #tpu.memory_space<vmem>>) target_semaphore(%arg22 : memref<!tpu.dma_semaphore, #tpu.memory_space<semaphore_mem>>)
        %dma_start3A_299 = tpu.memref_slice %arg5[%add3A_296] : memref<320000xi32, #tpu.memory_space<hbm>> -> memref<200xi32, #tpu.memory_space<hbm>>
        %dma_start3A_300 = tpu.memref_slice %arg5[%add3A_296] : memref<320000xi32, #tpu.memory_space<hbm>> -> memref<200xi32, #tpu.memory_space<hbm>>
        tpu.enqueue_dma source(%dma_start3A_300 : memref<200xi32, #tpu.memory_space<hbm>>) target(%arg16 : memref<200xi32, #tpu.memory_space<vmem>>) target_semaphore(%arg22 : memref<!tpu.dma_semaphore, #tpu.memory_space<semaphore_mem>>)
      } else {
      }
      %dma_wait3A_214 = arith.constant 0 : i32
      %dma_wait3A_215 = tpu.memref_slice %arg6[%add3A_54, %dma_wait3A_214] : memref<320000x128xf32, #tpu.memory_space<hbm>> -> memref<200x32xf32, #tpu.memory_space<hbm>>
      %dma_wait3A_216 = arith.constant 0 : i32
      %dma_wait3A_217 = tpu.memref_slice %arg6[%add3A_54, %dma_wait3A_216] : memref<320000x128xf32, #tpu.memory_space<hbm>> -> memref<200x32xf32, #tpu.memory_space<hbm>>
      tpu.wait_dma2 semaphore(%arg24 : memref<!tpu.dma_semaphore, #tpu.memory_space<semaphore_mem>>) src(%arg17 : memref<200x32xf32, #tpu.memory_space<vmem>>) dst(%dma_wait3A_217 : memref<200x32xf32, #tpu.memory_space<hbm>>)
      %dma_wait3A_218 = arith.constant 0 : i32
      %dma_wait3A_219 = tpu.memref_slice %arg6[%add3A_63, %dma_wait3A_218] : memref<320000x128xf32, #tpu.memory_space<hbm>> -> memref<200x32xf32, #tpu.memory_space<hbm>>
      %dma_wait3A_220 = arith.constant 0 : i32
      %dma_wait3A_221 = tpu.memref_slice %arg6[%add3A_63, %dma_wait3A_220] : memref<320000x128xf32, #tpu.memory_space<hbm>> -> memref<200x32xf32, #tpu.memory_space<hbm>>
      tpu.wait_dma2 semaphore(%arg24 : memref<!tpu.dma_semaphore, #tpu.memory_space<semaphore_mem>>) src(%arg18 : memref<200x32xf32, #tpu.memory_space<vmem>>) dst(%dma_wait3A_221 : memref<200x32xf32, #tpu.memory_space<hbm>>)
      %dma_wait3A_222 = arith.constant 0 : i32
      %dma_wait3A_223 = tpu.memref_slice %arg6[%add3A_72, %dma_wait3A_222] : memref<320000x128xf32, #tpu.memory_space<hbm>> -> memref<200x32xf32, #tpu.memory_space<hbm>>
      %dma_wait3A_224 = arith.constant 0 : i32
      %dma_wait3A_225 = tpu.memref_slice %arg6[%add3A_72, %dma_wait3A_224] : memref<320000x128xf32, #tpu.memory_space<hbm>> -> memref<200x32xf32, #tpu.memory_space<hbm>>
      tpu.wait_dma2 semaphore(%arg24 : memref<!tpu.dma_semaphore, #tpu.memory_space<semaphore_mem>>) src(%arg19 : memref<200x32xf32, #tpu.memory_space<vmem>>) dst(%dma_wait3A_225 : memref<200x32xf32, #tpu.memory_space<hbm>>)
      %dma_wait3A_226 = arith.constant 0 : i32
      %dma_wait3A_227 = tpu.memref_slice %arg6[%add3A_81, %dma_wait3A_226] : memref<320000x128xf32, #tpu.memory_space<hbm>> -> memref<200x32xf32, #tpu.memory_space<hbm>>
      %dma_wait3A_228 = arith.constant 0 : i32
      %dma_wait3A_229 = tpu.memref_slice %arg6[%add3A_81, %dma_wait3A_228] : memref<320000x128xf32, #tpu.memory_space<hbm>> -> memref<200x32xf32, #tpu.memory_space<hbm>>
      tpu.wait_dma2 semaphore(%arg24 : memref<!tpu.dma_semaphore, #tpu.memory_space<semaphore_mem>>) src(%arg20 : memref<200x32xf32, #tpu.memory_space<vmem>>) dst(%dma_wait3A_229 : memref<200x32xf32, #tpu.memory_space<hbm>>)
      %dma_wait3A_230 = arith.constant 0 : i32
      %dma_wait3A_231 = tpu.memref_slice %arg6[%add3A_90, %dma_wait3A_230] : memref<320000x128xf32, #tpu.memory_space<hbm>> -> memref<200x32xf32, #tpu.memory_space<hbm>>
      %dma_wait3A_232 = arith.constant 0 : i32
      %dma_wait3A_233 = tpu.memref_slice %arg6[%add3A_90, %dma_wait3A_232] : memref<320000x128xf32, #tpu.memory_space<hbm>> -> memref<200x32xf32, #tpu.memory_space<hbm>>
      tpu.wait_dma2 semaphore(%arg24 : memref<!tpu.dma_semaphore, #tpu.memory_space<semaphore_mem>>) src(%arg21 : memref<200x32xf32, #tpu.memory_space<vmem>>) dst(%dma_wait3A_233 : memref<200x32xf32, #tpu.memory_space<hbm>>)
    }
    %scan3A_44 = arith.constant 10 : i32
    return
  }
}

#map = affine_map<(d0, d1) -> (0, 0)>
#map1 = affine_map<(d0, d1) -> (0)>
#map2 = affine_map<(d0, d1) -> (0, 0, 0)>
module attributes {stable_mosaic.version = 14 : i64} {
  func.func @_sc_scatter128(%arg0: i32, %arg1: i32, %arg2: memref<320000x128xf32, #tpu.memory_space<hbm>>, %arg3: memref<320000xi32, #tpu.memory_space<hbm>>, %arg4: memref<10240x128xf32, #tpu.memory_space<hbm>>, %arg5: memref<2x10240x128xf32, #tpu.memory_space<hbm>>, %arg6: memref<80xi32, #tpu.memory_space<vmem>>, %arg7: memref<80xi32, #tpu.memory_space<vmem>>, %arg8: memref<80xi32, #tpu.memory_space<vmem>>, %arg9: memref<80xi32, #tpu.memory_space<vmem>>, %arg10: memref<80x128xf32, #tpu.memory_space<vmem>>, %arg11: memref<80x128xf32, #tpu.memory_space<vmem>>, %arg12: memref<80x128xf32, #tpu.memory_space<vmem>>, %arg13: memref<80x128xf32, #tpu.memory_space<vmem>>, %arg14: memref<10240x128xf32, #tpu.memory_space<vmem_shared>>, %arg15: memref<!tpu.dma_semaphore, #tpu.memory_space<semaphore_mem>>, %arg16: memref<!tpu.dma_semaphore, #tpu.memory_space<semaphore_mem>>, %arg17: memref<!tpu.dma_semaphore, #tpu.memory_space<semaphore_mem>>, %arg18: memref<!tpu.dma_semaphore, #tpu.memory_space<semaphore_mem>>) attributes {dimension_semantics = [#tpu.dimension_semantics<core_parallel>, #tpu.dimension_semantics<subcore_parallel>], iteration_bounds = array<i64: 2, 16>, scalar_prefetch = 0 : i64, scratch_operands = 13 : i64, tpu.core_type = #tpu.core_type<sc_vector_subcore>, window_params = [{transform_indices = #map}, {transform_indices = #map1}, {transform_indices = #map}, {transform_indices = #map2}]} {
    %mul3A = arith.constant 640 : i32
    %mul3A_0 = arith.muli %arg1, %mul3A : i32
    "tpu.region"() ({
      %run_scoped3A = tpu.sem_alloc : memref<!tpu.dma_semaphore, #tpu.memory_space<semaphore_mem>>
      %dma_start3A_32 = arith.constant 0 : i32
      %dma_start3A_33 = tpu.memref_slice %arg14[%mul3A_0, %dma_start3A_32] : memref<10240x128xf32, #tpu.memory_space<vmem_shared>> -> memref<640x128xf32, #tpu.memory_space<vmem_shared>>
      %dma_start3A_34 = arith.constant 0 : i32
      %dma_start3A_35 = tpu.memref_slice %arg4[%mul3A_0, %dma_start3A_34] : memref<10240x128xf32, #tpu.memory_space<hbm>> -> memref<640x128xf32, #tpu.memory_space<hbm>>
      tpu.enqueue_dma source(%dma_start3A_35 : memref<640x128xf32, #tpu.memory_space<hbm>>) target(%dma_start3A_33 : memref<640x128xf32, #tpu.memory_space<vmem_shared>>) target_semaphore(%run_scoped3A : memref<!tpu.dma_semaphore, #tpu.memory_space<semaphore_mem>>)
      %dma_wait3A = arith.constant 0 : i32
      %dma_wait3A_36 = tpu.memref_slice %arg14[%mul3A_0, %dma_wait3A] : memref<10240x128xf32, #tpu.memory_space<vmem_shared>> -> memref<640x128xf32, #tpu.memory_space<vmem_shared>>
      %dma_wait3A_37 = arith.constant 0 : i32
      %dma_wait3A_38 = tpu.memref_slice %arg4[%mul3A_0, %dma_wait3A_37] : memref<10240x128xf32, #tpu.memory_space<hbm>> -> memref<640x128xf32, #tpu.memory_space<hbm>>
      tpu.wait_dma2 semaphore(%run_scoped3A : memref<!tpu.dma_semaphore, #tpu.memory_space<semaphore_mem>>) src(%dma_wait3A_38 : memref<640x128xf32, #tpu.memory_space<hbm>>) dst(%dma_wait3A_36 : memref<640x128xf32, #tpu.memory_space<vmem_shared>>)
      tpu.yield
    }) : () -> ()
    %barrier3A = arith.constant 0 : index
    tpu.barrier barrier_id(%barrier3A)
    %mul3A_1 = arith.constant 16 : i32
    %mul3A_2 = arith.muli %arg0, %mul3A_1 : i32
    %add3A = arith.addi %mul3A_2, %arg1 : i32
    %mul3A_3 = arith.constant 10000 : i32
    %mul3A_4 = arith.muli %add3A, %mul3A_3 : i32
    %add3A_5 = arith.constant 0 : i32
    %add3A_6 = arith.addi %mul3A_4, %add3A_5 : i32
    %dma_start3A = tpu.memref_slice %arg3[%add3A_6] : memref<320000xi32, #tpu.memory_space<hbm>> -> memref<80xi32, #tpu.memory_space<hbm>>
    %dma_start3A_7 = tpu.memref_slice %arg3[%add3A_6] : memref<320000xi32, #tpu.memory_space<hbm>> -> memref<80xi32, #tpu.memory_space<hbm>>
    tpu.enqueue_dma source(%dma_start3A_7 : memref<80xi32, #tpu.memory_space<hbm>>) target(%arg6 : memref<80xi32, #tpu.memory_space<vmem>>) target_semaphore(%arg15 : memref<!tpu.dma_semaphore, #tpu.memory_space<semaphore_mem>>)
    %add3A_8 = arith.constant 0 : i32
    %add3A_9 = arith.addi %mul3A_4, %add3A_8 : i32
    %dma_start3A_10 = arith.constant 0 : i32
    %dma_start3A_11 = tpu.memref_slice %arg2[%add3A_9, %dma_start3A_10] : memref<320000x128xf32, #tpu.memory_space<hbm>> -> memref<80x128xf32, #tpu.memory_space<hbm>>
    %dma_start3A_12 = arith.constant 0 : i32
    %dma_start3A_13 = tpu.memref_slice %arg2[%add3A_9, %dma_start3A_12] : memref<320000x128xf32, #tpu.memory_space<hbm>> -> memref<80x128xf32, #tpu.memory_space<hbm>>
    tpu.enqueue_dma source(%dma_start3A_13 : memref<80x128xf32, #tpu.memory_space<hbm>>) target(%arg10 : memref<80x128xf32, #tpu.memory_space<vmem>>) target_semaphore(%arg15 : memref<!tpu.dma_semaphore, #tpu.memory_space<semaphore_mem>>)
    %add3A_14 = arith.constant 80 : i32
    %add3A_15 = arith.addi %mul3A_4, %add3A_14 : i32
    %dma_start3A_16 = tpu.memref_slice %arg3[%add3A_15] : memref<320000xi32, #tpu.memory_space<hbm>> -> memref<80xi32, #tpu.memory_space<hbm>>
    %dma_start3A_17 = tpu.memref_slice %arg3[%add3A_15] : memref<320000xi32, #tpu.memory_space<hbm>> -> memref<80xi32, #tpu.memory_space<hbm>>
    tpu.enqueue_dma source(%dma_start3A_17 : memref<80xi32, #tpu.memory_space<hbm>>) target(%arg7 : memref<80xi32, #tpu.memory_space<vmem>>) target_semaphore(%arg15 : memref<!tpu.dma_semaphore, #tpu.memory_space<semaphore_mem>>)
    %add3A_18 = arith.constant 80 : i32
    %add3A_19 = arith.addi %mul3A_4, %add3A_18 : i32
    %dma_start3A_20 = arith.constant 0 : i32
    %dma_start3A_21 = tpu.memref_slice %arg2[%add3A_19, %dma_start3A_20] : memref<320000x128xf32, #tpu.memory_space<hbm>> -> memref<80x128xf32, #tpu.memory_space<hbm>>
    %dma_start3A_22 = arith.constant 0 : i32
    %dma_start3A_23 = tpu.memref_slice %arg2[%add3A_19, %dma_start3A_22] : memref<320000x128xf32, #tpu.memory_space<hbm>> -> memref<80x128xf32, #tpu.memory_space<hbm>>
    tpu.enqueue_dma source(%dma_start3A_23 : memref<80x128xf32, #tpu.memory_space<hbm>>) target(%arg11 : memref<80x128xf32, #tpu.memory_space<vmem>>) target_semaphore(%arg15 : memref<!tpu.dma_semaphore, #tpu.memory_space<semaphore_mem>>)
    %scan3A = arith.constant 0 : i32
    %scan3A_24 = arith.constant 0 : i32
    %scan3A_25 = arith.constant 31 : i32
    %scan3A_26 = arith.addi %scan3A_24, %scan3A_25 : i32
    %scan3A_27 = arith.constant 1 : i32
    scf.for %scan3A_32 = %scan3A_24 to %scan3A_26 step %scan3A_27  : i32 {
      %mul3A_33 = arith.constant 2 : i32
      %mul3A_34 = arith.muli %mul3A_33, %scan3A_32 : i32
      %add3A_35 = arith.constant 1 : i32
      %add3A_36 = arith.addi %mul3A_34, %add3A_35 : i32
      %mul3A_37 = arith.constant 2 : i32
      %mul3A_38 = arith.muli %add3A_36, %mul3A_37 : i32
      %add3A_39 = arith.constant 0 : i32
      %add3A_40 = arith.addi %mul3A_38, %add3A_39 : i32
      %mul3A_41 = arith.constant 80 : i32
      %mul3A_42 = arith.muli %add3A_40, %mul3A_41 : i32
      %add3A_43 = arith.addi %mul3A_4, %mul3A_42 : i32
      %dma_start3A_44 = tpu.memref_slice %arg3[%add3A_43] : memref<320000xi32, #tpu.memory_space<hbm>> -> memref<80xi32, #tpu.memory_space<hbm>>
      %dma_start3A_45 = tpu.memref_slice %arg3[%add3A_43] : memref<320000xi32, #tpu.memory_space<hbm>> -> memref<80xi32, #tpu.memory_space<hbm>>
      tpu.enqueue_dma source(%dma_start3A_45 : memref<80xi32, #tpu.memory_space<hbm>>) target(%arg8 : memref<80xi32, #tpu.memory_space<vmem>>) target_semaphore(%arg16 : memref<!tpu.dma_semaphore, #tpu.memory_space<semaphore_mem>>)
      %mul3A_46 = arith.constant 80 : i32
      %mul3A_47 = arith.muli %add3A_40, %mul3A_46 : i32
      %add3A_48 = arith.addi %mul3A_4, %mul3A_47 : i32
      %dma_start3A_49 = arith.constant 0 : i32
      %dma_start3A_50 = tpu.memref_slice %arg2[%add3A_48, %dma_start3A_49] : memref<320000x128xf32, #tpu.memory_space<hbm>> -> memref<80x128xf32, #tpu.memory_space<hbm>>
      %dma_start3A_51 = arith.constant 0 : i32
      %dma_start3A_52 = tpu.memref_slice %arg2[%add3A_48, %dma_start3A_51] : memref<320000x128xf32, #tpu.memory_space<hbm>> -> memref<80x128xf32, #tpu.memory_space<hbm>>
      tpu.enqueue_dma source(%dma_start3A_52 : memref<80x128xf32, #tpu.memory_space<hbm>>) target(%arg12 : memref<80x128xf32, #tpu.memory_space<vmem>>) target_semaphore(%arg16 : memref<!tpu.dma_semaphore, #tpu.memory_space<semaphore_mem>>)
      %mul3A_53 = arith.constant 2 : i32
      %mul3A_54 = arith.muli %add3A_36, %mul3A_53 : i32
      %add3A_55 = arith.constant 1 : i32
      %add3A_56 = arith.addi %mul3A_54, %add3A_55 : i32
      %mul3A_57 = arith.constant 80 : i32
      %mul3A_58 = arith.muli %add3A_56, %mul3A_57 : i32
      %add3A_59 = arith.addi %mul3A_4, %mul3A_58 : i32
      %dma_start3A_60 = tpu.memref_slice %arg3[%add3A_59] : memref<320000xi32, #tpu.memory_space<hbm>> -> memref<80xi32, #tpu.memory_space<hbm>>
      %dma_start3A_61 = tpu.memref_slice %arg3[%add3A_59] : memref<320000xi32, #tpu.memory_space<hbm>> -> memref<80xi32, #tpu.memory_space<hbm>>
      tpu.enqueue_dma source(%dma_start3A_61 : memref<80xi32, #tpu.memory_space<hbm>>) target(%arg9 : memref<80xi32, #tpu.memory_space<vmem>>) target_semaphore(%arg16 : memref<!tpu.dma_semaphore, #tpu.memory_space<semaphore_mem>>)
      %mul3A_62 = arith.constant 80 : i32
      %mul3A_63 = arith.muli %add3A_56, %mul3A_62 : i32
      %add3A_64 = arith.addi %mul3A_4, %mul3A_63 : i32
      %dma_start3A_65 = arith.constant 0 : i32
      %dma_start3A_66 = tpu.memref_slice %arg2[%add3A_64, %dma_start3A_65] : memref<320000x128xf32, #tpu.memory_space<hbm>> -> memref<80x128xf32, #tpu.memory_space<hbm>>
      %dma_start3A_67 = arith.constant 0 : i32
      %dma_start3A_68 = tpu.memref_slice %arg2[%add3A_64, %dma_start3A_67] : memref<320000x128xf32, #tpu.memory_space<hbm>> -> memref<80x128xf32, #tpu.memory_space<hbm>>
      tpu.enqueue_dma source(%dma_start3A_68 : memref<80x128xf32, #tpu.memory_space<hbm>>) target(%arg13 : memref<80x128xf32, #tpu.memory_space<vmem>>) target_semaphore(%arg16 : memref<!tpu.dma_semaphore, #tpu.memory_space<semaphore_mem>>)
      %dma_wait3A = tpu.memref_slice %arg3[%mul3A_4] : memref<320000xi32, #tpu.memory_space<hbm>> -> memref<80xi32, #tpu.memory_space<hbm>>
      %dma_wait3A_69 = tpu.memref_slice %arg3[%mul3A_4] : memref<320000xi32, #tpu.memory_space<hbm>> -> memref<80xi32, #tpu.memory_space<hbm>>
      tpu.wait_dma2 semaphore(%arg15 : memref<!tpu.dma_semaphore, #tpu.memory_space<semaphore_mem>>) src(%dma_wait3A_69 : memref<80xi32, #tpu.memory_space<hbm>>) dst(%arg6 : memref<80xi32, #tpu.memory_space<vmem>>)
      %dma_wait3A_70 = arith.constant 0 : i32
      %dma_wait3A_71 = tpu.memref_slice %arg2[%mul3A_4, %dma_wait3A_70] : memref<320000x128xf32, #tpu.memory_space<hbm>> -> memref<80x128xf32, #tpu.memory_space<hbm>>
      %dma_wait3A_72 = arith.constant 0 : i32
      %dma_wait3A_73 = tpu.memref_slice %arg2[%mul3A_4, %dma_wait3A_72] : memref<320000x128xf32, #tpu.memory_space<hbm>> -> memref<80x128xf32, #tpu.memory_space<hbm>>
      tpu.wait_dma2 semaphore(%arg15 : memref<!tpu.dma_semaphore, #tpu.memory_space<semaphore_mem>>) src(%dma_wait3A_73 : memref<80x128xf32, #tpu.memory_space<hbm>>) dst(%arg10 : memref<80x128xf32, #tpu.memory_space<vmem>>)
      %dma_wait3A_74 = tpu.memref_slice %arg3[%mul3A_4] : memref<320000xi32, #tpu.memory_space<hbm>> -> memref<80xi32, #tpu.memory_space<hbm>>
      %dma_wait3A_75 = tpu.memref_slice %arg3[%mul3A_4] : memref<320000xi32, #tpu.memory_space<hbm>> -> memref<80xi32, #tpu.memory_space<hbm>>
      tpu.wait_dma2 semaphore(%arg15 : memref<!tpu.dma_semaphore, #tpu.memory_space<semaphore_mem>>) src(%dma_wait3A_75 : memref<80xi32, #tpu.memory_space<hbm>>) dst(%arg7 : memref<80xi32, #tpu.memory_space<vmem>>)
      %dma_wait3A_76 = arith.constant 0 : i32
      %dma_wait3A_77 = tpu.memref_slice %arg2[%mul3A_4, %dma_wait3A_76] : memref<320000x128xf32, #tpu.memory_space<hbm>> -> memref<80x128xf32, #tpu.memory_space<hbm>>
      %dma_wait3A_78 = arith.constant 0 : i32
      %dma_wait3A_79 = tpu.memref_slice %arg2[%mul3A_4, %dma_wait3A_78] : memref<320000x128xf32, #tpu.memory_space<hbm>> -> memref<80x128xf32, #tpu.memory_space<hbm>>
      tpu.wait_dma2 semaphore(%arg15 : memref<!tpu.dma_semaphore, #tpu.memory_space<semaphore_mem>>) src(%dma_wait3A_79 : memref<80x128xf32, #tpu.memory_space<hbm>>) dst(%arg11 : memref<80x128xf32, #tpu.memory_space<vmem>>)
      %dma_start3A_80 = arith.constant 0 : i32
      %dma_start3A_81 = arith.constant 0 : i32
      %dma_start3A_82 = tpu.memref_slice %arg14[%dma_start3A_80, %dma_start3A_81] : memref<10240x128xf32, #tpu.memory_space<vmem_shared>> -> memref<10240x128xf32, #tpu.memory_space<vmem_shared>>
      tpu.enqueue_indirect_dma source(%arg10 : memref<80x128xf32, #tpu.memory_space<vmem>>) target(%dma_start3A_82 : memref<10240x128xf32, #tpu.memory_space<vmem_shared>>) offsets(%arg6 : memref<80xi32, #tpu.memory_space<vmem>>) semaphore(%arg17 : memref<!tpu.dma_semaphore, #tpu.memory_space<semaphore_mem>>) {add = true}
      %dma_start3A_83 = arith.constant 0 : i32
      %dma_start3A_84 = arith.constant 0 : i32
      %dma_start3A_85 = tpu.memref_slice %arg14[%dma_start3A_83, %dma_start3A_84] : memref<10240x128xf32, #tpu.memory_space<vmem_shared>> -> memref<10240x128xf32, #tpu.memory_space<vmem_shared>>
      tpu.enqueue_indirect_dma source(%arg11 : memref<80x128xf32, #tpu.memory_space<vmem>>) target(%dma_start3A_85 : memref<10240x128xf32, #tpu.memory_space<vmem_shared>>) offsets(%arg7 : memref<80xi32, #tpu.memory_space<vmem>>) semaphore(%arg17 : memref<!tpu.dma_semaphore, #tpu.memory_space<semaphore_mem>>) {add = true}
      %dma_wait3A_86 = arith.constant 0 : i32
      %dma_wait3A_87 = arith.constant 0 : i32
      %dma_wait3A_88 = tpu.memref_slice %arg14[%dma_wait3A_86, %dma_wait3A_87] : memref<10240x128xf32, #tpu.memory_space<vmem_shared>> -> memref<10240x128xf32, #tpu.memory_space<vmem_shared>>
      tpu.wait_indirect_dma semaphore(%arg17 : memref<!tpu.dma_semaphore, #tpu.memory_space<semaphore_mem>>) src(%arg10 : memref<80x128xf32, #tpu.memory_space<vmem>>) dst(%dma_wait3A_88 : memref<10240x128xf32, #tpu.memory_space<vmem_shared>>)
      %dma_wait3A_89 = arith.constant 0 : i32
      %dma_wait3A_90 = arith.constant 0 : i32
      %dma_wait3A_91 = tpu.memref_slice %arg14[%dma_wait3A_89, %dma_wait3A_90] : memref<10240x128xf32, #tpu.memory_space<vmem_shared>> -> memref<10240x128xf32, #tpu.memory_space<vmem_shared>>
      tpu.wait_indirect_dma semaphore(%arg17 : memref<!tpu.dma_semaphore, #tpu.memory_space<semaphore_mem>>) src(%arg11 : memref<80x128xf32, #tpu.memory_space<vmem>>) dst(%dma_wait3A_91 : memref<10240x128xf32, #tpu.memory_space<vmem_shared>>)
      %add3A_92 = arith.constant 1 : i32
      %add3A_93 = arith.addi %scan3A_32, %add3A_92 : i32
      %lt3A = arith.constant 31 : i32
      %lt3A_94 = arith.cmpi slt, %add3A_93, %lt3A : i32
      %convert_element_type3A = arith.extui %lt3A_94 : i1 to i32
      %cond3A = arith.constant 0 : i32
      %cond3A_95 = arith.cmpi ne, %convert_element_type3A, %cond3A : i32
      scf.if %cond3A_95 {
        %add3A_120 = arith.constant 2 : i32
        %add3A_121 = arith.addi %mul3A_34, %add3A_120 : i32
        %mul3A_122 = arith.constant 2 : i32
        %mul3A_123 = arith.muli %add3A_121, %mul3A_122 : i32
        %add3A_124 = arith.constant 0 : i32
        %add3A_125 = arith.addi %mul3A_123, %add3A_124 : i32
        %mul3A_126 = arith.constant 80 : i32
        %mul3A_127 = arith.muli %add3A_125, %mul3A_126 : i32
        %add3A_128 = arith.addi %mul3A_4, %mul3A_127 : i32
        %dma_start3A_129 = tpu.memref_slice %arg3[%add3A_128] : memref<320000xi32, #tpu.memory_space<hbm>> -> memref<80xi32, #tpu.memory_space<hbm>>
        %dma_start3A_130 = tpu.memref_slice %arg3[%add3A_128] : memref<320000xi32, #tpu.memory_space<hbm>> -> memref<80xi32, #tpu.memory_space<hbm>>
        tpu.enqueue_dma source(%dma_start3A_130 : memref<80xi32, #tpu.memory_space<hbm>>) target(%arg6 : memref<80xi32, #tpu.memory_space<vmem>>) target_semaphore(%arg15 : memref<!tpu.dma_semaphore, #tpu.memory_space<semaphore_mem>>)
        %mul3A_131 = arith.constant 80 : i32
        %mul3A_132 = arith.muli %add3A_125, %mul3A_131 : i32
        %add3A_133 = arith.addi %mul3A_4, %mul3A_132 : i32
        %dma_start3A_134 = arith.constant 0 : i32
        %dma_start3A_135 = tpu.memref_slice %arg2[%add3A_133, %dma_start3A_134] : memref<320000x128xf32, #tpu.memory_space<hbm>> -> memref<80x128xf32, #tpu.memory_space<hbm>>
        %dma_start3A_136 = arith.constant 0 : i32
        %dma_start3A_137 = tpu.memref_slice %arg2[%add3A_133, %dma_start3A_136] : memref<320000x128xf32, #tpu.memory_space<hbm>> -> memref<80x128xf32, #tpu.memory_space<hbm>>
        tpu.enqueue_dma source(%dma_start3A_137 : memref<80x128xf32, #tpu.memory_space<hbm>>) target(%arg10 : memref<80x128xf32, #tpu.memory_space<vmem>>) target_semaphore(%arg15 : memref<!tpu.dma_semaphore, #tpu.memory_space<semaphore_mem>>)
        %mul3A_138 = arith.constant 2 : i32
        %mul3A_139 = arith.muli %add3A_121, %mul3A_138 : i32
        %add3A_140 = arith.constant 1 : i32
        %add3A_141 = arith.addi %mul3A_139, %add3A_140 : i32
        %mul3A_142 = arith.constant 80 : i32
        %mul3A_143 = arith.muli %add3A_141, %mul3A_142 : i32
        %add3A_144 = arith.addi %mul3A_4, %mul3A_143 : i32
        %dma_start3A_145 = tpu.memref_slice %arg3[%add3A_144] : memref<320000xi32, #tpu.memory_space<hbm>> -> memref<80xi32, #tpu.memory_space<hbm>>
        %dma_start3A_146 = tpu.memref_slice %arg3[%add3A_144] : memref<320000xi32, #tpu.memory_space<hbm>> -> memref<80xi32, #tpu.memory_space<hbm>>
        tpu.enqueue_dma source(%dma_start3A_146 : memref<80xi32, #tpu.memory_space<hbm>>) target(%arg7 : memref<80xi32, #tpu.memory_space<vmem>>) target_semaphore(%arg15 : memref<!tpu.dma_semaphore, #tpu.memory_space<semaphore_mem>>)
        %mul3A_147 = arith.constant 80 : i32
        %mul3A_148 = arith.muli %add3A_141, %mul3A_147 : i32
        %add3A_149 = arith.addi %mul3A_4, %mul3A_148 : i32
        %dma_start3A_150 = arith.constant 0 : i32
        %dma_start3A_151 = tpu.memref_slice %arg2[%add3A_149, %dma_start3A_150] : memref<320000x128xf32, #tpu.memory_space<hbm>> -> memref<80x128xf32, #tpu.memory_space<hbm>>
        %dma_start3A_152 = arith.constant 0 : i32
        %dma_start3A_153 = tpu.memref_slice %arg2[%add3A_149, %dma_start3A_152] : memref<320000x128xf32, #tpu.memory_space<hbm>> -> memref<80x128xf32, #tpu.memory_space<hbm>>
        tpu.enqueue_dma source(%dma_start3A_153 : memref<80x128xf32, #tpu.memory_space<hbm>>) target(%arg11 : memref<80x128xf32, #tpu.memory_space<vmem>>) target_semaphore(%arg15 : memref<!tpu.dma_semaphore, #tpu.memory_space<semaphore_mem>>)
      } else {
      }
      %dma_wait3A_96 = tpu.memref_slice %arg3[%add3A_43] : memref<320000xi32, #tpu.memory_space<hbm>> -> memref<80xi32, #tpu.memory_space<hbm>>
      %dma_wait3A_97 = tpu.memref_slice %arg3[%add3A_43] : memref<320000xi32, #tpu.memory_space<hbm>> -> memref<80xi32, #tpu.memory_space<hbm>>
      tpu.wait_dma2 semaphore(%arg16 : memref<!tpu.dma_semaphore, #tpu.memory_space<semaphore_mem>>) src(%dma_wait3A_97 : memref<80xi32, #tpu.memory_space<hbm>>) dst(%arg8 : memref<80xi32, #tpu.memory_space<vmem>>)
      %dma_wait3A_98 = arith.constant 0 : i32
      %dma_wait3A_99 = tpu.memref_slice %arg2[%add3A_48, %dma_wait3A_98] : memref<320000x128xf32, #tpu.memory_space<hbm>> -> memref<80x128xf32, #tpu.memory_space<hbm>>
      %dma_wait3A_100 = arith.constant 0 : i32
      %dma_wait3A_101 = tpu.memref_slice %arg2[%add3A_48, %dma_wait3A_100] : memref<320000x128xf32, #tpu.memory_space<hbm>> -> memref<80x128xf32, #tpu.memory_space<hbm>>
      tpu.wait_dma2 semaphore(%arg16 : memref<!tpu.dma_semaphore, #tpu.memory_space<semaphore_mem>>) src(%dma_wait3A_101 : memref<80x128xf32, #tpu.memory_space<hbm>>) dst(%arg12 : memref<80x128xf32, #tpu.memory_space<vmem>>)
      %dma_wait3A_102 = tpu.memref_slice %arg3[%add3A_59] : memref<320000xi32, #tpu.memory_space<hbm>> -> memref<80xi32, #tpu.memory_space<hbm>>
      %dma_wait3A_103 = tpu.memref_slice %arg3[%add3A_59] : memref<320000xi32, #tpu.memory_space<hbm>> -> memref<80xi32, #tpu.memory_space<hbm>>
      tpu.wait_dma2 semaphore(%arg16 : memref<!tpu.dma_semaphore, #tpu.memory_space<semaphore_mem>>) src(%dma_wait3A_103 : memref<80xi32, #tpu.memory_space<hbm>>) dst(%arg9 : memref<80xi32, #tpu.memory_space<vmem>>)
      %dma_wait3A_104 = arith.constant 0 : i32
      %dma_wait3A_105 = tpu.memref_slice %arg2[%add3A_64, %dma_wait3A_104] : memref<320000x128xf32, #tpu.memory_space<hbm>> -> memref<80x128xf32, #tpu.memory_space<hbm>>
      %dma_wait3A_106 = arith.constant 0 : i32
      %dma_wait3A_107 = tpu.memref_slice %arg2[%add3A_64, %dma_wait3A_106] : memref<320000x128xf32, #tpu.memory_space<hbm>> -> memref<80x128xf32, #tpu.memory_space<hbm>>
      tpu.wait_dma2 semaphore(%arg16 : memref<!tpu.dma_semaphore, #tpu.memory_space<semaphore_mem>>) src(%dma_wait3A_107 : memref<80x128xf32, #tpu.memory_space<hbm>>) dst(%arg13 : memref<80x128xf32, #tpu.memory_space<vmem>>)
      %dma_start3A_108 = arith.constant 0 : i32
      %dma_start3A_109 = arith.constant 0 : i32
      %dma_start3A_110 = tpu.memref_slice %arg14[%dma_start3A_108, %dma_start3A_109] : memref<10240x128xf32, #tpu.memory_space<vmem_shared>> -> memref<10240x128xf32, #tpu.memory_space<vmem_shared>>
      tpu.enqueue_indirect_dma source(%arg12 : memref<80x128xf32, #tpu.memory_space<vmem>>) target(%dma_start3A_110 : memref<10240x128xf32, #tpu.memory_space<vmem_shared>>) offsets(%arg8 : memref<80xi32, #tpu.memory_space<vmem>>) semaphore(%arg18 : memref<!tpu.dma_semaphore, #tpu.memory_space<semaphore_mem>>) {add = true}
      %dma_start3A_111 = arith.constant 0 : i32
      %dma_start3A_112 = arith.constant 0 : i32
      %dma_start3A_113 = tpu.memref_slice %arg14[%dma_start3A_111, %dma_start3A_112] : memref<10240x128xf32, #tpu.memory_space<vmem_shared>> -> memref<10240x128xf32, #tpu.memory_space<vmem_shared>>
      tpu.enqueue_indirect_dma source(%arg13 : memref<80x128xf32, #tpu.memory_space<vmem>>) target(%dma_start3A_113 : memref<10240x128xf32, #tpu.memory_space<vmem_shared>>) offsets(%arg9 : memref<80xi32, #tpu.memory_space<vmem>>) semaphore(%arg18 : memref<!tpu.dma_semaphore, #tpu.memory_space<semaphore_mem>>) {add = true}
      %dma_wait3A_114 = arith.constant 0 : i32
      %dma_wait3A_115 = arith.constant 0 : i32
      %dma_wait3A_116 = tpu.memref_slice %arg14[%dma_wait3A_114, %dma_wait3A_115] : memref<10240x128xf32, #tpu.memory_space<vmem_shared>> -> memref<10240x128xf32, #tpu.memory_space<vmem_shared>>
      tpu.wait_indirect_dma semaphore(%arg18 : memref<!tpu.dma_semaphore, #tpu.memory_space<semaphore_mem>>) src(%arg12 : memref<80x128xf32, #tpu.memory_space<vmem>>) dst(%dma_wait3A_116 : memref<10240x128xf32, #tpu.memory_space<vmem_shared>>)
      %dma_wait3A_117 = arith.constant 0 : i32
      %dma_wait3A_118 = arith.constant 0 : i32
      %dma_wait3A_119 = tpu.memref_slice %arg14[%dma_wait3A_117, %dma_wait3A_118] : memref<10240x128xf32, #tpu.memory_space<vmem_shared>> -> memref<10240x128xf32, #tpu.memory_space<vmem_shared>>
      tpu.wait_indirect_dma semaphore(%arg18 : memref<!tpu.dma_semaphore, #tpu.memory_space<semaphore_mem>>) src(%arg13 : memref<80x128xf32, #tpu.memory_space<vmem>>) dst(%dma_wait3A_119 : memref<10240x128xf32, #tpu.memory_space<vmem_shared>>)
    }
    %scan3A_28 = arith.constant 31 : i32
    %add3A_29 = arith.constant 9920 : i32
    %add3A_30 = arith.addi %mul3A_4, %add3A_29 : i32
    "tpu.region"() ({
      %run_scoped3A = tpu.sem_alloc : memref<!tpu.dma_semaphore, #tpu.memory_space<semaphore_mem>>
      %dma_start3A_32 = tpu.memref_slice %arg3[%add3A_30] : memref<320000xi32, #tpu.memory_space<hbm>> -> memref<80xi32, #tpu.memory_space<hbm>>
      %dma_start3A_33 = tpu.memref_slice %arg3[%add3A_30] : memref<320000xi32, #tpu.memory_space<hbm>> -> memref<80xi32, #tpu.memory_space<hbm>>
      tpu.enqueue_dma source(%dma_start3A_33 : memref<80xi32, #tpu.memory_space<hbm>>) target(%arg6 : memref<80xi32, #tpu.memory_space<vmem>>) target_semaphore(%run_scoped3A : memref<!tpu.dma_semaphore, #tpu.memory_space<semaphore_mem>>)
      %dma_wait3A = tpu.memref_slice %arg3[%add3A_30] : memref<320000xi32, #tpu.memory_space<hbm>> -> memref<80xi32, #tpu.memory_space<hbm>>
      %dma_wait3A_34 = tpu.memref_slice %arg3[%add3A_30] : memref<320000xi32, #tpu.memory_space<hbm>> -> memref<80xi32, #tpu.memory_space<hbm>>
      tpu.wait_dma2 semaphore(%run_scoped3A : memref<!tpu.dma_semaphore, #tpu.memory_space<semaphore_mem>>) src(%dma_wait3A_34 : memref<80xi32, #tpu.memory_space<hbm>>) dst(%arg6 : memref<80xi32, #tpu.memory_space<vmem>>)
      tpu.yield
    }) : () -> ()
    "tpu.region"() ({
      %run_scoped3A = tpu.sem_alloc : memref<!tpu.dma_semaphore, #tpu.memory_space<semaphore_mem>>
      %dma_start3A_32 = arith.constant 0 : i32
      %dma_start3A_33 = tpu.memref_slice %arg2[%add3A_30, %dma_start3A_32] : memref<320000x128xf32, #tpu.memory_space<hbm>> -> memref<80x128xf32, #tpu.memory_space<hbm>>
      %dma_start3A_34 = arith.constant 0 : i32
      %dma_start3A_35 = tpu.memref_slice %arg2[%add3A_30, %dma_start3A_34] : memref<320000x128xf32, #tpu.memory_space<hbm>> -> memref<80x128xf32, #tpu.memory_space<hbm>>
      tpu.enqueue_dma source(%dma_start3A_35 : memref<80x128xf32, #tpu.memory_space<hbm>>) target(%arg10 : memref<80x128xf32, #tpu.memory_space<vmem>>) target_semaphore(%run_scoped3A : memref<!tpu.dma_semaphore, #tpu.memory_space<semaphore_mem>>)
      %dma_wait3A = arith.constant 0 : i32
      %dma_wait3A_36 = tpu.memref_slice %arg2[%add3A_30, %dma_wait3A] : memref<320000x128xf32, #tpu.memory_space<hbm>> -> memref<80x128xf32, #tpu.memory_space<hbm>>
      %dma_wait3A_37 = arith.constant 0 : i32
      %dma_wait3A_38 = tpu.memref_slice %arg2[%add3A_30, %dma_wait3A_37] : memref<320000x128xf32, #tpu.memory_space<hbm>> -> memref<80x128xf32, #tpu.memory_space<hbm>>
      tpu.wait_dma2 semaphore(%run_scoped3A : memref<!tpu.dma_semaphore, #tpu.memory_space<semaphore_mem>>) src(%dma_wait3A_38 : memref<80x128xf32, #tpu.memory_space<hbm>>) dst(%arg10 : memref<80x128xf32, #tpu.memory_space<vmem>>)
      tpu.yield
    }) : () -> ()
    "tpu.region"() ({
      %run_scoped3A = tpu.sem_alloc : memref<!tpu.dma_semaphore, #tpu.memory_space<semaphore_mem>>
      %dma_start3A_32 = arith.constant 0 : i32
      %dma_start3A_33 = arith.constant 0 : i32
      %dma_start3A_34 = tpu.memref_slice %arg14[%dma_start3A_32, %dma_start3A_33] : memref<10240x128xf32, #tpu.memory_space<vmem_shared>> -> memref<10240x128xf32, #tpu.memory_space<vmem_shared>>
      tpu.enqueue_indirect_dma source(%arg10 : memref<80x128xf32, #tpu.memory_space<vmem>>) target(%dma_start3A_34 : memref<10240x128xf32, #tpu.memory_space<vmem_shared>>) offsets(%arg6 : memref<80xi32, #tpu.memory_space<vmem>>) semaphore(%run_scoped3A : memref<!tpu.dma_semaphore, #tpu.memory_space<semaphore_mem>>) {add = true}
      %dma_wait3A = arith.constant 0 : i32
      %dma_wait3A_35 = arith.constant 0 : i32
      %dma_wait3A_36 = tpu.memref_slice %arg14[%dma_wait3A, %dma_wait3A_35] : memref<10240x128xf32, #tpu.memory_space<vmem_shared>> -> memref<10240x128xf32, #tpu.memory_space<vmem_shared>>
      tpu.wait_indirect_dma semaphore(%run_scoped3A : memref<!tpu.dma_semaphore, #tpu.memory_space<semaphore_mem>>) src(%arg10 : memref<80x128xf32, #tpu.memory_space<vmem>>) dst(%dma_wait3A_36 : memref<10240x128xf32, #tpu.memory_space<vmem_shared>>)
      tpu.yield
    }) : () -> ()
    %barrier3A_31 = arith.constant 0 : index
    tpu.barrier barrier_id(%barrier3A_31)
    "tpu.region"() ({
      %run_scoped3A = tpu.sem_alloc : memref<!tpu.dma_semaphore, #tpu.memory_space<semaphore_mem>>
      %dma_start3A_32 = arith.constant 0 : i32
      %dma_start3A_33 = tpu.memref_slice %arg5[%arg0, %mul3A_0, %dma_start3A_32] : memref<2x10240x128xf32, #tpu.memory_space<hbm>> -> memref<1x640x128xf32, #tpu.memory_space<hbm>>
      %dma_start3A_34 = tpu.memref_squeeze %dma_start3A_33 : memref<1x640x128xf32, #tpu.memory_space<hbm>> -> memref<640x128xf32, #tpu.memory_space<hbm>>
      %dma_start3A_35 = arith.constant 0 : i32
      %dma_start3A_36 = tpu.memref_slice %arg14[%mul3A_0, %dma_start3A_35] : memref<10240x128xf32, #tpu.memory_space<vmem_shared>> -> memref<640x128xf32, #tpu.memory_space<vmem_shared>>
      tpu.enqueue_dma source(%dma_start3A_36 : memref<640x128xf32, #tpu.memory_space<vmem_shared>>) target(%dma_start3A_34 : memref<640x128xf32, #tpu.memory_space<hbm>>) target_semaphore(%run_scoped3A : memref<!tpu.dma_semaphore, #tpu.memory_space<semaphore_mem>>)
      %dma_wait3A = arith.constant 0 : i32
      %dma_wait3A_37 = tpu.memref_slice %arg5[%arg0, %mul3A_0, %dma_wait3A] : memref<2x10240x128xf32, #tpu.memory_space<hbm>> -> memref<1x640x128xf32, #tpu.memory_space<hbm>>
      %dma_wait3A_38 = tpu.memref_squeeze %dma_wait3A_37 : memref<1x640x128xf32, #tpu.memory_space<hbm>> -> memref<640x128xf32, #tpu.memory_space<hbm>>
      %dma_wait3A_39 = arith.constant 0 : i32
      %dma_wait3A_40 = tpu.memref_slice %arg14[%mul3A_0, %dma_wait3A_39] : memref<10240x128xf32, #tpu.memory_space<vmem_shared>> -> memref<640x128xf32, #tpu.memory_space<vmem_shared>>
      tpu.wait_dma2 semaphore(%run_scoped3A : memref<!tpu.dma_semaphore, #tpu.memory_space<semaphore_mem>>) src(%dma_wait3A_40 : memref<640x128xf32, #tpu.memory_space<vmem_shared>>) dst(%dma_wait3A_38 : memref<640x128xf32, #tpu.memory_space<hbm>>)
      tpu.yield
    }) : () -> ()
    return
  }
}

module attributes {stable_mosaic.version = 14 : i64} {
  func.func @_node_body(%arg0: i32, %arg1: memref<2000x128xf32, #tpu.memory_space<vmem>>, %arg2: memref<1x128xf32, #tpu.memory_space<vmem>>, %arg3: memref<1x128xf32, #tpu.memory_space<vmem>>, %arg4: memref<1x128xf32, #tpu.memory_space<vmem>>, %arg5: memref<128x32xf32, #tpu.memory_space<vmem>>, %arg6: memref<128x32xf32, #tpu.memory_space<vmem>>, %arg7: memref<128x64xf32, #tpu.memory_space<vmem>>, %arg8: memref<1x64xf32, #tpu.memory_space<vmem>>, %arg9: memref<64x64xf32, #tpu.memory_space<vmem>>, %arg10: memref<1x64xf32, #tpu.memory_space<vmem>>, %arg11: memref<2000x32xf32, #tpu.memory_space<vmem>>, %arg12: memref<2000x32xf32, #tpu.memory_space<vmem>>, %arg13: memref<2000x64xf32, #tpu.memory_space<vmem>>, %arg14: memref<2000x64xf32, #tpu.memory_space<vmem>>) attributes {dimension_semantics = [#tpu.dimension_semantics<arbitrary>], iteration_bounds = array<i64: 5>, scalar_prefetch = 0 : i64, scratch_operands = 0 : i64, tpu.core_type = #tpu.core_type<tc>, window_params = [{transform_indices = @transform_0, window_bounds = array<i64: 2000, 128>}, {pipeline_mode = #tpu.pipeline_mode<synchronous>, transform_indices = @transform_1, window_bounds = array<i64: 1, 128>}, {pipeline_mode = #tpu.pipeline_mode<synchronous>, transform_indices = @transform_2, window_bounds = array<i64: 1, 128>}, {pipeline_mode = #tpu.pipeline_mode<synchronous>, transform_indices = @transform_3, window_bounds = array<i64: 1, 128>}, {pipeline_mode = #tpu.pipeline_mode<synchronous>, transform_indices = @transform_4, window_bounds = array<i64: 128, 32>}, {pipeline_mode = #tpu.pipeline_mode<synchronous>, transform_indices = @transform_5, window_bounds = array<i64: 128, 32>}, {pipeline_mode = #tpu.pipeline_mode<synchronous>, transform_indices = @transform_6, window_bounds = array<i64: 128, 64>}, {pipeline_mode = #tpu.pipeline_mode<synchronous>, transform_indices = @transform_7, window_bounds = array<i64: 1, 64>}, {pipeline_mode = #tpu.pipeline_mode<synchronous>, transform_indices = @transform_8, window_bounds = array<i64: 64, 64>}, {pipeline_mode = #tpu.pipeline_mode<synchronous>, transform_indices = @transform_9, window_bounds = array<i64: 1, 64>}, {transform_indices = @transform_10, window_bounds = array<i64: 2000, 32>}, {transform_indices = @transform_11, window_bounds = array<i64: 2000, 32>}, {transform_indices = @transform_12, window_bounds = array<i64: 2000, 64>}, {transform_indices = @transform_13, window_bounds = array<i64: 2000, 64>}]} {
    %get3A = arith.constant 0 : index
    %get3A_0 = arith.constant 0 : index
    %get3A_1 = vector.load %arg1[%get3A, %get3A_0] : memref<2000x128xf32, #tpu.memory_space<vmem>>, vector<2000x128xf32>
    %slice3A = vector.extract_strided_slice %get3A_1 {offsets = [0, 0], sizes = [2000, 1], strides = [1, 1]} : vector<2000x128xf32> to vector<2000x1xf32>
    %eq3A = arith.constant -9.990000e+02 : f32
    %eq3A_2 = vector.broadcast %eq3A : f32 to vector<2000x1xf32>
    %eq3A_3 = arith.cmpf oeq, %slice3A, %eq3A_2 : vector<2000x1xf32>
    %get3A_4 = arith.constant 0 : index
    %get3A_5 = arith.constant 0 : index
    %get3A_6 = vector.load %arg2[%get3A_4, %get3A_5] : memref<1x128xf32, #tpu.memory_space<vmem>>, vector<1x128xf32>
    %broadcast_in_dim3A = vector.shape_cast %eq3A_3 : vector<2000x1xi1> to vector<2000x1xi1>
    %broadcast_in_dim3A_7 = vector.broadcast %broadcast_in_dim3A : vector<2000x1xi1> to vector<2000x128xi1>
    %broadcast_in_dim3A_8 = vector.shape_cast %get3A_6 : vector<1x128xf32> to vector<1x128xf32>
    %broadcast_in_dim3A_9 = vector.broadcast %broadcast_in_dim3A_8 : vector<1x128xf32> to vector<2000x128xf32>
    %select_n3A = arith.select %broadcast_in_dim3A_7, %broadcast_in_dim3A_9, %get3A_1 : vector<2000x128xi1>, vector<2000x128xf32>
    %get3A_10 = arith.constant 0 : index
    %get3A_11 = arith.constant 0 : index
    %get3A_12 = vector.load %arg3[%get3A_10, %get3A_11] : memref<1x128xf32, #tpu.memory_space<vmem>>, vector<1x128xf32>
    %get3A_13 = arith.constant 0 : index
    %get3A_14 = arith.constant 0 : index
    %get3A_15 = vector.load %arg4[%get3A_13, %get3A_14] : memref<1x128xf32, #tpu.memory_space<vmem>>, vector<1x128xf32>
    %reduce_sum3A = arith.constant dense<0.000000e+00> : vector<2000xf32>
    %reduce_sum3A_16 = vector.multi_reduction <add>, %select_n3A, %reduce_sum3A [1] : vector<2000x128xf32> to vector<2000xf32>
    %broadcast_in_dim3A_17 = vector.shape_cast %reduce_sum3A_16 : vector<2000xf32> to vector<2000x1xf32>
    %div3A = arith.constant 1.280000e+02 : f32
    %div3A_18 = vector.broadcast %div3A : f32 to vector<2000x1xf32>
    %div3A_19 = arith.divf %broadcast_in_dim3A_17, %div3A_18 : vector<2000x1xf32>
    %sub3A = vector.broadcast %div3A_19 : vector<2000x1xf32> to vector<2000x128xf32>
    %sub3A_20 = arith.subf %select_n3A, %sub3A : vector<2000x128xf32>
    %integer_pow3A = arith.mulf %sub3A_20, %sub3A_20 : vector<2000x128xf32>
    %reduce_sum3A_21 = arith.constant dense<0.000000e+00> : vector<2000xf32>
    %reduce_sum3A_22 = vector.multi_reduction <add>, %integer_pow3A, %reduce_sum3A_21 [1] : vector<2000x128xf32> to vector<2000xf32>
    %broadcast_in_dim3A_23 = vector.shape_cast %reduce_sum3A_22 : vector<2000xf32> to vector<2000x1xf32>
    %div3A_24 = arith.constant 1.280000e+02 : f32
    %div3A_25 = vector.broadcast %div3A_24 : f32 to vector<2000x1xf32>
    %div3A_26 = arith.divf %broadcast_in_dim3A_23, %div3A_25 : vector<2000x1xf32>
    %sub3A_27 = vector.broadcast %div3A_19 : vector<2000x1xf32> to vector<2000x128xf32>
    %sub3A_28 = arith.subf %select_n3A, %sub3A_27 : vector<2000x128xf32>
    %add3A = arith.constant 9.99999997E-7 : f32
    %add3A_29 = vector.broadcast %add3A : f32 to vector<2000x1xf32>
    %add3A_30 = arith.addf %div3A_26, %add3A_29 : vector<2000x1xf32>
    %rsqrt3A = math.rsqrt %add3A_30 : vector<2000x1xf32>
    %mul3A = vector.broadcast %rsqrt3A : vector<2000x1xf32> to vector<2000x128xf32>
    %mul3A_31 = arith.mulf %sub3A_28, %mul3A : vector<2000x128xf32>
    %mul3A_32 = vector.broadcast %get3A_12 : vector<1x128xf32> to vector<2000x128xf32>
    %mul3A_33 = arith.mulf %mul3A_31, %mul3A_32 : vector<2000x128xf32>
    %add3A_34 = vector.broadcast %get3A_15 : vector<1x128xf32> to vector<2000x128xf32>
    %add3A_35 = arith.addf %mul3A_33, %add3A_34 : vector<2000x128xf32>
    %get3A_36 = arith.constant 0 : index
    %get3A_37 = arith.constant 0 : index
    %get3A_38 = vector.load %arg5[%get3A_36, %get3A_37] : memref<128x32xf32, #tpu.memory_space<vmem>>, vector<128x32xf32>
    %dot_general3A = arith.constant dense<0.000000e+00> : vector<2000x32xf32>
    %dot_general3A_39 = tpu.matmul %add3A_35, %get3A_38, %dot_general3A {dimension_numbers = #tpu.dot_dimension_numbers<[1], [0], [0], [1], [0, 0, 1, 1], [], []>, transpose_lhs_hint = false} : vector<2000x128xf32>, vector<128x32xf32>, vector<2000x32xf32> -> vector<2000x32xf32>
    %swap3A = arith.constant 0 : index
    %swap3A_40 = arith.constant 0 : index
    %swap3A_41 = vector.load %arg11[%swap3A, %swap3A_40] : memref<2000x32xf32, #tpu.memory_space<vmem>>, vector<2000x32xf32>
    tpu.vector_store %arg11[%swap3A, %swap3A_40], %dot_general3A_39 {strides = array<i32>} : memref<2000x32xf32, #tpu.memory_space<vmem>>, vector<2000x32xf32>,
    %get3A_42 = arith.constant 0 : index
    %get3A_43 = arith.constant 0 : index
    %get3A_44 = vector.load %arg6[%get3A_42, %get3A_43] : memref<128x32xf32, #tpu.memory_space<vmem>>, vector<128x32xf32>
    %dot_general3A_45 = arith.constant dense<0.000000e+00> : vector<2000x32xf32>
    %dot_general3A_46 = tpu.matmul %add3A_35, %get3A_44, %dot_general3A_45 {dimension_numbers = #tpu.dot_dimension_numbers<[1], [0], [0], [1], [0, 0, 1, 1], [], []>, transpose_lhs_hint = false} : vector<2000x128xf32>, vector<128x32xf32>, vector<2000x32xf32> -> vector<2000x32xf32>
    %swap3A_47 = arith.constant 0 : index
    %swap3A_48 = arith.constant 0 : index
    %swap3A_49 = vector.load %arg12[%swap3A_47, %swap3A_48] : memref<2000x32xf32, #tpu.memory_space<vmem>>, vector<2000x32xf32>
    tpu.vector_store %arg12[%swap3A_47, %swap3A_48], %dot_general3A_46 {strides = array<i32>} : memref<2000x32xf32, #tpu.memory_space<vmem>>, vector<2000x32xf32>,
    %get3A_50 = arith.constant 0 : index
    %get3A_51 = arith.constant 0 : index
    %get3A_52 = vector.load %arg7[%get3A_50, %get3A_51] : memref<128x64xf32, #tpu.memory_space<vmem>>, vector<128x64xf32>
    %dot_general3A_53 = arith.constant dense<0.000000e+00> : vector<2000x64xf32>
    %dot_general3A_54 = tpu.matmul %add3A_35, %get3A_52, %dot_general3A_53 {dimension_numbers = #tpu.dot_dimension_numbers<[1], [0], [0], [1], [0, 0, 1, 1], [], []>, transpose_lhs_hint = false} : vector<2000x128xf32>, vector<128x64xf32>, vector<2000x64xf32> -> vector<2000x64xf32>
    %get3A_55 = arith.constant 0 : index
    %get3A_56 = arith.constant 0 : index
    %get3A_57 = vector.load %arg8[%get3A_55, %get3A_56] : memref<1x64xf32, #tpu.memory_space<vmem>>, vector<1x64xf32>
    %add3A_58 = vector.broadcast %get3A_57 : vector<1x64xf32> to vector<2000x64xf32>
    %add3A_59 = arith.addf %dot_general3A_54, %add3A_58 : vector<2000x64xf32>
    %get3A_60 = arith.constant 0 : index
    %get3A_61 = arith.constant 0 : index
    %get3A_62 = vector.load %arg9[%get3A_60, %get3A_61] : memref<64x64xf32, #tpu.memory_space<vmem>>, vector<64x64xf32>
    %dot_general3A_63 = arith.constant dense<0.000000e+00> : vector<2000x64xf32>
    %dot_general3A_64 = tpu.matmul %add3A_59, %get3A_62, %dot_general3A_63 {dimension_numbers = #tpu.dot_dimension_numbers<[1], [0], [0], [1], [0, 0, 1, 1], [], []>, transpose_lhs_hint = false} : vector<2000x64xf32>, vector<64x64xf32>, vector<2000x64xf32> -> vector<2000x64xf32>
    %get3A_65 = arith.constant 0 : index
    %get3A_66 = arith.constant 0 : index
    %get3A_67 = vector.load %arg10[%get3A_65, %get3A_66] : memref<1x64xf32, #tpu.memory_space<vmem>>, vector<1x64xf32>
    %add3A_68 = vector.broadcast %get3A_67 : vector<1x64xf32> to vector<2000x64xf32>
    %add3A_69 = arith.addf %dot_general3A_64, %add3A_68 : vector<2000x64xf32>
    %logistic3A = arith.negf %add3A_69 : vector<2000x64xf32>
    %logistic3A_70 = math.exp %logistic3A : vector<2000x64xf32>
    %logistic3A_71 = arith.constant 1.000000e+00 : f32
    %logistic3A_72 = vector.broadcast %logistic3A_71 : f32 to vector<2000x64xf32>
    %logistic3A_73 = arith.addf %logistic3A_72, %logistic3A_70 : vector<2000x64xf32>
    %logistic3A_74 = arith.divf %logistic3A_72, %logistic3A_73 : vector<2000x64xf32>
    %swap3A_75 = arith.constant 0 : index
    %swap3A_76 = arith.constant 0 : index
    %swap3A_77 = vector.load %arg13[%swap3A_75, %swap3A_76] : memref<2000x64xf32, #tpu.memory_space<vmem>>, vector<2000x64xf32>
    tpu.vector_store %arg13[%swap3A_75, %swap3A_76], %logistic3A_74 {strides = array<i32>} : memref<2000x64xf32, #tpu.memory_space<vmem>>, vector<2000x64xf32>,
    %mul3A_78 = arith.mulf %logistic3A_74, %add3A_59 : vector<2000x64xf32>
    %swap3A_79 = arith.constant 0 : index
    %swap3A_80 = arith.constant 0 : index
    %swap3A_81 = vector.load %arg14[%swap3A_79, %swap3A_80] : memref<2000x64xf32, #tpu.memory_space<vmem>>, vector<2000x64xf32>
    tpu.vector_store %arg14[%swap3A_79, %swap3A_80], %mul3A_78 {strides = array<i32>} : memref<2000x64xf32, #tpu.memory_space<vmem>>, vector<2000x64xf32>,
    return
  }
  func.func @transform_0(%arg0: i32) -> (i32, i32) {
    %c0_i32 = arith.constant 0 : i32
    %c0_i32_0 = arith.constant 0 : i32
    return %arg0, %c0_i32 : i32, i32
  }
  func.func @transform_1(%arg0: i32) -> (i32, i32) {
    %c0_i32 = arith.constant 0 : i32
    %c0_i32_0 = arith.constant 0 : i32
    %c0_i32_1 = arith.constant 0 : i32
    return %c0_i32, %c0_i32_0 : i32, i32
  }
  func.func @transform_2(%arg0: i32) -> (i32, i32) {
    %c0_i32 = arith.constant 0 : i32
    %c0_i32_0 = arith.constant 0 : i32
    %c0_i32_1 = arith.constant 0 : i32
    return %c0_i32, %c0_i32_0 : i32, i32
  }
  func.func @transform_3(%arg0: i32) -> (i32, i32) {
    %c0_i32 = arith.constant 0 : i32
    %c0_i32_0 = arith.constant 0 : i32
    %c0_i32_1 = arith.constant 0 : i32
    return %c0_i32, %c0_i32_0 : i32, i32
  }
  func.func @transform_4(%arg0: i32) -> (i32, i32) {
    %c0_i32 = arith.constant 0 : i32
    %c0_i32_0 = arith.constant 0 : i32
    %c0_i32_1 = arith.constant 0 : i32
    return %c0_i32, %c0_i32_0 : i32, i32
  }
  func.func @transform_5(%arg0: i32) -> (i32, i32) {
    %c0_i32 = arith.constant 0 : i32
    %c0_i32_0 = arith.constant 0 : i32
    %c0_i32_1 = arith.constant 0 : i32
    return %c0_i32, %c0_i32_0 : i32, i32
  }
  func.func @transform_6(%arg0: i32) -> (i32, i32) {
    %c0_i32 = arith.constant 0 : i32
    %c0_i32_0 = arith.constant 0 : i32
    %c0_i32_1 = arith.constant 0 : i32
    return %c0_i32, %c0_i32_0 : i32, i32
  }
  func.func @transform_7(%arg0: i32) -> (i32, i32) {
    %c0_i32 = arith.constant 0 : i32
    %c0_i32_0 = arith.constant 0 : i32
    %c0_i32_1 = arith.constant 0 : i32
    return %c0_i32, %c0_i32_0 : i32, i32
  }
  func.func @transform_8(%arg0: i32) -> (i32, i32) {
    %c0_i32 = arith.constant 0 : i32
    %c0_i32_0 = arith.constant 0 : i32
    %c0_i32_1 = arith.constant 0 : i32
    return %c0_i32, %c0_i32_0 : i32, i32
  }
  func.func @transform_9(%arg0: i32) -> (i32, i32) {
    %c0_i32 = arith.constant 0 : i32
    %c0_i32_0 = arith.constant 0 : i32
    %c0_i32_1 = arith.constant 0 : i32
    return %c0_i32, %c0_i32_0 : i32, i32
  }
  func.func @transform_10(%arg0: i32) -> (i32, i32) {
    %c0_i32 = arith.constant 0 : i32
    %c0_i32_0 = arith.constant 0 : i32
    return %arg0, %c0_i32 : i32, i32
  }
  func.func @transform_11(%arg0: i32) -> (i32, i32) {
    %c0_i32 = arith.constant 0 : i32
    %c0_i32_0 = arith.constant 0 : i32
    return %arg0, %c0_i32 : i32, i32
  }
  func.func @transform_12(%arg0: i32) -> (i32, i32) {
    %c0_i32 = arith.constant 0 : i32
    %c0_i32_0 = arith.constant 0 : i32
    return %arg0, %c0_i32 : i32, i32
  }
  func.func @transform_13(%arg0: i32) -> (i32, i32) {
    %c0_i32 = arith.constant 0 : i32
    %c0_i32_0 = arith.constant 0 : i32
    return %arg0, %c0_i32 : i32, i32
  }
}

module attributes {stable_mosaic.version = 14 : i64} {
  func.func @_mlp1_body(%arg0: i32, %arg1: memref<4000x128xf32, #tpu.memory_space<vmem>>, %arg2: memref<4000x16xf32, #tpu.memory_space<vmem>>, %arg3: memref<1x16xf32, #tpu.memory_space<vmem>>, %arg4: memref<1x16xf32, #tpu.memory_space<vmem>>, %arg5: memref<16x64xf32, #tpu.memory_space<vmem>>, %arg6: memref<1x64xf32, #tpu.memory_space<vmem>>, %arg7: memref<64x128xf32, #tpu.memory_space<vmem>>, %arg8: memref<1x128xf32, #tpu.memory_space<vmem>>, %arg9: memref<128x64xf32, #tpu.memory_space<vmem>>, %arg10: memref<1x64xf32, #tpu.memory_space<vmem>>, %arg11: memref<16x16xf32, #tpu.memory_space<vmem>>, %arg12: memref<1x16xf32, #tpu.memory_space<vmem>>, %arg13: memref<16x1xf32, #tpu.memory_space<vmem>>, %arg14: memref<1x1xf32, #tpu.memory_space<vmem>>, %arg15: memref<64x32xf32, #tpu.memory_space<vmem>>, %arg16: memref<1x32xf32, #tpu.memory_space<vmem>>, %arg17: memref<32x32xf32, #tpu.memory_space<vmem>>, %arg18: memref<1x32xf32, #tpu.memory_space<vmem>>, %arg19: memref<32x32xf32, #tpu.memory_space<vmem>>, %arg20: memref<1x32xf32, #tpu.memory_space<vmem>>, %arg21: memref<4000x128xf32, #tpu.memory_space<vmem>>, %arg22: memref<4000x64xf32, #tpu.memory_space<vmem>>) attributes {dimension_semantics = [#tpu.dimension_semantics<arbitrary>], iteration_bounds = array<i64: 80>, scalar_prefetch = 0 : i64, scratch_operands = 0 : i64, tpu.core_type = #tpu.core_type<tc>, window_params = [{transform_indices = @transform_0, window_bounds = array<i64: 4000, 128>}, {transform_indices = @transform_1, window_bounds = array<i64: 4000, 16>}, {pipeline_mode = #tpu.pipeline_mode<synchronous>, transform_indices = @transform_2, window_bounds = array<i64: 1, 16>}, {pipeline_mode = #tpu.pipeline_mode<synchronous>, transform_indices = @transform_3, window_bounds = array<i64: 1, 16>}, {pipeline_mode = #tpu.pipeline_mode<synchronous>, transform_indices = @transform_4, window_bounds = array<i64: 16, 64>}, {pipeline_mode = #tpu.pipeline_mode<synchronous>, transform_indices = @transform_5, window_bounds = array<i64: 1, 64>}, {pipeline_mode = #tpu.pipeline_mode<synchronous>, transform_indices = @transform_6, window_bounds = array<i64: 64, 128>}, {pipeline_mode = #tpu.pipeline_mode<synchronous>, transform_indices = @transform_7, window_bounds = array<i64: 1, 128>}, {pipeline_mode = #tpu.pipeline_mode<synchronous>, transform_indices = @transform_8, window_bounds = array<i64: 128, 64>}, {pipeline_mode = #tpu.pipeline_mode<synchronous>, transform_indices = @transform_9, window_bounds = array<i64: 1, 64>}, {pipeline_mode = #tpu.pipeline_mode<synchronous>, transform_indices = @transform_10, window_bounds = array<i64: 16, 16>}, {pipeline_mode = #tpu.pipeline_mode<synchronous>, transform_indices = @transform_11, window_bounds = array<i64: 1, 16>}, {pipeline_mode = #tpu.pipeline_mode<synchronous>, transform_indices = @transform_12, window_bounds = array<i64: 16, 1>}, {pipeline_mode = #tpu.pipeline_mode<synchronous>, transform_indices = @transform_13, window_bounds = array<i64: 1, 1>}, {pipeline_mode = #tpu.pipeline_mode<synchronous>, transform_indices = @transform_14, window_bounds = array<i64: 64, 32>}, {pipeline_mode = #tpu.pipeline_mode<synchronous>, transform_indices = @transform_15, window_bounds = array<i64: 1, 32>}, {pipeline_mode = #tpu.pipeline_mode<synchronous>, transform_indices = @transform_16, window_bounds = array<i64: 32, 32>}, {pipeline_mode = #tpu.pipeline_mode<synchronous>, transform_indices = @transform_17, window_bounds = array<i64: 1, 32>}, {pipeline_mode = #tpu.pipeline_mode<synchronous>, transform_indices = @transform_18, window_bounds = array<i64: 32, 32>}, {pipeline_mode = #tpu.pipeline_mode<synchronous>, transform_indices = @transform_19, window_bounds = array<i64: 1, 32>}, {transform_indices = @transform_20, window_bounds = array<i64: 4000, 128>}, {transform_indices = @transform_21, window_bounds = array<i64: 4000, 64>}]} {
    %get3A = arith.constant 0 : index
    %get3A_0 = arith.constant 0 : index
    %get3A_1 = vector.load %arg2[%get3A, %get3A_0] : memref<4000x16xf32, #tpu.memory_space<vmem>>, vector<4000x16xf32>
    %get3A_2 = arith.constant 0 : index
    %get3A_3 = arith.constant 0 : index
    %get3A_4 = vector.load %arg3[%get3A_2, %get3A_3] : memref<1x16xf32, #tpu.memory_space<vmem>>, vector<1x16xf32>
    %get3A_5 = arith.constant 0 : index
    %get3A_6 = arith.constant 0 : index
    %get3A_7 = vector.load %arg4[%get3A_5, %get3A_6] : memref<1x16xf32, #tpu.memory_space<vmem>>, vector<1x16xf32>
    %reduce_sum3A = arith.constant dense<0.000000e+00> : vector<4000xf32>
    %reduce_sum3A_8 = vector.multi_reduction <add>, %get3A_1, %reduce_sum3A [1] : vector<4000x16xf32> to vector<4000xf32>
    %broadcast_in_dim3A = vector.shape_cast %reduce_sum3A_8 : vector<4000xf32> to vector<4000x1xf32>
    %div3A = arith.constant 1.600000e+01 : f32
    %div3A_9 = vector.broadcast %div3A : f32 to vector<4000x1xf32>
    %div3A_10 = arith.divf %broadcast_in_dim3A, %div3A_9 : vector<4000x1xf32>
    %sub3A = vector.broadcast %div3A_10 : vector<4000x1xf32> to vector<4000x16xf32>
    %sub3A_11 = arith.subf %get3A_1, %sub3A : vector<4000x16xf32>
    %integer_pow3A = arith.mulf %sub3A_11, %sub3A_11 : vector<4000x16xf32>
    %reduce_sum3A_12 = arith.constant dense<0.000000e+00> : vector<4000xf32>
    %reduce_sum3A_13 = vector.multi_reduction <add>, %integer_pow3A, %reduce_sum3A_12 [1] : vector<4000x16xf32> to vector<4000xf32>
    %broadcast_in_dim3A_14 = vector.shape_cast %reduce_sum3A_13 : vector<4000xf32> to vector<4000x1xf32>
    %div3A_15 = arith.constant 1.600000e+01 : f32
    %div3A_16 = vector.broadcast %div3A_15 : f32 to vector<4000x1xf32>
    %div3A_17 = arith.divf %broadcast_in_dim3A_14, %div3A_16 : vector<4000x1xf32>
    %sub3A_18 = vector.broadcast %div3A_10 : vector<4000x1xf32> to vector<4000x16xf32>
    %sub3A_19 = arith.subf %get3A_1, %sub3A_18 : vector<4000x16xf32>
    %add3A = arith.constant 9.99999997E-7 : f32
    %add3A_20 = vector.broadcast %add3A : f32 to vector<4000x1xf32>
    %add3A_21 = arith.addf %div3A_17, %add3A_20 : vector<4000x1xf32>
    %rsqrt3A = math.rsqrt %add3A_21 : vector<4000x1xf32>
    %mul3A = vector.broadcast %rsqrt3A : vector<4000x1xf32> to vector<4000x16xf32>
    %mul3A_22 = arith.mulf %sub3A_19, %mul3A : vector<4000x16xf32>
    %mul3A_23 = vector.broadcast %get3A_4 : vector<1x16xf32> to vector<4000x16xf32>
    %mul3A_24 = arith.mulf %mul3A_22, %mul3A_23 : vector<4000x16xf32>
    %add3A_25 = vector.broadcast %get3A_7 : vector<1x16xf32> to vector<4000x16xf32>
    %add3A_26 = arith.addf %mul3A_24, %add3A_25 : vector<4000x16xf32>
    %get3A_27 = arith.constant 0 : index
    %get3A_28 = arith.constant 0 : index
    %get3A_29 = vector.load %arg5[%get3A_27, %get3A_28] : memref<16x64xf32, #tpu.memory_space<vmem>>, vector<16x64xf32>
    %dot_general3A = arith.constant dense<0.000000e+00> : vector<4000x64xf32>
    %dot_general3A_30 = tpu.matmul %add3A_26, %get3A_29, %dot_general3A {dimension_numbers = #tpu.dot_dimension_numbers<[1], [0], [0], [1], [0, 0, 1, 1], [], []>, transpose_lhs_hint = false} : vector<4000x16xf32>, vector<16x64xf32>, vector<4000x64xf32> -> vector<4000x64xf32>
    %get3A_31 = arith.constant 0 : index
    %get3A_32 = arith.constant 0 : index
    %get3A_33 = vector.load %arg6[%get3A_31, %get3A_32] : memref<1x64xf32, #tpu.memory_space<vmem>>, vector<1x64xf32>
    %add3A_34 = vector.broadcast %get3A_33 : vector<1x64xf32> to vector<4000x64xf32>
    %add3A_35 = arith.addf %dot_general3A_30, %add3A_34 : vector<4000x64xf32>
    %max3A = arith.constant 0.000000e+00 : f32
    %max3A_36 = vector.broadcast %max3A : f32 to vector<4000x64xf32>
    %max3A_37 = arith.maximumf %add3A_35, %max3A_36 : vector<4000x64xf32>
    %get3A_38 = arith.constant 0 : index
    %get3A_39 = arith.constant 0 : index
    %get3A_40 = vector.load %arg7[%get3A_38, %get3A_39] : memref<64x128xf32, #tpu.memory_space<vmem>>, vector<64x128xf32>
    %dot_general3A_41 = arith.constant dense<0.000000e+00> : vector<4000x128xf32>
    %dot_general3A_42 = tpu.matmul %max3A_37, %get3A_40, %dot_general3A_41 {dimension_numbers = #tpu.dot_dimension_numbers<[1], [0], [0], [1], [0, 0, 1, 1], [], []>, transpose_lhs_hint = false} : vector<4000x64xf32>, vector<64x128xf32>, vector<4000x128xf32> -> vector<4000x128xf32>
    %get3A_43 = arith.constant 0 : index
    %get3A_44 = arith.constant 0 : index
    %get3A_45 = vector.load %arg8[%get3A_43, %get3A_44] : memref<1x128xf32, #tpu.memory_space<vmem>>, vector<1x128xf32>
    %add3A_46 = vector.broadcast %get3A_45 : vector<1x128xf32> to vector<4000x128xf32>
    %add3A_47 = arith.addf %dot_general3A_42, %add3A_46 : vector<4000x128xf32>
    %max3A_48 = arith.constant 0.000000e+00 : f32
    %max3A_49 = vector.broadcast %max3A_48 : f32 to vector<4000x128xf32>
    %max3A_50 = arith.maximumf %add3A_47, %max3A_49 : vector<4000x128xf32>
    %get3A_51 = arith.constant 0 : index
    %get3A_52 = arith.constant 0 : index
    %get3A_53 = vector.load %arg9[%get3A_51, %get3A_52] : memref<128x64xf32, #tpu.memory_space<vmem>>, vector<128x64xf32>
    %dot_general3A_54 = arith.constant dense<0.000000e+00> : vector<4000x64xf32>
    %dot_general3A_55 = tpu.matmul %max3A_50, %get3A_53, %dot_general3A_54 {dimension_numbers = #tpu.dot_dimension_numbers<[1], [0], [0], [1], [0, 0, 1, 1], [], []>, transpose_lhs_hint = false} : vector<4000x128xf32>, vector<128x64xf32>, vector<4000x64xf32> -> vector<4000x64xf32>
    %get3A_56 = arith.constant 0 : index
    %get3A_57 = arith.constant 0 : index
    %get3A_58 = vector.load %arg10[%get3A_56, %get3A_57] : memref<1x64xf32, #tpu.memory_space<vmem>>, vector<1x64xf32>
    %add3A_59 = vector.broadcast %get3A_58 : vector<1x64xf32> to vector<4000x64xf32>
    %add3A_60 = arith.addf %dot_general3A_55, %add3A_59 : vector<4000x64xf32>
    %get3A_61 = arith.constant 0 : index
    %get3A_62 = arith.constant 0 : index
    %get3A_63 = vector.load %arg11[%get3A_61, %get3A_62] : memref<16x16xf32, #tpu.memory_space<vmem>>, vector<16x16xf32>
    %dot_general3A_64 = arith.constant dense<0.000000e+00> : vector<4000x16xf32>
    %dot_general3A_65 = tpu.matmul %get3A_1, %get3A_63, %dot_general3A_64 {dimension_numbers = #tpu.dot_dimension_numbers<[1], [0], [0], [1], [0, 0, 1, 1], [], []>, transpose_lhs_hint = false} : vector<4000x16xf32>, vector<16x16xf32>, vector<4000x16xf32> -> vector<4000x16xf32>
    %get3A_66 = arith.constant 0 : index
    %get3A_67 = arith.constant 0 : index
    %get3A_68 = vector.load %arg12[%get3A_66, %get3A_67] : memref<1x16xf32, #tpu.memory_space<vmem>>, vector<1x16xf32>
    %add3A_69 = vector.broadcast %get3A_68 : vector<1x16xf32> to vector<4000x16xf32>
    %add3A_70 = arith.addf %dot_general3A_65, %add3A_69 : vector<4000x16xf32>
    %max3A_71 = arith.constant 0.000000e+00 : f32
    %max3A_72 = vector.broadcast %max3A_71 : f32 to vector<4000x16xf32>
    %max3A_73 = arith.maximumf %add3A_70, %max3A_72 : vector<4000x16xf32>
    %get3A_74 = arith.constant 0 : index
    %get3A_75 = arith.constant 0 : index
    %get3A_76 = vector.load %arg13[%get3A_74, %get3A_75] : memref<16x1xf32, #tpu.memory_space<vmem>>, vector<16x1xf32>
    %dot_general3A_77 = arith.constant dense<0.000000e+00> : vector<4000x1xf32>
    %dot_general3A_78 = tpu.matmul %max3A_73, %get3A_76, %dot_general3A_77 {dimension_numbers = #tpu.dot_dimension_numbers<[1], [0], [0], [1], [0, 0, 1, 1], [], []>, transpose_lhs_hint = false} : vector<4000x16xf32>, vector<16x1xf32>, vector<4000x1xf32> -> vector<4000x1xf32>
    %get3A_79 = arith.constant 0 : index
    %get3A_80 = arith.constant 0 : index
    %get3A_81 = vector.load %arg14[%get3A_79, %get3A_80] : memref<1x1xf32, #tpu.memory_space<vmem>>, vector<1x1xf32>
    %add3A_82 = vector.broadcast %get3A_81 : vector<1x1xf32> to vector<4000x1xf32>
    %add3A_83 = arith.addf %dot_general3A_78, %add3A_82 : vector<4000x1xf32>
    %logistic3A = arith.negf %add3A_83 : vector<4000x1xf32>
    %logistic3A_84 = math.exp %logistic3A : vector<4000x1xf32>
    %logistic3A_85 = arith.constant 1.000000e+00 : f32
    %logistic3A_86 = vector.broadcast %logistic3A_85 : f32 to vector<4000x1xf32>
    %logistic3A_87 = arith.addf %logistic3A_86, %logistic3A_84 : vector<4000x1xf32>
    %logistic3A_88 = arith.divf %logistic3A_86, %logistic3A_87 : vector<4000x1xf32>
    %mul3A_89 = vector.broadcast %logistic3A_88 : vector<4000x1xf32> to vector<4000x64xf32>
    %mul3A_90 = arith.mulf %add3A_60, %mul3A_89 : vector<4000x64xf32>
    %swap3A = arith.constant 0 : index
    %swap3A_91 = arith.constant 0 : index
    %swap3A_92 = vector.load %arg22[%swap3A, %swap3A_91] : memref<4000x64xf32, #tpu.memory_space<vmem>>, vector<4000x64xf32>
    tpu.vector_store %arg22[%swap3A, %swap3A_91], %mul3A_90 {strides = array<i32>} : memref<4000x64xf32, #tpu.memory_space<vmem>>, vector<4000x64xf32>,
    %get3A_93 = arith.constant 0 : index
    %get3A_94 = arith.constant 0 : index
    %get3A_95 = vector.load %arg1[%get3A_93, %get3A_94] : memref<4000x128xf32, #tpu.memory_space<vmem>>, vector<4000x128xf32>
    %slice3A = vector.extract_strided_slice %get3A_95 {offsets = [0, 0], sizes = [4000, 32], strides = [1, 1]} : vector<4000x128xf32> to vector<4000x32xf32>
    %get3A_96 = arith.constant 0 : index
    %get3A_97 = arith.constant 0 : index
    %get3A_98 = vector.load %arg15[%get3A_96, %get3A_97] : memref<64x32xf32, #tpu.memory_space<vmem>>, vector<64x32xf32>
    %dot_general3A_99 = arith.constant dense<0.000000e+00> : vector<4000x32xf32>
    %dot_general3A_100 = tpu.matmul %mul3A_90, %get3A_98, %dot_general3A_99 {dimension_numbers = #tpu.dot_dimension_numbers<[1], [0], [0], [1], [0, 0, 1, 1], [], []>, transpose_lhs_hint = false} : vector<4000x64xf32>, vector<64x32xf32>, vector<4000x32xf32> -> vector<4000x32xf32>
    %add3A_101 = arith.addf %slice3A, %dot_general3A_100 : vector<4000x32xf32>
    %get3A_102 = arith.constant 0 : index
    %get3A_103 = arith.constant 0 : index
    %get3A_104 = vector.load %arg16[%get3A_102, %get3A_103] : memref<1x32xf32, #tpu.memory_space<vmem>>, vector<1x32xf32>
    %add3A_105 = vector.broadcast %get3A_104 : vector<1x32xf32> to vector<4000x32xf32>
    %add3A_106 = arith.addf %add3A_101, %add3A_105 : vector<4000x32xf32>
    %max3A_107 = arith.constant 0.000000e+00 : f32
    %max3A_108 = vector.broadcast %max3A_107 : f32 to vector<4000x32xf32>
    %max3A_109 = arith.maximumf %add3A_106, %max3A_108 : vector<4000x32xf32>
    %get3A_110 = arith.constant 0 : index
    %get3A_111 = arith.constant 0 : index
    %get3A_112 = vector.load %arg17[%get3A_110, %get3A_111] : memref<32x32xf32, #tpu.memory_space<vmem>>, vector<32x32xf32>
    %dot_general3A_113 = arith.constant dense<0.000000e+00> : vector<4000x32xf32>
    %dot_general3A_114 = tpu.matmul %max3A_109, %get3A_112, %dot_general3A_113 {dimension_numbers = #tpu.dot_dimension_numbers<[1], [0], [0], [1], [0, 0, 1, 1], [], []>, transpose_lhs_hint = false} : vector<4000x32xf32>, vector<32x32xf32>, vector<4000x32xf32> -> vector<4000x32xf32>
    %get3A_115 = arith.constant 0 : index
    %get3A_116 = arith.constant 0 : index
    %get3A_117 = vector.load %arg18[%get3A_115, %get3A_116] : memref<1x32xf32, #tpu.memory_space<vmem>>, vector<1x32xf32>
    %add3A_118 = vector.broadcast %get3A_117 : vector<1x32xf32> to vector<4000x32xf32>
    %add3A_119 = arith.addf %dot_general3A_114, %add3A_118 : vector<4000x32xf32>
    %max3A_120 = arith.constant 0.000000e+00 : f32
    %max3A_121 = vector.broadcast %max3A_120 : f32 to vector<4000x32xf32>
    %max3A_122 = arith.maximumf %add3A_119, %max3A_121 : vector<4000x32xf32>
    %get3A_123 = arith.constant 0 : index
    %get3A_124 = arith.constant 0 : index
    %get3A_125 = vector.load %arg19[%get3A_123, %get3A_124] : memref<32x32xf32, #tpu.memory_space<vmem>>, vector<32x32xf32>
    %dot_general3A_126 = arith.constant dense<0.000000e+00> : vector<4000x32xf32>
    %dot_general3A_127 = tpu.matmul %max3A_122, %get3A_125, %dot_general3A_126 {dimension_numbers = #tpu.dot_dimension_numbers<[1], [0], [0], [1], [0, 0, 1, 1], [], []>, transpose_lhs_hint = false} : vector<4000x32xf32>, vector<32x32xf32>, vector<4000x32xf32> -> vector<4000x32xf32>
    %get3A_128 = arith.constant 0 : index
    %get3A_129 = arith.constant 0 : index
    %get3A_130 = vector.load %arg20[%get3A_128, %get3A_129] : memref<1x32xf32, #tpu.memory_space<vmem>>, vector<1x32xf32>
    %add3A_131 = vector.broadcast %get3A_130 : vector<1x32xf32> to vector<4000x32xf32>
    %add3A_132 = arith.addf %dot_general3A_127, %add3A_131 : vector<4000x32xf32>
    %iota3A = tpu.iota {dimensions = array<i32: 1>} : vector<4000x96xi32>
    %eq3A = arith.constant 0 : i32
    %eq3A_133 = vector.broadcast %eq3A : i32 to vector<4000x96xi32>
    %eq3A_134 = arith.cmpi eq, %iota3A, %eq3A_133 : vector<4000x96xi32>
    %jit3A = arith.constant 1.000000e+00 : f32
    %jit3A_135 = arith.constant 0.000000e+00 : f32
    %broadcast_in_dim3A_136 = vector.broadcast %jit3A : f32 to vector<4000x96xf32>
    %broadcast_in_dim3A_137 = vector.broadcast %jit3A_135 : f32 to vector<4000x96xf32>
    %select_n3A = arith.select %eq3A_134, %broadcast_in_dim3A_136, %broadcast_in_dim3A_137 : vector<4000x96xi1>, vector<4000x96xf32>
    %concatenate3A = tpu.concatenate %add3A_132, %select_n3A in 1 : vector<4000x32xf32>, vector<4000x96xf32> -> vector<4000x128xf32>
    %swap3A_138 = arith.constant 0 : index
    %swap3A_139 = arith.constant 0 : index
    %swap3A_140 = vector.load %arg21[%swap3A_138, %swap3A_139] : memref<4000x128xf32, #tpu.memory_space<vmem>>, vector<4000x128xf32>
    tpu.vector_store %arg21[%swap3A_138, %swap3A_139], %concatenate3A {strides = array<i32>} : memref<4000x128xf32, #tpu.memory_space<vmem>>, vector<4000x128xf32>,
    return
  }
  func.func @transform_0(%arg0: i32) -> (i32, i32) {
    %c0_i32 = arith.constant 0 : i32
    %c0_i32_0 = arith.constant 0 : i32
    return %arg0, %c0_i32 : i32, i32
  }
  func.func @transform_1(%arg0: i32) -> (i32, i32) {
    %c0_i32 = arith.constant 0 : i32
    %c0_i32_0 = arith.constant 0 : i32
    return %arg0, %c0_i32 : i32, i32
  }
  func.func @transform_2(%arg0: i32) -> (i32, i32) {
    %c0_i32 = arith.constant 0 : i32
    %c0_i32_0 = arith.constant 0 : i32
    %c0_i32_1 = arith.constant 0 : i32
    return %c0_i32, %c0_i32_0 : i32, i32
  }
  func.func @transform_3(%arg0: i32) -> (i32, i32) {
    %c0_i32 = arith.constant 0 : i32
    %c0_i32_0 = arith.constant 0 : i32
    %c0_i32_1 = arith.constant 0 : i32
    return %c0_i32, %c0_i32_0 : i32, i32
  }
  func.func @transform_4(%arg0: i32) -> (i32, i32) {
    %c0_i32 = arith.constant 0 : i32
    %c0_i32_0 = arith.constant 0 : i32
    %c0_i32_1 = arith.constant 0 : i32
    return %c0_i32, %c0_i32_0 : i32, i32
  }
  func.func @transform_5(%arg0: i32) -> (i32, i32) {
    %c0_i32 = arith.constant 0 : i32
    %c0_i32_0 = arith.constant 0 : i32
    %c0_i32_1 = arith.constant 0 : i32
    return %c0_i32, %c0_i32_0 : i32, i32
  }
  func.func @transform_6(%arg0: i32) -> (i32, i32) {
    %c0_i32 = arith.constant 0 : i32
    %c0_i32_0 = arith.constant 0 : i32
    %c0_i32_1 = arith.constant 0 : i32
    return %c0_i32, %c0_i32_0 : i32, i32
  }
  func.func @transform_7(%arg0: i32) -> (i32, i32) {
    %c0_i32 = arith.constant 0 : i32
    %c0_i32_0 = arith.constant 0 : i32
    %c0_i32_1 = arith.constant 0 : i32
    return %c0_i32, %c0_i32_0 : i32, i32
  }
  func.func @transform_8(%arg0: i32) -> (i32, i32) {
    %c0_i32 = arith.constant 0 : i32
    %c0_i32_0 = arith.constant 0 : i32
    %c0_i32_1 = arith.constant 0 : i32
    return %c0_i32, %c0_i32_0 : i32, i32
  }
  func.func @transform_9(%arg0: i32) -> (i32, i32) {
    %c0_i32 = arith.constant 0 : i32
    %c0_i32_0 = arith.constant 0 : i32
    %c0_i32_1 = arith.constant 0 : i32
    return %c0_i32, %c0_i32_0 : i32, i32
  }
  func.func @transform_10(%arg0: i32) -> (i32, i32) {
    %c0_i32 = arith.constant 0 : i32
    %c0_i32_0 = arith.constant 0 : i32
    %c0_i32_1 = arith.constant 0 : i32
    return %c0_i32, %c0_i32_0 : i32, i32
  }
  func.func @transform_11(%arg0: i32) -> (i32, i32) {
    %c0_i32 = arith.constant 0 : i32
    %c0_i32_0 = arith.constant 0 : i32
    %c0_i32_1 = arith.constant 0 : i32
    return %c0_i32, %c0_i32_0 : i32, i32
  }
  func.func @transform_12(%arg0: i32) -> (i32, i32) {
    %c0_i32 = arith.constant 0 : i32
    %c0_i32_0 = arith.constant 0 : i32
    %c0_i32_1 = arith.constant 0 : i32
    return %c0_i32, %c0_i32_0 : i32, i32
  }
  func.func @transform_13(%arg0: i32) -> (i32, i32) {
    %c0_i32 = arith.constant 0 : i32
    %c0_i32_0 = arith.constant 0 : i32
    %c0_i32_1 = arith.constant 0 : i32
    return %c0_i32, %c0_i32_0 : i32, i32
  }
  func.func @transform_14(%arg0: i32) -> (i32, i32) {
    %c0_i32 = arith.constant 0 : i32
    %c0_i32_0 = arith.constant 0 : i32
    %c0_i32_1 = arith.constant 0 : i32
    return %c0_i32, %c0_i32_0 : i32, i32
  }
  func.func @transform_15(%arg0: i32) -> (i32, i32) {
    %c0_i32 = arith.constant 0 : i32
    %c0_i32_0 = arith.constant 0 : i32
    %c0_i32_1 = arith.constant 0 : i32
    return %c0_i32, %c0_i32_0 : i32, i32
  }
  func.func @transform_16(%arg0: i32) -> (i32, i32) {
    %c0_i32 = arith.constant 0 : i32
    %c0_i32_0 = arith.constant 0 : i32
    %c0_i32_1 = arith.constant 0 : i32
    return %c0_i32, %c0_i32_0 : i32, i32
  }
  func.func @transform_17(%arg0: i32) -> (i32, i32) {
    %c0_i32 = arith.constant 0 : i32
    %c0_i32_0 = arith.constant 0 : i32
    %c0_i32_1 = arith.constant 0 : i32
    return %c0_i32, %c0_i32_0 : i32, i32
  }
  func.func @transform_18(%arg0: i32) -> (i32, i32) {
    %c0_i32 = arith.constant 0 : i32
    %c0_i32_0 = arith.constant 0 : i32
    %c0_i32_1 = arith.constant 0 : i32
    return %c0_i32, %c0_i32_0 : i32, i32
  }
  func.func @transform_19(%arg0: i32) -> (i32, i32) {
    %c0_i32 = arith.constant 0 : i32
    %c0_i32_0 = arith.constant 0 : i32
    %c0_i32_1 = arith.constant 0 : i32
    return %c0_i32, %c0_i32_0 : i32, i32
  }
  func.func @transform_20(%arg0: i32) -> (i32, i32) {
    %c0_i32 = arith.constant 0 : i32
    %c0_i32_0 = arith.constant 0 : i32
    return %arg0, %c0_i32 : i32, i32
  }
  func.func @transform_21(%arg0: i32) -> (i32, i32) {
    %c0_i32 = arith.constant 0 : i32
    %c0_i32_0 = arith.constant 0 : i32
    return %arg0, %c0_i32 : i32, i32
  }
}

module attributes {stable_mosaic.version = 14 : i64} {
  func.func @_x1_body(%arg0: i32, %arg1: memref<1x2000x128xf32, #tpu.memory_space<vmem>>, %arg2: memref<1x2000x128xf32, #tpu.memory_space<vmem>>, %arg3: memref<1x32xf32, #tpu.memory_space<vmem>>, %arg4: memref<1x32xf32, #tpu.memory_space<vmem>>, %arg5: memref<32x64xf32, #tpu.memory_space<vmem>>, %arg6: memref<32x64xf32, #tpu.memory_space<vmem>>, %arg7: memref<2000x64xf32, #tpu.memory_space<vmem>>, %arg8: memref<2000x64xf32, #tpu.memory_space<vmem>>, %arg9: memref<2000x1xf32, #tpu.memory_space<vmem>>) attributes {dimension_semantics = [#tpu.dimension_semantics<arbitrary>], iteration_bounds = array<i64: 5>, scalar_prefetch = 0 : i64, scratch_operands = 0 : i64, tpu.core_type = #tpu.core_type<tc>, window_params = [{transform_indices = @transform_0, window_bounds = array<i64: 1, 2000, 128>}, {transform_indices = @transform_1, window_bounds = array<i64: 1, 2000, 128>}, {pipeline_mode = #tpu.pipeline_mode<synchronous>, transform_indices = @transform_2, window_bounds = array<i64: 1, 32>}, {pipeline_mode = #tpu.pipeline_mode<synchronous>, transform_indices = @transform_3, window_bounds = array<i64: 1, 32>}, {pipeline_mode = #tpu.pipeline_mode<synchronous>, transform_indices = @transform_4, window_bounds = array<i64: 32, 64>}, {pipeline_mode = #tpu.pipeline_mode<synchronous>, transform_indices = @transform_5, window_bounds = array<i64: 32, 64>}, {transform_indices = @transform_6, window_bounds = array<i64: 2000, 64>}, {transform_indices = @transform_7, window_bounds = array<i64: 2000, 64>}, {transform_indices = @transform_8, window_bounds = array<i64: 2000, 1>}]} {
    %get3A = arith.constant 0 : index
    %get3A_0 = arith.constant 0 : index
    %get3A_1 = arith.constant 0 : index
    %get3A_2 = vector.load %arg1[%get3A, %get3A_0, %get3A_1] : memref<1x2000x128xf32, #tpu.memory_space<vmem>>, vector<1x2000x128xf32>
    %get3A_3 = vector.shape_cast %get3A_2 : vector<1x2000x128xf32> to vector<2000x128xf32>
    %get3A_4 = arith.constant 0 : index
    %get3A_5 = arith.constant 0 : index
    %get3A_6 = arith.constant 0 : index
    %get3A_7 = vector.load %arg2[%get3A_4, %get3A_5, %get3A_6] : memref<1x2000x128xf32, #tpu.memory_space<vmem>>, vector<1x2000x128xf32>
    %get3A_8 = vector.shape_cast %get3A_7 : vector<1x2000x128xf32> to vector<2000x128xf32>
    %add3A = arith.addf %get3A_3, %get3A_8 : vector<2000x128xf32>
    %slice3A = vector.extract_strided_slice %add3A {offsets = [0, 32], sizes = [2000, 1], strides = [1, 1]} : vector<2000x128xf32> to vector<2000x1xf32>
    %max3A = arith.constant 1.000000e+00 : f32
    %max3A_9 = vector.broadcast %max3A : f32 to vector<2000x1xf32>
    %max3A_10 = arith.maximumf %slice3A, %max3A_9 : vector<2000x1xf32>
    %div3A = arith.constant 1.000000e+00 : f32
    %div3A_11 = vector.broadcast %div3A : f32 to vector<2000x1xf32>
    %div3A_12 = arith.divf %div3A_11, %max3A_10 : vector<2000x1xf32>
    %slice3A_13 = vector.extract_strided_slice %add3A {offsets = [0, 0], sizes = [2000, 32], strides = [1, 1]} : vector<2000x128xf32> to vector<2000x32xf32>
    %mul3A = vector.broadcast %div3A_12 : vector<2000x1xf32> to vector<2000x32xf32>
    %mul3A_14 = arith.mulf %slice3A_13, %mul3A : vector<2000x32xf32>
    %get3A_15 = arith.constant 0 : index
    %get3A_16 = arith.constant 0 : index
    %get3A_17 = vector.load %arg3[%get3A_15, %get3A_16] : memref<1x32xf32, #tpu.memory_space<vmem>>, vector<1x32xf32>
    %get3A_18 = arith.constant 0 : index
    %get3A_19 = arith.constant 0 : index
    %get3A_20 = vector.load %arg4[%get3A_18, %get3A_19] : memref<1x32xf32, #tpu.memory_space<vmem>>, vector<1x32xf32>
    %reduce_sum3A = arith.constant dense<0.000000e+00> : vector<2000xf32>
    %reduce_sum3A_21 = vector.multi_reduction <add>, %mul3A_14, %reduce_sum3A [1] : vector<2000x32xf32> to vector<2000xf32>
    %broadcast_in_dim3A = vector.shape_cast %reduce_sum3A_21 : vector<2000xf32> to vector<2000x1xf32>
    %div3A_22 = arith.constant 3.200000e+01 : f32
    %div3A_23 = vector.broadcast %div3A_22 : f32 to vector<2000x1xf32>
    %div3A_24 = arith.divf %broadcast_in_dim3A, %div3A_23 : vector<2000x1xf32>
    %sub3A = vector.broadcast %div3A_24 : vector<2000x1xf32> to vector<2000x32xf32>
    %sub3A_25 = arith.subf %mul3A_14, %sub3A : vector<2000x32xf32>
    %integer_pow3A = arith.mulf %sub3A_25, %sub3A_25 : vector<2000x32xf32>
    %reduce_sum3A_26 = arith.constant dense<0.000000e+00> : vector<2000xf32>
    %reduce_sum3A_27 = vector.multi_reduction <add>, %integer_pow3A, %reduce_sum3A_26 [1] : vector<2000x32xf32> to vector<2000xf32>
    %broadcast_in_dim3A_28 = vector.shape_cast %reduce_sum3A_27 : vector<2000xf32> to vector<2000x1xf32>
    %div3A_29 = arith.constant 3.200000e+01 : f32
    %div3A_30 = vector.broadcast %div3A_29 : f32 to vector<2000x1xf32>
    %div3A_31 = arith.divf %broadcast_in_dim3A_28, %div3A_30 : vector<2000x1xf32>
    %sub3A_32 = vector.broadcast %div3A_24 : vector<2000x1xf32> to vector<2000x32xf32>
    %sub3A_33 = arith.subf %mul3A_14, %sub3A_32 : vector<2000x32xf32>
    %add3A_34 = arith.constant 9.99999997E-7 : f32
    %add3A_35 = vector.broadcast %add3A_34 : f32 to vector<2000x1xf32>
    %add3A_36 = arith.addf %div3A_31, %add3A_35 : vector<2000x1xf32>
    %rsqrt3A = math.rsqrt %add3A_36 : vector<2000x1xf32>
    %mul3A_37 = vector.broadcast %rsqrt3A : vector<2000x1xf32> to vector<2000x32xf32>
    %mul3A_38 = arith.mulf %sub3A_33, %mul3A_37 : vector<2000x32xf32>
    %mul3A_39 = vector.broadcast %get3A_17 : vector<1x32xf32> to vector<2000x32xf32>
    %mul3A_40 = arith.mulf %mul3A_38, %mul3A_39 : vector<2000x32xf32>
    %add3A_41 = vector.broadcast %get3A_20 : vector<1x32xf32> to vector<2000x32xf32>
    %add3A_42 = arith.addf %mul3A_40, %add3A_41 : vector<2000x32xf32>
    %ge3A = arith.constant 0.000000e+00 : f32
    %ge3A_43 = vector.broadcast %ge3A : f32 to vector<2000x32xf32>
    %ge3A_44 = arith.cmpf oge, %add3A_42, %ge3A_43 : vector<2000x32xf32>
    %mul3A_45 = arith.constant 0.00999999977 : f32
    %mul3A_46 = vector.broadcast %mul3A_45 : f32 to vector<2000x32xf32>
    %mul3A_47 = arith.mulf %mul3A_46, %add3A_42 : vector<2000x32xf32>
    %select_n3A = arith.select %ge3A_44, %add3A_42, %mul3A_47 : vector<2000x32xi1>, vector<2000x32xf32>
    %get3A_48 = arith.constant 0 : index
    %get3A_49 = arith.constant 0 : index
    %get3A_50 = vector.load %arg5[%get3A_48, %get3A_49] : memref<32x64xf32, #tpu.memory_space<vmem>>, vector<32x64xf32>
    %dot_general3A = arith.constant dense<0.000000e+00> : vector<2000x64xf32>
    %dot_general3A_51 = tpu.matmul %select_n3A, %get3A_50, %dot_general3A {dimension_numbers = #tpu.dot_dimension_numbers<[1], [0], [0], [1], [0, 0, 1, 1], [], []>, transpose_lhs_hint = false} : vector<2000x32xf32>, vector<32x64xf32>, vector<2000x64xf32> -> vector<2000x64xf32>
    %swap3A = arith.constant 0 : index
    %swap3A_52 = arith.constant 0 : index
    %swap3A_53 = vector.load %arg7[%swap3A, %swap3A_52] : memref<2000x64xf32, #tpu.memory_space<vmem>>, vector<2000x64xf32>
    tpu.vector_store %arg7[%swap3A, %swap3A_52], %dot_general3A_51 {strides = array<i32>} : memref<2000x64xf32, #tpu.memory_space<vmem>>, vector<2000x64xf32>,
    %get3A_54 = arith.constant 0 : index
    %get3A_55 = arith.constant 0 : index
    %get3A_56 = vector.load %arg6[%get3A_54, %get3A_55] : memref<32x64xf32, #tpu.memory_space<vmem>>, vector<32x64xf32>
    %dot_general3A_57 = arith.constant dense<0.000000e+00> : vector<2000x64xf32>
    %dot_general3A_58 = tpu.matmul %select_n3A, %get3A_56, %dot_general3A_57 {dimension_numbers = #tpu.dot_dimension_numbers<[1], [0], [0], [1], [0, 0, 1, 1], [], []>, transpose_lhs_hint = false} : vector<2000x32xf32>, vector<32x64xf32>, vector<2000x64xf32> -> vector<2000x64xf32>
    %swap3A_59 = arith.constant 0 : index
    %swap3A_60 = arith.constant 0 : index
    %swap3A_61 = vector.load %arg8[%swap3A_59, %swap3A_60] : memref<2000x64xf32, #tpu.memory_space<vmem>>, vector<2000x64xf32>
    tpu.vector_store %arg8[%swap3A_59, %swap3A_60], %dot_general3A_58 {strides = array<i32>} : memref<2000x64xf32, #tpu.memory_space<vmem>>, vector<2000x64xf32>,
    %swap3A_62 = arith.constant 0 : index
    %swap3A_63 = arith.constant 0 : index
    %swap3A_64 = vector.load %arg9[%swap3A_62, %swap3A_63] : memref<2000x1xf32, #tpu.memory_space<vmem>>, vector<2000x1xf32>
    tpu.vector_store %arg9[%swap3A_62, %swap3A_63], %div3A_12 {strides = array<i32>} : memref<2000x1xf32, #tpu.memory_space<vmem>>, vector<2000x1xf32>,
    return
  }
  func.func @transform_0(%arg0: i32) -> (i32, i32, i32) {
    %c0_i32 = arith.constant 0 : i32
    %c0_i32_0 = arith.constant 0 : i32
    %c0_i32_1 = arith.constant 0 : i32
    return %c0_i32, %arg0, %c0_i32_0 : i32, i32, i32
  }
  func.func @transform_1(%arg0: i32) -> (i32, i32, i32) {
    %c1_i32 = arith.constant 1 : i32
    %c0_i32 = arith.constant 0 : i32
    %c0_i32_0 = arith.constant 0 : i32
    return %c1_i32, %arg0, %c0_i32 : i32, i32, i32
  }
  func.func @transform_2(%arg0: i32) -> (i32, i32) {
    %c0_i32 = arith.constant 0 : i32
    %c0_i32_0 = arith.constant 0 : i32
    %c0_i32_1 = arith.constant 0 : i32
    return %c0_i32, %c0_i32_0 : i32, i32
  }
  func.func @transform_3(%arg0: i32) -> (i32, i32) {
    %c0_i32 = arith.constant 0 : i32
    %c0_i32_0 = arith.constant 0 : i32
    %c0_i32_1 = arith.constant 0 : i32
    return %c0_i32, %c0_i32_0 : i32, i32
  }
  func.func @transform_4(%arg0: i32) -> (i32, i32) {
    %c0_i32 = arith.constant 0 : i32
    %c0_i32_0 = arith.constant 0 : i32
    %c0_i32_1 = arith.constant 0 : i32
    return %c0_i32, %c0_i32_0 : i32, i32
  }
  func.func @transform_5(%arg0: i32) -> (i32, i32) {
    %c0_i32 = arith.constant 0 : i32
    %c0_i32_0 = arith.constant 0 : i32
    %c0_i32_1 = arith.constant 0 : i32
    return %c0_i32, %c0_i32_0 : i32, i32
  }
  func.func @transform_6(%arg0: i32) -> (i32, i32) {
    %c0_i32 = arith.constant 0 : i32
    %c0_i32_0 = arith.constant 0 : i32
    return %arg0, %c0_i32 : i32, i32
  }
  func.func @transform_7(%arg0: i32) -> (i32, i32) {
    %c0_i32 = arith.constant 0 : i32
    %c0_i32_0 = arith.constant 0 : i32
    return %arg0, %c0_i32 : i32, i32
  }
  func.func @transform_8(%arg0: i32) -> (i32, i32) {
    %c0_i32 = arith.constant 0 : i32
    %c0_i32_0 = arith.constant 0 : i32
    return %arg0, %c0_i32 : i32, i32
  }
}

module attributes {stable_mosaic.version = 14 : i64} {
  func.func @_mlp2_body(%arg0: i32, %arg1: memref<4000x128xf32, #tpu.memory_space<vmem>>, %arg2: memref<4000x64xf32, #tpu.memory_space<vmem>>, %arg3: memref<64x64xf32, #tpu.memory_space<vmem>>, %arg4: memref<1x64xf32, #tpu.memory_space<vmem>>, %arg5: memref<64x64xf32, #tpu.memory_space<vmem>>, %arg6: memref<1x64xf32, #tpu.memory_space<vmem>>, %arg7: memref<64x64xf32, #tpu.memory_space<vmem>>, %arg8: memref<1x64xf32, #tpu.memory_space<vmem>>, %arg9: memref<4000x128xf32, #tpu.memory_space<vmem>>) attributes {dimension_semantics = [#tpu.dimension_semantics<arbitrary>], iteration_bounds = array<i64: 80>, scalar_prefetch = 0 : i64, scratch_operands = 0 : i64, tpu.core_type = #tpu.core_type<tc>, window_params = [{transform_indices = @transform_0, window_bounds = array<i64: 4000, 128>}, {transform_indices = @transform_1, window_bounds = array<i64: 4000, 64>}, {pipeline_mode = #tpu.pipeline_mode<synchronous>, transform_indices = @transform_2, window_bounds = array<i64: 64, 64>}, {pipeline_mode = #tpu.pipeline_mode<synchronous>, transform_indices = @transform_3, window_bounds = array<i64: 1, 64>}, {pipeline_mode = #tpu.pipeline_mode<synchronous>, transform_indices = @transform_4, window_bounds = array<i64: 64, 64>}, {pipeline_mode = #tpu.pipeline_mode<synchronous>, transform_indices = @transform_5, window_bounds = array<i64: 1, 64>}, {pipeline_mode = #tpu.pipeline_mode<synchronous>, transform_indices = @transform_6, window_bounds = array<i64: 64, 64>}, {pipeline_mode = #tpu.pipeline_mode<synchronous>, transform_indices = @transform_7, window_bounds = array<i64: 1, 64>}, {transform_indices = @transform_8, window_bounds = array<i64: 4000, 128>}]} {
    %get3A = arith.constant 0 : index
    %get3A_0 = arith.constant 0 : index
    %get3A_1 = vector.load %arg2[%get3A, %get3A_0] : memref<4000x64xf32, #tpu.memory_space<vmem>>, vector<4000x64xf32>
    %get3A_2 = arith.constant 0 : index
    %get3A_3 = arith.constant 0 : index
    %get3A_4 = vector.load %arg1[%get3A_2, %get3A_3] : memref<4000x128xf32, #tpu.memory_space<vmem>>, vector<4000x128xf32>
    %slice3A = vector.extract_strided_slice %get3A_4 {offsets = [0, 0], sizes = [4000, 64], strides = [1, 1]} : vector<4000x128xf32> to vector<4000x64xf32>
    %get3A_5 = arith.constant 0 : index
    %get3A_6 = arith.constant 0 : index
    %get3A_7 = vector.load %arg3[%get3A_5, %get3A_6] : memref<64x64xf32, #tpu.memory_space<vmem>>, vector<64x64xf32>
    %dot_general3A = arith.constant dense<0.000000e+00> : vector<4000x64xf32>
    %dot_general3A_8 = tpu.matmul %get3A_1, %get3A_7, %dot_general3A {dimension_numbers = #tpu.dot_dimension_numbers<[1], [0], [0], [1], [0, 0, 1, 1], [], []>, transpose_lhs_hint = false} : vector<4000x64xf32>, vector<64x64xf32>, vector<4000x64xf32> -> vector<4000x64xf32>
    %add3A = arith.addf %slice3A, %dot_general3A_8 : vector<4000x64xf32>
    %get3A_9 = arith.constant 0 : index
    %get3A_10 = arith.constant 0 : index
    %get3A_11 = vector.load %arg4[%get3A_9, %get3A_10] : memref<1x64xf32, #tpu.memory_space<vmem>>, vector<1x64xf32>
    %add3A_12 = vector.broadcast %get3A_11 : vector<1x64xf32> to vector<4000x64xf32>
    %add3A_13 = arith.addf %add3A, %add3A_12 : vector<4000x64xf32>
    %max3A = arith.constant 0.000000e+00 : f32
    %max3A_14 = vector.broadcast %max3A : f32 to vector<4000x64xf32>
    %max3A_15 = arith.maximumf %add3A_13, %max3A_14 : vector<4000x64xf32>
    %get3A_16 = arith.constant 0 : index
    %get3A_17 = arith.constant 0 : index
    %get3A_18 = vector.load %arg5[%get3A_16, %get3A_17] : memref<64x64xf32, #tpu.memory_space<vmem>>, vector<64x64xf32>
    %dot_general3A_19 = arith.constant dense<0.000000e+00> : vector<4000x64xf32>
    %dot_general3A_20 = tpu.matmul %max3A_15, %get3A_18, %dot_general3A_19 {dimension_numbers = #tpu.dot_dimension_numbers<[1], [0], [0], [1], [0, 0, 1, 1], [], []>, transpose_lhs_hint = false} : vector<4000x64xf32>, vector<64x64xf32>, vector<4000x64xf32> -> vector<4000x64xf32>
    %get3A_21 = arith.constant 0 : index
    %get3A_22 = arith.constant 0 : index
    %get3A_23 = vector.load %arg6[%get3A_21, %get3A_22] : memref<1x64xf32, #tpu.memory_space<vmem>>, vector<1x64xf32>
    %add3A_24 = vector.broadcast %get3A_23 : vector<1x64xf32> to vector<4000x64xf32>
    %add3A_25 = arith.addf %dot_general3A_20, %add3A_24 : vector<4000x64xf32>
    %max3A_26 = arith.constant 0.000000e+00 : f32
    %max3A_27 = vector.broadcast %max3A_26 : f32 to vector<4000x64xf32>
    %max3A_28 = arith.maximumf %add3A_25, %max3A_27 : vector<4000x64xf32>
    %get3A_29 = arith.constant 0 : index
    %get3A_30 = arith.constant 0 : index
    %get3A_31 = vector.load %arg7[%get3A_29, %get3A_30] : memref<64x64xf32, #tpu.memory_space<vmem>>, vector<64x64xf32>
    %dot_general3A_32 = arith.constant dense<0.000000e+00> : vector<4000x64xf32>
    %dot_general3A_33 = tpu.matmul %max3A_28, %get3A_31, %dot_general3A_32 {dimension_numbers = #tpu.dot_dimension_numbers<[1], [0], [0], [1], [0, 0, 1, 1], [], []>, transpose_lhs_hint = false} : vector<4000x64xf32>, vector<64x64xf32>, vector<4000x64xf32> -> vector<4000x64xf32>
    %get3A_34 = arith.constant 0 : index
    %get3A_35 = arith.constant 0 : index
    %get3A_36 = vector.load %arg8[%get3A_34, %get3A_35] : memref<1x64xf32, #tpu.memory_space<vmem>>, vector<1x64xf32>
    %add3A_37 = vector.broadcast %get3A_36 : vector<1x64xf32> to vector<4000x64xf32>
    %add3A_38 = arith.addf %dot_general3A_33, %add3A_37 : vector<4000x64xf32>
    %concatenate3A = tpu.concatenate %add3A_38, %get3A_1 in 1 : vector<4000x64xf32>, vector<4000x64xf32> -> vector<4000x128xf32>
    %swap3A = arith.constant 0 : index
    %swap3A_39 = arith.constant 0 : index
    %swap3A_40 = vector.load %arg9[%swap3A, %swap3A_39] : memref<4000x128xf32, #tpu.memory_space<vmem>>, vector<4000x128xf32>
    tpu.vector_store %arg9[%swap3A, %swap3A_39], %concatenate3A {strides = array<i32>} : memref<4000x128xf32, #tpu.memory_space<vmem>>, vector<4000x128xf32>,
    return
  }
  func.func @transform_0(%arg0: i32) -> (i32, i32) {
    %c0_i32 = arith.constant 0 : i32
    %c0_i32_0 = arith.constant 0 : i32
    return %arg0, %c0_i32 : i32, i32
  }
  func.func @transform_1(%arg0: i32) -> (i32, i32) {
    %c0_i32 = arith.constant 0 : i32
    %c0_i32_0 = arith.constant 0 : i32
    return %arg0, %c0_i32 : i32, i32
  }
  func.func @transform_2(%arg0: i32) -> (i32, i32) {
    %c0_i32 = arith.constant 0 : i32
    %c0_i32_0 = arith.constant 0 : i32
    %c0_i32_1 = arith.constant 0 : i32
    return %c0_i32, %c0_i32_0 : i32, i32
  }
  func.func @transform_3(%arg0: i32) -> (i32, i32) {
    %c0_i32 = arith.constant 0 : i32
    %c0_i32_0 = arith.constant 0 : i32
    %c0_i32_1 = arith.constant 0 : i32
    return %c0_i32, %c0_i32_0 : i32, i32
  }
  func.func @transform_4(%arg0: i32) -> (i32, i32) {
    %c0_i32 = arith.constant 0 : i32
    %c0_i32_0 = arith.constant 0 : i32
    %c0_i32_1 = arith.constant 0 : i32
    return %c0_i32, %c0_i32_0 : i32, i32
  }
  func.func @transform_5(%arg0: i32) -> (i32, i32) {
    %c0_i32 = arith.constant 0 : i32
    %c0_i32_0 = arith.constant 0 : i32
    %c0_i32_1 = arith.constant 0 : i32
    return %c0_i32, %c0_i32_0 : i32, i32
  }
  func.func @transform_6(%arg0: i32) -> (i32, i32) {
    %c0_i32 = arith.constant 0 : i32
    %c0_i32_0 = arith.constant 0 : i32
    %c0_i32_1 = arith.constant 0 : i32
    return %c0_i32, %c0_i32_0 : i32, i32
  }
  func.func @transform_7(%arg0: i32) -> (i32, i32) {
    %c0_i32 = arith.constant 0 : i32
    %c0_i32_0 = arith.constant 0 : i32
    %c0_i32_1 = arith.constant 0 : i32
    return %c0_i32, %c0_i32_0 : i32, i32
  }
  func.func @transform_8(%arg0: i32) -> (i32, i32) {
    %c0_i32 = arith.constant 0 : i32
    %c0_i32_0 = arith.constant 0 : i32
    return %arg0, %c0_i32 : i32, i32
  }
}

module attributes {stable_mosaic.version = 14 : i64} {
  func.func @_final_body(%arg0: i32, %arg1: memref<1x2000x128xf32, #tpu.memory_space<vmem>>, %arg2: memref<1x2000x128xf32, #tpu.memory_space<vmem>>, %arg3: memref<2000x1xf32, #tpu.memory_space<vmem>>, %arg4: memref<2000x64xf32, #tpu.memory_space<vmem>>, %arg5: memref<2000x64xf32, #tpu.memory_space<vmem>>, %arg6: memref<1x64xf32, #tpu.memory_space<vmem>>, %arg7: memref<1x64xf32, #tpu.memory_space<vmem>>, %arg8: memref<128x64xf32, #tpu.memory_space<vmem>>, %arg9: memref<1x64xf32, #tpu.memory_space<vmem>>, %arg10: memref<64x32xf32, #tpu.memory_space<vmem>>, %arg11: memref<1x32xf32, #tpu.memory_space<vmem>>, %arg12: memref<32x1xf32, #tpu.memory_space<vmem>>, %arg13: memref<1x1xf32, #tpu.memory_space<vmem>>, %arg14: memref<2000x128xf32, #tpu.memory_space<vmem>>, %arg15: memref<2000x1xf32, #tpu.memory_space<vmem>>) attributes {dimension_semantics = [#tpu.dimension_semantics<arbitrary>], iteration_bounds = array<i64: 5>, scalar_prefetch = 0 : i64, scratch_operands = 0 : i64, tpu.core_type = #tpu.core_type<tc>, window_params = [{transform_indices = @transform_0, window_bounds = array<i64: 1, 2000, 128>}, {transform_indices = @transform_1, window_bounds = array<i64: 1, 2000, 128>}, {transform_indices = @transform_2, window_bounds = array<i64: 2000, 1>}, {transform_indices = @transform_3, window_bounds = array<i64: 2000, 64>}, {transform_indices = @transform_4, window_bounds = array<i64: 2000, 64>}, {pipeline_mode = #tpu.pipeline_mode<synchronous>, transform_indices = @transform_5, window_bounds = array<i64: 1, 64>}, {pipeline_mode = #tpu.pipeline_mode<synchronous>, transform_indices = @transform_6, window_bounds = array<i64: 1, 64>}, {pipeline_mode = #tpu.pipeline_mode<synchronous>, transform_indices = @transform_7, window_bounds = array<i64: 128, 64>}, {pipeline_mode = #tpu.pipeline_mode<synchronous>, transform_indices = @transform_8, window_bounds = array<i64: 1, 64>}, {pipeline_mode = #tpu.pipeline_mode<synchronous>, transform_indices = @transform_9, window_bounds = array<i64: 64, 32>}, {pipeline_mode = #tpu.pipeline_mode<synchronous>, transform_indices = @transform_10, window_bounds = array<i64: 1, 32>}, {pipeline_mode = #tpu.pipeline_mode<synchronous>, transform_indices = @transform_11, window_bounds = array<i64: 32, 1>}, {pipeline_mode = #tpu.pipeline_mode<synchronous>, transform_indices = @transform_12, window_bounds = array<i64: 1, 1>}, {transform_indices = @transform_13, window_bounds = array<i64: 2000, 128>}, {transform_indices = @transform_14, window_bounds = array<i64: 2000, 1>}]} {
    %get3A = arith.constant 0 : index
    %get3A_0 = arith.constant 0 : index
    %get3A_1 = vector.load %arg3[%get3A, %get3A_0] : memref<2000x1xf32, #tpu.memory_space<vmem>>, vector<2000x1xf32>
    %get3A_2 = arith.constant 0 : index
    %get3A_3 = arith.constant 0 : index
    %get3A_4 = arith.constant 0 : index
    %get3A_5 = vector.load %arg1[%get3A_2, %get3A_3, %get3A_4] : memref<1x2000x128xf32, #tpu.memory_space<vmem>>, vector<1x2000x128xf32>
    %get3A_6 = vector.shape_cast %get3A_5 : vector<1x2000x128xf32> to vector<2000x128xf32>
    %get3A_7 = arith.constant 0 : index
    %get3A_8 = arith.constant 0 : index
    %get3A_9 = arith.constant 0 : index
    %get3A_10 = vector.load %arg2[%get3A_7, %get3A_8, %get3A_9] : memref<1x2000x128xf32, #tpu.memory_space<vmem>>, vector<1x2000x128xf32>
    %get3A_11 = vector.shape_cast %get3A_10 : vector<1x2000x128xf32> to vector<2000x128xf32>
    %add3A = arith.addf %get3A_6, %get3A_11 : vector<2000x128xf32>
    %mul3A = vector.broadcast %get3A_1 : vector<2000x1xf32> to vector<2000x128xf32>
    %mul3A_12 = arith.mulf %add3A, %mul3A : vector<2000x128xf32>
    %slice3A = vector.extract_strided_slice %mul3A_12 {offsets = [0, 0], sizes = [2000, 64], strides = [1, 1]} : vector<2000x128xf32> to vector<2000x64xf32>
    %get3A_13 = arith.constant 0 : index
    %get3A_14 = arith.constant 0 : index
    %get3A_15 = vector.load %arg6[%get3A_13, %get3A_14] : memref<1x64xf32, #tpu.memory_space<vmem>>, vector<1x64xf32>
    %get3A_16 = arith.constant 0 : index
    %get3A_17 = arith.constant 0 : index
    %get3A_18 = vector.load %arg7[%get3A_16, %get3A_17] : memref<1x64xf32, #tpu.memory_space<vmem>>, vector<1x64xf32>
    %reduce_sum3A = arith.constant dense<0.000000e+00> : vector<2000xf32>
    %reduce_sum3A_19 = vector.multi_reduction <add>, %slice3A, %reduce_sum3A [1] : vector<2000x64xf32> to vector<2000xf32>
    %broadcast_in_dim3A = vector.shape_cast %reduce_sum3A_19 : vector<2000xf32> to vector<2000x1xf32>
    %div3A = arith.constant 6.400000e+01 : f32
    %div3A_20 = vector.broadcast %div3A : f32 to vector<2000x1xf32>
    %div3A_21 = arith.divf %broadcast_in_dim3A, %div3A_20 : vector<2000x1xf32>
    %sub3A = vector.broadcast %div3A_21 : vector<2000x1xf32> to vector<2000x64xf32>
    %sub3A_22 = arith.subf %slice3A, %sub3A : vector<2000x64xf32>
    %integer_pow3A = arith.mulf %sub3A_22, %sub3A_22 : vector<2000x64xf32>
    %reduce_sum3A_23 = arith.constant dense<0.000000e+00> : vector<2000xf32>
    %reduce_sum3A_24 = vector.multi_reduction <add>, %integer_pow3A, %reduce_sum3A_23 [1] : vector<2000x64xf32> to vector<2000xf32>
    %broadcast_in_dim3A_25 = vector.shape_cast %reduce_sum3A_24 : vector<2000xf32> to vector<2000x1xf32>
    %div3A_26 = arith.constant 6.400000e+01 : f32
    %div3A_27 = vector.broadcast %div3A_26 : f32 to vector<2000x1xf32>
    %div3A_28 = arith.divf %broadcast_in_dim3A_25, %div3A_27 : vector<2000x1xf32>
    %sub3A_29 = vector.broadcast %div3A_21 : vector<2000x1xf32> to vector<2000x64xf32>
    %sub3A_30 = arith.subf %slice3A, %sub3A_29 : vector<2000x64xf32>
    %add3A_31 = arith.constant 9.99999997E-7 : f32
    %add3A_32 = vector.broadcast %add3A_31 : f32 to vector<2000x1xf32>
    %add3A_33 = arith.addf %div3A_28, %add3A_32 : vector<2000x1xf32>
    %rsqrt3A = math.rsqrt %add3A_33 : vector<2000x1xf32>
    %mul3A_34 = vector.broadcast %rsqrt3A : vector<2000x1xf32> to vector<2000x64xf32>
    %mul3A_35 = arith.mulf %sub3A_30, %mul3A_34 : vector<2000x64xf32>
    %mul3A_36 = vector.broadcast %get3A_15 : vector<1x64xf32> to vector<2000x64xf32>
    %mul3A_37 = arith.mulf %mul3A_35, %mul3A_36 : vector<2000x64xf32>
    %add3A_38 = vector.broadcast %get3A_18 : vector<1x64xf32> to vector<2000x64xf32>
    %add3A_39 = arith.addf %mul3A_37, %add3A_38 : vector<2000x64xf32>
    %max3A = arith.constant 0.000000e+00 : f32
    %max3A_40 = vector.broadcast %max3A : f32 to vector<2000x64xf32>
    %max3A_41 = arith.maximumf %add3A_39, %max3A_40 : vector<2000x64xf32>
    %slice3A_42 = vector.extract_strided_slice %mul3A_12 {offsets = [0, 64], sizes = [2000, 64], strides = [1, 1]} : vector<2000x128xf32> to vector<2000x64xf32>
    %get3A_43 = arith.constant 0 : index
    %get3A_44 = arith.constant 0 : index
    %get3A_45 = vector.load %arg4[%get3A_43, %get3A_44] : memref<2000x64xf32, #tpu.memory_space<vmem>>, vector<2000x64xf32>
    %get3A_46 = arith.constant 0 : index
    %get3A_47 = arith.constant 0 : index
    %get3A_48 = vector.load %arg5[%get3A_46, %get3A_47] : memref<2000x64xf32, #tpu.memory_space<vmem>>, vector<2000x64xf32>
    %sub3A_49 = arith.constant 1.000000e+00 : f32
    %sub3A_50 = vector.broadcast %sub3A_49 : f32 to vector<2000x64xf32>
    %sub3A_51 = arith.subf %sub3A_50, %get3A_45 : vector<2000x64xf32>
    %mul3A_52 = arith.mulf %sub3A_51, %max3A_41 : vector<2000x64xf32>
    %add3A_53 = arith.addf %get3A_48, %mul3A_52 : vector<2000x64xf32>
    %concatenate3A = tpu.concatenate %add3A_53, %slice3A_42 in 1 : vector<2000x64xf32>, vector<2000x64xf32> -> vector<2000x128xf32>
    %swap3A = arith.constant 0 : index
    %swap3A_54 = arith.constant 0 : index
    %swap3A_55 = vector.load %arg14[%swap3A, %swap3A_54] : memref<2000x128xf32, #tpu.memory_space<vmem>>, vector<2000x128xf32>
    tpu.vector_store %arg14[%swap3A, %swap3A_54], %concatenate3A {strides = array<i32>} : memref<2000x128xf32, #tpu.memory_space<vmem>>, vector<2000x128xf32>,
    %get3A_56 = arith.constant 0 : index
    %get3A_57 = arith.constant 0 : index
    %get3A_58 = vector.load %arg8[%get3A_56, %get3A_57] : memref<128x64xf32, #tpu.memory_space<vmem>>, vector<128x64xf32>
    %dot_general3A = arith.constant dense<0.000000e+00> : vector<2000x64xf32>
    %dot_general3A_59 = tpu.matmul %concatenate3A, %get3A_58, %dot_general3A {dimension_numbers = #tpu.dot_dimension_numbers<[1], [0], [0], [1], [0, 0, 1, 1], [], []>, transpose_lhs_hint = false} : vector<2000x128xf32>, vector<128x64xf32>, vector<2000x64xf32> -> vector<2000x64xf32>
    %get3A_60 = arith.constant 0 : index
    %get3A_61 = arith.constant 0 : index
    %get3A_62 = vector.load %arg9[%get3A_60, %get3A_61] : memref<1x64xf32, #tpu.memory_space<vmem>>, vector<1x64xf32>
    %add3A_63 = vector.broadcast %get3A_62 : vector<1x64xf32> to vector<2000x64xf32>
    %add3A_64 = arith.addf %dot_general3A_59, %add3A_63 : vector<2000x64xf32>
    %gt3A = arith.constant 0.000000e+00 : f32
    %gt3A_65 = vector.broadcast %gt3A : f32 to vector<2000x64xf32>
    %gt3A_66 = arith.cmpf ogt, %add3A_64, %gt3A_65 : vector<2000x64xf32>
    %exp3A = math.exp %add3A_64 : vector<2000x64xf32>
    %sub3A_67 = arith.constant 1.000000e+00 : f32
    %sub3A_68 = vector.broadcast %sub3A_67 : f32 to vector<2000x64xf32>
    %sub3A_69 = arith.subf %exp3A, %sub3A_68 : vector<2000x64xf32>
    %select_n3A = arith.select %gt3A_66, %add3A_64, %sub3A_69 : vector<2000x64xi1>, vector<2000x64xf32>
    %get3A_70 = arith.constant 0 : index
    %get3A_71 = arith.constant 0 : index
    %get3A_72 = vector.load %arg10[%get3A_70, %get3A_71] : memref<64x32xf32, #tpu.memory_space<vmem>>, vector<64x32xf32>
    %dot_general3A_73 = arith.constant dense<0.000000e+00> : vector<2000x32xf32>
    %dot_general3A_74 = tpu.matmul %select_n3A, %get3A_72, %dot_general3A_73 {dimension_numbers = #tpu.dot_dimension_numbers<[1], [0], [0], [1], [0, 0, 1, 1], [], []>, transpose_lhs_hint = false} : vector<2000x64xf32>, vector<64x32xf32>, vector<2000x32xf32> -> vector<2000x32xf32>
    %get3A_75 = arith.constant 0 : index
    %get3A_76 = arith.constant 0 : index
    %get3A_77 = vector.load %arg11[%get3A_75, %get3A_76] : memref<1x32xf32, #tpu.memory_space<vmem>>, vector<1x32xf32>
    %add3A_78 = vector.broadcast %get3A_77 : vector<1x32xf32> to vector<2000x32xf32>
    %add3A_79 = arith.addf %dot_general3A_74, %add3A_78 : vector<2000x32xf32>
    %gt3A_80 = arith.constant 0.000000e+00 : f32
    %gt3A_81 = vector.broadcast %gt3A_80 : f32 to vector<2000x32xf32>
    %gt3A_82 = arith.cmpf ogt, %add3A_79, %gt3A_81 : vector<2000x32xf32>
    %exp3A_83 = math.exp %add3A_79 : vector<2000x32xf32>
    %sub3A_84 = arith.constant 1.000000e+00 : f32
    %sub3A_85 = vector.broadcast %sub3A_84 : f32 to vector<2000x32xf32>
    %sub3A_86 = arith.subf %exp3A_83, %sub3A_85 : vector<2000x32xf32>
    %select_n3A_87 = arith.select %gt3A_82, %add3A_79, %sub3A_86 : vector<2000x32xi1>, vector<2000x32xf32>
    %get3A_88 = arith.constant 0 : index
    %get3A_89 = arith.constant 0 : index
    %get3A_90 = vector.load %arg12[%get3A_88, %get3A_89] : memref<32x1xf32, #tpu.memory_space<vmem>>, vector<32x1xf32>
    %dot_general3A_91 = arith.constant dense<0.000000e+00> : vector<2000x1xf32>
    %dot_general3A_92 = tpu.matmul %select_n3A_87, %get3A_90, %dot_general3A_91 {dimension_numbers = #tpu.dot_dimension_numbers<[1], [0], [0], [1], [0, 0, 1, 1], [], []>, transpose_lhs_hint = false} : vector<2000x32xf32>, vector<32x1xf32>, vector<2000x1xf32> -> vector<2000x1xf32>
    %get3A_93 = arith.constant 0 : index
    %get3A_94 = arith.constant 0 : index
    %get3A_95 = vector.load %arg13[%get3A_93, %get3A_94] : memref<1x1xf32, #tpu.memory_space<vmem>>, vector<1x1xf32>
    %add3A_96 = vector.broadcast %get3A_95 : vector<1x1xf32> to vector<2000x1xf32>
    %add3A_97 = arith.addf %dot_general3A_92, %add3A_96 : vector<2000x1xf32>
    %swap3A_98 = arith.constant 0 : index
    %swap3A_99 = arith.constant 0 : index
    %swap3A_100 = vector.load %arg15[%swap3A_98, %swap3A_99] : memref<2000x1xf32, #tpu.memory_space<vmem>>, vector<2000x1xf32>
    tpu.vector_store %arg15[%swap3A_98, %swap3A_99], %add3A_97 {strides = array<i32>} : memref<2000x1xf32, #tpu.memory_space<vmem>>, vector<2000x1xf32>,
    return
  }
  func.func @transform_0(%arg0: i32) -> (i32, i32, i32) {
    %c0_i32 = arith.constant 0 : i32
    %c0_i32_0 = arith.constant 0 : i32
    %c0_i32_1 = arith.constant 0 : i32
    return %c0_i32, %arg0, %c0_i32_0 : i32, i32, i32
  }
  func.func @transform_1(%arg0: i32) -> (i32, i32, i32) {
    %c1_i32 = arith.constant 1 : i32
    %c0_i32 = arith.constant 0 : i32
    %c0_i32_0 = arith.constant 0 : i32
    return %c1_i32, %arg0, %c0_i32 : i32, i32, i32
  }
  func.func @transform_2(%arg0: i32) -> (i32, i32) {
    %c0_i32 = arith.constant 0 : i32
    %c0_i32_0 = arith.constant 0 : i32
    return %arg0, %c0_i32 : i32, i32
  }
  func.func @transform_3(%arg0: i32) -> (i32, i32) {
    %c0_i32 = arith.constant 0 : i32
    %c0_i32_0 = arith.constant 0 : i32
    return %arg0, %c0_i32 : i32, i32
  }
  func.func @transform_4(%arg0: i32) -> (i32, i32) {
    %c0_i32 = arith.constant 0 : i32
    %c0_i32_0 = arith.constant 0 : i32
    return %arg0, %c0_i32 : i32, i32
  }
  func.func @transform_5(%arg0: i32) -> (i32, i32) {
    %c0_i32 = arith.constant 0 : i32
    %c0_i32_0 = arith.constant 0 : i32
    %c0_i32_1 = arith.constant 0 : i32
    return %c0_i32, %c0_i32_0 : i32, i32
  }
  func.func @transform_6(%arg0: i32) -> (i32, i32) {
    %c0_i32 = arith.constant 0 : i32
    %c0_i32_0 = arith.constant 0 : i32
    %c0_i32_1 = arith.constant 0 : i32
    return %c0_i32, %c0_i32_0 : i32, i32
  }
  func.func @transform_7(%arg0: i32) -> (i32, i32) {
    %c0_i32 = arith.constant 0 : i32
    %c0_i32_0 = arith.constant 0 : i32
    %c0_i32_1 = arith.constant 0 : i32
    return %c0_i32, %c0_i32_0 : i32, i32
  }
  func.func @transform_8(%arg0: i32) -> (i32, i32) {
    %c0_i32 = arith.constant 0 : i32
    %c0_i32_0 = arith.constant 0 : i32
    %c0_i32_1 = arith.constant 0 : i32
    return %c0_i32, %c0_i32_0 : i32, i32
  }
  func.func @transform_9(%arg0: i32) -> (i32, i32) {
    %c0_i32 = arith.constant 0 : i32
    %c0_i32_0 = arith.constant 0 : i32
    %c0_i32_1 = arith.constant 0 : i32
    return %c0_i32, %c0_i32_0 : i32, i32
  }
  func.func @transform_10(%arg0: i32) -> (i32, i32) {
    %c0_i32 = arith.constant 0 : i32
    %c0_i32_0 = arith.constant 0 : i32
    %c0_i32_1 = arith.constant 0 : i32
    return %c0_i32, %c0_i32_0 : i32, i32
  }
  func.func @transform_11(%arg0: i32) -> (i32, i32) {
    %c0_i32 = arith.constant 0 : i32
    %c0_i32_0 = arith.constant 0 : i32
    %c0_i32_1 = arith.constant 0 : i32
    return %c0_i32, %c0_i32_0 : i32, i32
  }
  func.func @transform_12(%arg0: i32) -> (i32, i32) {
    %c0_i32 = arith.constant 0 : i32
    %c0_i32_0 = arith.constant 0 : i32
    %c0_i32_1 = arith.constant 0 : i32
    return %c0_i32, %c0_i32_0 : i32, i32
  }
  func.func @transform_13(%arg0: i32) -> (i32, i32) {
    %c0_i32 = arith.constant 0 : i32
    %c0_i32_0 = arith.constant 0 : i32
    return %arg0, %c0_i32 : i32, i32
  }
  func.func @transform_14(%arg0: i32) -> (i32, i32) {
    %c0_i32 = arith.constant 0 : i32
    %c0_i32_0 = arith.constant 0 : i32
    return %arg0, %c0_i32 : i32, i32
  }
}

</mosaic_0001>

<sc_bundles>
// kernel: kernel.11.cloned.1.call-start
scs
__scs_entry_jumppad:
0x0: {  	(pc) =	sbr.rel $0x88, $3  }
0x1: {  	(tag) =	ssettag $0x0;
	lr =	simm.s32 $0x1  }
0x2: {  	[smem:$0x3F75] =	sst lr;
	_ =	strace $0xD0000000  }
0x3: {  	_ = 	snop  }
0x4: {  	_ = 	snop  }
0x5: {  	_ = 	snop  }
0x6: {  	_ = 	snop  }
0x7: {  	_ = 	snop  }
__scs_overlays_trampoline_lowered:
0x8: {  	[smem:$0x3F84] =	sst s0  }
0x9: {  	[smem:$0x3F85] =	sst s1  }
0xa: {  	[smem:$0x3F86] =	sst s2  }
0xb: {  	[smem:$0x3F87] =	sst s3  }
0xc: {  	[smem:$0x3F88] =	sst s4  }
0xd: {  	[smem:$0x3F89] =	sst s5  }
0xe: {  	[smem:$0x3F8A] =	sst s6  }
0xf: {  	[smem:$0x3F8B] =	sst s7  }
0x10: {  	[smem:$0x3F8C] =	sst s8  }
0x11: {  	[smem:$0x3F8D] =	sst s9;
	s0 =	simm.s32 @!p0 $0x0  }
0x12: {  	s1 =	sld [smem:$0x3F73];
	s0 =	simm.s32 @p0 $0x1  }
0x13: {  	[smem:$0x3F8E] =	sst s0;
	s0 =	simm.s32 @!p1 $0x0  }
0x14: {  	s2 =	sld [smem:$0x3F72];
	s0 =	simm.s32 @p1 $0x1  }
0x15: {  	[smem:$0x3F8F] =	sst s0;
	s0 =	simm.s32 @!p2 $0x0  }
0x16: {  	s3 =	sld [smem:$0x3FDB];
	s0 =	simm.s32 @p2 $0x1  }
0x17: {  	s4 =	simm.s32 $0x1BF5;
	[smem:$0x3F91] =	sst s0  }
0x18: {  	s0 =	sld [smem:$0x3F74];
	_ =	swait.ge [sflag:s4], $0x0  }
0x19: {  	s7 =	sld [smem:$0x3F75]  }
0x1a: {  	s8 =	sadd.s32 $0xFFFFE003, lr  }
0x1b: {  	s9 =	sadd.s32 $0xFFFFFEF7, lr;
	s5 =	simm.s32 $0xFFFFFFFF;
	p2 =	slt.u32 s8, $0xFFFFF086  }
0x1c: {  	p1 =	slt.u32 s9, $0xF7A;
	s5 =	simm.s32 @!p2 $0x0  }
0x1d: {  	s5 =	simm.s32 @p1 $0x1;
	p0 =	seq.s32 s7, s2  }
0x1e: {  	s7 =	smul.u32 @!p0 $0xF7A, s2;
	p2 =	seq.s32 @!p0 s5, $0x0  }
0x1f: {  	s9 =	smul.u32 $0xF7A, s1;
	s8 =	simm.s32 @!p0 $0x1BF5;
	p2 =	por !p2, p0  }
0x20: {  	[sflag:s8] =	ssyncset.s32 @!p0 $0xFFFFF086;
	s6 =	sadd.s32 @!p0 s3, s7;
	s7 =	simm.s32 @!p0 $0x108  }
0x21: {  	s3 =	sadd.s32 s3, s9;
	s6 =	sadd.s32 @!p0 $0x88, s6;
	s7 =	simm.s32 @p2 $0x1082  }
0x22: {  	[simem:s7], [sflag:s8] =	dma.local @!p0 [hbm:s6], $0xF7A  }
0x23: {  	s9 =	sor.u32 $0xD0000000, s2;
	s6 =	simm.s32 $0x108;
	_ =	swait.ge @!p0 [sflag:s8], $0x0  }
0x24: {  	s3 =	sadd.s32 $0x88, s3;
	s6 =	simm.s32 @!p1 $0x1082;
	[sflag:s4] =	ssyncset.s32 $0xFFFFF086  }
0x25: {  	[simem:s6], [sflag:s4] =	dma.local [hbm:s3], $0xF7A  }
0x26: {  	[smem:$0x3F75] =	sst s1;
	(tag) =	ssettag s2;
	_ =	strace s9  }
0x27: {  	s1 =	sld [smem:$0x3F85]  }
0x28: {  	s2 =	sld [smem:$0x3F86]  }
0x29: {  	s4 =	sld [smem:$0x3F88]  }
0x2a: {  	p0 =	seq.s32 s5, $0x0;
	s5 =	sld [smem:$0x3F89]  }
0x2b: {  	s6 =	sld [smem:$0x3F8A]  }
0x2c: {  	s7 =	sld [smem:$0x3F8B]  }
0x2d: {  	s3 =	simm.s32 $0x108;
	s8 =	sld [smem:$0x3F8C]  }
0x2e: {  	s3 =	simm.s32 @!p0 $0x1082;
	s9 =	sld [smem:$0x3F8D]  }
0x2f: {  	lr =	sadd.s32 s0, s3;
	s0 =	sld [smem:$0x3F84]  }
0x30: {  	s3 =	sld [smem:$0x3F87]  }
0x31: {  	[smem:$0x3F90] =	sst s10  }
0x32: {  	s10 =	sld [smem:$0x3F8E];
	_ =	sdelay $0x3  }
0x33: {  	p0 =	seq.s32 s10, $0x1;
	s10 =	sld [smem:$0x3F90];
	_ =	sdelay $0x3  }
0x34: {  	[smem:$0x3F90] =	sst s10  }
0x35: {  	s10 =	sld [smem:$0x3F8F];
	_ =	sdelay $0x3  }
0x36: {  	p1 =	seq.s32 s10, $0x1;
	s10 =	sld [smem:$0x3F90];
	_ =	sdelay $0x3  }
0x37: {  	[smem:$0x3F90] =	sst s10  }
0x38: {  	s10 =	sld [smem:$0x3F91]  }
0x39: {  	_ = 	snop;
	(pc) =	sbr.ind lr, $3  }
0x3a: {  	_ = 	snop  }
0x3b: {  	_ = 	snop  }
0x3c: {  	p2 =	seq.s32 s10, $0x1;
	s10 =	sld [smem:$0x3F90]  }
0x3d: {  	_ =	shalt  }
0x3e: {  	_ =	shalt  }
0x3f: {  	_ =	shalt  }
0x40: {  	_ =	shalt  }
0x41: {  	_ =	shalt  }
0x42: {  	_ =	shalt  }
0x43: {  	_ =	shalt  }
0x44: {  	_ =	shalt  }
0x45: {  	_ =	shalt  }
0x46: {  	_ =	shalt  }
0x47: {  	_ =	shalt  }
0x48: {  	_ =	shalt  }
0x49: {  	_ =	shalt  }
0x4a: {  	_ =	shalt  }
0x4b: {  	_ =	shalt  }
0x4c: {  	_ =	shalt  }
0x4d: {  	_ =	shalt  }
0x4e: {  	_ =	shalt  }
0x4f: {  	_ =	shalt  }
0x50: {  	_ =	shalt  }
0x51: {  	_ =	shalt  }
0x52: {  	_ =	shalt  }
0x53: {  	_ =	shalt  }
0x54: {  	_ =	shalt  }
0x55: {  	_ =	shalt  }
0x56: {  	_ =	shalt  }
0x57: {  	_ =	shalt  }
0x58: {  	_ =	shalt  }
0x59: {  	_ =	shalt  }
0x5a: {  	_ =	shalt  }
0x5b: {  	_ =	shalt  }
0x5c: {  	_ =	shalt  }
0x5d: {  	_ =	shalt  }
0x5e: {  	_ =	shalt  }
0x5f: {  	_ =	shalt  }
0x60: {  	_ =	shalt  }
0x61: {  	_ =	shalt  }
0x62: {  	_ =	shalt  }
0x63: {  	_ =	shalt  }
0x64: {  	_ =	shalt  }
0x65: {  	_ =	shalt  }
0x66: {  	_ =	shalt  }
0x67: {  	_ =	shalt  }
0x68: {  	_ =	shalt  }
0x69: {  	_ =	shalt  }
0x6a: {  	_ =	shalt  }
0x6b: {  	_ =	shalt  }
0x6c: {  	_ =	shalt  }
0x6d: {  	_ =	shalt  }
0x6e: {  	_ =	shalt  }
0x6f: {  	_ =	shalt  }
0x70: {  	_ =	shalt  }
0x71: {  	_ =	shalt  }
0x72: {  	_ =	shalt  }
0x73: {  	_ =	shalt  }
0x74: {  	_ =	shalt  }
0x75: {  	_ =	shalt  }
0x76: {  	_ =	shalt  }
0x77: {  	_ =	shalt  }
0x78: {  	_ =	shalt  }
0x79: {  	_ =	shalt  }
0x7a: {  	_ =	shalt  }
0x7b: {  	_ =	shalt  }
0x7c: {  	_ =	shalt  }
0x7d: {  	_ =	shalt  }
0x7e: {  	_ =	shalt  }
0x7f: {  	_ =	shalt  }
0x80: {  	_ =	shalt  }
0x81: {  	_ =	shalt  }
0x82: {  	_ =	shalt  }
0x83: {  	_ =	shalt  }
0x84: {  	_ =	shalt  }
0x85: {  	_ =	shalt  }
0x86: {  	_ =	shalt  }
0x87: {  	_ =	shalt  }
.Lfunc_end0:
.L_simem_size_0:
called_computation_lowered:
.L_overlay_start_0:
0x88: {  	s2 =	sld [smem:$0x3FD9]  }
0x89: {  	s3 =	sld [smem:$0x3FFE];
	_ =	sdelay $0x1  }
0x8a: {  	s1 =	srdreg.scid  }
0x8b: {  	s0 =	sand.u32 $0x1, s1  }
0x8c: {  	s14 =	sshll.u32 s0, $0xA;
	s2 =	sadd.s32 s3, s2  }
0x8d: {  	s2 =	sadd.s32 s2, s14  }
0x8e: {  	[smem:$0x3F9C] =	sst s2  }
0x8f: {  	_ = 	snop  }
0x90: {  	s2 =	sld [smem:$0x3FD0];
	_ =	sdelay $0x2  }
0x91: {  	s15 =	simm.s32 $0xA;
	s4 =	simm.s32 $0x10  }
0x92: {  	[smem:s4], [sflag:s15] =	dma.local [hbm:s2], $0x1  }
0x93: {  	_ =	swait.eq [sflag:s15], $0x1  }
0x94: {  	[sflag:s15] =	ssyncset.done $0x0  }
0x95: {  	[sflag:s15] =	ssyncadd.s32 $0xFFFFFFFF  }
0x96: {  	s16 =	sld [smem:$0x10];
	(tm) =	ssettm $0x1  }
0x97: {  	s17 =	sld [smem:$0x3FFB];
	_ =	sdelay $0x3  }
0x98: {  	_ =	strace s17  }
0x99: {  	s3 =	sld [smem:$0x3FFC];
	_ =	sdelay $0x3  }
0x9a: {  	_ =	strace s3  }
0x9b: {  	s3 =	sld [smem:$0x3FFD];
	_ =	sdelay $0x3  }
0x9c: {  	_ =	strace s3  }
0x9d: {  	_ =	strace $0x8FFFFFFF  }
0x9e: {  	s18 =	sld [smem:$0x3FDB];
	_ =	sdelay $0x1  }
0x9f: {  	s19 =	simm.s32 $_scs_section_size  }
0xa0: {  	s5 =	simm.s32 $_size__tile_overlayer_lowered;
	s6 =	simm.s32 $_tile_overlayer_lowered  }
0xa1: {  	s22 =	simm.s32 $0x1BFF;
	s21 =	sshll.u32 s6, $0x1;
	s3 =	sadd.s32 s19, s18  }
0xa2: {  	s7 =	simm.s32 $0x0;
	s20 =	sshll.u32 s5, $0x1;
	s5 =	sadd.s32 s21, s3  }
0xa3: {  	[timem:s7], [sflag:s22] =	dma.local [hbm:s5], s20  }
0xa4: {  	_ =	swait.ge [sflag:s22], s20  }
0xa5: {  	s4 =	ssub.s32 $0x0, s20;
	[sflag:s22] =	ssyncset.done $0x0  }
0xa6: {  	[sflag:s22] =	ssyncadd.s32 s4;
	_ =	sdelay $0x1  }
0xa7: {  	s23 =	simm.s32 $0x1B8B  }
0xa8: {  	_ =	swait.ge [sflag:s23], $0x1  }
0xa9: {  	[sflag:s23] =	ssyncset.done $0x0  }
0xaa: {  	s25 =	simm.s32 $0x1B8E;
	s24 =	sld [smem:$0x3FFE];
	[sflag:s23] =	ssyncadd.s32 $0xFFFFFFFF  }
0xab: {  	s26 =	simm.s32 $execute0_lowered;
	[smem:$0x3FD2] =	sst s25  }
0xac: {  	s5 =	sshll.u32 s26, $0x1;
	_ =	strace $0x80000046;
	[dreg:$0x1] =	wrdreg $0xFFFFFFFF  }
0xad: {  	s28 =	simm.s32 $_size_execute0_lowered;
	s3 =	sadd.s32 s3, s5;
	[dreg:$0x0] =	wrdreg $0x0  }
0xae: {  	s5 =	sshll.u32 s28, $0x1;
	[dreg:$0x2] =	wrdreg s3  }
0xaf: {  	[dreg:$0x3] =	wrdreg s5  }
0xb0: {  	[dreg:$0x4] =	wrdreg $0xC0  }
0xb1: {  	_ =	task [dreg:s7], $0x5FFFF  }
0xb2: {  	[dreg:$0x1] =	wrdreg $0xFFFFFFFF  }
0xb3: {  	[dreg:$0x0] =	wrdreg $0x60  }
0xb4: {  	[dreg:$0x2] =	wrdreg s16  }
0xb5: {  	[dreg:$0x3] =	wrdreg s24  }
0xb6: {  	[dreg:$0x4] =	wrdreg $0x9  }
0xb7: {  	_ =	task.clear_ibuf [dreg:s7], $0x5FFFF;
	_ =	strace $0x90000046  }
0xb8: {  	s29 =	simm.s32 $0x9;
	_ =	strace $0x80000048  }
0xb9: {  	_ =	swait.ge [sflag:s29], $0x1  }
0xba: {  	[sflag:s29] =	ssyncadd.s32 $0xFFFFFFFF  }
0xbb: {  	_ =	strace $0x90000048  }
0xbc: {  	_ =	sfence  }
0xbd: {  	s30 =	sld [smem:$0x0];
	_ =	sdelay $0x2  }
0xbe: {  	s31 =	sshll.u32 s1, $0xD;
	s1 =	sshrl.u32 s1, $0x2  }
0xbf: {  	s3 =	sand.u32 $0x4000, s31;
	s1 =	sadd.s32 s1, s30  }
0xc0: {  	s0 =	sor.u32 s3, s0;
	s1 =	sshll.u32 s1, $0x11  }
0xc1: {  	s0 =	sor.u32 s1, s0  }
0xc2: {  	s0 =	sadd.s32 $0x8F2B, s0  }
0xc3: {  	[sflag:s0] =	ssyncadd.remote.s32 $0x1  }
0xc4: {  	_ =	sfence.sel $0xFFFF  }
0xc5: {  	[dreg:$0x0] =	wrdreg $0xFFFFFFFF;
	(pc) =	sbr.abs _section_cstart, $3  }
0xc6: {  	[dreg:$0x1] =	wrdreg $0xFFFFFFFF  }
0xc7: {  	_ =	task.clear_ibuf [dreg:s7], $0x2FFFF;
	_ =	strace $0x9FFFFFFF  }
0xc8: {  	(tm) =	ssettm $0x7FFFFFFF  }
0xc9: {  	_ =	shalt  }
tec
execute0_lowered:
.L_overlay_start_1:
0x0: {  	(tag) =	ssettag $0x1  }
0x1: {  	s1 =	rddreg [dreg:$0x0]  }
0x2: {  	s0 =	rddreg [dreg:$0x1];
	s2 =	srdreg.scid  }
0x3: {  	s24 =	simm.s32 $0x0;
	s12 =	stileid.u32;
	s30 =	simm.s32 $0x3E8  }
0x4: {  	s31 =	simm.s32 $0x4B0;
	s2 =	sand.u32 $0x1, s2;
	[smem:$0x7FF] =	sst s24  }
0x5: {  	s4 =	sadd.s32 $0x54E00, s0;
	s5 =	sadd.s32 $0x68A00, s0;
	s6 =	sadd.s32 $0x5EC00, s0  }
0x6: {  	s0 =	sadd.s32 $0x72800, s0;
	s18 =	smul.u32 $0x2710, s12;
	s3 =	sshll.u32 s2, $0x4  }
0x7: {  	_ =	strace $0x80000047;
	s7 =	ssub.s32 $0x2, s2;
	s10 =	smul.u32 $0x27100, s2  }
0x8: {  	s2 =	smul.u32 $0x271000, s2;
	s3 =	sor.u32 s12, s3;
	s8 =	sshrl.u32 s7, $0x1  }
0x9: {  	s3 =	smul.u32 $0x2710, s3;
	s7 =	ssub.s32 s7, s8;
	s10 =	sadd.s32 s18, s10  }
0xa: {  	s21 =	sadd.s32 $0x708, s10;
	s25 =	sadd.s32 $0x640, s10;
	s29 =	sadd.s32 $0x578, s10  }
0xb: {  	s7 =	smax.u32 s7, $0x1;
	s16 =	sshrl.u32 s3, $0x3;
	s17 =	sadd.s32 $0xC8, s3  }
0xc: {  	s3 =	sadd.s32 $0x258, s3;
	s23 =	sshrl.u32 s21, $0x3;
	s26 =	sshrl.u32 s25, $0x3  }
0xd: {  	s14 =	sshrl.u32 s29, $0x3;
	[dreg:$0x15] =	wrdreg s7;
	s9 =	sadd.s32 s5, s16  }
0xe: {  	s7 =	simm.s32 $0x1;
	s11 =	sadd.s32 s6, s16;
	[dreg:$0xb] =	wrdreg s9  }
0xf: {  	s19 =	sadd.s32 $0x32, s16;
	s28 =	sadd.s32 s26, s6;
	[dreg:$0xc] =	wrdreg s11  }
0x10: {  	s3 =	sshrl.u32 s3, $0x3;
	s15 =	sadd.s32 s14, s6;
	[dreg:$0x5] =	wrdreg s28  }
0x11: {  	s8 =	sadd.s32 $0x64, s16;
	s20 =	sadd.s32 s5, s19;
	[dreg:$0x7] =	wrdreg s15  }
0x12: {  	s16 =	sadd.s32 $0x4B0, s10;
	s22 =	sadd.s32 s5, s3;
	[dreg:$0xf] =	wrdreg s20  }
0x13: {  	s9 =	sshrl.u32 s17, $0x3;
	s3 =	sadd.s32 s6, s3;
	[dreg:$0x11] =	wrdreg s22  }
0x14: {  	s17 =	sadd.s32 s14, s5;
	s18 =	sshrl.u32 s16, $0x3;
	[dreg:$0x12] =	wrdreg s3  }
0x15: {  	s28 =	smul.u32 $0x27100, s12;
	s13 =	sadd.s32 s5, s9;
	[dreg:$0x8] =	wrdreg s17  }
0x16: {  	s11 =	simm.s32 $0x52D0;
	s9 =	sadd.s32 s6, s9;
	[dreg:$0xd] =	wrdreg s13  }
0x17: {  	s12 =	simm.s32 $0x6BD0;
	s3 =	sadd.s32 s23, s5;
	[dreg:$0xe] =	wrdreg s9  }
0x18: {  	s14 =	simm.s32 $0x20;
	s20 =	sadd.s32 s18, s6;
	[dreg:$0x4] =	wrdreg s3  }
0x19: {  	s15 =	simm.s32 $0x80;
	s21 =	sadd.s32 s18, s5;
	[dreg:$0x9] =	wrdreg s20  }
0x1a: {  	s16 =	simm.s32 $0x3;
	s9 =	sadd.s32 s6, s19;
	[dreg:$0xa] =	wrdreg s21  }
0x1b: {  	s22 =	sshll.u32 s10, $0x4;
	s13 =	sadd.s32 s26, s5;
	[dreg:$0x10] =	wrdreg s9  }
0x1c: {  	s17 =	simm.s32 $0x258;
	s19 =	sadd.s32 s5, s8;
	[dreg:$0x6] =	wrdreg s13  }
0x1d: {  	s18 =	simm.s32 $0x640;
	s8 =	sadd.s32 s6, s8;
	[dreg:$0x13] =	wrdreg s19  }
0x1e: {  	s3 =	sadd.s32 s0, s22;
	s9 =	sadd.s32 s23, s6;
	[dreg:$0x14] =	wrdreg s8  }
0x1f: {  	s0 =	sadd.s32 s2, s0;
	s23 =	sadd.s32 $0x3E8, s10;
	[dreg:$0x3] =	wrdreg s9  }
0x20: {  	s2 =	simm.s32 $0x578;
	s25 =	sadd.s32 $0x3200, s3;
	[dreg:$0x16] =	wrdreg s23  }
0x21: {  	s20 =	simm.s32 $0x708;
	s26 =	sadd.s32 $0x2580, s3;
	[dreg:$0x17] =	wrdreg s25  }
0x22: {  	s21 =	simm.s32 $0x0;
	s29 =	sadd.s32 $0x1900, s3;
	[dreg:$0x18] =	wrdreg s26  }
0x23: {  	s3 =	sadd.s32 $0xC80, s3;
	s0 =	sadd.s32 s28, s0;
	[dreg:$0x19] =	wrdreg s29  }
0x24: {  	s19 =	simm.s32 $0x320;
	s8 =	simm.s32 $0x7D0;
	[dreg:$0x1a] =	wrdreg s3  }
0x25: {  	s10 =	simm.s32 $0x39D0;
	s13 =	simm.s32 $0x2;
	[dreg:$0x1b] =	wrdreg s0  }
0x26: {  	s25 =	simm.s32 $0xC8;
	s0 =	simm.s32 $0x190;
	s9 =	simm.s32 $0x20D0  }
.LBB2_1:
0x27: {  	[dreg:$0x1c] =	wrdreg s21  }
0x28: {  	s3 =	rddreg [dreg:$0xb]  }
0x29: {  	[tilespmem:s24], [sflag:$0x1] =	stream.linear.gather [hbm4b:s3+s24], $0xC8, $0x38;
	[tilespmem:$0x84D0] =	vst v63  }
0x2a: {  	s26 =	rddreg [dreg:$0xc]  }
0x2b: {  	[tilespmem:s30], [sflag:$0x1] =	stream.linear.gather [hbm4b:s26+s24], $0xC8, $0x38;
	[tilespmem:$0x84D0] =	vst v63  }
0x2c: {  	s28 =	rddreg [dreg:$0xd]  }
0x2d: {  	[tilespmem:s25], [sflag:$0x1] =	stream.linear.gather [hbm4b:s28+s24], $0xC8, $0x38;
	[tilespmem:$0x84D0] =	vst v63  }
0x2e: {  	s29 =	rddreg [dreg:$0xe]  }
0x2f: {  	[tilespmem:s31], [sflag:$0x1] =	stream.linear.gather [hbm4b:s29+s24], $0xC8, $0x38;
	[tilespmem:$0x84D0] =	vst v63  }
0x30: {  	s21 =	rddreg [dreg:$0xf]  }
0x31: {  	[tilespmem:s0], [sflag:$0x1] =	stream.linear.gather [hbm4b:s21+s24], $0xC8, $0x38;
	[tilespmem:$0x84D0] =	vst v63  }
0x32: {  	s22 =	rddreg [dreg:$0x10]  }
0x33: {  	[tilespmem:s2], [sflag:$0x1] =	stream.linear.gather [hbm4b:s22+s24], $0xC8, $0x38;
	[tilespmem:$0x84D0] =	vst v63  }
0x34: {  	s23 =	rddreg [dreg:$0x11]  }
0x35: {  	[tilespmem:s17], [sflag:$0x1] =	stream.linear.gather [hbm4b:s23+s24], $0xC8, $0x38;
	[tilespmem:$0x84D0] =	vst v63  }
0x36: {  	s26 =	rddreg [dreg:$0x12]  }
0x37: {  	[tilespmem:s18], [sflag:$0x1] =	stream.linear.gather [hbm4b:s26+s24], $0xC8, $0x38;
	[tilespmem:$0x84D0] =	vst v63  }
0x38: {  	s28 =	rddreg [dreg:$0x13]  }
0x39: {  	[tilespmem:s19], [sflag:$0x1] =	stream.linear.gather [hbm4b:s28+s24], $0xC8, $0x38;
	[tilespmem:$0x84D0] =	vst v63  }
0x3a: {  	s29 =	rddreg [dreg:$0x14]  }
0x3b: {  	[tilespmem:s20], [sflag:$0x1] =	stream.linear.gather [hbm4b:s29+s24], $0xC8, $0x38;
	[tilespmem:$0x84D0] =	vst v63  }
0x3c: {  	_ =	swait.ge [sflag:s7], $0xC8  }
0x3d: {  	[sflag:s7] =	ssyncset.done $0x0  }
0x3e: {  	[sflag:s7] =	ssyncadd.s32 $0xFFFFFF38  }
0x3f: {  	_ =	swait.ge [sflag:s7], $0xC8  }
0x40: {  	[sflag:s7] =	ssyncset.done $0x0  }
0x41: {  	[sflag:s7] =	ssyncadd.s32 $0xFFFFFF38  }
0x42: {  	_ =	swait.ge [sflag:s7], $0xC8  }
0x43: {  	[sflag:s7] =	ssyncset.done $0x0  }
0x44: {  	[sflag:s7] =	ssyncadd.s32 $0xFFFFFF38  }
0x45: {  	_ =	swait.ge [sflag:s7], $0xC8  }
0x46: {  	[sflag:s7] =	ssyncset.done $0x0  }
0x47: {  	[sflag:s7] =	ssyncadd.s32 $0xFFFFFF38  }
0x48: {  	_ =	swait.ge [sflag:s7], $0xC8  }
0x49: {  	[sflag:s7] =	ssyncset.done $0x0  }
0x4a: {  	[sflag:s7] =	ssyncadd.s32 $0xFFFFFF38  }
0x4b: {  	_ =	swait.ge [sflag:s7], $0xC8  }
0x4c: {  	[sflag:s7] =	ssyncset.done $0x0  }
0x4d: {  	[sflag:s7] =	ssyncadd.s32 $0xFFFFFF38  }
0x4e: {  	_ =	swait.ge [sflag:s7], $0xC8  }
0x4f: {  	[sflag:s7] =	ssyncset.done $0x0  }
0x50: {  	[sflag:s7] =	ssyncadd.s32 $0xFFFFFF38  }
0x51: {  	_ =	swait.ge [sflag:s7], $0xC8  }
0x52: {  	[sflag:s7] =	ssyncset.done $0x0  }
0x53: {  	[sflag:s7] =	ssyncadd.s32 $0xFFFFFF38  }
0x54: {  	_ =	swait.ge [sflag:s7], $0xC8  }
0x55: {  	[sflag:s7] =	ssyncset.done $0x0  }
0x56: {  	[sflag:s7] =	ssyncadd.s32 $0xFFFFFF38  }
0x57: {  	_ =	swait.ge [sflag:s7], $0xC8  }
0x58: {  	[sflag:s7] =	ssyncset.done $0x0  }
0x59: {  	[sflag:s7] =	ssyncadd.s32 $0xFFFFFF38  }
0x5a: {  	[tilespmem:s8], [sflag:$0x2] =	stream.indirect.gather [hbm4b:s1+s25], $0x20, s24, s25, $0xb8;
	[tilespmem:$0x84D0] =	vst v63  }
0x5b: {  	_ = 	snop  }
0x5c: {  	[tilespmem:s9], [sflag:$0x2] =	stream.indirect.gather [hbm4b:s1+s25], $0x20, s25, s25, $0xb8;
	[tilespmem:$0x84D0] =	vst v63  }
0x5d: {  	_ = 	snop  }
0x5e: {  	[tilespmem:s10], [sflag:$0x2] =	stream.indirect.gather [hbm4b:s1+s25], $0x20, s0, s25, $0xb8;
	[tilespmem:$0x84D0] =	vst v63  }
0x5f: {  	_ = 	snop  }
0x60: {  	[tilespmem:s11], [sflag:$0x2] =	stream.indirect.gather [hbm4b:s1+s25], $0x20, s17, s25, $0xb8;
	[tilespmem:$0x84D0] =	vst v63  }
0x61: {  	_ = 	snop  }
0x62: {  	[tilespmem:s12], [sflag:$0x2] =	stream.indirect.gather [hbm4b:s1+s25], $0x20, s19, s25, $0xb8;
	[tilespmem:$0x84D0] =	vst v63  }
0x63: {  	_ =	swait.ge [sflag:s13], $0x1900  }
0x64: {  	[sflag:s13] =	ssyncset.done $0x0  }
0x65: {  	[sflag:s13] =	ssyncadd.s32 $0xFFFFE700  }
0x66: {  	_ =	swait.ge [sflag:s13], $0x1900  }
0x67: {  	[sflag:s13] =	ssyncset.done $0x0  }
0x68: {  	[sflag:s13] =	ssyncadd.s32 $0xFFFFE700  }
0x69: {  	_ =	swait.ge [sflag:s13], $0x1900  }
0x6a: {  	[sflag:s13] =	ssyncset.done $0x0  }
0x6b: {  	[sflag:s13] =	ssyncadd.s32 $0xFFFFE700  }
0x6c: {  	_ =	swait.ge [sflag:s13], $0x1900  }
0x6d: {  	[sflag:s13] =	ssyncset.done $0x0  }
0x6e: {  	[sflag:s13] =	ssyncadd.s32 $0xFFFFE700  }
0x6f: {  	_ =	swait.ge [sflag:s13], $0x1900  }
0x70: {  	[sflag:s13] =	ssyncset.done $0x0  }
0x71: {  	[sflag:s13] =	ssyncadd.s32 $0xFFFFE700  }
0x72: {  	[tilespmem:s8], [sflag:$0x2] =	stream.indirect.gather.add.f32 [hbm:s4], $0x20, s30, s25, $0xb8;
	[tilespmem:$0x84D0] =	vst v63  }
0x73: {  	_ = 	snop  }
0x74: {  	[tilespmem:s9], [sflag:$0x2] =	stream.indirect.gather.add.f32 [hbm:s4], $0x20, s31, s25, $0xb8;
	[tilespmem:$0x84D0] =	vst v63  }
0x75: {  	_ = 	snop  }
0x76: {  	[tilespmem:s10], [sflag:$0x2] =	stream.indirect.gather.add.f32 [hbm:s4], $0x20, s2, s25, $0xb8;
	[tilespmem:$0x84D0] =	vst v63  }
0x77: {  	_ = 	snop  }
0x78: {  	[tilespmem:s11], [sflag:$0x2] =	stream.indirect.gather.add.f32 [hbm:s4], $0x20, s18, s25, $0xb8;
	[tilespmem:$0x84D0] =	vst v63  }
0x79: {  	_ = 	snop  }
0x7a: {  	[tilespmem:s12], [sflag:$0x2] =	stream.indirect.gather.add.f32 [hbm:s4], $0x20, s20, s25, $0xb8;
	[tilespmem:$0x84D0] =	vst v63  }
0x7b: {  	_ =	swait.ge [sflag:s13], $0x1900  }
0x7c: {  	[sflag:s13] =	ssyncset.done $0x0  }
0x7d: {  	[sflag:s13] =	ssyncadd.s32 $0xFFFFE700  }
0x7e: {  	_ =	swait.ge [sflag:s13], $0x1900  }
0x7f: {  	[sflag:s13] =	ssyncset.done $0x0  }
0x80: {  	[sflag:s13] =	ssyncadd.s32 $0xFFFFE700  }
0x81: {  	_ =	swait.ge [sflag:s13], $0x1900  }
0x82: {  	[sflag:s13] =	ssyncset.done $0x0  }
0x83: {  	[sflag:s13] =	ssyncadd.s32 $0xFFFFE700  }
0x84: {  	_ =	swait.ge [sflag:s13], $0x1900  }
0x85: {  	[sflag:s13] =	ssyncset.done $0x0  }
0x86: {  	[sflag:s13] =	ssyncadd.s32 $0xFFFFE700  }
0x87: {  	_ =	swait.ge [sflag:s13], $0x1900  }
0x88: {  	[sflag:s13] =	ssyncset.done $0x0;
	s29 =	rddreg [dreg:$0x1b]  }
0x89: {  	s28 =	rddreg [dreg:$0x1a];
	[sflag:s13] =	ssyncadd.s32 $0xFFFFE700  }
0x8a: {  	[hbm4b:s29+s14] =	stream.strided.scatter [tilespmem:s8], [sflag:$0x3], $0x1900, s15, s14, $0x38;
	[tilespmem:$0x84D0] =	vst v63  }
0x8b: {  	s21 =	rddreg [dreg:$0x19]  }
0x8c: {  	[hbm4b:s28+s14] =	stream.strided.scatter [tilespmem:s9], [sflag:$0x3], $0x1900, s15, s14, $0x38;
	[tilespmem:$0x84D0] =	vst v63  }
0x8d: {  	s23 =	rddreg [dreg:$0x18]  }
0x8e: {  	[hbm4b:s21+s14] =	stream.strided.scatter [tilespmem:s10], [sflag:$0x3], $0x1900, s15, s14, $0x38;
	[tilespmem:$0x84D0] =	vst v63  }
0x8f: {  	p0 =	por $0x0, $0x0;
	s26 =	rddreg [dreg:$0x16]  }
0x90: {  	[hbm4b:s23+s14] =	stream.strided.scatter [tilespmem:s11], [sflag:$0x3], $0x1900, s15, s14, $0x38;
	[tilespmem:$0x84D0] =	vst v63  }
0x91: {  	s22 =	rddreg [dreg:$0x17];
	s3 =	sshrl.u32 @!p0 s26, $0x3  }
0x92: {  	[hbm4b:s22+s14] =	stream.strided.scatter [tilespmem:s12], [sflag:$0x3], $0x1900, s15, s14, $0x38;
	[tilespmem:$0x84D0] =	vst v63  }
0x93: {  	s17 =	simm.s32 @!p0 $0x0;
	s19 =	sadd.s32 @!p0 s5, s3  }
0x94: {  	[tilespmem:s17], [sflag:$0x1] =	stream.linear.gather @!p0 [hbm4b:s19+s17], $0xC8, $0x38;
	[tilespmem:$0x84D0] =	vst v63  }
0x95: {  	s18 =	rddreg [dreg:$0xa];
	s3 =	sadd.s32 @!p0 s6, s3;
	s19 =	simm.s32 @!p0 $0x3E8  }
0x96: {  	[tilespmem:s19], [sflag:$0x1] =	stream.linear.gather @!p0 [hbm4b:s3+s17], $0xC8, $0x38;
	[tilespmem:$0x84D0] =	vst v63  }
0x97: {  	s20 =	rddreg [dreg:$0x9];
	s3 =	sadd.s32 @!p0 $0x0, s18;
	s18 =	simm.s32 @!p0 $0xC8  }
0x98: {  	[tilespmem:s18], [sflag:$0x1] =	stream.linear.gather @!p0 [hbm4b:s3+s17], $0xC8, $0x38;
	[tilespmem:$0x84D0] =	vst v63  }
0x99: {  	s19 =	rddreg [dreg:$0x8];
	s3 =	simm.s32 @!p0 $0x4B0;
	s18 =	sadd.s32 @!p0 $0x0, s20  }
0x9a: {  	[tilespmem:s3], [sflag:$0x1] =	stream.linear.gather @!p0 [hbm4b:s18+s17], $0xC8, $0x38;
	[tilespmem:$0x84D0] =	vst v63  }
0x9b: {  	s20 =	rddreg [dreg:$0x7];
	s3 =	simm.s32 @!p0 $0x190;
	s18 =	sadd.s32 @!p0 $0x0, s19  }
0x9c: {  	[tilespmem:s3], [sflag:$0x1] =	stream.linear.gather @!p0 [hbm4b:s18+s17], $0xC8, $0x38;
	[tilespmem:$0x84D0] =	vst v63  }
0x9d: {  	s19 =	rddreg [dreg:$0x6];
	s3 =	simm.s32 @!p0 $0x578;
	s18 =	sadd.s32 @!p0 $0x0, s20  }
0x9e: {  	[tilespmem:s3], [sflag:$0x1] =	stream.linear.gather @!p0 [hbm4b:s18+s17], $0xC8, $0x38;
	[tilespmem:$0x84D0] =	vst v63  }
0x9f: {  	s20 =	rddreg [dreg:$0x5];
	s3 =	simm.s32 @!p0 $0x258;
	s18 =	sadd.s32 @!p0 $0x0, s19  }
0xa0: {  	[tilespmem:s3], [sflag:$0x1] =	stream.linear.gather @!p0 [hbm4b:s18+s17], $0xC8, $0x38;
	[tilespmem:$0x84D0] =	vst v63  }
0xa1: {  	s19 =	rddreg [dreg:$0x4];
	s3 =	simm.s32 @!p0 $0x640;
	s18 =	sadd.s32 @!p0 $0x0, s20  }
0xa2: {  	[tilespmem:s3], [sflag:$0x1] =	stream.linear.gather @!p0 [hbm4b:s18+s17], $0xC8, $0x38;
	[tilespmem:$0x84D0] =	vst v63  }
0xa3: {  	s20 =	rddreg [dreg:$0x3];
	s3 =	simm.s32 @!p0 $0x320;
	s18 =	sadd.s32 @!p0 $0x0, s19  }
0xa4: {  	[tilespmem:s3], [sflag:$0x1] =	stream.linear.gather @!p0 [hbm4b:s18+s17], $0xC8, $0x38;
	[tilespmem:$0x84D0] =	vst v63  }
0xa5: {  	s3 =	simm.s32 @!p0 $0x708;
	s18 =	sadd.s32 @!p0 $0x0, s20  }
0xa6: {  	[tilespmem:s3], [sflag:$0x1] =	stream.linear.gather @!p0 [hbm4b:s18+s17], $0xC8, $0x38;
	[tilespmem:$0x84D0] =	vst v63  }
0xa7: {  	_ =	swait.ge [sflag:s16], $0x1900  }
0xa8: {  	[sflag:s16] =	ssyncset.done $0x0  }
0xa9: {  	[sflag:s16] =	ssyncadd.s32 $0xFFFFE700  }
0xaa: {  	_ =	swait.ge [sflag:s16], $0x1900  }
0xab: {  	[sflag:s16] =	ssyncset.done $0x0  }
0xac: {  	[sflag:s16] =	ssyncadd.s32 $0xFFFFE700  }
0xad: {  	_ =	swait.ge [sflag:s16], $0x1900  }
0xae: {  	[sflag:s16] =	ssyncset.done $0x0  }
0xaf: {  	s0 =	simm.s32 $0x320;
	[sflag:s16] =	ssyncadd.s32 $0xFFFFE700  }
0xb0: {  	s2 =	simm.s32 $0x708;
	s23 =	sadd.s32 $0x3E80, s23;
	_ =	swait.ge [sflag:s16], $0x1900  }
0xb1: {  	s22 =	sadd.s32 $0x3E80, s22;
	s19 =	simm.s32 $0x7D;
	[sflag:s16] =	ssyncset.done $0x0  }
0xb2: {  	s20 =	sadd.s32 $0x3E80, s29;
	s18 =	sadd.s32 $0x3E80, s21;
	[sflag:s16] =	ssyncadd.s32 $0xFFFFE700  }
0xb3: {  	s21 =	sadd.s32 $0x3E80, s28;
	s17 =	smov.u32 s26;
	_ =	swait.ge [sflag:s16], $0x1900  }
.LBB2_2:
0xb4: {  	[sflag:s16] =	ssyncset.done $0x0  }
0xb5: {  	[sflag:s16] =	ssyncadd.s32 $0xFFFFE700  }
0xb6: {  	_ =	swait.ge [sflag:s7], $0xC8  }
0xb7: {  	[sflag:s7] =	ssyncset.done $0x0  }
0xb8: {  	[sflag:s7] =	ssyncadd.s32 $0xFFFFFF38  }
0xb9: {  	_ =	swait.ge [sflag:s7], $0xC8  }
0xba: {  	[sflag:s7] =	ssyncset.done $0x0  }
0xbb: {  	[sflag:s7] =	ssyncadd.s32 $0xFFFFFF38  }
0xbc: {  	_ =	swait.ge [sflag:s7], $0xC8  }
0xbd: {  	[sflag:s7] =	ssyncset.done $0x0  }
0xbe: {  	[sflag:s7] =	ssyncadd.s32 $0xFFFFFF38  }
0xbf: {  	_ =	swait.ge [sflag:s7], $0xC8  }
0xc0: {  	[sflag:s7] =	ssyncset.done $0x0  }
0xc1: {  	[sflag:s7] =	ssyncadd.s32 $0xFFFFFF38  }
0xc2: {  	_ =	swait.ge [sflag:s7], $0xC8  }
0xc3: {  	[sflag:s7] =	ssyncset.done $0x0  }
0xc4: {  	[sflag:s7] =	ssyncadd.s32 $0xFFFFFF38  }
0xc5: {  	_ =	swait.ge [sflag:s7], $0xC8  }
0xc6: {  	[sflag:s7] =	ssyncset.done $0x0  }
0xc7: {  	[sflag:s7] =	ssyncadd.s32 $0xFFFFFF38  }
0xc8: {  	_ =	swait.ge [sflag:s7], $0xC8  }
0xc9: {  	[sflag:s7] =	ssyncset.done $0x0  }
0xca: {  	[sflag:s7] =	ssyncadd.s32 $0xFFFFFF38  }
0xcb: {  	_ =	swait.ge [sflag:s7], $0xC8  }
0xcc: {  	[sflag:s7] =	ssyncset.done $0x0  }
0xcd: {  	[sflag:s7] =	ssyncadd.s32 $0xFFFFFF38  }
0xce: {  	_ =	swait.ge [sflag:s7], $0xC8  }
0xcf: {  	[sflag:s7] =	ssyncset.done $0x0  }
0xd0: {  	[sflag:s7] =	ssyncadd.s32 $0xFFFFFF38  }
0xd1: {  	_ =	swait.ge [sflag:s7], $0xC8  }
0xd2: {  	[sflag:s7] =	ssyncset.done $0x0  }
0xd3: {  	[sflag:s7] =	ssyncadd.s32 $0xFFFFFF38  }
0xd4: {  	[tilespmem:s8], [sflag:$0x2] =	stream.indirect.gather [hbm4b:s1+s25], $0x20, s24, s25, $0xb8;
	[tilespmem:$0x84D0] =	vst v63  }
0xd5: {  	_ = 	snop  }
0xd6: {  	[tilespmem:s9], [sflag:$0x2] =	stream.indirect.gather [hbm4b:s1+s25], $0x20, s25, s25, $0xb8;
	[tilespmem:$0x84D0] =	vst v63  }
0xd7: {  	s29 =	simm.s32 $0x190  }
0xd8: {  	[tilespmem:s10], [sflag:$0x2] =	stream.indirect.gather [hbm4b:s1+s25], $0x20, s29, s25, $0xb8;
	[tilespmem:$0x84D0] =	vst v63  }
0xd9: {  	s26 =	simm.s32 $0x258  }
0xda: {  	[tilespmem:s11], [sflag:$0x2] =	stream.indirect.gather [hbm4b:s1+s25], $0x20, s26, s25, $0xb8;
	[tilespmem:$0x84D0] =	vst v63  }
0xdb: {  	_ = 	snop  }
0xdc: {  	[tilespmem:s12], [sflag:$0x2] =	stream.indirect.gather [hbm4b:s1+s25], $0x20, s0, s25, $0xb8;
	[tilespmem:$0x84D0] =	vst v63  }
0xdd: {  	_ =	swait.ge [sflag:s13], $0x1900  }
0xde: {  	[sflag:s13] =	ssyncset.done $0x0  }
0xdf: {  	[sflag:s13] =	ssyncadd.s32 $0xFFFFE700  }
0xe0: {  	_ =	swait.ge [sflag:s13], $0x1900  }
0xe1: {  	[sflag:s13] =	ssyncset.done $0x0  }
0xe2: {  	[sflag:s13] =	ssyncadd.s32 $0xFFFFE700  }
0xe3: {  	_ =	swait.ge [sflag:s13], $0x1900  }
0xe4: {  	[sflag:s13] =	ssyncset.done $0x0  }
0xe5: {  	[sflag:s13] =	ssyncadd.s32 $0xFFFFE700  }
0xe6: {  	_ =	swait.ge [sflag:s13], $0x1900  }
0xe7: {  	[sflag:s13] =	ssyncset.done $0x0  }
0xe8: {  	[sflag:s13] =	ssyncadd.s32 $0xFFFFE700  }
0xe9: {  	_ =	swait.ge [sflag:s13], $0x1900  }
0xea: {  	[sflag:s13] =	ssyncset.done $0x0  }
0xeb: {  	[sflag:s13] =	ssyncadd.s32 $0xFFFFE700  }
0xec: {  	[tilespmem:s8], [sflag:$0x2] =	stream.indirect.gather.add.f32 [hbm:s4], $0x20, s30, s25, $0xb8;
	[tilespmem:$0x84D0] =	vst v63  }
0xed: {  	_ = 	snop  }
0xee: {  	[tilespmem:s9], [sflag:$0x2] =	stream.indirect.gather.add.f32 [hbm:s4], $0x20, s31, s25, $0xb8;
	[tilespmem:$0x84D0] =	vst v63  }
0xef: {  	s28 =	simm.s32 $0x578  }
0xf0: {  	[tilespmem:s10], [sflag:$0x2] =	stream.indirect.gather.add.f32 [hbm:s4], $0x20, s28, s25, $0xb8;
	[tilespmem:$0x84D0] =	vst v63  }
0xf1: {  	s29 =	simm.s32 $0x640  }
0xf2: {  	[tilespmem:s11], [sflag:$0x2] =	stream.indirect.gather.add.f32 [hbm:s4], $0x20, s29, s25, $0xb8;
	[tilespmem:$0x84D0] =	vst v63  }
0xf3: {  	_ = 	snop  }
0xf4: {  	[tilespmem:s12], [sflag:$0x2] =	stream.indirect.gather.add.f32 [hbm:s4], $0x20, s2, s25, $0xb8;
	[tilespmem:$0x84D0] =	vst v63  }
0xf5: {  	_ =	swait.ge [sflag:s13], $0x1900  }
0xf6: {  	[sflag:s13] =	ssyncset.done $0x0  }
0xf7: {  	[sflag:s13] =	ssyncadd.s32 $0xFFFFE700  }
0xf8: {  	_ =	swait.ge [sflag:s13], $0x1900  }
0xf9: {  	[sflag:s13] =	ssyncset.done $0x0  }
0xfa: {  	[sflag:s13] =	ssyncadd.s32 $0xFFFFE700  }
0xfb: {  	_ =	swait.ge [sflag:s13], $0x1900  }
0xfc: {  	[sflag:s13] =	ssyncset.done $0x0  }
0xfd: {  	[sflag:s13] =	ssyncadd.s32 $0xFFFFE700  }
0xfe: {  	_ =	swait.ge [sflag:s13], $0x1900  }
0xff: {  	[sflag:s13] =	ssyncset.done $0x0  }
0x100: {  	[sflag:s13] =	ssyncadd.s32 $0xFFFFE700  }
0x101: {  	_ =	swait.ge [sflag:s13], $0x1900  }
0x102: {  	[sflag:s13] =	ssyncset.done $0x0  }
0x103: {  	[sflag:s13] =	ssyncadd.s32 $0xFFFFE700  }
0x104: {  	[hbm4b:s20+s14] =	stream.strided.scatter [tilespmem:s8], [sflag:$0x3], $0x1900, s15, s14, $0x38;
	[tilespmem:$0x84D0] =	vst v63  }
0x105: {  	_ = 	snop  }
0x106: {  	[hbm4b:s21+s14] =	stream.strided.scatter [tilespmem:s9], [sflag:$0x3], $0x1900, s15, s14, $0x38;
	[tilespmem:$0x84D0] =	vst v63  }
0x107: {  	s3 =	smov.u32 s19  }
0x108: {  	[hbm4b:s18+s14] =	stream.strided.scatter [tilespmem:s10], [sflag:$0x3], $0x1900, s15, s14, $0x38;
	[tilespmem:$0x84D0] =	vst v63  }
0x109: {  	s17 =	sadd.s32 $0x3E8, s17;
	p1 =	seq.s32 s3, $0x465  }
0x10a: {  	[hbm4b:s23+s14] =	stream.strided.scatter [tilespmem:s11], [sflag:$0x3], $0x1900, s15, s14, $0x38;
	[tilespmem:$0x84D0] =	vst v63  }
0x10b: {  	s24 =	sshrl.u32 @!p1 s17, $0x3  }
0x10c: {  	[hbm4b:s22+s14] =	stream.strided.scatter [tilespmem:s12], [sflag:$0x3], $0x1900, s15, s14, $0x38;
	[tilespmem:$0x84D0] =	vst v63  }
0x10d: {  	s26 =	simm.s32 @!p1 $0x0;
	s29 =	sadd.s32 @!p1 s5, s24  }
0x10e: {  	[tilespmem:s26], [sflag:$0x1] =	stream.linear.gather @!p1 [hbm4b:s29+s26], $0xC8, $0x38;
	[tilespmem:$0x84D0] =	vst v63  }
0x10f: {  	s30 =	simm.s32 @!p1 $0x3E8;
	s24 =	sadd.s32 @!p1 s6, s24;
	s28 =	rddreg [dreg:$0xa]  }
0x110: {  	[tilespmem:s30], [sflag:$0x1] =	stream.linear.gather @!p1 [hbm4b:s24+s26], $0xC8, $0x38;
	[tilespmem:$0x84D0] =	vst v63  }
0x111: {  	s31 =	rddreg [dreg:$0x9];
	s28 =	sadd.s32 @!p1 s3, s28;
	s29 =	simm.s32 @!p1 $0xC8  }
0x112: {  	[tilespmem:s29], [sflag:$0x1] =	stream.linear.gather @!p1 [hbm4b:s28+s26], $0xC8, $0x38;
	[tilespmem:$0x84D0] =	vst v63  }
0x113: {  	s24 =	simm.s32 @!p1 $0x4B0;
	s30 =	rddreg [dreg:$0x8];
	s28 =	sadd.s32 @!p1 s3, s31  }
0x114: {  	[tilespmem:s24], [sflag:$0x1] =	stream.linear.gather @!p1 [hbm4b:s28+s26], $0xC8, $0x38;
	[tilespmem:$0x84D0] =	vst v63  }
0x115: {  	s29 =	simm.s32 @!p1 $0x190;
	s31 =	rddreg [dreg:$0x7];
	s24 =	sadd.s32 @!p1 s3, s30  }
0x116: {  	[tilespmem:s29], [sflag:$0x1] =	stream.linear.gather @!p1 [hbm4b:s24+s26], $0xC8, $0x38;
	[tilespmem:$0x84D0] =	vst v63  }
0x117: {  	s28 =	simm.s32 @!p1 $0x578;
	s30 =	rddreg [dreg:$0x6];
	s24 =	sadd.s32 @!p1 s3, s31  }
0x118: {  	[tilespmem:s28], [sflag:$0x1] =	stream.linear.gather @!p1 [hbm4b:s24+s26], $0xC8, $0x38;
	[tilespmem:$0x84D0] =	vst v63  }
0x119: {  	s29 =	simm.s32 @!p1 $0x258;
	s31 =	rddreg [dreg:$0x5];
	s24 =	sadd.s32 @!p1 s3, s30  }
0x11a: {  	[tilespmem:s29], [sflag:$0x1] =	stream.linear.gather @!p1 [hbm4b:s24+s26], $0xC8, $0x38;
	[tilespmem:$0x84D0] =	vst v63  }
0x11b: {  	s28 =	simm.s32 @!p1 $0x640;
	s30 =	rddreg [dreg:$0x4];
	s24 =	sadd.s32 @!p1 s3, s31  }
0x11c: {  	[tilespmem:s28], [sflag:$0x1] =	stream.linear.gather @!p1 [hbm4b:s24+s26], $0xC8, $0x38;
	[tilespmem:$0x84D0] =	vst v63  }
0x11d: {  	s29 =	simm.s32 @!p1 $0x320;
	s31 =	rddreg [dreg:$0x3];
	s24 =	sadd.s32 @!p1 s3, s30  }
0x11e: {  	[tilespmem:s29], [sflag:$0x1] =	stream.linear.gather @!p1 [hbm4b:s24+s26], $0xC8, $0x38;
	[tilespmem:$0x84D0] =	vst v63  }
0x11f: {  	s28 =	simm.s32 @!p1 $0x708;
	s3 =	sadd.s32 @!p1 s3, s31  }
0x120: {  	[tilespmem:s28], [sflag:$0x1] =	stream.linear.gather @!p1 [hbm4b:s3+s26], $0xC8, $0x38;
	[tilespmem:$0x84D0] =	vst v63  }
0x121: {  	_ =	swait.ge [sflag:s16], $0x1900  }
0x122: {  	[sflag:s16] =	ssyncset.done $0x0  }
0x123: {  	[sflag:s16] =	ssyncadd.s32 $0xFFFFE700  }
0x124: {  	_ =	swait.ge [sflag:s16], $0x1900  }
0x125: {  	[sflag:s16] =	ssyncset.done $0x0  }
0x126: {  	[sflag:s16] =	ssyncadd.s32 $0xFFFFE700  }
0x127: {  	s19 =	sadd.s32 $0x7D, s19;
	_ =	swait.ge [sflag:s16], $0x1900  }
0x128: {  	p0 =	sne.s32 s19, $0x4E2;
	[sflag:s16] =	ssyncset.done $0x0  }
.Ltmp0:
0x129: {  	[sflag:s16] =	ssyncadd.s32 $0xFFFFE700;
	(pc) =	sbr.rel @p0 .LBB2_2-.Ltmp0, $4  }
0x12a: {  	s20 =	sadd.s32 $0x3E80, s20;
	s21 =	sadd.s32 $0x3E80, s21;
	_ =	swait.ge [sflag:s16], $0x1900  }
0x12b: {  	s18 =	sadd.s32 $0x3E80, s18;
	s23 =	sadd.s32 $0x3E80, s23;
	[sflag:s16] =	ssyncset.done $0x0  }
0x12c: {  	s22 =	sadd.s32 $0x3E80, s22;
	s30 =	simm.s32 $0x3E8;
	[sflag:s16] =	ssyncadd.s32 $0xFFFFE700  }
0x12d: {  	s31 =	simm.s32 $0x4B0;
	s24 =	simm.s32 $0x0;
	_ =	swait.ge [sflag:s16], $0x1900  }
0x12e: {  	s21 =	rddreg [dreg:$0x1c]  }
0x12f: {  	s3 =	rddreg [dreg:$0x15];
	s21 =	sadd.s32 $0x1, s21  }
0x130: {  	p0 =	sne.s32 s21, s3  }
.Ltmp1:
0x131: {  	_ = 	snop;
	(pc) =	sbr.rel @p0 .LBB2_1-.Ltmp1, $4  }
0x132: {  	_ = 	snop  }
0x133: {  	[sflag:s16] =	ssyncset.done $0x0;
	s0 =	simm.s32 $0x190  }
0x134: {  	s2 =	simm.s32 $0x578;
	s17 =	simm.s32 $0x258;
	s18 =	simm.s32 $0x640  }
0x135: {  	s19 =	simm.s32 $0x320;
	s20 =	simm.s32 $0x708;
	[sflag:s16] =	ssyncadd.s32 $0xFFFFE700  }
0x136: {  	_ =	sfence.sel $0x180000  }
0x137: {  	[bflag:$0x0] =	sbarrier.arrive $0xFFFF  }
0x138: {  	_ =	strace $0x90000047  }
0x139: {  	s0 =	stileid.u32;
	[bflag:$0x2] =	sbarrier.arrive $0xFFFF  }
0x13a: {  	p0 =	sne.s32 s0, $0x0;
	s0 =	rddreg [dreg:$0x2]  }
0x13b: {  	s0 =	sadd.s32 @!p0 $0x100000, s0  }
0x13c: {  	[sflag:s0] =	ssyncadd.tile.s32 @!p0 $0x1;
	_ =	shalt  }
.Lfunc_end2:
_tile_overlayer_lowered:
.L_overlay_start_2:
0x13d: {  	(tag) =	ssettag $0x2  }
0x13e: {  	s0 =	rddreg [dreg:$0x0];
	s2 =	stileid.u32  }
0x13f: {  	s1 =	rddreg [dreg:$0x1];
	p0 =	sne.s32 s2, $0x0  }
0x140: {  	s3 =	rddreg [dreg:$0x2];
	[bflag:$0x3] =	sbarrier.arrive $0xFFFF;
	s2 =	simm.s32 @!p0 $0x1C04  }
0x141: {  	[timem:s3], [sflag:s2] =	dma.local @!p0 [hbm:s0], s1  }
0x142: {  	s0 =	simm.s32 @!p0 $0x4  }
0x143: {  	_ =	swait.ge @!p0 [sflag:s0], s1  }
0x144: {  	s1 =	ssub.s32 @!p0 $0x0, s1;
	[sflag:s0] =	ssyncset.done @!p0 $0x0  }
0x145: {  	[sflag:s0] =	ssyncadd.s32 @!p0 s1  }
0x146: {  	[bflag:$0x3] =	sbarrier.arrive $0xFFFF  }
0x147: {  	_ =	shalt  }

// kernel: kernel.14.cloned.1.call-start
scs
__scs_entry_jumppad:
0x0: {  	(pc) =	sbr.rel $0x88, $3  }
0x1: {  	(tag) =	ssettag $0x0;
	lr =	simm.s32 $0x1  }
0x2: {  	[smem:$0x3F75] =	sst lr;
	_ =	strace $0xD0000000  }
0x3: {  	_ = 	snop  }
0x4: {  	_ = 	snop  }
0x5: {  	_ = 	snop  }
0x6: {  	_ = 	snop  }
0x7: {  	_ = 	snop  }
__scs_overlays_trampoline_lowered:
0x8: {  	[smem:$0x3F84] =	sst s0  }
0x9: {  	[smem:$0x3F85] =	sst s1  }
0xa: {  	[smem:$0x3F86] =	sst s2  }
0xb: {  	[smem:$0x3F87] =	sst s3  }
0xc: {  	[smem:$0x3F88] =	sst s4  }
0xd: {  	[smem:$0x3F89] =	sst s5  }
0xe: {  	[smem:$0x3F8A] =	sst s6  }
0xf: {  	[smem:$0x3F8B] =	sst s7  }
0x10: {  	[smem:$0x3F8C] =	sst s8  }
0x11: {  	[smem:$0x3F8D] =	sst s9;
	s0 =	simm.s32 @!p0 $0x0  }
0x12: {  	s1 =	sld [smem:$0x3F73];
	s0 =	simm.s32 @p0 $0x1  }
0x13: {  	[smem:$0x3F8E] =	sst s0;
	s0 =	simm.s32 @!p1 $0x0  }
0x14: {  	s2 =	sld [smem:$0x3F72];
	s0 =	simm.s32 @p1 $0x1  }
0x15: {  	[smem:$0x3F8F] =	sst s0;
	s0 =	simm.s32 @!p2 $0x0  }
0x16: {  	s3 =	sld [smem:$0x3FDB];
	s0 =	simm.s32 @p2 $0x1  }
0x17: {  	s4 =	simm.s32 $0x1BF5;
	[smem:$0x3F91] =	sst s0  }
0x18: {  	s0 =	sld [smem:$0x3F74];
	_ =	swait.ge [sflag:s4], $0x0  }
0x19: {  	s7 =	sld [smem:$0x3F75]  }
0x1a: {  	s8 =	sadd.s32 $0xFFFFE003, lr  }
0x1b: {  	s9 =	sadd.s32 $0xFFFFFEF7, lr;
	s5 =	simm.s32 $0xFFFFFFFF;
	p2 =	slt.u32 s8, $0xFFFFF086  }
0x1c: {  	p1 =	slt.u32 s9, $0xF7A;
	s5 =	simm.s32 @!p2 $0x0  }
0x1d: {  	s5 =	simm.s32 @p1 $0x1;
	p0 =	seq.s32 s7, s2  }
0x1e: {  	s7 =	smul.u32 @!p0 $0xF7A, s2;
	p2 =	seq.s32 @!p0 s5, $0x0  }
0x1f: {  	s9 =	smul.u32 $0xF7A, s1;
	s8 =	simm.s32 @!p0 $0x1BF5;
	p2 =	por !p2, p0  }
0x20: {  	[sflag:s8] =	ssyncset.s32 @!p0 $0xFFFFF086;
	s6 =	sadd.s32 @!p0 s3, s7;
	s7 =	simm.s32 @!p0 $0x108  }
0x21: {  	s3 =	sadd.s32 s3, s9;
	s6 =	sadd.s32 @!p0 $0x88, s6;
	s7 =	simm.s32 @p2 $0x1082  }
0x22: {  	[simem:s7], [sflag:s8] =	dma.local @!p0 [hbm:s6], $0xF7A  }
0x23: {  	s9 =	sor.u32 $0xD0000000, s2;
	s6 =	simm.s32 $0x108;
	_ =	swait.ge @!p0 [sflag:s8], $0x0  }
0x24: {  	s3 =	sadd.s32 $0x88, s3;
	s6 =	simm.s32 @!p1 $0x1082;
	[sflag:s4] =	ssyncset.s32 $0xFFFFF086  }
0x25: {  	[simem:s6], [sflag:s4] =	dma.local [hbm:s3], $0xF7A  }
0x26: {  	[smem:$0x3F75] =	sst s1;
	(tag) =	ssettag s2;
	_ =	strace s9  }
0x27: {  	s1 =	sld [smem:$0x3F85]  }
0x28: {  	s2 =	sld [smem:$0x3F86]  }
0x29: {  	s4 =	sld [smem:$0x3F88]  }
0x2a: {  	p0 =	seq.s32 s5, $0x0;
	s5 =	sld [smem:$0x3F89]  }
0x2b: {  	s6 =	sld [smem:$0x3F8A]  }
0x2c: {  	s7 =	sld [smem:$0x3F8B]  }
0x2d: {  	s3 =	simm.s32 $0x108;
	s8 =	sld [smem:$0x3F8C]  }
0x2e: {  	s3 =	simm.s32 @!p0 $0x1082;
	s9 =	sld [smem:$0x3F8D]  }
0x2f: {  	lr =	sadd.s32 s0, s3;
	s0 =	sld [smem:$0x3F84]  }
0x30: {  	s3 =	sld [smem:$0x3F87]  }
0x31: {  	[smem:$0x3F90] =	sst s10  }
0x32: {  	s10 =	sld [smem:$0x3F8E];
	_ =	sdelay $0x3  }
0x33: {  	p0 =	seq.s32 s10, $0x1;
	s10 =	sld [smem:$0x3F90];
	_ =	sdelay $0x3  }
0x34: {  	[smem:$0x3F90] =	sst s10  }
0x35: {  	s10 =	sld [smem:$0x3F8F];
	_ =	sdelay $0x3  }
0x36: {  	p1 =	seq.s32 s10, $0x1;
	s10 =	sld [smem:$0x3F90];
	_ =	sdelay $0x3  }
0x37: {  	[smem:$0x3F90] =	sst s10  }
0x38: {  	s10 =	sld [smem:$0x3F91]  }
0x39: {  	_ = 	snop;
	(pc) =	sbr.ind lr, $3  }
0x3a: {  	_ = 	snop  }
0x3b: {  	_ = 	snop  }
0x3c: {  	p2 =	seq.s32 s10, $0x1;
	s10 =	sld [smem:$0x3F90]  }
0x3d: {  	_ =	shalt  }
0x3e: {  	_ =	shalt  }
0x3f: {  	_ =	shalt  }
0x40: {  	_ =	shalt  }
0x41: {  	_ =	shalt  }
0x42: {  	_ =	shalt  }
0x43: {  	_ =	shalt  }
0x44: {  	_ =	shalt  }
0x45: {  	_ =	shalt  }
0x46: {  	_ =	shalt  }
0x47: {  	_ =	shalt  }
0x48: {  	_ =	shalt  }
0x49: {  	_ =	shalt  }
0x4a: {  	_ =	shalt  }
0x4b: {  	_ =	shalt  }
0x4c: {  	_ =	shalt  }
0x4d: {  	_ =	shalt  }
0x4e: {  	_ =	shalt  }
0x4f: {  	_ =	shalt  }
0x50: {  	_ =	shalt  }
0x51: {  	_ =	shalt  }
0x52: {  	_ =	shalt  }
0x53: {  	_ =	shalt  }
0x54: {  	_ =	shalt  }
0x55: {  	_ =	shalt  }
0x56: {  	_ =	shalt  }
0x57: {  	_ =	shalt  }
0x58: {  	_ =	shalt  }
0x59: {  	_ =	shalt  }
0x5a: {  	_ =	shalt  }
0x5b: {  	_ =	shalt  }
0x5c: {  	_ =	shalt  }
0x5d: {  	_ =	shalt  }
0x5e: {  	_ =	shalt  }
0x5f: {  	_ =	shalt  }
0x60: {  	_ =	shalt  }
0x61: {  	_ =	shalt  }
0x62: {  	_ =	shalt  }
0x63: {  	_ =	shalt  }
0x64: {  	_ =	shalt  }
0x65: {  	_ =	shalt  }
0x66: {  	_ =	shalt  }
0x67: {  	_ =	shalt  }
0x68: {  	_ =	shalt  }
0x69: {  	_ =	shalt  }
0x6a: {  	_ =	shalt  }
0x6b: {  	_ =	shalt  }
0x6c: {  	_ =	shalt  }
0x6d: {  	_ =	shalt  }
0x6e: {  	_ =	shalt  }
0x6f: {  	_ =	shalt  }
0x70: {  	_ =	shalt  }
0x71: {  	_ =	shalt  }
0x72: {  	_ =	shalt  }
0x73: {  	_ =	shalt  }
0x74: {  	_ =	shalt  }
0x75: {  	_ =	shalt  }
0x76: {  	_ =	shalt  }
0x77: {  	_ =	shalt  }
0x78: {  	_ =	shalt  }
0x79: {  	_ =	shalt  }
0x7a: {  	_ =	shalt  }
0x7b: {  	_ =	shalt  }
0x7c: {  	_ =	shalt  }
0x7d: {  	_ =	shalt  }
0x7e: {  	_ =	shalt  }
0x7f: {  	_ =	shalt  }
0x80: {  	_ =	shalt  }
0x81: {  	_ =	shalt  }
0x82: {  	_ =	shalt  }
0x83: {  	_ =	shalt  }
0x84: {  	_ =	shalt  }
0x85: {  	_ =	shalt  }
0x86: {  	_ =	shalt  }
0x87: {  	_ =	shalt  }
.Lfunc_end0:
.L_simem_size_0:
called_computation.1_lowered:
.L_overlay_start_0:
0x88: {  	s2 =	sld [smem:$0x3FD9]  }
0x89: {  	s3 =	sld [smem:$0x3FFE];
	_ =	sdelay $0x1  }
0x8a: {  	s1 =	srdreg.scid  }
0x8b: {  	s0 =	sand.u32 $0x1, s1  }
0x8c: {  	s16 =	sshll.u32 s0, $0xA;
	s2 =	sadd.s32 s3, s2  }
0x8d: {  	s2 =	sadd.s32 s2, s16  }
0x8e: {  	[smem:$0x3F9C] =	sst s2  }
0x8f: {  	_ = 	snop  }
0x90: {  	(tm) =	ssettm $0x1  }
0x91: {  	s17 =	sld [smem:$0x3FFB];
	_ =	sdelay $0x3  }
0x92: {  	_ =	strace s17  }
0x93: {  	s2 =	sld [smem:$0x3FFC];
	_ =	sdelay $0x3  }
0x94: {  	_ =	strace s2  }
0x95: {  	s2 =	sld [smem:$0x3FFD];
	_ =	sdelay $0x3  }
0x96: {  	_ =	strace s2  }
0x97: {  	_ =	strace $0x8FFFFFFF  }
0x98: {  	s18 =	sld [smem:$0x3FDB];
	_ =	sdelay $0x1  }
0x99: {  	s19 =	simm.s32 $_scs_section_size  }
0x9a: {  	s4 =	simm.s32 $_size__tile_overlayer_lowered;
	s5 =	simm.s32 $_tile_overlayer_lowered  }
0x9b: {  	s22 =	simm.s32 $0x1BFF;
	s21 =	sshll.u32 s5, $0x1;
	s2 =	sadd.s32 s19, s18  }
0x9c: {  	s6 =	simm.s32 $0x0;
	s20 =	sshll.u32 s4, $0x1;
	s4 =	sadd.s32 s21, s2  }
0x9d: {  	[timem:s6], [sflag:s22] =	dma.local [hbm:s4], s20  }
0x9e: {  	_ =	swait.ge [sflag:s22], s20  }
0x9f: {  	s3 =	ssub.s32 $0x0, s20;
	[sflag:s22] =	ssyncset.done $0x0  }
0xa0: {  	[sflag:s22] =	ssyncadd.s32 s3;
	_ =	sdelay $0x1  }
0xa1: {  	s23 =	simm.s32 $0x1B8B  }
0xa2: {  	_ =	swait.ge [sflag:s23], $0x1  }
0xa3: {  	[sflag:s23] =	ssyncset.done $0x0  }
0xa4: {  	s25 =	simm.s32 $0x1B8E;
	s24 =	sld [smem:$0x3FFE];
	[sflag:s23] =	ssyncadd.s32 $0xFFFFFFFF  }
0xa5: {  	s26 =	simm.s32 $execute0_lowered;
	[smem:$0x3FD2] =	sst s25  }
0xa6: {  	s4 =	sshll.u32 s26, $0x1;
	_ =	strace $0x80000049;
	[dreg:$0x1] =	wrdreg $0xFFFFFFFF  }
0xa7: {  	s28 =	simm.s32 $_size_execute0_lowered;
	s2 =	sadd.s32 s2, s4;
	[dreg:$0x0] =	wrdreg $0x0  }
0xa8: {  	s4 =	sshll.u32 s28, $0x1;
	[dreg:$0x2] =	wrdreg s2  }
0xa9: {  	[dreg:$0x3] =	wrdreg s4  }
0xaa: {  	[dreg:$0x4] =	wrdreg $0xC0  }
0xab: {  	_ =	task [dreg:s6], $0x5FFFF  }
0xac: {  	[dreg:$0x1] =	wrdreg $0xFFFFFFFF  }
0xad: {  	[dreg:$0x0] =	wrdreg $0x60  }
0xae: {  	[dreg:$0x2] =	wrdreg s24  }
0xaf: {  	[dreg:$0x3] =	wrdreg $0xA2000  }
0xb0: {  	[dreg:$0x4] =	wrdreg $0x9  }
0xb1: {  	_ =	task.clear_ibuf [dreg:s6], $0x5FFFF;
	_ =	strace $0x90000049  }
0xb2: {  	s29 =	simm.s32 $0x9;
	_ =	strace $0x8000004B  }
0xb3: {  	_ =	swait.ge [sflag:s29], $0x1  }
0xb4: {  	[sflag:s29] =	ssyncadd.s32 $0xFFFFFFFF  }
0xb5: {  	_ =	strace $0x9000004B  }
0xb6: {  	_ =	sfence  }
0xb7: {  	s30 =	sld [smem:$0x0];
	_ =	sdelay $0x2  }
0xb8: {  	s31 =	sshll.u32 s1, $0xD;
	s1 =	sshrl.u32 s1, $0x2  }
0xb9: {  	s3 =	sand.u32 $0x4000, s31;
	s1 =	sadd.s32 s1, s30  }
0xba: {  	s0 =	sor.u32 s3, s0;
	s1 =	sshll.u32 s1, $0x11  }
0xbb: {  	s0 =	sor.u32 s1, s0  }
0xbc: {  	s0 =	sadd.s32 $0x8F2B, s0  }
0xbd: {  	[sflag:s0] =	ssyncadd.remote.s32 $0x1  }
0xbe: {  	_ =	sfence.sel $0xFFFF  }
0xbf: {  	[dreg:$0x0] =	wrdreg $0xFFFFFFFF;
	(pc) =	sbr.abs _section_cstart, $3  }
0xc0: {  	[dreg:$0x1] =	wrdreg $0xFFFFFFFF  }
0xc1: {  	_ =	task.clear_ibuf [dreg:s6], $0x2FFFF;
	_ =	strace $0x9FFFFFFF  }
0xc2: {  	(tm) =	ssettm $0x7FFFFFFF  }
0xc3: {  	_ =	shalt  }
tec
execute0_lowered:
.L_overlay_start_1:
0x0: {  	(tag) =	ssettag $0x1  }
0x1: {  	s0 =	rddreg [dreg:$0x0]  }
0x2: {  	s2 =	rddreg [dreg:$0x1]  }
0x3: {  	s12 =	stileid.u32;
	s1 =	srdreg.scid  }
0x4: {  	s3 =	simm.s32 $0x0;
	s28 =	simm.s32 $0x180;
	s29 =	simm.s32 $0x7A00  }
0x5: {  	s30 =	simm.s32 $0x1;
	s31 =	simm.s32 $0x50;
	s4 =	smul.u32 $0x14000, s12  }
0x6: {  	s1 =	sand.u32 $0x1, s1;
	[smem:$0x7FF] =	sst s3;
	s9 =	smul.u32 $0x50000, s12  }
0x7: {  	s6 =	sadd.s32 $0xA36800, s0;
	s23 =	sshll.u32 s12, $0x6;
	s17 =	smul.u32 $0x27100, s12  }
0x8: {  	s5 =	smul.u32 $0x140000, s1;
	_ =	strace $0x8000004A;
	s8 =	ssub.s32 $0x2, s1  }
0x9: {  	s10 =	sshll.u32 s1, $0x4;
	s13 =	sor.u32 $0x1C05, s23;
	s15 =	smul.u32 $0x271000, s1  }
0xa: {  	s1 =	smul.u32 $0x27100, s1;
	s7 =	sshrl.u32 s4, $0x3;
	s20 =	sshrl.u32 s8, $0x1  }
0xb: {  	s10 =	sor.u32 s12, s10;
	s21 =	sshrl.u32 s9, $0x2;
	s5 =	sadd.s32 s4, s5  }
0xc: {  	s4 =	sadd.s32 $0x68A00, s0;
	s7 =	sadd.s32 s7, s0;
	s22 =	smul.u32 $0x2710, s10  }
0xd: {  	s10 =	smul.u32 $0x27100, s10;
	s23 =	sadd.s32 s15, s6;
	s5 =	sshrl.u32 s5, $0x3  }
0xe: {  	s7 =	sadd.s32 $0x72800, s7;
	s0 =	sadd.s32 s5, s0;
	s5 =	ssub.s32 s8, s20  }
0xf: {  	s8 =	sadd.s32 s21, s2;
	[dreg:$0x4] =	wrdreg s7;
	s24 =	sshrl.u32 s22, $0x3  }
0x10: {  	s11 =	sadd.s32 $0x50, s22;
	s10 =	sadd.s32 s6, s10;
	s9 =	sadd.s32 $0x26C0, s22  }
0x11: {  	s21 =	smul.u32 $0x2710, s12;
	[dreg:$0x3] =	wrdreg s8;
	s25 =	sadd.s32 s4, s24  }
0x12: {  	s26 =	sshrl.u32 s11, $0x3;
	[dreg:$0x6] =	wrdreg s10;
	s16 =	sshll.u32 s11, $0x4  }
0x13: {  	s19 =	sshrl.u32 s9, $0x3;
	s0 =	sadd.s32 $0x9A800, s0;
	[dreg:$0x5] =	wrdreg s25  }
0x14: {  	s9 =	sshll.u32 s9, $0x4;
	s5 =	smax.u32 s5, $0x1;
	[dreg:$0xb] =	wrdreg s0  }
0x15: {  	s14 =	sadd.s32 s4, s26;
	s18 =	sadd.s32 s6, s16;
	[dreg:$0xc] =	wrdreg s5  }
0x16: {  	s20 =	sadd.s32 s4, s19;
	s22 =	sadd.s32 s6, s9;
	[dreg:$0x7] =	wrdreg s14  }
0x17: {  	s16 =	sadd.s32 s17, s23;
	s24 =	sadd.s32 s21, s1;
	[dreg:$0x8] =	wrdreg s18  }
0x18: {  	s21 =	simm.s32 $0x5;
	s23 =	simm.s32 $0x80;
	[dreg:$0x9] =	wrdreg s20  }
0x19: {  	s6 =	simm.s32 $0x0;
	[dreg:$0xa] =	wrdreg s22;
	s1 =	sadd.s32 $0x140, s24  }
0x1a: {  	s25 =	sadd.s32 $0x190, s24;
	s26 =	sadd.s32 $0xF0, s24;
	s0 =	sadd.s32 $0xA0, s24  }
0x1b: {  	s22 =	simm.s32 $0x200;
	s24 =	simm.s32 $0x2A00;
	[dreg:$0xd] =	wrdreg s1  }
0x1c: {  	s1 =	sshrl.u32 s25, $0x3;
	s5 =	sshrl.u32 s26, $0x3;
	s0 =	sshrl.u32 s0, $0x3  }
0x1d: {  	s25 =	simm.s32 $0x100;
	s26 =	simm.s32 $0x5200;
	s1 =	sadd.s32 s1, s4  }
0x1e: {  	s19 =	sadd.s32 s5, s4;
	s20 =	sadd.s32 s0, s4;
	s0 =	simm.s32 $0x3  }
0x1f: {  	s5 =	simm.s32 $0x4;
	[dreg:$0xe] =	wrdreg s1;
	s1 =	simm.s32 $0x2  }
.LBB2_1:
0x20: {  	s7 =	rddreg [dreg:$0x3]  }
0x21: {  	s12 =	rddreg [dreg:$0x4];
	s8 =	sshrl.u32 s7, $0x3  }
0x22: {  	[spmem:s8], [sflag:s13] =	dma.local [hbm:s12], $0x2800  }
0x23: {  	_ =	swait.ge [sflag:s21], $0x2800  }
0x24: {  	[sflag:s21] =	ssyncset.done $0x0  }
0x25: {  	[sflag:s21] =	ssyncadd.s32 $0xFFFFD800  }
0x26: {  	[bflag:$0x0] =	sbarrier.arrive $0xFFFF  }
0x27: {  	s18 =	smov.u32 s13;
	s13 =	rddreg [dreg:$0x5]  }
0x28: {  	[tilespmem:s3], [sflag:$0x1] =	stream.linear.gather [hbm4b:s13+s3], $0x50, $0x38;
	[tilespmem:$0x1E200] =	vst v63  }
0x29: {  	s14 =	rddreg [dreg:$0x6]  }
0x2a: {  	[tilespmem:s22], [sflag:$0x1] =	stream.linear.gather [hbm4b:s14+s3], $0x2800, $0x38;
	[tilespmem:$0x1E200] =	vst v63  }
0x2b: {  	s15 =	rddreg [dreg:$0x7]  }
0x2c: {  	[tilespmem:s23], [sflag:$0x1] =	stream.linear.gather [hbm4b:s15+s3], $0x50, $0x38;
	[tilespmem:$0x1E200] =	vst v63  }
0x2d: {  	s17 =	rddreg [dreg:$0x8]  }
0x2e: {  	[tilespmem:s24], [sflag:$0x1] =	stream.linear.gather [hbm4b:s17+s3], $0x2800, $0x38;
	[tilespmem:$0x1E200] =	vst v63  }
0x2f: {  	s9 =	sadd.s32 $0x0, s16  }
0x30: {  	[tilespmem:s25], [sflag:$0x2] =	stream.linear.gather [hbm4b:s20+s3], $0x50, $0x38;
	[tilespmem:$0x1E200] =	vst v63  }
0x31: {  	s10 =	sadd.s32 $0xA00, s9  }
0x32: {  	[tilespmem:s26], [sflag:$0x2] =	stream.linear.gather [hbm4b:s10+s3], $0x2800, $0x38;
	[tilespmem:$0x1E200] =	vst v63  }
0x33: {  	_ = 	snop  }
0x34: {  	[tilespmem:s28], [sflag:$0x2] =	stream.linear.gather [hbm4b:s19+s3], $0x50, $0x38;
	[tilespmem:$0x1E200] =	vst v63  }
0x35: {  	s9 =	sadd.s32 $0xF00, s9  }
0x36: {  	[tilespmem:s29], [sflag:$0x2] =	stream.linear.gather [hbm4b:s9+s3], $0x2800, $0x38;
	[tilespmem:$0x1E200] =	vst v63  }
0x37: {  	_ =	swait.ge [sflag:s30], $0x50  }
0x38: {  	[sflag:s30] =	ssyncset.done $0x0  }
0x39: {  	[sflag:s30] =	ssyncadd.s32 $0xFFFFFFB0  }
0x3a: {  	_ =	swait.ge [sflag:s30], $0x2800  }
0x3b: {  	[sflag:s30] =	ssyncset.done $0x0  }
0x3c: {  	[sflag:s30] =	ssyncadd.s32 $0xFFFFD800  }
0x3d: {  	_ =	swait.ge [sflag:s30], $0x50  }
0x3e: {  	[sflag:s30] =	ssyncset.done $0x0  }
0x3f: {  	[sflag:s30] =	ssyncadd.s32 $0xFFFFFFB0  }
0x40: {  	_ =	swait.ge [sflag:s30], $0x2800  }
0x41: {  	[sflag:s30] =	ssyncset.done $0x0  }
0x42: {  	[sflag:s30] =	ssyncadd.s32 $0xFFFFD800  }
0x43: {  	[spmem:s2] =	stream.indirect.scatter.add.f32 [tilespmem:s22], [sflag:$0x3], $0x80, s3, s31, $0xb8;
	[tilespmem:$0x1E200] =	vst v63  }
0x44: {  	_ = 	snop  }
0x45: {  	[spmem:s2] =	stream.indirect.scatter.add.f32 [tilespmem:s24], [sflag:$0x3], $0x80, s23, s31, $0xb8;
	[tilespmem:$0x1E200] =	vst v63  }
0x46: {  	_ =	swait.ge [sflag:s0], $0x2800  }
0x47: {  	[sflag:s0] =	ssyncset.done $0x0  }
0x48: {  	[sflag:s0] =	ssyncadd.s32 $0xFFFFD800  }
0x49: {  	_ =	swait.ge [sflag:s0], $0x2800  }
0x4a: {  	p0 =	por $0x0, $0x0;
	s7 =	rddreg [dreg:$0xd]  }
0x4b: {  	s11 =	simm.s32 @!p0 $0x0;
	[sflag:s0] =	ssyncset.done $0x0;
	s9 =	sshrl.u32 @!p0 s7, $0x3  }
0x4c: {  	s10 =	sadd.s32 @!p0 $0x0, s16;
	[sflag:s0] =	ssyncadd.s32 $0xFFFFD800;
	s9 =	sadd.s32 @!p0 s4, s9  }
0x4d: {  	[tilespmem:s11], [sflag:$0x1] =	stream.linear.gather @!p0 [hbm4b:s9+s11], $0x50, $0x38;
	[tilespmem:$0x1E200] =	vst v63  }
0x4e: {  	s12 =	simm.s32 @!p0 $0x200;
	s9 =	sadd.s32 @!p0 $0x1400, s10  }
0x4f: {  	[tilespmem:s12], [sflag:$0x1] =	stream.linear.gather @!p0 [hbm4b:s9+s11], $0x2800, $0x38;
	[tilespmem:$0x1E200] =	vst v63  }
0x50: {  	s13 =	rddreg [dreg:$0xe];
	s9 =	simm.s32 @!p0 $0x80  }
0x51: {  	[tilespmem:s9], [sflag:$0x1] =	stream.linear.gather @!p0 [hbm4b:s13+s11], $0x50, $0x38;
	[tilespmem:$0x1E200] =	vst v63  }
0x52: {  	s9 =	sadd.s32 @!p0 $0x1900, s10;
	s10 =	simm.s32 @!p0 $0x2A00  }
0x53: {  	[tilespmem:s10], [sflag:$0x1] =	stream.linear.gather @!p0 [hbm4b:s9+s11], $0x2800, $0x38;
	[tilespmem:$0x1E200] =	vst v63  }
0x54: {  	_ =	swait.ge [sflag:s1], $0x50  }
0x55: {  	[sflag:s1] =	ssyncset.done $0x0  }
0x56: {  	[sflag:s1] =	ssyncadd.s32 $0xFFFFFFB0  }
0x57: {  	_ =	swait.ge [sflag:s1], $0x2800  }
0x58: {  	[sflag:s1] =	ssyncset.done $0x0  }
0x59: {  	[sflag:s1] =	ssyncadd.s32 $0xFFFFD800  }
0x5a: {  	_ =	swait.ge [sflag:s1], $0x50  }
0x5b: {  	[sflag:s1] =	ssyncset.done $0x0  }
0x5c: {  	[sflag:s1] =	ssyncadd.s32 $0xFFFFFFB0  }
0x5d: {  	_ =	swait.ge [sflag:s1], $0x2800  }
0x5e: {  	[sflag:s1] =	ssyncset.done $0x0  }
0x5f: {  	[sflag:s1] =	ssyncadd.s32 $0xFFFFD800  }
0x60: {  	[spmem:s2] =	stream.indirect.scatter.add.f32 [tilespmem:s26], [sflag:$0x4], $0x80, s25, s31, $0xb8;
	[tilespmem:$0x1E200] =	vst v63  }
0x61: {  	_ = 	snop  }
0x62: {  	[spmem:s2] =	stream.indirect.scatter.add.f32 [tilespmem:s29], [sflag:$0x4], $0x80, s28, s31, $0xb8;
	[tilespmem:$0x1E200] =	vst v63  }
0x63: {  	_ =	swait.ge [sflag:s5], $0x2800  }
0x64: {  	[sflag:s5] =	ssyncset.done $0x0  }
0x65: {  	s12 =	sadd.s32 $0x140, s7;
	[sflag:s5] =	ssyncadd.s32 $0xFFFFD800  }
0x66: {  	s13 =	sadd.s32 $0x28, s13;
	s9 =	simm.s32 $0x1400;
	_ =	swait.ge [sflag:s5], $0x2800  }
0x67: {  	s10 =	sadd.s32 $0x28, s19;
	s11 =	sadd.s32 $0x28, s20;
	[sflag:s5] =	ssyncset.done $0x0  }
.LBB2_2:
0x68: {  	s14 =	sadd.s32 s9, s16  }
0x69: {  	[sflag:s5] =	ssyncadd.s32 $0xFFFFD800;
	s15 =	smov.u32 s9;
	s9 =	sadd.s32 $0x1400, s9  }
0x6a: {  	[tilespmem:s25], [sflag:$0x2] =	stream.linear.gather [hbm4b:s11+s3], $0x50, $0x38;
	[tilespmem:$0x1E200] =	vst v63  }
0x6b: {  	s7 =	sadd.s32 $0xA00, s14;
	p0 =	sne.s32 s9, $0x26C00  }
0x6c: {  	[tilespmem:s26], [sflag:$0x2] =	stream.linear.gather [hbm4b:s7+s3], $0x2800, $0x38;
	[tilespmem:$0x1E200] =	vst v63  }
0x6d: {  	_ = 	snop  }
0x6e: {  	[tilespmem:s28], [sflag:$0x2] =	stream.linear.gather [hbm4b:s10+s3], $0x50, $0x38;
	[tilespmem:$0x1E200] =	vst v63  }
0x6f: {  	s7 =	sadd.s32 $0xF00, s14  }
0x70: {  	[tilespmem:s29], [sflag:$0x2] =	stream.linear.gather [hbm4b:s7+s3], $0x2800, $0x38;
	[tilespmem:$0x1E200] =	vst v63  }
0x71: {  	_ =	swait.ge [sflag:s30], $0x50  }
0x72: {  	[sflag:s30] =	ssyncset.done $0x0  }
0x73: {  	[sflag:s30] =	ssyncadd.s32 $0xFFFFFFB0  }
0x74: {  	_ =	swait.ge [sflag:s30], $0x2800  }
0x75: {  	[sflag:s30] =	ssyncset.done $0x0  }
0x76: {  	[sflag:s30] =	ssyncadd.s32 $0xFFFFD800  }
0x77: {  	_ =	swait.ge [sflag:s30], $0x50  }
0x78: {  	[sflag:s30] =	ssyncset.done $0x0  }
0x79: {  	[sflag:s30] =	ssyncadd.s32 $0xFFFFFFB0  }
0x7a: {  	_ =	swait.ge [sflag:s30], $0x2800  }
0x7b: {  	[sflag:s30] =	ssyncset.done $0x0  }
0x7c: {  	[sflag:s30] =	ssyncadd.s32 $0xFFFFD800  }
0x7d: {  	[spmem:s2] =	stream.indirect.scatter.add.f32 [tilespmem:s22], [sflag:$0x3], $0x80, s3, s31, $0xb8;
	[tilespmem:$0x1E200] =	vst v63  }
0x7e: {  	_ = 	snop  }
0x7f: {  	[spmem:s2] =	stream.indirect.scatter.add.f32 [tilespmem:s24], [sflag:$0x3], $0x80, s23, s31, $0xb8;
	[tilespmem:$0x1E200] =	vst v63  }
0x80: {  	_ =	swait.ge [sflag:s0], $0x2800  }
0x81: {  	[sflag:s0] =	ssyncset.done $0x0  }
0x82: {  	[sflag:s0] =	ssyncadd.s32 $0xFFFFD800  }
0x83: {  	p1 =	seq.s32 s15, $0x25800;
	_ =	swait.ge [sflag:s0], $0x2800  }
0x84: {  	s14 =	sadd.s32 @!p1 s15, s16;
	s7 =	sshrl.u32 @!p1 s12, $0x3;
	[sflag:s0] =	ssyncset.done $0x0  }
0x85: {  	s15 =	simm.s32 @!p1 $0x0;
	s7 =	sadd.s32 @!p1 s4, s7;
	[sflag:s0] =	ssyncadd.s32 $0xFFFFD800  }
0x86: {  	[tilespmem:s15], [sflag:$0x1] =	stream.linear.gather @!p1 [hbm4b:s7+s15], $0x50, $0x38;
	[tilespmem:$0x1E200] =	vst v63  }
0x87: {  	s17 =	simm.s32 @!p1 $0x200;
	s7 =	sadd.s32 @!p1 $0x1400, s14;
	s14 =	sadd.s32 @!p1 $0x1900, s14  }
0x88: {  	[tilespmem:s17], [sflag:$0x1] =	stream.linear.gather @!p1 [hbm4b:s7+s15], $0x2800, $0x38;
	[tilespmem:$0x1E200] =	vst v63  }
0x89: {  	s7 =	simm.s32 @!p1 $0x80  }
0x8a: {  	[tilespmem:s7], [sflag:$0x1] =	stream.linear.gather @!p1 [hbm4b:s13+s15], $0x50, $0x38;
	[tilespmem:$0x1E200] =	vst v63  }
0x8b: {  	s7 =	simm.s32 @!p1 $0x2A00  }
0x8c: {  	[tilespmem:s7], [sflag:$0x1] =	stream.linear.gather @!p1 [hbm4b:s14+s15], $0x2800, $0x38;
	[tilespmem:$0x1E200] =	vst v63  }
0x8d: {  	_ =	swait.ge [sflag:s1], $0x50  }
0x8e: {  	[sflag:s1] =	ssyncset.done $0x0  }
0x8f: {  	[sflag:s1] =	ssyncadd.s32 $0xFFFFFFB0  }
0x90: {  	_ =	swait.ge [sflag:s1], $0x2800  }
0x91: {  	[sflag:s1] =	ssyncset.done $0x0  }
0x92: {  	[sflag:s1] =	ssyncadd.s32 $0xFFFFD800  }
0x93: {  	_ =	swait.ge [sflag:s1], $0x50  }
0x94: {  	[sflag:s1] =	ssyncset.done $0x0  }
0x95: {  	[sflag:s1] =	ssyncadd.s32 $0xFFFFFFB0  }
0x96: {  	_ =	swait.ge [sflag:s1], $0x2800  }
0x97: {  	[sflag:s1] =	ssyncset.done $0x0  }
0x98: {  	[sflag:s1] =	ssyncadd.s32 $0xFFFFD800  }
0x99: {  	[spmem:s2] =	stream.indirect.scatter.add.f32 [tilespmem:s26], [sflag:$0x4], $0x80, s25, s31, $0xb8;
	[tilespmem:$0x1E200] =	vst v63  }
0x9a: {  	_ = 	snop  }
0x9b: {  	[spmem:s2] =	stream.indirect.scatter.add.f32 [tilespmem:s29], [sflag:$0x4], $0x80, s28, s31, $0xb8;
	[tilespmem:$0x1E200] =	vst v63  }
.Ltmp0:
0x9c: {  	_ =	swait.ge [sflag:s5], $0x2800;
	(pc) =	sbr.rel @p0 .LBB2_2-.Ltmp0, $4  }
0x9d: {  	[sflag:s5] =	ssyncset.done $0x0  }
0x9e: {  	[sflag:s5] =	ssyncadd.s32 $0xFFFFD800  }
0x9f: {  	s11 =	sadd.s32 $0x28, s11;
	s10 =	sadd.s32 $0x28, s10;
	_ =	swait.ge [sflag:s5], $0x2800  }
0xa0: {  	s12 =	sadd.s32 $0x140, s12;
	s13 =	sadd.s32 $0x28, s13;
	[sflag:s5] =	ssyncset.done $0x0  }
0xa1: {  	[sflag:s5] =	ssyncadd.s32 $0xFFFFD800;
	s7 =	rddreg [dreg:$0x9]  }
0xa2: {  	[tilespmem:s3], [sflag:$0x5] =	stream.linear.gather [hbm4b:s7+s3], $0x50, $0x38;
	[tilespmem:$0x1E200] =	vst v63  }
0xa3: {  	_ =	swait.ge [sflag:s21], $0x50  }
0xa4: {  	[sflag:s21] =	ssyncset.done $0x0  }
0xa5: {  	s15 =	rddreg [dreg:$0xa];
	[sflag:s21] =	ssyncadd.s32 $0xFFFFFFB0  }
0xa6: {  	[tilespmem:s22], [sflag:$0x5] =	stream.linear.gather [hbm4b:s15+s3], $0x2800, $0x38;
	[tilespmem:$0x1E200] =	vst v63  }
0xa7: {  	_ =	swait.ge [sflag:s21], $0x2800  }
0xa8: {  	[sflag:s21] =	ssyncset.done $0x0  }
0xa9: {  	[sflag:s21] =	ssyncadd.s32 $0xFFFFD800  }
0xaa: {  	[spmem:s2] =	stream.indirect.scatter.add.f32 [tilespmem:s22], [sflag:$0x5], $0x80, s3, s31, $0xb8;
	[tilespmem:$0x1E200] =	vst v63  }
0xab: {  	_ =	swait.ge [sflag:s21], $0x2800  }
0xac: {  	[sflag:s21] =	ssyncset.done $0x0  }
0xad: {  	[sflag:s21] =	ssyncadd.s32 $0xFFFFD800  }
0xae: {  	[bflag:$0x0] =	sbarrier.arrive $0xFFFF  }
0xaf: {  	s17 =	rddreg [dreg:$0xb]  }
0xb0: {  	[hbm:s17], [sflag:s18] =	dma.local [spmem:s8], $0x2800  }
0xb1: {  	_ =	swait.ge [sflag:s21], $0x2800  }
0xb2: {  	s13 =	smov.u32 s18;
	s6 =	sadd.s32 $0x1, s6;
	s18 =	rddreg [dreg:$0xc]  }
0xb3: {  	p0 =	sne.s32 s6, s18  }
.Ltmp1:
0xb4: {  	_ = 	snop;
	(pc) =	sbr.rel @p0 .LBB2_1-.Ltmp1, $3  }
0xb5: {  	_ =	sdelay $0x1  }
0xb6: {  	[sflag:s21] =	ssyncset.done $0x0  }
0xb7: {  	[sflag:s21] =	ssyncadd.s32 $0xFFFFD800  }
0xb8: {  	_ =	sfence.sel $0x180000  }
0xb9: {  	[bflag:$0x0] =	sbarrier.arrive $0xFFFF  }
0xba: {  	_ =	strace $0x9000004A  }
0xbb: {  	s0 =	stileid.u32;
	[bflag:$0x2] =	sbarrier.arrive $0xFFFF  }
0xbc: {  	p0 =	sne.s32 s0, $0x0;
	s0 =	rddreg [dreg:$0x2]  }
0xbd: {  	s0 =	sadd.s32 @!p0 $0x100000, s0  }
0xbe: {  	[sflag:s0] =	ssyncadd.tile.s32 @!p0 $0x1;
	_ =	shalt  }
.Lfunc_end2:
_tile_overlayer_lowered:
.L_overlay_start_2:
0xbf: {  	(tag) =	ssettag $0x2  }
0xc0: {  	s0 =	rddreg [dreg:$0x0];
	s2 =	stileid.u32  }
0xc1: {  	s1 =	rddreg [dreg:$0x1];
	p0 =	sne.s32 s2, $0x0  }
0xc2: {  	s3 =	rddreg [dreg:$0x2];
	[bflag:$0x3] =	sbarrier.arrive $0xFFFF;
	s2 =	simm.s32 @!p0 $0x1C05  }
0xc3: {  	[timem:s3], [sflag:s2] =	dma.local @!p0 [hbm:s0], s1  }
0xc4: {  	s0 =	simm.s32 @!p0 $0x5  }
0xc5: {  	_ =	swait.ge @!p0 [sflag:s0], s1  }
0xc6: {  	s1 =	ssub.s32 @!p0 $0x0, s1;
	[sflag:s0] =	ssyncset.done @!p0 $0x0  }
0xc7: {  	[sflag:s0] =	ssyncadd.s32 @!p0 s1  }
0xc8: {  	[bflag:$0x3] =	sbarrier.arrive $0xFFFF  }
0xc9: {  	_ =	shalt  }

// kernel: kernel.17.cloned.1.call-start
scs
__scs_entry_jumppad:
0x0: {  	(pc) =	sbr.rel $0x88, $3  }
0x1: {  	(tag) =	ssettag $0x0;
	lr =	simm.s32 $0x1  }
0x2: {  	[smem:$0x3F75] =	sst lr;
	_ =	strace $0xD0000000  }
0x3: {  	_ = 	snop  }
0x4: {  	_ = 	snop  }
0x5: {  	_ = 	snop  }
0x6: {  	_ = 	snop  }
0x7: {  	_ = 	snop  }
__scs_overlays_trampoline_lowered:
0x8: {  	[smem:$0x3F84] =	sst s0  }
0x9: {  	[smem:$0x3F85] =	sst s1  }
0xa: {  	[smem:$0x3F86] =	sst s2  }
0xb: {  	[smem:$0x3F87] =	sst s3  }
0xc: {  	[smem:$0x3F88] =	sst s4  }
0xd: {  	[smem:$0x3F89] =	sst s5  }
0xe: {  	[smem:$0x3F8A] =	sst s6  }
0xf: {  	[smem:$0x3F8B] =	sst s7  }
0x10: {  	[smem:$0x3F8C] =	sst s8  }
0x11: {  	[smem:$0x3F8D] =	sst s9;
	s0 =	simm.s32 @!p0 $0x0  }
0x12: {  	s1 =	sld [smem:$0x3F73];
	s0 =	simm.s32 @p0 $0x1  }
0x13: {  	[smem:$0x3F8E] =	sst s0;
	s0 =	simm.s32 @!p1 $0x0  }
0x14: {  	s2 =	sld [smem:$0x3F72];
	s0 =	simm.s32 @p1 $0x1  }
0x15: {  	[smem:$0x3F8F] =	sst s0;
	s0 =	simm.s32 @!p2 $0x0  }
0x16: {  	s3 =	sld [smem:$0x3FDB];
	s0 =	simm.s32 @p2 $0x1  }
0x17: {  	s4 =	simm.s32 $0x1BF5;
	[smem:$0x3F91] =	sst s0  }
0x18: {  	s0 =	sld [smem:$0x3F74];
	_ =	swait.ge [sflag:s4], $0x0  }
0x19: {  	s7 =	sld [smem:$0x3F75]  }
0x1a: {  	s8 =	sadd.s32 $0xFFFFE003, lr  }
0x1b: {  	s9 =	sadd.s32 $0xFFFFFEF7, lr;
	s5 =	simm.s32 $0xFFFFFFFF;
	p2 =	slt.u32 s8, $0xFFFFF086  }
0x1c: {  	p1 =	slt.u32 s9, $0xF7A;
	s5 =	simm.s32 @!p2 $0x0  }
0x1d: {  	s5 =	simm.s32 @p1 $0x1;
	p0 =	seq.s32 s7, s2  }
0x1e: {  	s7 =	smul.u32 @!p0 $0xF7A, s2;
	p2 =	seq.s32 @!p0 s5, $0x0  }
0x1f: {  	s9 =	smul.u32 $0xF7A, s1;
	s8 =	simm.s32 @!p0 $0x1BF5;
	p2 =	por !p2, p0  }
0x20: {  	[sflag:s8] =	ssyncset.s32 @!p0 $0xFFFFF086;
	s6 =	sadd.s32 @!p0 s3, s7;
	s7 =	simm.s32 @!p0 $0x108  }
0x21: {  	s3 =	sadd.s32 s3, s9;
	s6 =	sadd.s32 @!p0 $0x88, s6;
	s7 =	simm.s32 @p2 $0x1082  }
0x22: {  	[simem:s7], [sflag:s8] =	dma.local @!p0 [hbm:s6], $0xF7A  }
0x23: {  	s9 =	sor.u32 $0xD0000000, s2;
	s6 =	simm.s32 $0x108;
	_ =	swait.ge @!p0 [sflag:s8], $0x0  }
0x24: {  	s3 =	sadd.s32 $0x88, s3;
	s6 =	simm.s32 @!p1 $0x1082;
	[sflag:s4] =	ssyncset.s32 $0xFFFFF086  }
0x25: {  	[simem:s6], [sflag:s4] =	dma.local [hbm:s3], $0xF7A  }
0x26: {  	[smem:$0x3F75] =	sst s1;
	(tag) =	ssettag s2;
	_ =	strace s9  }
0x27: {  	s1 =	sld [smem:$0x3F85]  }
0x28: {  	s2 =	sld [smem:$0x3F86]  }
0x29: {  	s4 =	sld [smem:$0x3F88]  }
0x2a: {  	p0 =	seq.s32 s5, $0x0;
	s5 =	sld [smem:$0x3F89]  }
0x2b: {  	s6 =	sld [smem:$0x3F8A]  }
0x2c: {  	s7 =	sld [smem:$0x3F8B]  }
0x2d: {  	s3 =	simm.s32 $0x108;
	s8 =	sld [smem:$0x3F8C]  }
0x2e: {  	s3 =	simm.s32 @!p0 $0x1082;
	s9 =	sld [smem:$0x3F8D]  }
0x2f: {  	lr =	sadd.s32 s0, s3;
	s0 =	sld [smem:$0x3F84]  }
0x30: {  	s3 =	sld [smem:$0x3F87]  }
0x31: {  	[smem:$0x3F90] =	sst s10  }
0x32: {  	s10 =	sld [smem:$0x3F8E];
	_ =	sdelay $0x3  }
0x33: {  	p0 =	seq.s32 s10, $0x1;
	s10 =	sld [smem:$0x3F90];
	_ =	sdelay $0x3  }
0x34: {  	[smem:$0x3F90] =	sst s10  }
0x35: {  	s10 =	sld [smem:$0x3F8F];
	_ =	sdelay $0x3  }
0x36: {  	p1 =	seq.s32 s10, $0x1;
	s10 =	sld [smem:$0x3F90];
	_ =	sdelay $0x3  }
0x37: {  	[smem:$0x3F90] =	sst s10  }
0x38: {  	s10 =	sld [smem:$0x3F91]  }
0x39: {  	_ = 	snop;
	(pc) =	sbr.ind lr, $3  }
0x3a: {  	_ = 	snop  }
0x3b: {  	_ = 	snop  }
0x3c: {  	p2 =	seq.s32 s10, $0x1;
	s10 =	sld [smem:$0x3F90]  }
0x3d: {  	_ =	shalt  }
0x3e: {  	_ =	shalt  }
0x3f: {  	_ =	shalt  }
0x40: {  	_ =	shalt  }
0x41: {  	_ =	shalt  }
0x42: {  	_ =	shalt  }
0x43: {  	_ =	shalt  }
0x44: {  	_ =	shalt  }
0x45: {  	_ =	shalt  }
0x46: {  	_ =	shalt  }
0x47: {  	_ =	shalt  }
0x48: {  	_ =	shalt  }
0x49: {  	_ =	shalt  }
0x4a: {  	_ =	shalt  }
0x4b: {  	_ =	shalt  }
0x4c: {  	_ =	shalt  }
0x4d: {  	_ =	shalt  }
0x4e: {  	_ =	shalt  }
0x4f: {  	_ =	shalt  }
0x50: {  	_ =	shalt  }
0x51: {  	_ =	shalt  }
0x52: {  	_ =	shalt  }
0x53: {  	_ =	shalt  }
0x54: {  	_ =	shalt  }
0x55: {  	_ =	shalt  }
0x56: {  	_ =	shalt  }
0x57: {  	_ =	shalt  }
0x58: {  	_ =	shalt  }
0x59: {  	_ =	shalt  }
0x5a: {  	_ =	shalt  }
0x5b: {  	_ =	shalt  }
0x5c: {  	_ =	shalt  }
0x5d: {  	_ =	shalt  }
0x5e: {  	_ =	shalt  }
0x5f: {  	_ =	shalt  }
0x60: {  	_ =	shalt  }
0x61: {  	_ =	shalt  }
0x62: {  	_ =	shalt  }
0x63: {  	_ =	shalt  }
0x64: {  	_ =	shalt  }
0x65: {  	_ =	shalt  }
0x66: {  	_ =	shalt  }
0x67: {  	_ =	shalt  }
0x68: {  	_ =	shalt  }
0x69: {  	_ =	shalt  }
0x6a: {  	_ =	shalt  }
0x6b: {  	_ =	shalt  }
0x6c: {  	_ =	shalt  }
0x6d: {  	_ =	shalt  }
0x6e: {  	_ =	shalt  }
0x6f: {  	_ =	shalt  }
0x70: {  	_ =	shalt  }
0x71: {  	_ =	shalt  }
0x72: {  	_ =	shalt  }
0x73: {  	_ =	shalt  }
0x74: {  	_ =	shalt  }
0x75: {  	_ =	shalt  }
0x76: {  	_ =	shalt  }
0x77: {  	_ =	shalt  }
0x78: {  	_ =	shalt  }
0x79: {  	_ =	shalt  }
0x7a: {  	_ =	shalt  }
0x7b: {  	_ =	shalt  }
0x7c: {  	_ =	shalt  }
0x7d: {  	_ =	shalt  }
0x7e: {  	_ =	shalt  }
0x7f: {  	_ =	shalt  }
0x80: {  	_ =	shalt  }
0x81: {  	_ =	shalt  }
0x82: {  	_ =	shalt  }
0x83: {  	_ =	shalt  }
0x84: {  	_ =	shalt  }
0x85: {  	_ =	shalt  }
0x86: {  	_ =	shalt  }
0x87: {  	_ =	shalt  }
.Lfunc_end0:
.L_simem_size_0:
called_computation.2_lowered:
.L_overlay_start_0:
0x88: {  	s2 =	sld [smem:$0x3FD9]  }
0x89: {  	s3 =	sld [smem:$0x3FFE];
	_ =	sdelay $0x1  }
0x8a: {  	s1 =	srdreg.scid  }
0x8b: {  	s0 =	sand.u32 $0x1, s1  }
0x8c: {  	s16 =	sshll.u32 s0, $0xA;
	s2 =	sadd.s32 s3, s2  }
0x8d: {  	s2 =	sadd.s32 s2, s16  }
0x8e: {  	[smem:$0x3F9C] =	sst s2  }
0x8f: {  	_ = 	snop  }
0x90: {  	(tm) =	ssettm $0x1  }
0x91: {  	s17 =	sld [smem:$0x3FFB];
	_ =	sdelay $0x3  }
0x92: {  	_ =	strace s17  }
0x93: {  	s2 =	sld [smem:$0x3FFC];
	_ =	sdelay $0x3  }
0x94: {  	_ =	strace s2  }
0x95: {  	s2 =	sld [smem:$0x3FFD];
	_ =	sdelay $0x3  }
0x96: {  	_ =	strace s2  }
0x97: {  	_ =	strace $0x8FFFFFFF  }
0x98: {  	s18 =	sld [smem:$0x3FDB];
	_ =	sdelay $0x1  }
0x99: {  	s19 =	simm.s32 $_scs_section_size  }
0x9a: {  	s4 =	simm.s32 $_size__tile_overlayer_lowered;
	s5 =	simm.s32 $_tile_overlayer_lowered  }
0x9b: {  	s22 =	simm.s32 $0x1BFF;
	s21 =	sshll.u32 s5, $0x1;
	s2 =	sadd.s32 s19, s18  }
0x9c: {  	s6 =	simm.s32 $0x0;
	s20 =	sshll.u32 s4, $0x1;
	s4 =	sadd.s32 s21, s2  }
0x9d: {  	[timem:s6], [sflag:s22] =	dma.local [hbm:s4], s20  }
0x9e: {  	_ =	swait.ge [sflag:s22], s20  }
0x9f: {  	s3 =	ssub.s32 $0x0, s20;
	[sflag:s22] =	ssyncset.done $0x0  }
0xa0: {  	[sflag:s22] =	ssyncadd.s32 s3;
	_ =	sdelay $0x1  }
0xa1: {  	s23 =	simm.s32 $0x1B8B  }
0xa2: {  	_ =	swait.ge [sflag:s23], $0x1  }
0xa3: {  	[sflag:s23] =	ssyncset.done $0x0  }
0xa4: {  	s25 =	simm.s32 $0x1B8E;
	s24 =	sld [smem:$0x3FFE];
	[sflag:s23] =	ssyncadd.s32 $0xFFFFFFFF  }
0xa5: {  	s26 =	simm.s32 $execute0_lowered;
	[smem:$0x3FD2] =	sst s25  }
0xa6: {  	s4 =	sshll.u32 s26, $0x1;
	_ =	strace $0x8000004C;
	[dreg:$0x1] =	wrdreg $0xFFFFFFFF  }
0xa7: {  	s28 =	simm.s32 $_size_execute0_lowered;
	s2 =	sadd.s32 s2, s4;
	[dreg:$0x0] =	wrdreg $0x0  }
0xa8: {  	s4 =	sshll.u32 s28, $0x1;
	[dreg:$0x2] =	wrdreg s2  }
0xa9: {  	[dreg:$0x3] =	wrdreg s4  }
0xaa: {  	[dreg:$0x4] =	wrdreg $0xC0  }
0xab: {  	_ =	task [dreg:s6], $0x5FFFF  }
0xac: {  	[dreg:$0x1] =	wrdreg $0xFFFFFFFF  }
0xad: {  	[dreg:$0x0] =	wrdreg $0x60  }
0xae: {  	[dreg:$0x2] =	wrdreg s24  }
0xaf: {  	[dreg:$0x3] =	wrdreg $0x9  }
0xb0: {  	_ =	task.clear_ibuf [dreg:s6], $0x4FFFF;
	_ =	strace $0x9000004C  }
0xb1: {  	s29 =	simm.s32 $0x9;
	_ =	strace $0x8000004E  }
0xb2: {  	_ =	swait.ge [sflag:s29], $0x1  }
0xb3: {  	[sflag:s29] =	ssyncadd.s32 $0xFFFFFFFF  }
0xb4: {  	_ =	strace $0x9000004E  }
0xb5: {  	_ =	sfence  }
0xb6: {  	s30 =	sld [smem:$0x0];
	_ =	sdelay $0x2  }
0xb7: {  	s31 =	sshll.u32 s1, $0xD;
	s1 =	sshrl.u32 s1, $0x2  }
0xb8: {  	s3 =	sand.u32 $0x4000, s31;
	s1 =	sadd.s32 s1, s30  }
0xb9: {  	s0 =	sor.u32 s3, s0;
	s1 =	sshll.u32 s1, $0x11  }
0xba: {  	s0 =	sor.u32 s1, s0  }
0xbb: {  	s0 =	sadd.s32 $0x8F2B, s0  }
0xbc: {  	[sflag:s0] =	ssyncadd.remote.s32 $0x1  }
0xbd: {  	_ =	sfence.sel $0xFFFF  }
0xbe: {  	[dreg:$0x0] =	wrdreg $0xFFFFFFFF;
	(pc) =	sbr.abs _section_cstart, $3  }
0xbf: {  	[dreg:$0x1] =	wrdreg $0xFFFFFFFF  }
0xc0: {  	_ =	task.clear_ibuf [dreg:s6], $0x2FFFF;
	_ =	strace $0x9FFFFFFF  }
0xc1: {  	(tm) =	ssettm $0x7FFFFFFF  }
tec
execute0_lowered:
.L_overlay_start_1:
0x0: {  	(tag) =	ssettag $0x1  }
0x1: {  	s1 =	rddreg [dreg:$0x0];
	s0 =	srdreg.scid;
	s24 =	simm.s32 $0x0  }
0x2: {  	s12 =	stileid.u32;
	s30 =	simm.s32 $0x3E8;
	s31 =	simm.s32 $0x4B0  }
0x3: {  	s0 =	sand.u32 $0x1, s0;
	[smem:$0x7FF] =	sst s24;
	s3 =	sadd.s32 $0xAE200, s1  }
0x4: {  	s4 =	sadd.s32 $0x9A800, s1;
	s5 =	sadd.s32 $0x68A00, s1;
	s6 =	sadd.s32 $0x5EC00, s1  }
0x5: {  	s1 =	sadd.s32 $0xC1C00, s1;
	s18 =	smul.u32 $0x2710, s12;
	s2 =	sshll.u32 s0, $0x4  }
0x6: {  	_ =	strace $0x8000004D;
	s7 =	ssub.s32 $0x2, s0;
	s10 =	smul.u32 $0x27100, s0  }
0x7: {  	s0 =	smul.u32 $0x271000, s0;
	s2 =	sor.u32 s12, s2;
	s8 =	sshrl.u32 s7, $0x1  }
0x8: {  	s2 =	smul.u32 $0x2710, s2;
	s7 =	ssub.s32 s7, s8;
	s10 =	sadd.s32 s18, s10  }
0x9: {  	s0 =	sadd.s32 s0, s1;
	s21 =	sadd.s32 $0x708, s10;
	s25 =	sadd.s32 $0x640, s10  }
0xa: {  	s29 =	sadd.s32 $0x578, s10;
	s7 =	smax.u32 s7, $0x1;
	s16 =	sshrl.u32 s2, $0x3  }
0xb: {  	s17 =	sadd.s32 $0xC8, s2;
	s2 =	sadd.s32 $0x258, s2;
	s23 =	sshrl.u32 s21, $0x3  }
0xc: {  	s26 =	sshrl.u32 s25, $0x3;
	s14 =	sshrl.u32 s29, $0x3;
	[dreg:$0x14] =	wrdreg s7  }
0xd: {  	s7 =	simm.s32 $0x1;
	s9 =	sadd.s32 s5, s16;
	s11 =	sadd.s32 s6, s16  }
0xe: {  	s19 =	sadd.s32 $0x32, s16;
	s2 =	sshrl.u32 s2, $0x3;
	[dreg:$0xa] =	wrdreg s9  }
0xf: {  	s8 =	sadd.s32 $0x64, s16;
	s28 =	sadd.s32 s26, s6;
	[dreg:$0xb] =	wrdreg s11  }
0x10: {  	s15 =	sadd.s32 s14, s6;
	s16 =	sadd.s32 $0x4B0, s10;
	[dreg:$0x4] =	wrdreg s28  }
0x11: {  	s9 =	sshrl.u32 s17, $0x3;
	s20 =	sadd.s32 s5, s19;
	[dreg:$0x6] =	wrdreg s15  }
0x12: {  	s22 =	sadd.s32 s5, s2;
	s2 =	sadd.s32 s6, s2;
	[dreg:$0xe] =	wrdreg s20  }
0x13: {  	s17 =	sadd.s32 s14, s5;
	s18 =	sshrl.u32 s16, $0x3;
	[dreg:$0x10] =	wrdreg s22  }
0x14: {  	s28 =	smul.u32 $0x27100, s12;
	s11 =	simm.s32 $0x9DD0;
	[dreg:$0x11] =	wrdreg s2  }
0x15: {  	s12 =	simm.s32 $0xCFD0;
	s13 =	sadd.s32 s5, s9;
	[dreg:$0x7] =	wrdreg s17  }
0x16: {  	s14 =	simm.s32 $0x40;
	s9 =	sadd.s32 s6, s9;
	[dreg:$0xc] =	wrdreg s13  }
0x17: {  	s15 =	simm.s32 $0x80;
	s2 =	sadd.s32 s23, s5;
	[dreg:$0xd] =	wrdreg s9  }
0x18: {  	s16 =	simm.s32 $0x3;
	s20 =	sadd.s32 s18, s6;
	[dreg:$0x3] =	wrdreg s2  }
0x19: {  	s21 =	sadd.s32 s18, s5;
	s22 =	sshll.u32 s10, $0x4;
	[dreg:$0x8] =	wrdreg s20  }
0x1a: {  	s17 =	simm.s32 $0x258;
	s9 =	sadd.s32 s6, s19;
	[dreg:$0x9] =	wrdreg s21  }
0x1b: {  	s18 =	simm.s32 $0x640;
	s13 =	sadd.s32 s26, s5;
	[dreg:$0xf] =	wrdreg s9  }
0x1c: {  	s19 =	sadd.s32 s5, s8;
	s8 =	sadd.s32 s6, s8;
	[dreg:$0x5] =	wrdreg s13  }
0x1d: {  	s2 =	sadd.s32 s1, s22;
	s0 =	sadd.s32 s28, s0;
	[dreg:$0x12] =	wrdreg s19  }
0x1e: {  	s1 =	simm.s32 $0x578;
	s20 =	simm.s32 $0x708;
	[dreg:$0x13] =	wrdreg s8  }
0x1f: {  	s21 =	simm.s32 $0x0;
	s9 =	sadd.s32 s23, s6;
	[dreg:$0x1a] =	wrdreg s0  }
0x20: {  	s23 =	sadd.s32 $0x3E8, s10;
	s25 =	sadd.s32 $0x3200, s2;
	[dreg:$0x2] =	wrdreg s9  }
0x21: {  	s26 =	sadd.s32 $0x2580, s2;
	s29 =	sadd.s32 $0x1900, s2;
	[dreg:$0x15] =	wrdreg s23  }
0x22: {  	s2 =	sadd.s32 $0xC80, s2;
	s0 =	simm.s32 $0x190;
	[dreg:$0x16] =	wrdreg s25  }
0x23: {  	s19 =	simm.s32 $0x320;
	s8 =	simm.s32 $0x7D0;
	[dreg:$0x17] =	wrdreg s26  }
0x24: {  	s10 =	simm.s32 $0x6BD0;
	s13 =	simm.s32 $0x2;
	[dreg:$0x18] =	wrdreg s29  }
0x25: {  	[dreg:$0x19] =	wrdreg s2;
	s25 =	simm.s32 $0xC8;
	s9 =	simm.s32 $0x39D0  }
.LBB2_1:
0x26: {  	[dreg:$0x1b] =	wrdreg s21  }
0x27: {  	s2 =	rddreg [dreg:$0xa]  }
0x28: {  	[tilespmem:s24], [sflag:$0x1] =	stream.linear.gather [hbm4b:s2+s24], $0xC8, $0x38;
	[tilespmem:$0x101D0] =	vst v63  }
0x29: {  	s26 =	rddreg [dreg:$0xb]  }
0x2a: {  	[tilespmem:s30], [sflag:$0x1] =	stream.linear.gather [hbm4b:s26+s24], $0xC8, $0x38;
	[tilespmem:$0x101D0] =	vst v63  }
0x2b: {  	s28 =	rddreg [dreg:$0xc]  }
0x2c: {  	[tilespmem:s25], [sflag:$0x1] =	stream.linear.gather [hbm4b:s28+s24], $0xC8, $0x38;
	[tilespmem:$0x101D0] =	vst v63  }
0x2d: {  	s29 =	rddreg [dreg:$0xd]  }
0x2e: {  	[tilespmem:s31], [sflag:$0x1] =	stream.linear.gather [hbm4b:s29+s24], $0xC8, $0x38;
	[tilespmem:$0x101D0] =	vst v63  }
0x2f: {  	s21 =	rddreg [dreg:$0xe]  }
0x30: {  	[tilespmem:s0], [sflag:$0x1] =	stream.linear.gather [hbm4b:s21+s24], $0xC8, $0x38;
	[tilespmem:$0x101D0] =	vst v63  }
0x31: {  	s22 =	rddreg [dreg:$0xf]  }
0x32: {  	[tilespmem:s1], [sflag:$0x1] =	stream.linear.gather [hbm4b:s22+s24], $0xC8, $0x38;
	[tilespmem:$0x101D0] =	vst v63  }
0x33: {  	s23 =	rddreg [dreg:$0x10]  }
0x34: {  	[tilespmem:s17], [sflag:$0x1] =	stream.linear.gather [hbm4b:s23+s24], $0xC8, $0x38;
	[tilespmem:$0x101D0] =	vst v63  }
0x35: {  	s26 =	rddreg [dreg:$0x11]  }
0x36: {  	[tilespmem:s18], [sflag:$0x1] =	stream.linear.gather [hbm4b:s26+s24], $0xC8, $0x38;
	[tilespmem:$0x101D0] =	vst v63  }
0x37: {  	s28 =	rddreg [dreg:$0x12]  }
0x38: {  	[tilespmem:s19], [sflag:$0x1] =	stream.linear.gather [hbm4b:s28+s24], $0xC8, $0x38;
	[tilespmem:$0x101D0] =	vst v63  }
0x39: {  	s29 =	rddreg [dreg:$0x13]  }
0x3a: {  	[tilespmem:s20], [sflag:$0x1] =	stream.linear.gather [hbm4b:s29+s24], $0xC8, $0x38;
	[tilespmem:$0x101D0] =	vst v63  }
0x3b: {  	_ =	swait.ge [sflag:s7], $0xC8  }
0x3c: {  	[sflag:s7] =	ssyncset.done $0x0  }
0x3d: {  	[sflag:s7] =	ssyncadd.s32 $0xFFFFFF38  }
0x3e: {  	_ =	swait.ge [sflag:s7], $0xC8  }
0x3f: {  	[sflag:s7] =	ssyncset.done $0x0  }
0x40: {  	[sflag:s7] =	ssyncadd.s32 $0xFFFFFF38  }
0x41: {  	_ =	swait.ge [sflag:s7], $0xC8  }
0x42: {  	[sflag:s7] =	ssyncset.done $0x0  }
0x43: {  	[sflag:s7] =	ssyncadd.s32 $0xFFFFFF38  }
0x44: {  	_ =	swait.ge [sflag:s7], $0xC8  }
0x45: {  	[sflag:s7] =	ssyncset.done $0x0  }
0x46: {  	[sflag:s7] =	ssyncadd.s32 $0xFFFFFF38  }
0x47: {  	_ =	swait.ge [sflag:s7], $0xC8  }
0x48: {  	[sflag:s7] =	ssyncset.done $0x0  }
0x49: {  	[sflag:s7] =	ssyncadd.s32 $0xFFFFFF38  }
0x4a: {  	_ =	swait.ge [sflag:s7], $0xC8  }
0x4b: {  	[sflag:s7] =	ssyncset.done $0x0  }
0x4c: {  	[sflag:s7] =	ssyncadd.s32 $0xFFFFFF38  }
0x4d: {  	_ =	swait.ge [sflag:s7], $0xC8  }
0x4e: {  	[sflag:s7] =	ssyncset.done $0x0  }
0x4f: {  	[sflag:s7] =	ssyncadd.s32 $0xFFFFFF38  }
0x50: {  	_ =	swait.ge [sflag:s7], $0xC8  }
0x51: {  	[sflag:s7] =	ssyncset.done $0x0  }
0x52: {  	[sflag:s7] =	ssyncadd.s32 $0xFFFFFF38  }
0x53: {  	_ =	swait.ge [sflag:s7], $0xC8  }
0x54: {  	[sflag:s7] =	ssyncset.done $0x0  }
0x55: {  	[sflag:s7] =	ssyncadd.s32 $0xFFFFFF38  }
0x56: {  	_ =	swait.ge [sflag:s7], $0xC8  }
0x57: {  	[sflag:s7] =	ssyncset.done $0x0  }
0x58: {  	[sflag:s7] =	ssyncadd.s32 $0xFFFFFF38  }
0x59: {  	[tilespmem:s8], [sflag:$0x2] =	stream.indirect.gather [hbm4b:s3+s25], $0x40, s24, s25, $0xb8;
	[tilespmem:$0x101D0] =	vst v63  }
0x5a: {  	_ = 	snop  }
0x5b: {  	[tilespmem:s9], [sflag:$0x2] =	stream.indirect.gather [hbm4b:s3+s25], $0x40, s25, s25, $0xb8;
	[tilespmem:$0x101D0] =	vst v63  }
0x5c: {  	_ = 	snop  }
0x5d: {  	[tilespmem:s10], [sflag:$0x2] =	stream.indirect.gather [hbm4b:s3+s25], $0x40, s0, s25, $0xb8;
	[tilespmem:$0x101D0] =	vst v63  }
0x5e: {  	_ = 	snop  }
0x5f: {  	[tilespmem:s11], [sflag:$0x2] =	stream.indirect.gather [hbm4b:s3+s25], $0x40, s17, s25, $0xb8;
	[tilespmem:$0x101D0] =	vst v63  }
0x60: {  	_ = 	snop  }
0x61: {  	[tilespmem:s12], [sflag:$0x2] =	stream.indirect.gather [hbm4b:s3+s25], $0x40, s19, s25, $0xb8;
	[tilespmem:$0x101D0] =	vst v63  }
0x62: {  	_ =	swait.ge [sflag:s13], $0x3200  }
0x63: {  	[sflag:s13] =	ssyncset.done $0x0  }
0x64: {  	[sflag:s13] =	ssyncadd.s32 $0xFFFFCE00  }
0x65: {  	_ =	swait.ge [sflag:s13], $0x3200  }
0x66: {  	[sflag:s13] =	ssyncset.done $0x0  }
0x67: {  	[sflag:s13] =	ssyncadd.s32 $0xFFFFCE00  }
0x68: {  	_ =	swait.ge [sflag:s13], $0x3200  }
0x69: {  	[sflag:s13] =	ssyncset.done $0x0  }
0x6a: {  	[sflag:s13] =	ssyncadd.s32 $0xFFFFCE00  }
0x6b: {  	_ =	swait.ge [sflag:s13], $0x3200  }
0x6c: {  	[sflag:s13] =	ssyncset.done $0x0  }
0x6d: {  	[sflag:s13] =	ssyncadd.s32 $0xFFFFCE00  }
0x6e: {  	_ =	swait.ge [sflag:s13], $0x3200  }
0x6f: {  	[sflag:s13] =	ssyncset.done $0x0  }
0x70: {  	[sflag:s13] =	ssyncadd.s32 $0xFFFFCE00  }
0x71: {  	[tilespmem:s8], [sflag:$0x2] =	stream.indirect.gather.add.f32 [hbm:s4], $0x40, s30, s25, $0xb8;
	[tilespmem:$0x101D0] =	vst v63  }
0x72: {  	_ = 	snop  }
0x73: {  	[tilespmem:s9], [sflag:$0x2] =	stream.indirect.gather.add.f32 [hbm:s4], $0x40, s31, s25, $0xb8;
	[tilespmem:$0x101D0] =	vst v63  }
0x74: {  	_ = 	snop  }
0x75: {  	[tilespmem:s10], [sflag:$0x2] =	stream.indirect.gather.add.f32 [hbm:s4], $0x40, s1, s25, $0xb8;
	[tilespmem:$0x101D0] =	vst v63  }
0x76: {  	_ = 	snop  }
0x77: {  	[tilespmem:s11], [sflag:$0x2] =	stream.indirect.gather.add.f32 [hbm:s4], $0x40, s18, s25, $0xb8;
	[tilespmem:$0x101D0] =	vst v63  }
0x78: {  	_ = 	snop  }
0x79: {  	[tilespmem:s12], [sflag:$0x2] =	stream.indirect.gather.add.f32 [hbm:s4], $0x40, s20, s25, $0xb8;
	[tilespmem:$0x101D0] =	vst v63  }
0x7a: {  	_ =	swait.ge [sflag:s13], $0x3200  }
0x7b: {  	[sflag:s13] =	ssyncset.done $0x0  }
0x7c: {  	[sflag:s13] =	ssyncadd.s32 $0xFFFFCE00  }
0x7d: {  	_ =	swait.ge [sflag:s13], $0x3200  }
0x7e: {  	[sflag:s13] =	ssyncset.done $0x0  }
0x7f: {  	[sflag:s13] =	ssyncadd.s32 $0xFFFFCE00  }
0x80: {  	_ =	swait.ge [sflag:s13], $0x3200  }
0x81: {  	[sflag:s13] =	ssyncset.done $0x0  }
0x82: {  	[sflag:s13] =	ssyncadd.s32 $0xFFFFCE00  }
0x83: {  	_ =	swait.ge [sflag:s13], $0x3200  }
0x84: {  	[sflag:s13] =	ssyncset.done $0x0  }
0x85: {  	[sflag:s13] =	ssyncadd.s32 $0xFFFFCE00  }
0x86: {  	_ =	swait.ge [sflag:s13], $0x3200  }
0x87: {  	[sflag:s13] =	ssyncset.done $0x0;
	s29 =	rddreg [dreg:$0x1a]  }
0x88: {  	s28 =	rddreg [dreg:$0x19];
	[sflag:s13] =	ssyncadd.s32 $0xFFFFCE00  }
0x89: {  	[hbm4b:s29+s14] =	stream.strided.scatter [tilespmem:s8], [sflag:$0x3], $0x3200, s15, s14, $0x38;
	[tilespmem:$0x101D0] =	vst v63  }
0x8a: {  	s21 =	rddreg [dreg:$0x18]  }
0x8b: {  	[hbm4b:s28+s14] =	stream.strided.scatter [tilespmem:s9], [sflag:$0x3], $0x3200, s15, s14, $0x38;
	[tilespmem:$0x101D0] =	vst v63  }
0x8c: {  	s23 =	rddreg [dreg:$0x17]  }
0x8d: {  	[hbm4b:s21+s14] =	stream.strided.scatter [tilespmem:s10], [sflag:$0x3], $0x3200, s15, s14, $0x38;
	[tilespmem:$0x101D0] =	vst v63  }
0x8e: {  	p0 =	por $0x0, $0x0;
	s26 =	rddreg [dreg:$0x15]  }
0x8f: {  	[hbm4b:s23+s14] =	stream.strided.scatter [tilespmem:s11], [sflag:$0x3], $0x3200, s15, s14, $0x38;
	[tilespmem:$0x101D0] =	vst v63  }
0x90: {  	s22 =	rddreg [dreg:$0x16];
	s2 =	sshrl.u32 @!p0 s26, $0x3  }
0x91: {  	[hbm4b:s22+s14] =	stream.strided.scatter [tilespmem:s12], [sflag:$0x3], $0x3200, s15, s14, $0x38;
	[tilespmem:$0x101D0] =	vst v63  }
0x92: {  	s17 =	simm.s32 @!p0 $0x0;
	s19 =	sadd.s32 @!p0 s5, s2  }
0x93: {  	[tilespmem:s17], [sflag:$0x1] =	stream.linear.gather @!p0 [hbm4b:s19+s17], $0xC8, $0x38;
	[tilespmem:$0x101D0] =	vst v63  }
0x94: {  	s18 =	rddreg [dreg:$0x9];
	s2 =	sadd.s32 @!p0 s6, s2;
	s19 =	simm.s32 @!p0 $0x3E8  }
0x95: {  	[tilespmem:s19], [sflag:$0x1] =	stream.linear.gather @!p0 [hbm4b:s2+s17], $0xC8, $0x38;
	[tilespmem:$0x101D0] =	vst v63  }
0x96: {  	s20 =	rddreg [dreg:$0x8];
	s2 =	sadd.s32 @!p0 $0x0, s18;
	s18 =	simm.s32 @!p0 $0xC8  }
0x97: {  	[tilespmem:s18], [sflag:$0x1] =	stream.linear.gather @!p0 [hbm4b:s2+s17], $0xC8, $0x38;
	[tilespmem:$0x101D0] =	vst v63  }
0x98: {  	s19 =	rddreg [dreg:$0x7];
	s2 =	simm.s32 @!p0 $0x4B0;
	s18 =	sadd.s32 @!p0 $0x0, s20  }
0x99: {  	[tilespmem:s2], [sflag:$0x1] =	stream.linear.gather @!p0 [hbm4b:s18+s17], $0xC8, $0x38;
	[tilespmem:$0x101D0] =	vst v63  }
0x9a: {  	s20 =	rddreg [dreg:$0x6];
	s2 =	simm.s32 @!p0 $0x190;
	s18 =	sadd.s32 @!p0 $0x0, s19  }
0x9b: {  	[tilespmem:s2], [sflag:$0x1] =	stream.linear.gather @!p0 [hbm4b:s18+s17], $0xC8, $0x38;
	[tilespmem:$0x101D0] =	vst v63  }
0x9c: {  	s19 =	rddreg [dreg:$0x5];
	s2 =	simm.s32 @!p0 $0x578;
	s18 =	sadd.s32 @!p0 $0x0, s20  }
0x9d: {  	[tilespmem:s2], [sflag:$0x1] =	stream.linear.gather @!p0 [hbm4b:s18+s17], $0xC8, $0x38;
	[tilespmem:$0x101D0] =	vst v63  }
0x9e: {  	s20 =	rddreg [dreg:$0x4];
	s2 =	simm.s32 @!p0 $0x258;
	s18 =	sadd.s32 @!p0 $0x0, s19  }
0x9f: {  	[tilespmem:s2], [sflag:$0x1] =	stream.linear.gather @!p0 [hbm4b:s18+s17], $0xC8, $0x38;
	[tilespmem:$0x101D0] =	vst v63  }
0xa0: {  	s19 =	rddreg [dreg:$0x3];
	s2 =	simm.s32 @!p0 $0x640;
	s18 =	sadd.s32 @!p0 $0x0, s20  }
0xa1: {  	[tilespmem:s2], [sflag:$0x1] =	stream.linear.gather @!p0 [hbm4b:s18+s17], $0xC8, $0x38;
	[tilespmem:$0x101D0] =	vst v63  }
0xa2: {  	s20 =	rddreg [dreg:$0x2];
	s2 =	simm.s32 @!p0 $0x320;
	s18 =	sadd.s32 @!p0 $0x0, s19  }
0xa3: {  	[tilespmem:s2], [sflag:$0x1] =	stream.linear.gather @!p0 [hbm4b:s18+s17], $0xC8, $0x38;
	[tilespmem:$0x101D0] =	vst v63  }
0xa4: {  	s2 =	simm.s32 @!p0 $0x708;
	s18 =	sadd.s32 @!p0 $0x0, s20  }
0xa5: {  	[tilespmem:s2], [sflag:$0x1] =	stream.linear.gather @!p0 [hbm4b:s18+s17], $0xC8, $0x38;
	[tilespmem:$0x101D0] =	vst v63  }
0xa6: {  	_ =	swait.ge [sflag:s16], $0x3200  }
0xa7: {  	[sflag:s16] =	ssyncset.done $0x0  }
0xa8: {  	[sflag:s16] =	ssyncadd.s32 $0xFFFFCE00  }
0xa9: {  	_ =	swait.ge [sflag:s16], $0x3200  }
0xaa: {  	[sflag:s16] =	ssyncset.done $0x0  }
0xab: {  	[sflag:s16] =	ssyncadd.s32 $0xFFFFCE00  }
0xac: {  	_ =	swait.ge [sflag:s16], $0x3200  }
0xad: {  	[sflag:s16] =	ssyncset.done $0x0  }
0xae: {  	s0 =	simm.s32 $0x320;
	[sflag:s16] =	ssyncadd.s32 $0xFFFFCE00  }
0xaf: {  	s1 =	simm.s32 $0x708;
	s23 =	sadd.s32 $0x3E80, s23;
	_ =	swait.ge [sflag:s16], $0x3200  }
0xb0: {  	s22 =	sadd.s32 $0x3E80, s22;
	s19 =	simm.s32 $0x7D;
	[sflag:s16] =	ssyncset.done $0x0  }
0xb1: {  	s20 =	sadd.s32 $0x3E80, s29;
	s18 =	sadd.s32 $0x3E80, s21;
	[sflag:s16] =	ssyncadd.s32 $0xFFFFCE00  }
0xb2: {  	s21 =	sadd.s32 $0x3E80, s28;
	s17 =	smov.u32 s26;
	_ =	swait.ge [sflag:s16], $0x3200  }
.LBB2_2:
0xb3: {  	[sflag:s16] =	ssyncset.done $0x0  }
0xb4: {  	[sflag:s16] =	ssyncadd.s32 $0xFFFFCE00  }
0xb5: {  	_ =	swait.ge [sflag:s7], $0xC8  }
0xb6: {  	[sflag:s7] =	ssyncset.done $0x0  }
0xb7: {  	[sflag:s7] =	ssyncadd.s32 $0xFFFFFF38  }
0xb8: {  	_ =	swait.ge [sflag:s7], $0xC8  }
0xb9: {  	[sflag:s7] =	ssyncset.done $0x0  }
0xba: {  	[sflag:s7] =	ssyncadd.s32 $0xFFFFFF38  }
0xbb: {  	_ =	swait.ge [sflag:s7], $0xC8  }
0xbc: {  	[sflag:s7] =	ssyncset.done $0x0  }
0xbd: {  	[sflag:s7] =	ssyncadd.s32 $0xFFFFFF38  }
0xbe: {  	_ =	swait.ge [sflag:s7], $0xC8  }
0xbf: {  	[sflag:s7] =	ssyncset.done $0x0  }
0xc0: {  	[sflag:s7] =	ssyncadd.s32 $0xFFFFFF38  }
0xc1: {  	_ =	swait.ge [sflag:s7], $0xC8  }
0xc2: {  	[sflag:s7] =	ssyncset.done $0x0  }
0xc3: {  	[sflag:s7] =	ssyncadd.s32 $0xFFFFFF38  }
0xc4: {  	_ =	swait.ge [sflag:s7], $0xC8  }
0xc5: {  	[sflag:s7] =	ssyncset.done $0x0  }
0xc6: {  	[sflag:s7] =	ssyncadd.s32 $0xFFFFFF38  }
0xc7: {  	_ =	swait.ge [sflag:s7], $0xC8  }
0xc8: {  	[sflag:s7] =	ssyncset.done $0x0  }
0xc9: {  	[sflag:s7] =	ssyncadd.s32 $0xFFFFFF38  }
0xca: {  	_ =	swait.ge [sflag:s7], $0xC8  }
0xcb: {  	[sflag:s7] =	ssyncset.done $0x0  }
0xcc: {  	[sflag:s7] =	ssyncadd.s32 $0xFFFFFF38  }
0xcd: {  	_ =	swait.ge [sflag:s7], $0xC8  }
0xce: {  	[sflag:s7] =	ssyncset.done $0x0  }
0xcf: {  	[sflag:s7] =	ssyncadd.s32 $0xFFFFFF38  }
0xd0: {  	_ =	swait.ge [sflag:s7], $0xC8  }
0xd1: {  	[sflag:s7] =	ssyncset.done $0x0  }
0xd2: {  	[sflag:s7] =	ssyncadd.s32 $0xFFFFFF38  }
0xd3: {  	[tilespmem:s8], [sflag:$0x2] =	stream.indirect.gather [hbm4b:s3+s25], $0x40, s24, s25, $0xb8;
	[tilespmem:$0x101D0] =	vst v63  }
0xd4: {  	_ = 	snop  }
0xd5: {  	[tilespmem:s9], [sflag:$0x2] =	stream.indirect.gather [hbm4b:s3+s25], $0x40, s25, s25, $0xb8;
	[tilespmem:$0x101D0] =	vst v63  }
0xd6: {  	s29 =	simm.s32 $0x190  }
0xd7: {  	[tilespmem:s10], [sflag:$0x2] =	stream.indirect.gather [hbm4b:s3+s25], $0x40, s29, s25, $0xb8;
	[tilespmem:$0x101D0] =	vst v63  }
0xd8: {  	s26 =	simm.s32 $0x258  }
0xd9: {  	[tilespmem:s11], [sflag:$0x2] =	stream.indirect.gather [hbm4b:s3+s25], $0x40, s26, s25, $0xb8;
	[tilespmem:$0x101D0] =	vst v63  }
0xda: {  	_ = 	snop  }
0xdb: {  	[tilespmem:s12], [sflag:$0x2] =	stream.indirect.gather [hbm4b:s3+s25], $0x40, s0, s25, $0xb8;
	[tilespmem:$0x101D0] =	vst v63  }
0xdc: {  	_ =	swait.ge [sflag:s13], $0x3200  }
0xdd: {  	[sflag:s13] =	ssyncset.done $0x0  }
0xde: {  	[sflag:s13] =	ssyncadd.s32 $0xFFFFCE00  }
0xdf: {  	_ =	swait.ge [sflag:s13], $0x3200  }
0xe0: {  	[sflag:s13] =	ssyncset.done $0x0  }
0xe1: {  	[sflag:s13] =	ssyncadd.s32 $0xFFFFCE00  }
0xe2: {  	_ =	swait.ge [sflag:s13], $0x3200  }
0xe3: {  	[sflag:s13] =	ssyncset.done $0x0  }
0xe4: {  	[sflag:s13] =	ssyncadd.s32 $0xFFFFCE00  }
0xe5: {  	_ =	swait.ge [sflag:s13], $0x3200  }
0xe6: {  	[sflag:s13] =	ssyncset.done $0x0  }
0xe7: {  	[sflag:s13] =	ssyncadd.s32 $0xFFFFCE00  }
0xe8: {  	_ =	swait.ge [sflag:s13], $0x3200  }
0xe9: {  	[sflag:s13] =	ssyncset.done $0x0  }
0xea: {  	[sflag:s13] =	ssyncadd.s32 $0xFFFFCE00  }
0xeb: {  	[tilespmem:s8], [sflag:$0x2] =	stream.indirect.gather.add.f32 [hbm:s4], $0x40, s30, s25, $0xb8;
	[tilespmem:$0x101D0] =	vst v63  }
0xec: {  	_ = 	snop  }
0xed: {  	[tilespmem:s9], [sflag:$0x2] =	stream.indirect.gather.add.f32 [hbm:s4], $0x40, s31, s25, $0xb8;
	[tilespmem:$0x101D0] =	vst v63  }
0xee: {  	s28 =	simm.s32 $0x578  }
0xef: {  	[tilespmem:s10], [sflag:$0x2] =	stream.indirect.gather.add.f32 [hbm:s4], $0x40, s28, s25, $0xb8;
	[tilespmem:$0x101D0] =	vst v63  }
0xf0: {  	s29 =	simm.s32 $0x640  }
0xf1: {  	[tilespmem:s11], [sflag:$0x2] =	stream.indirect.gather.add.f32 [hbm:s4], $0x40, s29, s25, $0xb8;
	[tilespmem:$0x101D0] =	vst v63  }
0xf2: {  	_ = 	snop  }
0xf3: {  	[tilespmem:s12], [sflag:$0x2] =	stream.indirect.gather.add.f32 [hbm:s4], $0x40, s1, s25, $0xb8;
	[tilespmem:$0x101D0] =	vst v63  }
0xf4: {  	_ =	swait.ge [sflag:s13], $0x3200  }
0xf5: {  	[sflag:s13] =	ssyncset.done $0x0  }
0xf6: {  	[sflag:s13] =	ssyncadd.s32 $0xFFFFCE00  }
0xf7: {  	_ =	swait.ge [sflag:s13], $0x3200  }
0xf8: {  	[sflag:s13] =	ssyncset.done $0x0  }
0xf9: {  	[sflag:s13] =	ssyncadd.s32 $0xFFFFCE00  }
0xfa: {  	_ =	swait.ge [sflag:s13], $0x3200  }
0xfb: {  	[sflag:s13] =	ssyncset.done $0x0  }
0xfc: {  	[sflag:s13] =	ssyncadd.s32 $0xFFFFCE00  }
0xfd: {  	_ =	swait.ge [sflag:s13], $0x3200  }
0xfe: {  	[sflag:s13] =	ssyncset.done $0x0  }
0xff: {  	[sflag:s13] =	ssyncadd.s32 $0xFFFFCE00  }
0x100: {  	_ =	swait.ge [sflag:s13], $0x3200  }
0x101: {  	[sflag:s13] =	ssyncset.done $0x0  }
0x102: {  	[sflag:s13] =	ssyncadd.s32 $0xFFFFCE00  }
0x103: {  	[hbm4b:s20+s14] =	stream.strided.scatter [tilespmem:s8], [sflag:$0x3], $0x3200, s15, s14, $0x38;
	[tilespmem:$0x101D0] =	vst v63  }
0x104: {  	_ = 	snop  }
0x105: {  	[hbm4b:s21+s14] =	stream.strided.scatter [tilespmem:s9], [sflag:$0x3], $0x3200, s15, s14, $0x38;
	[tilespmem:$0x101D0] =	vst v63  }
0x106: {  	s2 =	smov.u32 s19  }
0x107: {  	[hbm4b:s18+s14] =	stream.strided.scatter [tilespmem:s10], [sflag:$0x3], $0x3200, s15, s14, $0x38;
	[tilespmem:$0x101D0] =	vst v63  }
0x108: {  	s17 =	sadd.s32 $0x3E8, s17;
	p1 =	seq.s32 s2, $0x465  }
0x109: {  	[hbm4b:s23+s14] =	stream.strided.scatter [tilespmem:s11], [sflag:$0x3], $0x3200, s15, s14, $0x38;
	[tilespmem:$0x101D0] =	vst v63  }
0x10a: {  	s24 =	sshrl.u32 @!p1 s17, $0x3  }
0x10b: {  	[hbm4b:s22+s14] =	stream.strided.scatter [tilespmem:s12], [sflag:$0x3], $0x3200, s15, s14, $0x38;
	[tilespmem:$0x101D0] =	vst v63  }
0x10c: {  	s26 =	simm.s32 @!p1 $0x0;
	s29 =	sadd.s32 @!p1 s5, s24  }
0x10d: {  	[tilespmem:s26], [sflag:$0x1] =	stream.linear.gather @!p1 [hbm4b:s29+s26], $0xC8, $0x38;
	[tilespmem:$0x101D0] =	vst v63  }
0x10e: {  	s30 =	simm.s32 @!p1 $0x3E8;
	s24 =	sadd.s32 @!p1 s6, s24;
	s28 =	rddreg [dreg:$0x9]  }
0x10f: {  	[tilespmem:s30], [sflag:$0x1] =	stream.linear.gather @!p1 [hbm4b:s24+s26], $0xC8, $0x38;
	[tilespmem:$0x101D0] =	vst v63  }
0x110: {  	s31 =	rddreg [dreg:$0x8];
	s28 =	sadd.s32 @!p1 s2, s28;
	s29 =	simm.s32 @!p1 $0xC8  }
0x111: {  	[tilespmem:s29], [sflag:$0x1] =	stream.linear.gather @!p1 [hbm4b:s28+s26], $0xC8, $0x38;
	[tilespmem:$0x101D0] =	vst v63  }
0x112: {  	s24 =	simm.s32 @!p1 $0x4B0;
	s30 =	rddreg [dreg:$0x7];
	s28 =	sadd.s32 @!p1 s2, s31  }
0x113: {  	[tilespmem:s24], [sflag:$0x1] =	stream.linear.gather @!p1 [hbm4b:s28+s26], $0xC8, $0x38;
	[tilespmem:$0x101D0] =	vst v63  }
0x114: {  	s29 =	simm.s32 @!p1 $0x190;
	s31 =	rddreg [dreg:$0x6];
	s24 =	sadd.s32 @!p1 s2, s30  }
0x115: {  	[tilespmem:s29], [sflag:$0x1] =	stream.linear.gather @!p1 [hbm4b:s24+s26], $0xC8, $0x38;
	[tilespmem:$0x101D0] =	vst v63  }
0x116: {  	s28 =	simm.s32 @!p1 $0x578;
	s30 =	rddreg [dreg:$0x5];
	s24 =	sadd.s32 @!p1 s2, s31  }
0x117: {  	[tilespmem:s28], [sflag:$0x1] =	stream.linear.gather @!p1 [hbm4b:s24+s26], $0xC8, $0x38;
	[tilespmem:$0x101D0] =	vst v63  }
0x118: {  	s29 =	simm.s32 @!p1 $0x258;
	s31 =	rddreg [dreg:$0x4];
	s24 =	sadd.s32 @!p1 s2, s30  }
0x119: {  	[tilespmem:s29], [sflag:$0x1] =	stream.linear.gather @!p1 [hbm4b:s24+s26], $0xC8, $0x38;
	[tilespmem:$0x101D0] =	vst v63  }
0x11a: {  	s28 =	simm.s32 @!p1 $0x640;
	s30 =	rddreg [dreg:$0x3];
	s24 =	sadd.s32 @!p1 s2, s31  }
0x11b: {  	[tilespmem:s28], [sflag:$0x1] =	stream.linear.gather @!p1 [hbm4b:s24+s26], $0xC8, $0x38;
	[tilespmem:$0x101D0] =	vst v63  }
0x11c: {  	s29 =	simm.s32 @!p1 $0x320;
	s31 =	rddreg [dreg:$0x2];
	s24 =	sadd.s32 @!p1 s2, s30  }
0x11d: {  	[tilespmem:s29], [sflag:$0x1] =	stream.linear.gather @!p1 [hbm4b:s24+s26], $0xC8, $0x38;
	[tilespmem:$0x101D0] =	vst v63  }
0x11e: {  	s28 =	simm.s32 @!p1 $0x708;
	s2 =	sadd.s32 @!p1 s2, s31  }
0x11f: {  	[tilespmem:s28], [sflag:$0x1] =	stream.linear.gather @!p1 [hbm4b:s2+s26], $0xC8, $0x38;
	[tilespmem:$0x101D0] =	vst v63  }
0x120: {  	_ =	swait.ge [sflag:s16], $0x3200  }
0x121: {  	[sflag:s16] =	ssyncset.done $0x0  }
0x122: {  	[sflag:s16] =	ssyncadd.s32 $0xFFFFCE00  }
0x123: {  	_ =	swait.ge [sflag:s16], $0x3200  }
0x124: {  	[sflag:s16] =	ssyncset.done $0x0  }
0x125: {  	[sflag:s16] =	ssyncadd.s32 $0xFFFFCE00  }
0x126: {  	s19 =	sadd.s32 $0x7D, s19;
	_ =	swait.ge [sflag:s16], $0x3200  }
0x127: {  	p0 =	sne.s32 s19, $0x4E2;
	[sflag:s16] =	ssyncset.done $0x0  }
.Ltmp0:
0x128: {  	[sflag:s16] =	ssyncadd.s32 $0xFFFFCE00;
	(pc) =	sbr.rel @p0 .LBB2_2-.Ltmp0, $4  }
0x129: {  	s20 =	sadd.s32 $0x3E80, s20;
	s21 =	sadd.s32 $0x3E80, s21;
	_ =	swait.ge [sflag:s16], $0x3200  }
0x12a: {  	s18 =	sadd.s32 $0x3E80, s18;
	s23 =	sadd.s32 $0x3E80, s23;
	[sflag:s16] =	ssyncset.done $0x0  }
0x12b: {  	s22 =	sadd.s32 $0x3E80, s22;
	s30 =	simm.s32 $0x3E8;
	[sflag:s16] =	ssyncadd.s32 $0xFFFFCE00  }
0x12c: {  	s31 =	simm.s32 $0x4B0;
	s24 =	simm.s32 $0x0;
	_ =	swait.ge [sflag:s16], $0x3200  }
0x12d: {  	s21 =	rddreg [dreg:$0x1b]  }
0x12e: {  	s2 =	rddreg [dreg:$0x14];
	s21 =	sadd.s32 $0x1, s21  }
0x12f: {  	p0 =	sne.s32 s21, s2  }
.Ltmp1:
0x130: {  	_ = 	snop;
	(pc) =	sbr.rel @p0 .LBB2_1-.Ltmp1, $4  }
0x131: {  	_ = 	snop  }
0x132: {  	[sflag:s16] =	ssyncset.done $0x0;
	s0 =	simm.s32 $0x190  }
0x133: {  	s1 =	simm.s32 $0x578;
	s17 =	simm.s32 $0x258;
	s18 =	simm.s32 $0x640  }
0x134: {  	s19 =	simm.s32 $0x320;
	s20 =	simm.s32 $0x708;
	[sflag:s16] =	ssyncadd.s32 $0xFFFFCE00  }
0x135: {  	_ =	sfence.sel $0x180000  }
0x136: {  	[bflag:$0x0] =	sbarrier.arrive $0xFFFF  }
0x137: {  	_ =	strace $0x9000004D  }
0x138: {  	s0 =	stileid.u32;
	[bflag:$0x2] =	sbarrier.arrive $0xFFFF  }
0x139: {  	p0 =	sne.s32 s0, $0x0;
	s0 =	rddreg [dreg:$0x1]  }
0x13a: {  	s0 =	sadd.s32 @!p0 $0x100000, s0  }
0x13b: {  	[sflag:s0] =	ssyncadd.tile.s32 @!p0 $0x1;
	_ =	shalt  }
.Lfunc_end2:
_tile_overlayer_lowered:
.L_overlay_start_2:
0x13c: {  	(tag) =	ssettag $0x2  }
0x13d: {  	s0 =	rddreg [dreg:$0x0];
	s2 =	stileid.u32  }
0x13e: {  	s1 =	rddreg [dreg:$0x1];
	p0 =	sne.s32 s2, $0x0  }
0x13f: {  	s3 =	rddreg [dreg:$0x2];
	[bflag:$0x3] =	sbarrier.arrive $0xFFFF;
	s2 =	simm.s32 @!p0 $0x1C04  }
0x140: {  	[timem:s3], [sflag:s2] =	dma.local @!p0 [hbm:s0], s1  }
0x141: {  	s0 =	simm.s32 @!p0 $0x4  }
0x142: {  	_ =	swait.ge @!p0 [sflag:s0], s1  }
0x143: {  	s1 =	ssub.s32 @!p0 $0x0, s1;
	[sflag:s0] =	ssyncset.done @!p0 $0x0  }
0x144: {  	[sflag:s0] =	ssyncadd.s32 @!p0 s1  }
0x145: {  	[bflag:$0x3] =	sbarrier.arrive $0xFFFF  }
0x146: {  	_ =	shalt  }

// kernel: kernel.20.cloned.1.call-start
scs
__scs_entry_jumppad:
0x0: {  	(pc) =	sbr.rel $0x88, $3  }
0x1: {  	(tag) =	ssettag $0x0;
	lr =	simm.s32 $0x1  }
0x2: {  	[smem:$0x3F75] =	sst lr;
	_ =	strace $0xD0000000  }
0x3: {  	_ = 	snop  }
0x4: {  	_ = 	snop  }
0x5: {  	_ = 	snop  }
0x6: {  	_ = 	snop  }
0x7: {  	_ = 	snop  }
__scs_overlays_trampoline_lowered:
0x8: {  	[smem:$0x3F84] =	sst s0  }
0x9: {  	[smem:$0x3F85] =	sst s1  }
0xa: {  	[smem:$0x3F86] =	sst s2  }
0xb: {  	[smem:$0x3F87] =	sst s3  }
0xc: {  	[smem:$0x3F88] =	sst s4  }
0xd: {  	[smem:$0x3F89] =	sst s5  }
0xe: {  	[smem:$0x3F8A] =	sst s6  }
0xf: {  	[smem:$0x3F8B] =	sst s7  }
0x10: {  	[smem:$0x3F8C] =	sst s8  }
0x11: {  	[smem:$0x3F8D] =	sst s9;
	s0 =	simm.s32 @!p0 $0x0  }
0x12: {  	s1 =	sld [smem:$0x3F73];
	s0 =	simm.s32 @p0 $0x1  }
0x13: {  	[smem:$0x3F8E] =	sst s0;
	s0 =	simm.s32 @!p1 $0x0  }
0x14: {  	s2 =	sld [smem:$0x3F72];
	s0 =	simm.s32 @p1 $0x1  }
0x15: {  	[smem:$0x3F8F] =	sst s0;
	s0 =	simm.s32 @!p2 $0x0  }
0x16: {  	s3 =	sld [smem:$0x3FDB];
	s0 =	simm.s32 @p2 $0x1  }
0x17: {  	s4 =	simm.s32 $0x1BF5;
	[smem:$0x3F91] =	sst s0  }
0x18: {  	s0 =	sld [smem:$0x3F74];
	_ =	swait.ge [sflag:s4], $0x0  }
0x19: {  	s7 =	sld [smem:$0x3F75]  }
0x1a: {  	s8 =	sadd.s32 $0xFFFFE003, lr  }
0x1b: {  	s9 =	sadd.s32 $0xFFFFFEF7, lr;
	s5 =	simm.s32 $0xFFFFFFFF;
	p2 =	slt.u32 s8, $0xFFFFF086  }
0x1c: {  	p1 =	slt.u32 s9, $0xF7A;
	s5 =	simm.s32 @!p2 $0x0  }
0x1d: {  	s5 =	simm.s32 @p1 $0x1;
	p0 =	seq.s32 s7, s2  }
0x1e: {  	s7 =	smul.u32 @!p0 $0xF7A, s2;
	p2 =	seq.s32 @!p0 s5, $0x0  }
0x1f: {  	s9 =	smul.u32 $0xF7A, s1;
	s8 =	simm.s32 @!p0 $0x1BF5;
	p2 =	por !p2, p0  }
0x20: {  	[sflag:s8] =	ssyncset.s32 @!p0 $0xFFFFF086;
	s6 =	sadd.s32 @!p0 s3, s7;
	s7 =	simm.s32 @!p0 $0x108  }
0x21: {  	s3 =	sadd.s32 s3, s9;
	s6 =	sadd.s32 @!p0 $0x88, s6;
	s7 =	simm.s32 @p2 $0x1082  }
0x22: {  	[simem:s7], [sflag:s8] =	dma.local @!p0 [hbm:s6], $0xF7A  }
0x23: {  	s9 =	sor.u32 $0xD0000000, s2;
	s6 =	simm.s32 $0x108;
	_ =	swait.ge @!p0 [sflag:s8], $0x0  }
0x24: {  	s3 =	sadd.s32 $0x88, s3;
	s6 =	simm.s32 @!p1 $0x1082;
	[sflag:s4] =	ssyncset.s32 $0xFFFFF086  }
0x25: {  	[simem:s6], [sflag:s4] =	dma.local [hbm:s3], $0xF7A  }
0x26: {  	[smem:$0x3F75] =	sst s1;
	(tag) =	ssettag s2;
	_ =	strace s9  }
0x27: {  	s1 =	sld [smem:$0x3F85]  }
0x28: {  	s2 =	sld [smem:$0x3F86]  }
0x29: {  	s4 =	sld [smem:$0x3F88]  }
0x2a: {  	p0 =	seq.s32 s5, $0x0;
	s5 =	sld [smem:$0x3F89]  }
0x2b: {  	s6 =	sld [smem:$0x3F8A]  }
0x2c: {  	s7 =	sld [smem:$0x3F8B]  }
0x2d: {  	s3 =	simm.s32 $0x108;
	s8 =	sld [smem:$0x3F8C]  }
0x2e: {  	s3 =	simm.s32 @!p0 $0x1082;
	s9 =	sld [smem:$0x3F8D]  }
0x2f: {  	lr =	sadd.s32 s0, s3;
	s0 =	sld [smem:$0x3F84]  }
0x30: {  	s3 =	sld [smem:$0x3F87]  }
0x31: {  	[smem:$0x3F90] =	sst s10  }
0x32: {  	s10 =	sld [smem:$0x3F8E];
	_ =	sdelay $0x3  }
0x33: {  	p0 =	seq.s32 s10, $0x1;
	s10 =	sld [smem:$0x3F90];
	_ =	sdelay $0x3  }
0x34: {  	[smem:$0x3F90] =	sst s10  }
0x35: {  	s10 =	sld [smem:$0x3F8F];
	_ =	sdelay $0x3  }
0x36: {  	p1 =	seq.s32 s10, $0x1;
	s10 =	sld [smem:$0x3F90];
	_ =	sdelay $0x3  }
0x37: {  	[smem:$0x3F90] =	sst s10  }
0x38: {  	s10 =	sld [smem:$0x3F91]  }
0x39: {  	_ = 	snop;
	(pc) =	sbr.ind lr, $3  }
0x3a: {  	_ = 	snop  }
0x3b: {  	_ = 	snop  }
0x3c: {  	p2 =	seq.s32 s10, $0x1;
	s10 =	sld [smem:$0x3F90]  }
0x3d: {  	_ =	shalt  }
0x3e: {  	_ =	shalt  }
0x3f: {  	_ =	shalt  }
0x40: {  	_ =	shalt  }
0x41: {  	_ =	shalt  }
0x42: {  	_ =	shalt  }
0x43: {  	_ =	shalt  }
0x44: {  	_ =	shalt  }
0x45: {  	_ =	shalt  }
0x46: {  	_ =	shalt  }
0x47: {  	_ =	shalt  }
0x48: {  	_ =	shalt  }
0x49: {  	_ =	shalt  }
0x4a: {  	_ =	shalt  }
0x4b: {  	_ =	shalt  }
0x4c: {  	_ =	shalt  }
0x4d: {  	_ =	shalt  }
0x4e: {  	_ =	shalt  }
0x4f: {  	_ =	shalt  }
0x50: {  	_ =	shalt  }
0x51: {  	_ =	shalt  }
0x52: {  	_ =	shalt  }
0x53: {  	_ =	shalt  }
0x54: {  	_ =	shalt  }
0x55: {  	_ =	shalt  }
0x56: {  	_ =	shalt  }
0x57: {  	_ =	shalt  }
0x58: {  	_ =	shalt  }
0x59: {  	_ =	shalt  }
0x5a: {  	_ =	shalt  }
0x5b: {  	_ =	shalt  }
0x5c: {  	_ =	shalt  }
0x5d: {  	_ =	shalt  }
0x5e: {  	_ =	shalt  }
0x5f: {  	_ =	shalt  }
0x60: {  	_ =	shalt  }
0x61: {  	_ =	shalt  }
0x62: {  	_ =	shalt  }
0x63: {  	_ =	shalt  }
0x64: {  	_ =	shalt  }
0x65: {  	_ =	shalt  }
0x66: {  	_ =	shalt  }
0x67: {  	_ =	shalt  }
0x68: {  	_ =	shalt  }
0x69: {  	_ =	shalt  }
0x6a: {  	_ =	shalt  }
0x6b: {  	_ =	shalt  }
0x6c: {  	_ =	shalt  }
0x6d: {  	_ =	shalt  }
0x6e: {  	_ =	shalt  }
0x6f: {  	_ =	shalt  }
0x70: {  	_ =	shalt  }
0x71: {  	_ =	shalt  }
0x72: {  	_ =	shalt  }
0x73: {  	_ =	shalt  }
0x74: {  	_ =	shalt  }
0x75: {  	_ =	shalt  }
0x76: {  	_ =	shalt  }
0x77: {  	_ =	shalt  }
0x78: {  	_ =	shalt  }
0x79: {  	_ =	shalt  }
0x7a: {  	_ =	shalt  }
0x7b: {  	_ =	shalt  }
0x7c: {  	_ =	shalt  }
0x7d: {  	_ =	shalt  }
0x7e: {  	_ =	shalt  }
0x7f: {  	_ =	shalt  }
0x80: {  	_ =	shalt  }
0x81: {  	_ =	shalt  }
0x82: {  	_ =	shalt  }
0x83: {  	_ =	shalt  }
0x84: {  	_ =	shalt  }
0x85: {  	_ =	shalt  }
0x86: {  	_ =	shalt  }
0x87: {  	_ =	shalt  }
.Lfunc_end0:
.L_simem_size_0:
called_computation.3_lowered:
.L_overlay_start_0:
0x88: {  	s2 =	sld [smem:$0x3FD9]  }
0x89: {  	s3 =	sld [smem:$0x3FFE];
	_ =	sdelay $0x1  }
0x8a: {  	s1 =	srdreg.scid  }
0x8b: {  	s0 =	sand.u32 $0x1, s1  }
0x8c: {  	s16 =	sshll.u32 s0, $0xA;
	s2 =	sadd.s32 s3, s2  }
0x8d: {  	s2 =	sadd.s32 s2, s16  }
0x8e: {  	[smem:$0x3F9C] =	sst s2  }
0x8f: {  	_ = 	snop  }
0x90: {  	(tm) =	ssettm $0x1  }
0x91: {  	s17 =	sld [smem:$0x3FFB];
	_ =	sdelay $0x3  }
0x92: {  	_ =	strace s17  }
0x93: {  	s2 =	sld [smem:$0x3FFC];
	_ =	sdelay $0x3  }
0x94: {  	_ =	strace s2  }
0x95: {  	s2 =	sld [smem:$0x3FFD];
	_ =	sdelay $0x3  }
0x96: {  	_ =	strace s2  }
0x97: {  	_ =	strace $0x8FFFFFFF  }
0x98: {  	s18 =	sld [smem:$0x3FDB];
	_ =	sdelay $0x1  }
0x99: {  	s19 =	simm.s32 $_scs_section_size  }
0x9a: {  	s4 =	simm.s32 $_size__tile_overlayer_lowered;
	s5 =	simm.s32 $_tile_overlayer_lowered  }
0x9b: {  	s22 =	simm.s32 $0x1BFF;
	s21 =	sshll.u32 s5, $0x1;
	s2 =	sadd.s32 s19, s18  }
0x9c: {  	s6 =	simm.s32 $0x0;
	s20 =	sshll.u32 s4, $0x1;
	s4 =	sadd.s32 s21, s2  }
0x9d: {  	[timem:s6], [sflag:s22] =	dma.local [hbm:s4], s20  }
0x9e: {  	_ =	swait.ge [sflag:s22], s20  }
0x9f: {  	s3 =	ssub.s32 $0x0, s20;
	[sflag:s22] =	ssyncset.done $0x0  }
0xa0: {  	[sflag:s22] =	ssyncadd.s32 s3;
	_ =	sdelay $0x1  }
0xa1: {  	s23 =	simm.s32 $0x1B8B  }
0xa2: {  	_ =	swait.ge [sflag:s23], $0x1  }
0xa3: {  	[sflag:s23] =	ssyncset.done $0x0  }
0xa4: {  	s25 =	simm.s32 $0x1B8E;
	s24 =	sld [smem:$0x3FFE];
	[sflag:s23] =	ssyncadd.s32 $0xFFFFFFFF  }
0xa5: {  	s26 =	simm.s32 $execute0_lowered;
	[smem:$0x3FD2] =	sst s25  }
0xa6: {  	s4 =	sshll.u32 s26, $0x1;
	_ =	strace $0x8000004F;
	[dreg:$0x1] =	wrdreg $0xFFFFFFFF  }
0xa7: {  	s28 =	simm.s32 $_size_execute0_lowered;
	s2 =	sadd.s32 s2, s4;
	[dreg:$0x0] =	wrdreg $0x0  }
0xa8: {  	s4 =	sshll.u32 s28, $0x1;
	[dreg:$0x2] =	wrdreg s2  }
0xa9: {  	[dreg:$0x3] =	wrdreg s4  }
0xaa: {  	[dreg:$0x4] =	wrdreg $0xC0  }
0xab: {  	_ =	task [dreg:s6], $0x5FFFF  }
0xac: {  	[dreg:$0x1] =	wrdreg $0xFFFFFFFF  }
0xad: {  	[dreg:$0x0] =	wrdreg $0x60  }
0xae: {  	[dreg:$0x2] =	wrdreg s24  }
0xaf: {  	[dreg:$0x3] =	wrdreg $0xA2000  }
0xb0: {  	[dreg:$0x4] =	wrdreg $0x9  }
0xb1: {  	_ =	task.clear_ibuf [dreg:s6], $0x5FFFF;
	_ =	strace $0x9000004F  }
0xb2: {  	s29 =	simm.s32 $0x9;
	_ =	strace $0x80000051  }
0xb3: {  	_ =	swait.ge [sflag:s29], $0x1  }
0xb4: {  	[sflag:s29] =	ssyncadd.s32 $0xFFFFFFFF  }
0xb5: {  	_ =	strace $0x90000051  }
0xb6: {  	_ =	sfence  }
0xb7: {  	s30 =	sld [smem:$0x0];
	_ =	sdelay $0x2  }
0xb8: {  	s31 =	sshll.u32 s1, $0xD;
	s1 =	sshrl.u32 s1, $0x2  }
0xb9: {  	s3 =	sand.u32 $0x4000, s31;
	s1 =	sadd.s32 s1, s30  }
0xba: {  	s0 =	sor.u32 s3, s0;
	s1 =	sshll.u32 s1, $0x11  }
0xbb: {  	s0 =	sor.u32 s1, s0  }
0xbc: {  	s0 =	sadd.s32 $0x8F2B, s0  }
0xbd: {  	[sflag:s0] =	ssyncadd.remote.s32 $0x1  }
0xbe: {  	_ =	sfence.sel $0xFFFF  }
0xbf: {  	[dreg:$0x0] =	wrdreg $0xFFFFFFFF;
	(pc) =	sbr.abs _section_cstart, $3  }
0xc0: {  	[dreg:$0x1] =	wrdreg $0xFFFFFFFF  }
0xc1: {  	_ =	task.clear_ibuf [dreg:s6], $0x2FFFF;
	_ =	strace $0x9FFFFFFF  }
0xc2: {  	(tm) =	ssettm $0x7FFFFFFF  }
0xc3: {  	_ =	shalt  }
tec
execute0_lowered:
.L_overlay_start_1:
0x0: {  	(tag) =	ssettag $0x1  }
0x1: {  	s0 =	rddreg [dreg:$0x0]  }
0x2: {  	s2 =	rddreg [dreg:$0x1]  }
0x3: {  	s12 =	stileid.u32;
	s1 =	srdreg.scid  }
0x4: {  	s3 =	simm.s32 $0x0;
	s28 =	simm.s32 $0x180;
	s29 =	simm.s32 $0x7A00  }
0x5: {  	s30 =	simm.s32 $0x1;
	s31 =	simm.s32 $0x50;
	s4 =	smul.u32 $0x14000, s12  }
0x6: {  	s1 =	sand.u32 $0x1, s1;
	[smem:$0x7FF] =	sst s3;
	s9 =	smul.u32 $0x50000, s12  }
0x7: {  	s6 =	sadd.s32 $0x5A3C00, s0;
	s23 =	sshll.u32 s12, $0x6;
	s17 =	smul.u32 $0x27100, s12  }
0x8: {  	s5 =	smul.u32 $0x140000, s1;
	_ =	strace $0x80000050;
	s8 =	ssub.s32 $0x2, s1  }
0x9: {  	s10 =	sshll.u32 s1, $0x4;
	s13 =	sor.u32 $0x1C05, s23;
	s15 =	smul.u32 $0x271000, s1  }
0xa: {  	s1 =	smul.u32 $0x27100, s1;
	s7 =	sshrl.u32 s4, $0x3;
	s20 =	sshrl.u32 s8, $0x1  }
0xb: {  	s10 =	sor.u32 s12, s10;
	s21 =	sshrl.u32 s9, $0x2;
	s5 =	sadd.s32 s4, s5  }
0xc: {  	s4 =	sadd.s32 $0x68A00, s0;
	s7 =	sadd.s32 s7, s0;
	s22 =	smul.u32 $0x2710, s10  }
0xd: {  	s10 =	smul.u32 $0x27100, s10;
	s23 =	sadd.s32 s15, s6;
	s5 =	sshrl.u32 s5, $0x3  }
0xe: {  	s7 =	sadd.s32 $0x72800, s7;
	s0 =	sadd.s32 s5, s0;
	s5 =	ssub.s32 s8, s20  }
0xf: {  	s8 =	sadd.s32 s21, s2;
	[dreg:$0x4] =	wrdreg s7;
	s24 =	sshrl.u32 s22, $0x3  }
0x10: {  	s11 =	sadd.s32 $0x50, s22;
	s10 =	sadd.s32 s6, s10;
	s9 =	sadd.s32 $0x26C0, s22  }
0x11: {  	s21 =	smul.u32 $0x2710, s12;
	[dreg:$0x3] =	wrdreg s8;
	s25 =	sadd.s32 s4, s24  }
0x12: {  	s26 =	sshrl.u32 s11, $0x3;
	[dreg:$0x6] =	wrdreg s10;
	s16 =	sshll.u32 s11, $0x4  }
0x13: {  	s19 =	sshrl.u32 s9, $0x3;
	s0 =	sadd.s32 $0x9A800, s0;
	[dreg:$0x5] =	wrdreg s25  }
0x14: {  	s9 =	sshll.u32 s9, $0x4;
	s5 =	smax.u32 s5, $0x1;
	[dreg:$0xb] =	wrdreg s0  }
0x15: {  	s14 =	sadd.s32 s4, s26;
	s18 =	sadd.s32 s6, s16;
	[dreg:$0xc] =	wrdreg s5  }
0x16: {  	s20 =	sadd.s32 s4, s19;
	s22 =	sadd.s32 s6, s9;
	[dreg:$0x7] =	wrdreg s14  }
0x17: {  	s16 =	sadd.s32 s17, s23;
	s24 =	sadd.s32 s21, s1;
	[dreg:$0x8] =	wrdreg s18  }
0x18: {  	s21 =	simm.s32 $0x5;
	s23 =	simm.s32 $0x80;
	[dreg:$0x9] =	wrdreg s20  }
0x19: {  	s6 =	simm.s32 $0x0;
	[dreg:$0xa] =	wrdreg s22;
	s1 =	sadd.s32 $0x140, s24  }
0x1a: {  	s25 =	sadd.s32 $0x190, s24;
	s26 =	sadd.s32 $0xF0, s24;
	s0 =	sadd.s32 $0xA0, s24  }
0x1b: {  	s22 =	simm.s32 $0x200;
	s24 =	simm.s32 $0x2A00;
	[dreg:$0xd] =	wrdreg s1  }
0x1c: {  	s1 =	sshrl.u32 s25, $0x3;
	s5 =	sshrl.u32 s26, $0x3;
	s0 =	sshrl.u32 s0, $0x3  }
0x1d: {  	s25 =	simm.s32 $0x100;
	s26 =	simm.s32 $0x5200;
	s1 =	sadd.s32 s1, s4  }
0x1e: {  	s19 =	sadd.s32 s5, s4;
	s20 =	sadd.s32 s0, s4;
	s0 =	simm.s32 $0x3  }
0x1f: {  	s5 =	simm.s32 $0x4;
	[dreg:$0xe] =	wrdreg s1;
	s1 =	simm.s32 $0x2  }
.LBB2_1:
0x20: {  	s7 =	rddreg [dreg:$0x3]  }
0x21: {  	s12 =	rddreg [dreg:$0x4];
	s8 =	sshrl.u32 s7, $0x3  }
0x22: {  	[spmem:s8], [sflag:s13] =	dma.local [hbm:s12], $0x2800  }
0x23: {  	_ =	swait.ge [sflag:s21], $0x2800  }
0x24: {  	[sflag:s21] =	ssyncset.done $0x0  }
0x25: {  	[sflag:s21] =	ssyncadd.s32 $0xFFFFD800  }
0x26: {  	[bflag:$0x0] =	sbarrier.arrive $0xFFFF  }
0x27: {  	s18 =	smov.u32 s13;
	s13 =	rddreg [dreg:$0x5]  }
0x28: {  	[tilespmem:s3], [sflag:$0x1] =	stream.linear.gather [hbm4b:s13+s3], $0x50, $0x38;
	[tilespmem:$0x1E200] =	vst v63  }
0x29: {  	s14 =	rddreg [dreg:$0x6]  }
0x2a: {  	[tilespmem:s22], [sflag:$0x1] =	stream.linear.gather [hbm4b:s14+s3], $0x2800, $0x38;
	[tilespmem:$0x1E200] =	vst v63  }
0x2b: {  	s15 =	rddreg [dreg:$0x7]  }
0x2c: {  	[tilespmem:s23], [sflag:$0x1] =	stream.linear.gather [hbm4b:s15+s3], $0x50, $0x38;
	[tilespmem:$0x1E200] =	vst v63  }
0x2d: {  	s17 =	rddreg [dreg:$0x8]  }
0x2e: {  	[tilespmem:s24], [sflag:$0x1] =	stream.linear.gather [hbm4b:s17+s3], $0x2800, $0x38;
	[tilespmem:$0x1E200] =	vst v63  }
0x2f: {  	s9 =	sadd.s32 $0x0, s16  }
0x30: {  	[tilespmem:s25], [sflag:$0x2] =	stream.linear.gather [hbm4b:s20+s3], $0x50, $0x38;
	[tilespmem:$0x1E200] =	vst v63  }
0x31: {  	s10 =	sadd.s32 $0xA00, s9  }
0x32: {  	[tilespmem:s26], [sflag:$0x2] =	stream.linear.gather [hbm4b:s10+s3], $0x2800, $0x38;
	[tilespmem:$0x1E200] =	vst v63  }
0x33: {  	_ = 	snop  }
0x34: {  	[tilespmem:s28], [sflag:$0x2] =	stream.linear.gather [hbm4b:s19+s3], $0x50, $0x38;
	[tilespmem:$0x1E200] =	vst v63  }
0x35: {  	s9 =	sadd.s32 $0xF00, s9  }
0x36: {  	[tilespmem:s29], [sflag:$0x2] =	stream.linear.gather [hbm4b:s9+s3], $0x2800, $0x38;
	[tilespmem:$0x1E200] =	vst v63  }
0x37: {  	_ =	swait.ge [sflag:s30], $0x50  }
0x38: {  	[sflag:s30] =	ssyncset.done $0x0  }
0x39: {  	[sflag:s30] =	ssyncadd.s32 $0xFFFFFFB0  }
0x3a: {  	_ =	swait.ge [sflag:s30], $0x2800  }
0x3b: {  	[sflag:s30] =	ssyncset.done $0x0  }
0x3c: {  	[sflag:s30] =	ssyncadd.s32 $0xFFFFD800  }
0x3d: {  	_ =	swait.ge [sflag:s30], $0x50  }
0x3e: {  	[sflag:s30] =	ssyncset.done $0x0  }
0x3f: {  	[sflag:s30] =	ssyncadd.s32 $0xFFFFFFB0  }
0x40: {  	_ =	swait.ge [sflag:s30], $0x2800  }
0x41: {  	[sflag:s30] =	ssyncset.done $0x0  }
0x42: {  	[sflag:s30] =	ssyncadd.s32 $0xFFFFD800  }
0x43: {  	[spmem:s2] =	stream.indirect.scatter.add.f32 [tilespmem:s22], [sflag:$0x3], $0x80, s3, s31, $0xb8;
	[tilespmem:$0x1E200] =	vst v63  }
0x44: {  	_ = 	snop  }
0x45: {  	[spmem:s2] =	stream.indirect.scatter.add.f32 [tilespmem:s24], [sflag:$0x3], $0x80, s23, s31, $0xb8;
	[tilespmem:$0x1E200] =	vst v63  }
0x46: {  	_ =	swait.ge [sflag:s0], $0x2800  }
0x47: {  	[sflag:s0] =	ssyncset.done $0x0  }
0x48: {  	[sflag:s0] =	ssyncadd.s32 $0xFFFFD800  }
0x49: {  	_ =	swait.ge [sflag:s0], $0x2800  }
0x4a: {  	p0 =	por $0x0, $0x0;
	s7 =	rddreg [dreg:$0xd]  }
0x4b: {  	s11 =	simm.s32 @!p0 $0x0;
	[sflag:s0] =	ssyncset.done $0x0;
	s9 =	sshrl.u32 @!p0 s7, $0x3  }
0x4c: {  	s10 =	sadd.s32 @!p0 $0x0, s16;
	[sflag:s0] =	ssyncadd.s32 $0xFFFFD800;
	s9 =	sadd.s32 @!p0 s4, s9  }
0x4d: {  	[tilespmem:s11], [sflag:$0x1] =	stream.linear.gather @!p0 [hbm4b:s9+s11], $0x50, $0x38;
	[tilespmem:$0x1E200] =	vst v63  }
0x4e: {  	s12 =	simm.s32 @!p0 $0x200;
	s9 =	sadd.s32 @!p0 $0x1400, s10  }
0x4f: {  	[tilespmem:s12], [sflag:$0x1] =	stream.linear.gather @!p0 [hbm4b:s9+s11], $0x2800, $0x38;
	[tilespmem:$0x1E200] =	vst v63  }
0x50: {  	s13 =	rddreg [dreg:$0xe];
	s9 =	simm.s32 @!p0 $0x80  }
0x51: {  	[tilespmem:s9], [sflag:$0x1] =	stream.linear.gather @!p0 [hbm4b:s13+s11], $0x50, $0x38;
	[tilespmem:$0x1E200] =	vst v63  }
0x52: {  	s9 =	sadd.s32 @!p0 $0x1900, s10;
	s10 =	simm.s32 @!p0 $0x2A00  }
0x53: {  	[tilespmem:s10], [sflag:$0x1] =	stream.linear.gather @!p0 [hbm4b:s9+s11], $0x2800, $0x38;
	[tilespmem:$0x1E200] =	vst v63  }
0x54: {  	_ =	swait.ge [sflag:s1], $0x50  }
0x55: {  	[sflag:s1] =	ssyncset.done $0x0  }
0x56: {  	[sflag:s1] =	ssyncadd.s32 $0xFFFFFFB0  }
0x57: {  	_ =	swait.ge [sflag:s1], $0x2800  }
0x58: {  	[sflag:s1] =	ssyncset.done $0x0  }
0x59: {  	[sflag:s1] =	ssyncadd.s32 $0xFFFFD800  }
0x5a: {  	_ =	swait.ge [sflag:s1], $0x50  }
0x5b: {  	[sflag:s1] =	ssyncset.done $0x0  }
0x5c: {  	[sflag:s1] =	ssyncadd.s32 $0xFFFFFFB0  }
0x5d: {  	_ =	swait.ge [sflag:s1], $0x2800  }
0x5e: {  	[sflag:s1] =	ssyncset.done $0x0  }
0x5f: {  	[sflag:s1] =	ssyncadd.s32 $0xFFFFD800  }
0x60: {  	[spmem:s2] =	stream.indirect.scatter.add.f32 [tilespmem:s26], [sflag:$0x4], $0x80, s25, s31, $0xb8;
	[tilespmem:$0x1E200] =	vst v63  }
0x61: {  	_ = 	snop  }
0x62: {  	[spmem:s2] =	stream.indirect.scatter.add.f32 [tilespmem:s29], [sflag:$0x4], $0x80, s28, s31, $0xb8;
	[tilespmem:$0x1E200] =	vst v63  }
0x63: {  	_ =	swait.ge [sflag:s5], $0x2800  }
0x64: {  	[sflag:s5] =	ssyncset.done $0x0  }
0x65: {  	s12 =	sadd.s32 $0x140, s7;
	[sflag:s5] =	ssyncadd.s32 $0xFFFFD800  }
0x66: {  	s13 =	sadd.s32 $0x28, s13;
	s9 =	simm.s32 $0x1400;
	_ =	swait.ge [sflag:s5], $0x2800  }
0x67: {  	s10 =	sadd.s32 $0x28, s19;
	s11 =	sadd.s32 $0x28, s20;
	[sflag:s5] =	ssyncset.done $0x0  }
.LBB2_2:
0x68: {  	s14 =	sadd.s32 s9, s16  }
0x69: {  	[sflag:s5] =	ssyncadd.s32 $0xFFFFD800;
	s15 =	smov.u32 s9;
	s9 =	sadd.s32 $0x1400, s9  }
0x6a: {  	[tilespmem:s25], [sflag:$0x2] =	stream.linear.gather [hbm4b:s11+s3], $0x50, $0x38;
	[tilespmem:$0x1E200] =	vst v63  }
0x6b: {  	s7 =	sadd.s32 $0xA00, s14;
	p0 =	sne.s32 s9, $0x26C00  }
0x6c: {  	[tilespmem:s26], [sflag:$0x2] =	stream.linear.gather [hbm4b:s7+s3], $0x2800, $0x38;
	[tilespmem:$0x1E200] =	vst v63  }
0x6d: {  	_ = 	snop  }
0x6e: {  	[tilespmem:s28], [sflag:$0x2] =	stream.linear.gather [hbm4b:s10+s3], $0x50, $0x38;
	[tilespmem:$0x1E200] =	vst v63  }
0x6f: {  	s7 =	sadd.s32 $0xF00, s14  }
0x70: {  	[tilespmem:s29], [sflag:$0x2] =	stream.linear.gather [hbm4b:s7+s3], $0x2800, $0x38;
	[tilespmem:$0x1E200] =	vst v63  }
0x71: {  	_ =	swait.ge [sflag:s30], $0x50  }
0x72: {  	[sflag:s30] =	ssyncset.done $0x0  }
0x73: {  	[sflag:s30] =	ssyncadd.s32 $0xFFFFFFB0  }
0x74: {  	_ =	swait.ge [sflag:s30], $0x2800  }
0x75: {  	[sflag:s30] =	ssyncset.done $0x0  }
0x76: {  	[sflag:s30] =	ssyncadd.s32 $0xFFFFD800  }
0x77: {  	_ =	swait.ge [sflag:s30], $0x50  }
0x78: {  	[sflag:s30] =	ssyncset.done $0x0  }
0x79: {  	[sflag:s30] =	ssyncadd.s32 $0xFFFFFFB0  }
0x7a: {  	_ =	swait.ge [sflag:s30], $0x2800  }
0x7b: {  	[sflag:s30] =	ssyncset.done $0x0  }
0x7c: {  	[sflag:s30] =	ssyncadd.s32 $0xFFFFD800  }
0x7d: {  	[spmem:s2] =	stream.indirect.scatter.add.f32 [tilespmem:s22], [sflag:$0x3], $0x80, s3, s31, $0xb8;
	[tilespmem:$0x1E200] =	vst v63  }
0x7e: {  	_ = 	snop  }
0x7f: {  	[spmem:s2] =	stream.indirect.scatter.add.f32 [tilespmem:s24], [sflag:$0x3], $0x80, s23, s31, $0xb8;
	[tilespmem:$0x1E200] =	vst v63  }
0x80: {  	_ =	swait.ge [sflag:s0], $0x2800  }
0x81: {  	[sflag:s0] =	ssyncset.done $0x0  }
0x82: {  	[sflag:s0] =	ssyncadd.s32 $0xFFFFD800  }
0x83: {  	p1 =	seq.s32 s15, $0x25800;
	_ =	swait.ge [sflag:s0], $0x2800  }
0x84: {  	s14 =	sadd.s32 @!p1 s15, s16;
	s7 =	sshrl.u32 @!p1 s12, $0x3;
	[sflag:s0] =	ssyncset.done $0x0  }
0x85: {  	s15 =	simm.s32 @!p1 $0x0;
	s7 =	sadd.s32 @!p1 s4, s7;
	[sflag:s0] =	ssyncadd.s32 $0xFFFFD800  }
0x86: {  	[tilespmem:s15], [sflag:$0x1] =	stream.linear.gather @!p1 [hbm4b:s7+s15], $0x50, $0x38;
	[tilespmem:$0x1E200] =	vst v63  }
0x87: {  	s17 =	simm.s32 @!p1 $0x200;
	s7 =	sadd.s32 @!p1 $0x1400, s14;
	s14 =	sadd.s32 @!p1 $0x1900, s14  }
0x88: {  	[tilespmem:s17], [sflag:$0x1] =	stream.linear.gather @!p1 [hbm4b:s7+s15], $0x2800, $0x38;
	[tilespmem:$0x1E200] =	vst v63  }
0x89: {  	s7 =	simm.s32 @!p1 $0x80  }
0x8a: {  	[tilespmem:s7], [sflag:$0x1] =	stream.linear.gather @!p1 [hbm4b:s13+s15], $0x50, $0x38;
	[tilespmem:$0x1E200] =	vst v63  }
0x8b: {  	s7 =	simm.s32 @!p1 $0x2A00  }
0x8c: {  	[tilespmem:s7], [sflag:$0x1] =	stream.linear.gather @!p1 [hbm4b:s14+s15], $0x2800, $0x38;
	[tilespmem:$0x1E200] =	vst v63  }
0x8d: {  	_ =	swait.ge [sflag:s1], $0x50  }
0x8e: {  	[sflag:s1] =	ssyncset.done $0x0  }
0x8f: {  	[sflag:s1] =	ssyncadd.s32 $0xFFFFFFB0  }
0x90: {  	_ =	swait.ge [sflag:s1], $0x2800  }
0x91: {  	[sflag:s1] =	ssyncset.done $0x0  }
0x92: {  	[sflag:s1] =	ssyncadd.s32 $0xFFFFD800  }
0x93: {  	_ =	swait.ge [sflag:s1], $0x50  }
0x94: {  	[sflag:s1] =	ssyncset.done $0x0  }
0x95: {  	[sflag:s1] =	ssyncadd.s32 $0xFFFFFFB0  }
0x96: {  	_ =	swait.ge [sflag:s1], $0x2800  }
0x97: {  	[sflag:s1] =	ssyncset.done $0x0  }
0x98: {  	[sflag:s1] =	ssyncadd.s32 $0xFFFFD800  }
0x99: {  	[spmem:s2] =	stream.indirect.scatter.add.f32 [tilespmem:s26], [sflag:$0x4], $0x80, s25, s31, $0xb8;
	[tilespmem:$0x1E200] =	vst v63  }
0x9a: {  	_ = 	snop  }
0x9b: {  	[spmem:s2] =	stream.indirect.scatter.add.f32 [tilespmem:s29], [sflag:$0x4], $0x80, s28, s31, $0xb8;
	[tilespmem:$0x1E200] =	vst v63  }
.Ltmp0:
0x9c: {  	_ =	swait.ge [sflag:s5], $0x2800;
	(pc) =	sbr.rel @p0 .LBB2_2-.Ltmp0, $4  }
0x9d: {  	[sflag:s5] =	ssyncset.done $0x0  }
0x9e: {  	[sflag:s5] =	ssyncadd.s32 $0xFFFFD800  }
0x9f: {  	s11 =	sadd.s32 $0x28, s11;
	s10 =	sadd.s32 $0x28, s10;
	_ =	swait.ge [sflag:s5], $0x2800  }
0xa0: {  	s12 =	sadd.s32 $0x140, s12;
	s13 =	sadd.s32 $0x28, s13;
	[sflag:s5] =	ssyncset.done $0x0  }
0xa1: {  	[sflag:s5] =	ssyncadd.s32 $0xFFFFD800;
	s7 =	rddreg [dreg:$0x9]  }
0xa2: {  	[tilespmem:s3], [sflag:$0x5] =	stream.linear.gather [hbm4b:s7+s3], $0x50, $0x38;
	[tilespmem:$0x1E200] =	vst v63  }
0xa3: {  	_ =	swait.ge [sflag:s21], $0x50  }
0xa4: {  	[sflag:s21] =	ssyncset.done $0x0  }
0xa5: {  	s15 =	rddreg [dreg:$0xa];
	[sflag:s21] =	ssyncadd.s32 $0xFFFFFFB0  }
0xa6: {  	[tilespmem:s22], [sflag:$0x5] =	stream.linear.gather [hbm4b:s15+s3], $0x2800, $0x38;
	[tilespmem:$0x1E200] =	vst v63  }
0xa7: {  	_ =	swait.ge [sflag:s21], $0x2800  }
0xa8: {  	[sflag:s21] =	ssyncset.done $0x0  }
0xa9: {  	[sflag:s21] =	ssyncadd.s32 $0xFFFFD800  }
0xaa: {  	[spmem:s2] =	stream.indirect.scatter.add.f32 [tilespmem:s22], [sflag:$0x5], $0x80, s3, s31, $0xb8;
	[tilespmem:$0x1E200] =	vst v63  }
0xab: {  	_ =	swait.ge [sflag:s21], $0x2800  }
0xac: {  	[sflag:s21] =	ssyncset.done $0x0  }
0xad: {  	[sflag:s21] =	ssyncadd.s32 $0xFFFFD800  }
0xae: {  	[bflag:$0x0] =	sbarrier.arrive $0xFFFF  }
0xaf: {  	s17 =	rddreg [dreg:$0xb]  }
0xb0: {  	[hbm:s17], [sflag:s18] =	dma.local [spmem:s8], $0x2800  }
0xb1: {  	_ =	swait.ge [sflag:s21], $0x2800  }
0xb2: {  	s13 =	smov.u32 s18;
	s6 =	sadd.s32 $0x1, s6;
	s18 =	rddreg [dreg:$0xc]  }
0xb3: {  	p0 =	sne.s32 s6, s18  }
.Ltmp1:
0xb4: {  	_ = 	snop;
	(pc) =	sbr.rel @p0 .LBB2_1-.Ltmp1, $3  }
0xb5: {  	_ =	sdelay $0x1  }
0xb6: {  	[sflag:s21] =	ssyncset.done $0x0  }
0xb7: {  	[sflag:s21] =	ssyncadd.s32 $0xFFFFD800  }
0xb8: {  	_ =	sfence.sel $0x180000  }
0xb9: {  	[bflag:$0x0] =	sbarrier.arrive $0xFFFF  }
0xba: {  	_ =	strace $0x90000050  }
0xbb: {  	s0 =	stileid.u32;
	[bflag:$0x2] =	sbarrier.arrive $0xFFFF  }
0xbc: {  	p0 =	sne.s32 s0, $0x0;
	s0 =	rddreg [dreg:$0x2]  }
0xbd: {  	s0 =	sadd.s32 @!p0 $0x100000, s0  }
0xbe: {  	[sflag:s0] =	ssyncadd.tile.s32 @!p0 $0x1;
	_ =	shalt  }
.Lfunc_end2:
_tile_overlayer_lowered:
.L_overlay_start_2:
0xbf: {  	(tag) =	ssettag $0x2  }
0xc0: {  	s0 =	rddreg [dreg:$0x0];
	s2 =	stileid.u32  }
0xc1: {  	s1 =	rddreg [dreg:$0x1];
	p0 =	sne.s32 s2, $0x0  }
0xc2: {  	s3 =	rddreg [dreg:$0x2];
	[bflag:$0x3] =	sbarrier.arrive $0xFFFF;
	s2 =	simm.s32 @!p0 $0x1C05  }
0xc3: {  	[timem:s3], [sflag:s2] =	dma.local @!p0 [hbm:s0], s1  }
0xc4: {  	s0 =	simm.s32 @!p0 $0x5  }
0xc5: {  	_ =	swait.ge @!p0 [sflag:s0], s1  }
0xc6: {  	s1 =	ssub.s32 @!p0 $0x0, s1;
	[sflag:s0] =	ssyncset.done @!p0 $0x0  }
0xc7: {  	[sflag:s0] =	ssyncadd.s32 @!p0 s1  }
0xc8: {  	[bflag:$0x3] =	sbarrier.arrive $0xFFFF  }
0xc9: {  	_ =	shalt  }

</sc_bundles>
